<compile_context>
chip_gen: v7x
topology: tpu7x:2x2x1
jax: 0.10.2.dev20260603
libtpu: 0.0.44.dev20260713+nightly
codegen_flags: <defaults>
</compile_context>

<pallas_src>
import jax
import jax.numpy as jnp
from jax import lax
from jax.experimental import pallas as pl
from jax.experimental.pallas import tpu as pltpu
from jax.experimental.pallas import tpu_sc as plsc

_N = 10000
_E = 320000
_D = 128
_NC = 2
_NS = 16
_CHUNK = 128
_NCHUNKS = _E // _CHUNK
_HALF = _N // _NC
_SPAD = 5120
_RPT = _SPAD // _NS
_GARB = _SPAD - 1
_NW = _NC * _NS
_CAPB = 160
_CAP = _CAPB * _CHUNK


def _mesh():
    return plsc.VectorSubcoreMesh(core_axis_name="c", subcore_axis_name="s",
                                  num_cores=_NC, num_subcores=_NS)


def _make_route():
    out_type = (
        jax.ShapeDtypeStruct((_NW * _CAPB, _CHUNK), jnp.int32),
        jax.ShapeDtypeStruct((_NW * 16,), jnp.int32),
    )
    scratch = [
        pltpu.VMEM((1, _CHUNK), jnp.int32),
        pltpu.VMEM((1, _CHUNK), jnp.int32),
        pltpu.VMEM((_CAPB, _CHUNK), jnp.int32),
        pltpu.VMEM((16,), jnp.int32),
    ]

    def body(src, dst, fpk_out, nb_out, src_idx, dst_idx, fpk, nbv):
        c = lax.axis_index("c")
        s = lax.axis_index("s")
        wid = c * _NS + s
        lo = c * _HALF

        iota16 = lax.iota(jnp.int32, 16)
        nloc = (_NCHUNKS - s + _NS - 1) // _NS

        def scan(i, fill):
            base = (s + i * _NS) * _CHUNK
            pltpu.sync_copy(src.at[pl.ds(base, _CHUNK)], src_idx.at[0])
            pltpu.sync_copy(dst.at[pl.ds(base, _CHUNK)], dst_idx.at[0])
            for j in range(_CHUNK // 16):
                sv = src_idx[0, pl.ds(j * 16, 16)]
                dv = dst_idx[0, pl.ds(j * 16, 16)]
                keep = (dv >= lo) & (dv < lo + _HALF)
                kint = keep.astype(jnp.int32)
                csum = plsc.cumsum(kint)
                pos = fill + csum - kint
                packed = sv | lax.shift_left(dv - lo, 14)
                plsc.store_scatter(
                    fpk, [lax.shift_right_logical(pos, 7), pos & 127],
                    packed, mask=keep)
                fill = fill + jnp.max(csum)
            return fill

        fill = lax.fori_loop(0, nloc, scan, jnp.int32(0))

        padval16 = jnp.full((16,), _GARB << 14, jnp.int32)
        target = ((fill + _CHUNK - 1) // _CHUNK) * _CHUNK
        r1 = (16 - lax.rem(fill, 16)) & 15
        head = iota16 < r1
        ppos = fill + iota16
        plsc.store_scatter(
            fpk, [lax.shift_right_logical(ppos, 7), ppos & 127],
            padval16, mask=head)
        fill = fill + r1
        full16 = iota16 < 16

        def pad16(i, f):
            qpos = f + iota16
            plsc.store_scatter(
                fpk, [lax.shift_right_logical(qpos, 7), qpos & 127],
                padval16, mask=full16)
            return f + 16

        lax.fori_loop(0, (target - fill) // 16, pad16, fill)

        nbv[...] = jnp.full((16,), target // _CHUNK, jnp.int32)
        pltpu.sync_copy(nbv, nb_out.at[pl.ds(wid * 16, 16)])
        pltpu.sync_copy(fpk, fpk_out.at[pl.ds(wid * _CAPB, _CAPB)])

    return pl.kernel(body, out_type=out_type, mesh=_mesh(),
                     scratch_types=scratch,
                     compiler_params=pltpu.CompilerParams(
                         needs_layout_passes=False))


def _make_agg(with_cnt):
    out_type = [jax.ShapeDtypeStruct((_NC * _SPAD, _D), jnp.float32)]
    scratch = [
        pltpu.VMEM((_CAPB, _CHUNK), jnp.int32),
        pltpu.VMEM((_CHUNK,), jnp.int32),
        pltpu.VMEM((1, _CHUNK), jnp.int32),
        pltpu.VMEM((_CHUNK,), jnp.int32),
        pltpu.VMEM((1, _CHUNK), jnp.int32),
        pltpu.VMEM((_CHUNK, _D), jnp.float32),
        pltpu.VMEM((_CHUNK, _D), jnp.float32),
        pltpu.VMEM((_RPT, _D), jnp.float32),
        pltpu.VMEM((16,), jnp.int32),
        pltpu.VMEM_SHARED((_SPAD, _D), jnp.float32),
        pltpu.SemaphoreType.DMA,
        pltpu.SemaphoreType.DMA,
        pltpu.SemaphoreType.DMA,
    ]
    if with_cnt:
        out_type.append(jax.ShapeDtypeStruct((_NC * _SPAD, 16), jnp.float32))
        scratch += [
            pltpu.VMEM((_CHUNK, 16), jnp.float32),
            pltpu.VMEM((_RPT, 16), jnp.float32),
            pltpu.VMEM_SHARED((_SPAD, 16), jnp.float32),
        ]

    def body(feats, fpk_all, nb_all, *refs):
        if with_cnt:
            (agg_out, cnt_out, fpk, bat_src, bat_idx, rows, stage, nbv,
             agg_sh, sem, ones, cstage, cnt_sh) = refs
        else:
            (agg_out, fpk, bat_src, bat_idx, bat_srcb, bat_idxb, rows, rowsb,
             stage, nbv, agg_sh, sem, semb, sems) = refs
        c = lax.axis_index("c")
        s = lax.axis_index("s")
        wid = c * _NS + s
        row0 = s * _RPT

        zero16 = jnp.zeros((16,), jnp.float32)

        def zrow(i, carry):
            for j in range(_D // 16):
                stage[i, pl.ds(j * 16, 16)] = zero16
            return carry

        lax.fori_loop(0, _RPT, zrow, 0)
        pltpu.sync_copy(stage, agg_sh.at[pl.ds(row0, _RPT)])
        if with_cnt:
            one16 = jnp.ones((16,), jnp.float32)

            def orow(i, carry):
                ones[i, :] = one16
                return carry

            lax.fori_loop(0, _CHUNK, orow, 0)

            def czrow(i, carry):
                cstage[i, :] = zero16
                return carry

            lax.fori_loop(0, _RPT, czrow, 0)
            pltpu.sync_copy(cstage, cnt_sh.at[pl.ds(row0, _RPT)])
        plsc.subcore_barrier()

        pltpu.sync_copy(nb_all.at[pl.ds(wid * 16, 16)], nbv)
        nb = nbv[pl.ds(0, 16)][0]
        iota16 = lax.iota(jnp.int32, 16)
        for g in range(_CHUNK // 16):
            bat_src[pl.ds(g * 16, 16)] = wid * _CAPB + g * 16 + iota16
        pltpu.async_copy(
            fpk_all.at[bat_src], fpk.at[pl.ds(0, _CHUNK)], sem).wait()
        for g in range((_CAPB - _CHUNK) // 16):
            bat_src[pl.ds(g * 16, 16)] = (wid * _CAPB + _CHUNK
                                          + g * 16 + iota16)
        pltpu.async_copy(
            fpk_all.at[bat_src.at[pl.ds(0, _CAPB - _CHUNK)]],
            fpk.at[pl.ds(_CHUNK, _CAPB - _CHUNK)], sem).wait()
        mask14 = jnp.full((16,), 0x3FFF, jnp.int32)

        def flush(k, carry):
            for j in range(_CHUNK // 16):
                w = fpk[k, pl.ds(j * 16, 16)]
                bat_src[pl.ds(j * 16, 16)] = w & mask14
                bat_idx[0, pl.ds(j * 16, 16)] = lax.shift_right_logical(w, 14)
            gather = pltpu.async_copy(feats.at[bat_src], rows, sem)
            if with_cnt:
                pltpu.sync_copy(ones, cnt_sh.at[bat_idx.at[0]], add=True)
            gather.wait()
            pltpu.sync_copy(rows, agg_sh.at[bat_idx.at[0]], add=True)
            return carry

        lax.fori_loop(0, nb, flush, 0)
        plsc.subcore_barrier()

        off = c * _SPAD + row0
        pltpu.sync_copy(agg_sh.at[pl.ds(row0, _RPT)], stage)
        pltpu.sync_copy(stage, agg_out.at[pl.ds(off, _RPT)])
        if with_cnt:
            pltpu.sync_copy(cnt_sh.at[pl.ds(row0, _RPT)], cstage)
            pltpu.sync_copy(cstage, cnt_out.at[pl.ds(off, _RPT)])

    return pl.kernel(body, out_type=tuple(out_type), mesh=_mesh(),
                     scratch_types=scratch)


_route = _make_route()
_aggk = _make_agg(False)

_R = 1000


def _layer_body(agg_ref, cnt_ref, x_ref, wl_ref, wr_ref, b_ref, o_ref):
    cnt = cnt_ref[:, 0:1]
    mean = agg_ref[...] / jnp.maximum(cnt, 1.0)
    acc = jnp.dot(mean, wl_ref[...], preferred_element_type=jnp.float32,
                  precision=lax.Precision.HIGHEST)
    acc = acc + jnp.dot(x_ref[...], wr_ref[...],
                        preferred_element_type=jnp.float32,
                        precision=lax.Precision.HIGHEST)
    o_ref[...] = jnp.maximum(acc + b_ref[...], 0.0)


def _final_body(agg_ref, cnt_ref, h_ref, wl_ref, wr_ref, bl_ref,
                w3_ref, b3_ref, w4_ref, b4_ref, o_ref):
    cnt = cnt_ref[:, 0:1]
    mean = agg_ref[...] / jnp.maximum(cnt, 1.0)
    h = jnp.dot(mean, wl_ref[...], preferred_element_type=jnp.float32,
                precision=lax.Precision.HIGHEST)
    h = h + jnp.dot(h_ref[...], wr_ref[...],
                    preferred_element_type=jnp.float32,
                    precision=lax.Precision.HIGHEST)
    h = jnp.maximum(h + bl_ref[...], 0.0)
    h = jnp.maximum(
        jnp.dot(h, w3_ref[...], preferred_element_type=jnp.float32,
                precision=lax.Precision.HIGHEST) + b3_ref[...], 0.0)
    z = jnp.dot(h, w4_ref[...], preferred_element_type=jnp.float32,
                precision=lax.Precision.HIGHEST) + b4_ref[...]
    z = z - jnp.max(z, axis=-1, keepdims=True)
    e = jnp.exp(z)
    o_ref[...] = e / jnp.sum(e, axis=-1, keepdims=True)


def _full_spec():
    return pl.BlockSpec((_D, _D), lambda i: (0, 0))


def _bias_spec():
    return pl.BlockSpec((1, _D), lambda i: (0, 0))


def _tc_layer(agg, cnt16, feats, Wl, Wr, bl):
    return pl.pallas_call(
        _layer_body,
        grid=(_N // _R,),
        in_specs=[
            pl.BlockSpec((_R, _D), lambda i: (i, 0)),
            pl.BlockSpec((_R, _D), lambda i: (i, 0)),
            pl.BlockSpec((_R, _D), lambda i: (i, 0)),
            _full_spec(), _full_spec(), _bias_spec(),
        ],
        out_specs=pl.BlockSpec((_R, _D), lambda i: (i, 0)),
        out_shape=jax.ShapeDtypeStruct((_N, _D), jnp.float32),
    )(agg, cnt16, feats, Wl, Wr, bl)


def _tc_final(agg, cnt16, h1, Wl, Wr, bl, W3, b3, W4, b4):
    return pl.pallas_call(
        _final_body,
        grid=(_N // _R,),
        in_specs=[
            pl.BlockSpec((_R, _D), lambda i: (i, 0)),
            pl.BlockSpec((_R, _D), lambda i: (i, 0)),
            pl.BlockSpec((_R, _D), lambda i: (i, 0)),
            _full_spec(), _full_spec(), _bias_spec(),
            _full_spec(), _bias_spec(),
            _full_spec(), _bias_spec(),
        ],
        out_specs=pl.BlockSpec((_R, _D), lambda i: (i, 0)),
        out_shape=jax.ShapeDtypeStruct((_N, _D), jnp.float32),
    )(agg, cnt16, h1, Wl, Wr, bl, W3, b3, W4, b4)


def _unpad(a):
    return jnp.concatenate([a[:_HALF], a[_SPAD:_SPAD + _HALF]], axis=0)


def kernel(x, edge_index, Wl1, bl1, Wr1, Wl2, bl2, Wr2, W3, b3, W4, b4):
    src = edge_index[0]
    dst = edge_index[1]

    fpk_all, nb_all = _route(src, dst)

    ones_feats = jnp.ones((_N, _D), jnp.float32)
    cnt = _unpad(_aggk(ones_feats, fpk_all, nb_all)[0])
    agg1 = _unpad(_aggk(x, fpk_all, nb_all)[0])
    h1 = _tc_layer(agg1, cnt, x, Wl1, Wr1, bl1.reshape(1, _D))

    agg2 = _unpad(_aggk(h1, fpk_all, nb_all)[0])
    return _tc_final(agg2, cnt, h1, Wl2, Wr2, bl2.reshape(1, _D),
                     W3, b3.reshape(1, _D), W4, b4.reshape(1, _D))

# --- scband reference (transcript-rebuilt; emitter-appended) ---
"""Pipeline reference for scband-igap-16879221473585 (READ-ONLY COPY).

The authoritative reference and input builder live on the scoring server;
editing this copy changes nothing except your own understanding.
"""

import jax, jax.numpy as jnp
import numpy as np

N = 10000
E = 320000
D = 128
H = 128
O = 128


def setup_inputs(seed: int = 0) -> dict:
    key = jax.random.key(seed)
    ks = jax.random.split(key, 13)
    x = jax.random.normal(ks[0], (N, D), dtype=jnp.float32)
    edge_index = jax.random.randint(ks[1], (2, E), 0, N, dtype=jnp.int32)
    s = 0.05
    params = {
        'Wl1': jax.random.normal(ks[2], (D, H), dtype=jnp.float32) * s,
        'bl1': jnp.zeros((H,), dtype=jnp.float32),
        'Wr1': jax.random.normal(ks[3], (D, H), dtype=jnp.float32) * s,
        'Wl2': jax.random.normal(ks[4], (H, H), dtype=jnp.float32) * s,
        'bl2': jnp.zeros((H,), dtype=jnp.float32),
        'Wr2': jax.random.normal(ks[5], (H, H), dtype=jnp.float32) * s,
        'W3': jax.random.normal(ks[6], (H, H), dtype=jnp.float32) * s,
        'b3': jnp.zeros((H,), dtype=jnp.float32),
        'W4': jax.random.normal(ks[7], (H, O), dtype=jnp.float32) * s,
        'b4': jnp.zeros((O,), dtype=jnp.float32),
    }
    out = {'x': x, 'edge_index': edge_index}
    out.update(params)
    return out


def _sage_conv(x, edge_index, Wl, bl, Wr):
    # PyG-style SAGEConv with mean aggregation:
    # out = lin_l(mean_{j in N(i)} x_j) + lin_r(x_i)
    src = edge_index[0]
    dst = edge_index[1]
    msgs = jnp.take(x, src, axis=0)                      # gather [E, d]
    agg = jax.ops.segment_sum(msgs, dst, num_segments=N)  # scatter-add [N, d]
    cnt = jax.ops.segment_sum(jnp.ones((msgs.shape[0],), dtype=x.dtype), dst, num_segments=N)
    mean = agg / jnp.clip(cnt, 1.0)[:, None]
    return mean @ Wl + bl + x @ Wr


def reference(x, edge_index, Wl1, bl1, Wr1, Wl2, bl2, Wr2, W3, b3, W4, b4):
    h = _sage_conv(x, edge_index, Wl1, bl1, Wr1)
    h = jax.nn.relu(h)
    h = _sage_conv(h, edge_index, Wl2, bl2, Wr2)
    h = jax.nn.relu(h)
    h = h @ W3 + b3
    h = jax.nn.relu(h)
    h = h @ W4 + b4
    return jax.nn.softmax(h, axis=-1)

if __name__ == "__main__":
    import jax
    _d = setup_inputs()
    print(jax.jit(kernel)(*tuple(_d.values())))

</pallas_src>

<mosaic_0001>
#map = affine_map<(d0, d1) -> (0, 0)>
#map1 = affine_map<(d0, d1) -> (0)>
module attributes {stable_mosaic.version = 14 : i64} {
  func.func @body(%arg0: i32, %arg1: i32, %arg2: memref<10000x128xf32, #tpu.memory_space<hbm>>, %arg3: memref<5120x128xi32, #tpu.memory_space<hbm>>, %arg4: memref<512xi32, #tpu.memory_space<hbm>>, %arg5: memref<10240x128xf32, #tpu.memory_space<hbm>>, %arg6: memref<160x128xi32, #tpu.memory_space<vmem>>, %arg7: memref<128xi32, #tpu.memory_space<vmem>>, %arg8: memref<1x128xi32, #tpu.memory_space<vmem>>, %arg9: memref<128xi32, #tpu.memory_space<vmem>>, %arg10: memref<1x128xi32, #tpu.memory_space<vmem>>, %arg11: memref<128x128xf32, #tpu.memory_space<vmem>>, %arg12: memref<128x128xf32, #tpu.memory_space<vmem>>, %arg13: memref<320x128xf32, #tpu.memory_space<vmem>>, %arg14: memref<16xi32, #tpu.memory_space<vmem>>, %arg15: memref<5120x128xf32, #tpu.memory_space<vmem_shared>>, %arg16: memref<!tpu.dma_semaphore, #tpu.memory_space<semaphore_mem>>, %arg17: memref<!tpu.dma_semaphore, #tpu.memory_space<semaphore_mem>>, %arg18: memref<!tpu.dma_semaphore, #tpu.memory_space<semaphore_mem>>) attributes {dimension_semantics = [#tpu.dimension_semantics<core_parallel>, #tpu.dimension_semantics<subcore_parallel>], iteration_bounds = array<i64: 2, 16>, scalar_prefetch = 0 : i64, scratch_operands = 13 : i64, tpu.core_type = #tpu.core_type<sc_vector_subcore>, window_params = [{transform_indices = #map}, {transform_indices = #map}, {transform_indices = #map1}, {transform_indices = #map}]} {
    %mul3A = arith.constant 16 : i32
    %mul3A_0 = arith.muli %arg0, %mul3A : i32
    %add3A = arith.addi %mul3A_0, %arg1 : i32
    %mul3A_1 = arith.constant 320 : i32
    %mul3A_2 = arith.muli %arg1, %mul3A_1 : i32
    %broadcast_in_dim3A = arith.constant 0.000000e+00 : f32
    %broadcast_in_dim3A_3 = vector.broadcast %broadcast_in_dim3A : f32 to vector<16xf32>
    %scan3A = arith.constant 0 : i32
    %scan3A_4 = arith.constant 0 : i32
    %scan3A_5 = arith.constant 320 : i32
    %scan3A_6 = arith.addi %scan3A_4, %scan3A_5 : i32
    %scan3A_7 = arith.constant 1 : i32
    scf.for %scan3A_157 = %scan3A_4 to %scan3A_6 step %scan3A_7  : i32 {
      %swap3A_158 = arith.index_cast %scan3A_157 : i32 to index
      %swap3A_159 = arith.constant 0 : index
      %swap3A_160 = tpu.vector_load %arg13[%swap3A_158, %swap3A_159] {strides = array<i32>} : memref<320x128xf32, #tpu.memory_space<vmem>>, vector<1x16xf32>,
      %swap3A_161 = vector.shape_cast %swap3A_160 : vector<1x16xf32> to vector<16xf32>
      %swap3A_162 = vector.shape_cast %broadcast_in_dim3A_3 : vector<16xf32> to vector<1x16xf32>
      tpu.vector_store %arg13[%swap3A_158, %swap3A_159], %swap3A_162 {strides = array<i32>} : memref<320x128xf32, #tpu.memory_space<vmem>>, vector<1x16xf32>,
      %swap3A_163 = arith.index_cast %scan3A_157 : i32 to index
      %swap3A_164 = arith.constant 16 : index
      %swap3A_165 = tpu.vector_load %arg13[%swap3A_163, %swap3A_164] {strides = array<i32>} : memref<320x128xf32, #tpu.memory_space<vmem>>, vector<1x16xf32>,
      %swap3A_166 = vector.shape_cast %swap3A_165 : vector<1x16xf32> to vector<16xf32>
      %swap3A_167 = vector.shape_cast %broadcast_in_dim3A_3 : vector<16xf32> to vector<1x16xf32>
      tpu.vector_store %arg13[%swap3A_163, %swap3A_164], %swap3A_167 {strides = array<i32>} : memref<320x128xf32, #tpu.memory_space<vmem>>, vector<1x16xf32>,
      %swap3A_168 = arith.index_cast %scan3A_157 : i32 to index
      %swap3A_169 = arith.constant 32 : index
      %swap3A_170 = tpu.vector_load %arg13[%swap3A_168, %swap3A_169] {strides = array<i32>} : memref<320x128xf32, #tpu.memory_space<vmem>>, vector<1x16xf32>,
      %swap3A_171 = vector.shape_cast %swap3A_170 : vector<1x16xf32> to vector<16xf32>
      %swap3A_172 = vector.shape_cast %broadcast_in_dim3A_3 : vector<16xf32> to vector<1x16xf32>
      tpu.vector_store %arg13[%swap3A_168, %swap3A_169], %swap3A_172 {strides = array<i32>} : memref<320x128xf32, #tpu.memory_space<vmem>>, vector<1x16xf32>,
      %swap3A_173 = arith.index_cast %scan3A_157 : i32 to index
      %swap3A_174 = arith.constant 48 : index
      %swap3A_175 = tpu.vector_load %arg13[%swap3A_173, %swap3A_174] {strides = array<i32>} : memref<320x128xf32, #tpu.memory_space<vmem>>, vector<1x16xf32>,
      %swap3A_176 = vector.shape_cast %swap3A_175 : vector<1x16xf32> to vector<16xf32>
      %swap3A_177 = vector.shape_cast %broadcast_in_dim3A_3 : vector<16xf32> to vector<1x16xf32>
      tpu.vector_store %arg13[%swap3A_173, %swap3A_174], %swap3A_177 {strides = array<i32>} : memref<320x128xf32, #tpu.memory_space<vmem>>, vector<1x16xf32>,
      %swap3A_178 = arith.index_cast %scan3A_157 : i32 to index
      %swap3A_179 = arith.constant 64 : index
      %swap3A_180 = tpu.vector_load %arg13[%swap3A_178, %swap3A_179] {strides = array<i32>} : memref<320x128xf32, #tpu.memory_space<vmem>>, vector<1x16xf32>,
      %swap3A_181 = vector.shape_cast %swap3A_180 : vector<1x16xf32> to vector<16xf32>
      %swap3A_182 = vector.shape_cast %broadcast_in_dim3A_3 : vector<16xf32> to vector<1x16xf32>
      tpu.vector_store %arg13[%swap3A_178, %swap3A_179], %swap3A_182 {strides = array<i32>} : memref<320x128xf32, #tpu.memory_space<vmem>>, vector<1x16xf32>,
      %swap3A_183 = arith.index_cast %scan3A_157 : i32 to index
      %swap3A_184 = arith.constant 80 : index
      %swap3A_185 = tpu.vector_load %arg13[%swap3A_183, %swap3A_184] {strides = array<i32>} : memref<320x128xf32, #tpu.memory_space<vmem>>, vector<1x16xf32>,
      %swap3A_186 = vector.shape_cast %swap3A_185 : vector<1x16xf32> to vector<16xf32>
      %swap3A_187 = vector.shape_cast %broadcast_in_dim3A_3 : vector<16xf32> to vector<1x16xf32>
      tpu.vector_store %arg13[%swap3A_183, %swap3A_184], %swap3A_187 {strides = array<i32>} : memref<320x128xf32, #tpu.memory_space<vmem>>, vector<1x16xf32>,
      %swap3A_188 = arith.index_cast %scan3A_157 : i32 to index
      %swap3A_189 = arith.constant 96 : index
      %swap3A_190 = tpu.vector_load %arg13[%swap3A_188, %swap3A_189] {strides = array<i32>} : memref<320x128xf32, #tpu.memory_space<vmem>>, vector<1x16xf32>,
      %swap3A_191 = vector.shape_cast %swap3A_190 : vector<1x16xf32> to vector<16xf32>
      %swap3A_192 = vector.shape_cast %broadcast_in_dim3A_3 : vector<16xf32> to vector<1x16xf32>
      tpu.vector_store %arg13[%swap3A_188, %swap3A_189], %swap3A_192 {strides = array<i32>} : memref<320x128xf32, #tpu.memory_space<vmem>>, vector<1x16xf32>,
      %swap3A_193 = arith.index_cast %scan3A_157 : i32 to index
      %swap3A_194 = arith.constant 112 : index
      %swap3A_195 = tpu.vector_load %arg13[%swap3A_193, %swap3A_194] {strides = array<i32>} : memref<320x128xf32, #tpu.memory_space<vmem>>, vector<1x16xf32>,
      %swap3A_196 = vector.shape_cast %swap3A_195 : vector<1x16xf32> to vector<16xf32>
      %swap3A_197 = vector.shape_cast %broadcast_in_dim3A_3 : vector<16xf32> to vector<1x16xf32>
      tpu.vector_store %arg13[%swap3A_193, %swap3A_194], %swap3A_197 {strides = array<i32>} : memref<320x128xf32, #tpu.memory_space<vmem>>, vector<1x16xf32>,
    }
    %scan3A_8 = arith.constant 320 : i32
    "tpu.region"() ({
      %run_scoped3A = tpu.sem_alloc : memref<!tpu.dma_semaphore, #tpu.memory_space<semaphore_mem>>
      %dma_start3A_157 = arith.constant 0 : i32
      %dma_start3A_158 = tpu.memref_slice %arg15[%mul3A_2, %dma_start3A_157] : memref<5120x128xf32, #tpu.memory_space<vmem_shared>> -> memref<320x128xf32, #tpu.memory_space<vmem_shared>>
      %dma_start3A_159 = arith.constant 0 : i32
      %dma_start3A_160 = tpu.memref_slice %arg15[%mul3A_2, %dma_start3A_159] : memref<5120x128xf32, #tpu.memory_space<vmem_shared>> -> memref<320x128xf32, #tpu.memory_space<vmem_shared>>
      tpu.enqueue_dma source(%arg13 : memref<320x128xf32, #tpu.memory_space<vmem>>) target(%dma_start3A_160 : memref<320x128xf32, #tpu.memory_space<vmem_shared>>) target_semaphore(%run_scoped3A : memref<!tpu.dma_semaphore, #tpu.memory_space<semaphore_mem>>)
      %dma_wait3A_161 = arith.constant 0 : i32
      %dma_wait3A_162 = tpu.memref_slice %arg15[%mul3A_2, %dma_wait3A_161] : memref<5120x128xf32, #tpu.memory_space<vmem_shared>> -> memref<320x128xf32, #tpu.memory_space<vmem_shared>>
      %dma_wait3A_163 = arith.constant 0 : i32
      %dma_wait3A_164 = tpu.memref_slice %arg15[%mul3A_2, %dma_wait3A_163] : memref<5120x128xf32, #tpu.memory_space<vmem_shared>> -> memref<320x128xf32, #tpu.memory_space<vmem_shared>>
      tpu.wait_dma2 semaphore(%run_scoped3A : memref<!tpu.dma_semaphore, #tpu.memory_space<semaphore_mem>>) src(%arg13 : memref<320x128xf32, #tpu.memory_space<vmem>>) dst(%dma_wait3A_164 : memref<320x128xf32, #tpu.memory_space<vmem_shared>>)
      tpu.yield
    }) : () -> ()
    %barrier3A = arith.constant 0 : index
    tpu.barrier barrier_id(%barrier3A)
    %mul3A_9 = arith.constant 16 : i32
    %mul3A_10 = arith.muli %add3A, %mul3A_9 : i32
    "tpu.region"() ({
      %run_scoped3A = tpu.sem_alloc : memref<!tpu.dma_semaphore, #tpu.memory_space<semaphore_mem>>
      %dma_start3A_157 = tpu.memref_slice %arg4[%mul3A_10] : memref<512xi32, #tpu.memory_space<hbm>> -> memref<16xi32, #tpu.memory_space<hbm>>
      %dma_start3A_158 = tpu.memref_slice %arg4[%mul3A_10] : memref<512xi32, #tpu.memory_space<hbm>> -> memref<16xi32, #tpu.memory_space<hbm>>
      tpu.enqueue_dma source(%dma_start3A_158 : memref<16xi32, #tpu.memory_space<hbm>>) target(%arg14 : memref<16xi32, #tpu.memory_space<vmem>>) target_semaphore(%run_scoped3A : memref<!tpu.dma_semaphore, #tpu.memory_space<semaphore_mem>>)
      %dma_wait3A_159 = tpu.memref_slice %arg4[%mul3A_10] : memref<512xi32, #tpu.memory_space<hbm>> -> memref<16xi32, #tpu.memory_space<hbm>>
      %dma_wait3A_160 = tpu.memref_slice %arg4[%mul3A_10] : memref<512xi32, #tpu.memory_space<hbm>> -> memref<16xi32, #tpu.memory_space<hbm>>
      tpu.wait_dma2 semaphore(%run_scoped3A : memref<!tpu.dma_semaphore, #tpu.memory_space<semaphore_mem>>) src(%dma_wait3A_160 : memref<16xi32, #tpu.memory_space<hbm>>) dst(%arg14 : memref<16xi32, #tpu.memory_space<vmem>>)
      tpu.yield
    }) : () -> ()
    %get3A = arith.constant 0 : index
    %get3A_11 = tpu.vector_load %arg14[%get3A] {strides = array<i32>} : memref<16xi32, #tpu.memory_space<vmem>>, vector<16xi32>,
    %get3A_12 = vector.shape_cast %get3A_11 : vector<16xi32> to vector<16xi32>
    %slice3A = vector.extract_strided_slice %get3A_12 {offsets = [0], sizes = [1], strides = [1]} : vector<16xi32> to vector<1xi32>
    %squeeze3A = vector.extract %slice3A[0] : i32 from vector<1xi32>
    %iota3A = tpu.iota {dimensions = array<i32: 0>} : vector<16xi32>
    %mul3A_13 = arith.constant 160 : i32
    %mul3A_14 = arith.muli %add3A, %mul3A_13 : i32
    %add3A_15 = arith.constant 0 : i32
    %add3A_16 = arith.addi %mul3A_14, %add3A_15 : i32
    %add3A_17 = vector.broadcast %add3A_16 : i32 to vector<16xi32>
    %add3A_18 = arith.addi %add3A_17, %iota3A : vector<16xi32>
    %swap3A = arith.constant 0 : index
    %swap3A_19 = tpu.vector_load %arg7[%swap3A] {strides = array<i32>} : memref<128xi32, #tpu.memory_space<vmem>>, vector<16xi32>,
    %swap3A_20 = vector.shape_cast %swap3A_19 : vector<16xi32> to vector<16xi32>
    %swap3A_21 = vector.shape_cast %add3A_18 : vector<16xi32> to vector<16xi32>
    tpu.vector_store %arg7[%swap3A], %swap3A_21 {strides = array<i32>} : memref<128xi32, #tpu.memory_space<vmem>>, vector<16xi32>,
    %mul3A_22 = arith.constant 160 : i32
    %mul3A_23 = arith.muli %add3A, %mul3A_22 : i32
    %add3A_24 = arith.constant 16 : i32
    %add3A_25 = arith.addi %mul3A_23, %add3A_24 : i32
    %add3A_26 = vector.broadcast %add3A_25 : i32 to vector<16xi32>
    %add3A_27 = arith.addi %add3A_26, %iota3A : vector<16xi32>
    %swap3A_28 = arith.constant 16 : index
    %swap3A_29 = tpu.vector_load %arg7[%swap3A_28] {strides = array<i32>} : memref<128xi32, #tpu.memory_space<vmem>>, vector<16xi32>,
    %swap3A_30 = vector.shape_cast %swap3A_29 : vector<16xi32> to vector<16xi32>
    %swap3A_31 = vector.shape_cast %add3A_27 : vector<16xi32> to vector<16xi32>
    tpu.vector_store %arg7[%swap3A_28], %swap3A_31 {strides = array<i32>} : memref<128xi32, #tpu.memory_space<vmem>>, vector<16xi32>,
    %mul3A_32 = arith.constant 160 : i32
    %mul3A_33 = arith.muli %add3A, %mul3A_32 : i32
    %add3A_34 = arith.constant 32 : i32
    %add3A_35 = arith.addi %mul3A_33, %add3A_34 : i32
    %add3A_36 = vector.broadcast %add3A_35 : i32 to vector<16xi32>
    %add3A_37 = arith.addi %add3A_36, %iota3A : vector<16xi32>
    %swap3A_38 = arith.constant 32 : index
    %swap3A_39 = tpu.vector_load %arg7[%swap3A_38] {strides = array<i32>} : memref<128xi32, #tpu.memory_space<vmem>>, vector<16xi32>,
    %swap3A_40 = vector.shape_cast %swap3A_39 : vector<16xi32> to vector<16xi32>
    %swap3A_41 = vector.shape_cast %add3A_37 : vector<16xi32> to vector<16xi32>
    tpu.vector_store %arg7[%swap3A_38], %swap3A_41 {strides = array<i32>} : memref<128xi32, #tpu.memory_space<vmem>>, vector<16xi32>,
    %mul3A_42 = arith.constant 160 : i32
    %mul3A_43 = arith.muli %add3A, %mul3A_42 : i32
    %add3A_44 = arith.constant 48 : i32
    %add3A_45 = arith.addi %mul3A_43, %add3A_44 : i32
    %add3A_46 = vector.broadcast %add3A_45 : i32 to vector<16xi32>
    %add3A_47 = arith.addi %add3A_46, %iota3A : vector<16xi32>
    %swap3A_48 = arith.constant 48 : index
    %swap3A_49 = tpu.vector_load %arg7[%swap3A_48] {strides = array<i32>} : memref<128xi32, #tpu.memory_space<vmem>>, vector<16xi32>,
    %swap3A_50 = vector.shape_cast %swap3A_49 : vector<16xi32> to vector<16xi32>
    %swap3A_51 = vector.shape_cast %add3A_47 : vector<16xi32> to vector<16xi32>
    tpu.vector_store %arg7[%swap3A_48], %swap3A_51 {strides = array<i32>} : memref<128xi32, #tpu.memory_space<vmem>>, vector<16xi32>,
    %mul3A_52 = arith.constant 160 : i32
    %mul3A_53 = arith.muli %add3A, %mul3A_52 : i32
    %add3A_54 = arith.constant 64 : i32
    %add3A_55 = arith.addi %mul3A_53, %add3A_54 : i32
    %add3A_56 = vector.broadcast %add3A_55 : i32 to vector<16xi32>
    %add3A_57 = arith.addi %add3A_56, %iota3A : vector<16xi32>
    %swap3A_58 = arith.constant 64 : index
    %swap3A_59 = tpu.vector_load %arg7[%swap3A_58] {strides = array<i32>} : memref<128xi32, #tpu.memory_space<vmem>>, vector<16xi32>,
    %swap3A_60 = vector.shape_cast %swap3A_59 : vector<16xi32> to vector<16xi32>
    %swap3A_61 = vector.shape_cast %add3A_57 : vector<16xi32> to vector<16xi32>
    tpu.vector_store %arg7[%swap3A_58], %swap3A_61 {strides = array<i32>} : memref<128xi32, #tpu.memory_space<vmem>>, vector<16xi32>,
    %mul3A_62 = arith.constant 160 : i32
    %mul3A_63 = arith.muli %add3A, %mul3A_62 : i32
    %add3A_64 = arith.constant 80 : i32
    %add3A_65 = arith.addi %mul3A_63, %add3A_64 : i32
    %add3A_66 = vector.broadcast %add3A_65 : i32 to vector<16xi32>
    %add3A_67 = arith.addi %add3A_66, %iota3A : vector<16xi32>
    %swap3A_68 = arith.constant 80 : index
    %swap3A_69 = tpu.vector_load %arg7[%swap3A_68] {strides = array<i32>} : memref<128xi32, #tpu.memory_space<vmem>>, vector<16xi32>,
    %swap3A_70 = vector.shape_cast %swap3A_69 : vector<16xi32> to vector<16xi32>
    %swap3A_71 = vector.shape_cast %add3A_67 : vector<16xi32> to vector<16xi32>
    tpu.vector_store %arg7[%swap3A_68], %swap3A_71 {strides = array<i32>} : memref<128xi32, #tpu.memory_space<vmem>>, vector<16xi32>,
    %mul3A_72 = arith.constant 160 : i32
    %mul3A_73 = arith.muli %add3A, %mul3A_72 : i32
    %add3A_74 = arith.constant 96 : i32
    %add3A_75 = arith.addi %mul3A_73, %add3A_74 : i32
    %add3A_76 = vector.broadcast %add3A_75 : i32 to vector<16xi32>
    %add3A_77 = arith.addi %add3A_76, %iota3A : vector<16xi32>
    %swap3A_78 = arith.constant 96 : index
    %swap3A_79 = tpu.vector_load %arg7[%swap3A_78] {strides = array<i32>} : memref<128xi32, #tpu.memory_space<vmem>>, vector<16xi32>,
    %swap3A_80 = vector.shape_cast %swap3A_79 : vector<16xi32> to vector<16xi32>
    %swap3A_81 = vector.shape_cast %add3A_77 : vector<16xi32> to vector<16xi32>
    tpu.vector_store %arg7[%swap3A_78], %swap3A_81 {strides = array<i32>} : memref<128xi32, #tpu.memory_space<vmem>>, vector<16xi32>,
    %mul3A_82 = arith.constant 160 : i32
    %mul3A_83 = arith.muli %add3A, %mul3A_82 : i32
    %add3A_84 = arith.constant 112 : i32
    %add3A_85 = arith.addi %mul3A_83, %add3A_84 : i32
    %add3A_86 = vector.broadcast %add3A_85 : i32 to vector<16xi32>
    %add3A_87 = arith.addi %add3A_86, %iota3A : vector<16xi32>
    %swap3A_88 = arith.constant 112 : index
    %swap3A_89 = tpu.vector_load %arg7[%swap3A_88] {strides = array<i32>} : memref<128xi32, #tpu.memory_space<vmem>>, vector<16xi32>,
    %swap3A_90 = vector.shape_cast %swap3A_89 : vector<16xi32> to vector<16xi32>
    %swap3A_91 = vector.shape_cast %add3A_87 : vector<16xi32> to vector<16xi32>
    tpu.vector_store %arg7[%swap3A_88], %swap3A_91 {strides = array<i32>} : memref<128xi32, #tpu.memory_space<vmem>>, vector<16xi32>,
    %dma_start3A = arith.constant 0 : i32
    %dma_start3A_92 = arith.constant 0 : i32
    %dma_start3A_93 = tpu.memref_slice %arg6[%dma_start3A, %dma_start3A_92] : memref<160x128xi32, #tpu.memory_space<vmem>> -> memref<128x128xi32, #tpu.memory_space<vmem>>
    %dma_start3A_94 = arith.constant 0 : i32
    %dma_start3A_95 = arith.constant 0 : i32
    %dma_start3A_96 = tpu.memref_slice %arg3[%dma_start3A_94, %dma_start3A_95] : memref<5120x128xi32, #tpu.memory_space<hbm>> -> memref<5120x128xi32, #tpu.memory_space<hbm>>
    tpu.enqueue_indirect_dma source(%dma_start3A_96 : memref<5120x128xi32, #tpu.memory_space<hbm>>) target(%dma_start3A_93 : memref<128x128xi32, #tpu.memory_space<vmem>>) offsets(%arg7 : memref<128xi32, #tpu.memory_space<vmem>>) semaphore(%arg16 : memref<!tpu.dma_semaphore, #tpu.memory_space<semaphore_mem>>)
    %dma_wait3A = arith.constant 0 : i32
    %dma_wait3A_97 = arith.constant 0 : i32
    %dma_wait3A_98 = tpu.memref_slice %arg6[%dma_wait3A, %dma_wait3A_97] : memref<160x128xi32, #tpu.memory_space<vmem>> -> memref<128x128xi32, #tpu.memory_space<vmem>>
    %dma_wait3A_99 = arith.constant 0 : i32
    %dma_wait3A_100 = arith.constant 0 : i32
    %dma_wait3A_101 = tpu.memref_slice %arg3[%dma_wait3A_99, %dma_wait3A_100] : memref<5120x128xi32, #tpu.memory_space<hbm>> -> memref<5120x128xi32, #tpu.memory_space<hbm>>
    tpu.wait_indirect_dma semaphore(%arg16 : memref<!tpu.dma_semaphore, #tpu.memory_space<semaphore_mem>>) src(%dma_wait3A_101 : memref<5120x128xi32, #tpu.memory_space<hbm>>) dst(%dma_wait3A_98 : memref<128x128xi32, #tpu.memory_space<vmem>>)
    %mul3A_102 = arith.constant 160 : i32
    %mul3A_103 = arith.muli %add3A, %mul3A_102 : i32
    %add3A_104 = arith.constant 128 : i32
    %add3A_105 = arith.addi %mul3A_103, %add3A_104 : i32
    %add3A_106 = arith.constant 0 : i32
    %add3A_107 = arith.addi %add3A_105, %add3A_106 : i32
    %add3A_108 = vector.broadcast %add3A_107 : i32 to vector<16xi32>
    %add3A_109 = arith.addi %add3A_108, %iota3A : vector<16xi32>
    %swap3A_110 = arith.constant 0 : index
    %swap3A_111 = tpu.vector_load %arg7[%swap3A_110] {strides = array<i32>} : memref<128xi32, #tpu.memory_space<vmem>>, vector<16xi32>,
    %swap3A_112 = vector.shape_cast %swap3A_111 : vector<16xi32> to vector<16xi32>
    %swap3A_113 = vector.shape_cast %add3A_109 : vector<16xi32> to vector<16xi32>
    tpu.vector_store %arg7[%swap3A_110], %swap3A_113 {strides = array<i32>} : memref<128xi32, #tpu.memory_space<vmem>>, vector<16xi32>,
    %mul3A_114 = arith.constant 160 : i32
    %mul3A_115 = arith.muli %add3A, %mul3A_114 : i32
    %add3A_116 = arith.constant 128 : i32
    %add3A_117 = arith.addi %mul3A_115, %add3A_116 : i32
    %add3A_118 = arith.constant 16 : i32
    %add3A_119 = arith.addi %add3A_117, %add3A_118 : i32
    %add3A_120 = vector.broadcast %add3A_119 : i32 to vector<16xi32>
    %add3A_121 = arith.addi %add3A_120, %iota3A : vector<16xi32>
    %swap3A_122 = arith.constant 16 : index
    %swap3A_123 = tpu.vector_load %arg7[%swap3A_122] {strides = array<i32>} : memref<128xi32, #tpu.memory_space<vmem>>, vector<16xi32>,
    %swap3A_124 = vector.shape_cast %swap3A_123 : vector<16xi32> to vector<16xi32>
    %swap3A_125 = vector.shape_cast %add3A_121 : vector<16xi32> to vector<16xi32>
    tpu.vector_store %arg7[%swap3A_122], %swap3A_125 {strides = array<i32>} : memref<128xi32, #tpu.memory_space<vmem>>, vector<16xi32>,
    %dma_start3A_126 = arith.constant 128 : i32
    %dma_start3A_127 = arith.constant 0 : i32
    %dma_start3A_128 = tpu.memref_slice %arg6[%dma_start3A_126, %dma_start3A_127] : memref<160x128xi32, #tpu.memory_space<vmem>> -> memref<32x128xi32, #tpu.memory_space<vmem>>
    %dma_start3A_129 = arith.constant 0 : i32
    %dma_start3A_130 = tpu.memref_slice %arg7[%dma_start3A_129] : memref<128xi32, #tpu.memory_space<vmem>> -> memref<32xi32, #tpu.memory_space<vmem>>
    %dma_start3A_131 = arith.constant 0 : i32
    %dma_start3A_132 = arith.constant 0 : i32
    %dma_start3A_133 = tpu.memref_slice %arg3[%dma_start3A_131, %dma_start3A_132] : memref<5120x128xi32, #tpu.memory_space<hbm>> -> memref<5120x128xi32, #tpu.memory_space<hbm>>
    tpu.enqueue_indirect_dma source(%dma_start3A_133 : memref<5120x128xi32, #tpu.memory_space<hbm>>) target(%dma_start3A_128 : memref<32x128xi32, #tpu.memory_space<vmem>>) offsets(%dma_start3A_130 : memref<32xi32, #tpu.memory_space<vmem>>) semaphore(%arg16 : memref<!tpu.dma_semaphore, #tpu.memory_space<semaphore_mem>>)
    %dma_wait3A_134 = arith.constant 128 : i32
    %dma_wait3A_135 = arith.constant 0 : i32
    %dma_wait3A_136 = tpu.memref_slice %arg6[%dma_wait3A_134, %dma_wait3A_135] : memref<160x128xi32, #tpu.memory_space<vmem>> -> memref<32x128xi32, #tpu.memory_space<vmem>>
    %dma_wait3A_137 = arith.constant 0 : i32
    %dma_wait3A_138 = tpu.memref_slice %arg7[%dma_wait3A_137] : memref<128xi32, #tpu.memory_space<vmem>> -> memref<32xi32, #tpu.memory_space<vmem>>
    %dma_wait3A_139 = arith.constant 0 : i32
    %dma_wait3A_140 = arith.constant 0 : i32
    %dma_wait3A_141 = tpu.memref_slice %arg3[%dma_wait3A_139, %dma_wait3A_140] : memref<5120x128xi32, #tpu.memory_space<hbm>> -> memref<5120x128xi32, #tpu.memory_space<hbm>>
    tpu.wait_indirect_dma semaphore(%arg16 : memref<!tpu.dma_semaphore, #tpu.memory_space<semaphore_mem>>) src(%dma_wait3A_141 : memref<5120x128xi32, #tpu.memory_space<hbm>>) dst(%dma_wait3A_136 : memref<32x128xi32, #tpu.memory_space<vmem>>)
    %broadcast_in_dim3A_142 = arith.constant 16383 : i32
    %broadcast_in_dim3A_143 = vector.broadcast %broadcast_in_dim3A_142 : i32 to vector<16xi32>
    %while3A = arith.constant 0 : i32
    %while3A_144 = arith.constant 0 : i32
    %while3A_145 = arith.subi %squeeze3A, %while3A_144 : i32
    %while3A_146 = arith.addi %while3A_144, %while3A_145 : i32
    %while3A_147 = arith.constant 1 : i32
    %while3A_148 = arith.divsi %while3A_145, %while3A_147 : i32
    %while3A_149 = arith.muli %while3A_148, %while3A_147 : i32
    %while3A_150 = arith.addi %while3A_144, %while3A_149 : i32
    %while3A_151 = arith.constant 1 : i32
    scf.for %while3A_157 = %while3A_144 to %while3A_150 step %while3A_151  : i32 {
      %get3A_158 = arith.index_cast %while3A_157 : i32 to index
      %get3A_159 = arith.constant 0 : index
      %get3A_160 = tpu.vector_load %arg6[%get3A_158, %get3A_159] {strides = array<i32>} : memref<160x128xi32, #tpu.memory_space<vmem>>, vector<1x16xi32>,
      %get3A_161 = vector.shape_cast %get3A_160 : vector<1x16xi32> to vector<16xi32>
      %and3A = arith.andi %get3A_161, %broadcast_in_dim3A_143 : vector<16xi32>
      %swap3A_162 = arith.constant 0 : index
      %swap3A_163 = tpu.vector_load %arg7[%swap3A_162] {strides = array<i32>} : memref<128xi32, #tpu.memory_space<vmem>>, vector<16xi32>,
      %swap3A_164 = vector.shape_cast %swap3A_163 : vector<16xi32> to vector<16xi32>
      %swap3A_165 = vector.shape_cast %and3A : vector<16xi32> to vector<16xi32>
      tpu.vector_store %arg7[%swap3A_162], %swap3A_165 {strides = array<i32>} : memref<128xi32, #tpu.memory_space<vmem>>, vector<16xi32>,
      %shift_right_logical3A = arith.constant 14 : i32
      %shift_right_logical3A_166 = vector.broadcast %shift_right_logical3A : i32 to vector<16xi32>
      %shift_right_logical3A_167 = arith.shrui %get3A_161, %shift_right_logical3A_166 : vector<16xi32>
      %swap3A_168 = arith.constant 0 : i32
      %swap3A_169 = arith.index_cast %swap3A_168 : i32 to index
      %swap3A_170 = arith.constant 0 : index
      %swap3A_171 = tpu.vector_load %arg8[%swap3A_169, %swap3A_170] {strides = array<i32>} : memref<1x128xi32, #tpu.memory_space<vmem>>, vector<1x16xi32>,
      %swap3A_172 = vector.shape_cast %swap3A_171 : vector<1x16xi32> to vector<16xi32>
      %swap3A_173 = vector.shape_cast %shift_right_logical3A_167 : vector<16xi32> to vector<1x16xi32>
      tpu.vector_store %arg8[%swap3A_169, %swap3A_170], %swap3A_173 {strides = array<i32>} : memref<1x128xi32, #tpu.memory_space<vmem>>, vector<1x16xi32>,
      %get3A_174 = arith.index_cast %while3A_157 : i32 to index
      %get3A_175 = arith.constant 16 : index
      %get3A_176 = tpu.vector_load %arg6[%get3A_174, %get3A_175] {strides = array<i32>} : memref<160x128xi32, #tpu.memory_space<vmem>>, vector<1x16xi32>,
      %get3A_177 = vector.shape_cast %get3A_176 : vector<1x16xi32> to vector<16xi32>
      %and3A_178 = arith.andi %get3A_177, %broadcast_in_dim3A_143 : vector<16xi32>
      %swap3A_179 = arith.constant 16 : index
      %swap3A_180 = tpu.vector_load %arg7[%swap3A_179] {strides = array<i32>} : memref<128xi32, #tpu.memory_space<vmem>>, vector<16xi32>,
      %swap3A_181 = vector.shape_cast %swap3A_180 : vector<16xi32> to vector<16xi32>
      %swap3A_182 = vector.shape_cast %and3A_178 : vector<16xi32> to vector<16xi32>
      tpu.vector_store %arg7[%swap3A_179], %swap3A_182 {strides = array<i32>} : memref<128xi32, #tpu.memory_space<vmem>>, vector<16xi32>,
      %shift_right_logical3A_183 = arith.constant 14 : i32
      %shift_right_logical3A_184 = vector.broadcast %shift_right_logical3A_183 : i32 to vector<16xi32>
      %shift_right_logical3A_185 = arith.shrui %get3A_177, %shift_right_logical3A_184 : vector<16xi32>
      %swap3A_186 = arith.constant 0 : i32
      %swap3A_187 = arith.index_cast %swap3A_186 : i32 to index
      %swap3A_188 = arith.constant 16 : index
      %swap3A_189 = tpu.vector_load %arg8[%swap3A_187, %swap3A_188] {strides = array<i32>} : memref<1x128xi32, #tpu.memory_space<vmem>>, vector<1x16xi32>,
      %swap3A_190 = vector.shape_cast %swap3A_189 : vector<1x16xi32> to vector<16xi32>
      %swap3A_191 = vector.shape_cast %shift_right_logical3A_185 : vector<16xi32> to vector<1x16xi32>
      tpu.vector_store %arg8[%swap3A_187, %swap3A_188], %swap3A_191 {strides = array<i32>} : memref<1x128xi32, #tpu.memory_space<vmem>>, vector<1x16xi32>,
      %get3A_192 = arith.index_cast %while3A_157 : i32 to index
      %get3A_193 = arith.constant 32 : index
      %get3A_194 = tpu.vector_load %arg6[%get3A_192, %get3A_193] {strides = array<i32>} : memref<160x128xi32, #tpu.memory_space<vmem>>, vector<1x16xi32>,
      %get3A_195 = vector.shape_cast %get3A_194 : vector<1x16xi32> to vector<16xi32>
      %and3A_196 = arith.andi %get3A_195, %broadcast_in_dim3A_143 : vector<16xi32>
      %swap3A_197 = arith.constant 32 : index
      %swap3A_198 = tpu.vector_load %arg7[%swap3A_197] {strides = array<i32>} : memref<128xi32, #tpu.memory_space<vmem>>, vector<16xi32>,
      %swap3A_199 = vector.shape_cast %swap3A_198 : vector<16xi32> to vector<16xi32>
      %swap3A_200 = vector.shape_cast %and3A_196 : vector<16xi32> to vector<16xi32>
      tpu.vector_store %arg7[%swap3A_197], %swap3A_200 {strides = array<i32>} : memref<128xi32, #tpu.memory_space<vmem>>, vector<16xi32>,
      %shift_right_logical3A_201 = arith.constant 14 : i32
      %shift_right_logical3A_202 = vector.broadcast %shift_right_logical3A_201 : i32 to vector<16xi32>
      %shift_right_logical3A_203 = arith.shrui %get3A_195, %shift_right_logical3A_202 : vector<16xi32>
      %swap3A_204 = arith.constant 0 : i32
      %swap3A_205 = arith.index_cast %swap3A_204 : i32 to index
      %swap3A_206 = arith.constant 32 : index
      %swap3A_207 = tpu.vector_load %arg8[%swap3A_205, %swap3A_206] {strides = array<i32>} : memref<1x128xi32, #tpu.memory_space<vmem>>, vector<1x16xi32>,
      %swap3A_208 = vector.shape_cast %swap3A_207 : vector<1x16xi32> to vector<16xi32>
      %swap3A_209 = vector.shape_cast %shift_right_logical3A_203 : vector<16xi32> to vector<1x16xi32>
      tpu.vector_store %arg8[%swap3A_205, %swap3A_206], %swap3A_209 {strides = array<i32>} : memref<1x128xi32, #tpu.memory_space<vmem>>, vector<1x16xi32>,
      %get3A_210 = arith.index_cast %while3A_157 : i32 to index
      %get3A_211 = arith.constant 48 : index
      %get3A_212 = tpu.vector_load %arg6[%get3A_210, %get3A_211] {strides = array<i32>} : memref<160x128xi32, #tpu.memory_space<vmem>>, vector<1x16xi32>,
      %get3A_213 = vector.shape_cast %get3A_212 : vector<1x16xi32> to vector<16xi32>
      %and3A_214 = arith.andi %get3A_213, %broadcast_in_dim3A_143 : vector<16xi32>
      %swap3A_215 = arith.constant 48 : index
      %swap3A_216 = tpu.vector_load %arg7[%swap3A_215] {strides = array<i32>} : memref<128xi32, #tpu.memory_space<vmem>>, vector<16xi32>,
      %swap3A_217 = vector.shape_cast %swap3A_216 : vector<16xi32> to vector<16xi32>
      %swap3A_218 = vector.shape_cast %and3A_214 : vector<16xi32> to vector<16xi32>
      tpu.vector_store %arg7[%swap3A_215], %swap3A_218 {strides = array<i32>} : memref<128xi32, #tpu.memory_space<vmem>>, vector<16xi32>,
      %shift_right_logical3A_219 = arith.constant 14 : i32
      %shift_right_logical3A_220 = vector.broadcast %shift_right_logical3A_219 : i32 to vector<16xi32>
      %shift_right_logical3A_221 = arith.shrui %get3A_213, %shift_right_logical3A_220 : vector<16xi32>
      %swap3A_222 = arith.constant 0 : i32
      %swap3A_223 = arith.index_cast %swap3A_222 : i32 to index
      %swap3A_224 = arith.constant 48 : index
      %swap3A_225 = tpu.vector_load %arg8[%swap3A_223, %swap3A_224] {strides = array<i32>} : memref<1x128xi32, #tpu.memory_space<vmem>>, vector<1x16xi32>,
      %swap3A_226 = vector.shape_cast %swap3A_225 : vector<1x16xi32> to vector<16xi32>
      %swap3A_227 = vector.shape_cast %shift_right_logical3A_221 : vector<16xi32> to vector<1x16xi32>
      tpu.vector_store %arg8[%swap3A_223, %swap3A_224], %swap3A_227 {strides = array<i32>} : memref<1x128xi32, #tpu.memory_space<vmem>>, vector<1x16xi32>,
      %get3A_228 = arith.index_cast %while3A_157 : i32 to index
      %get3A_229 = arith.constant 64 : index
      %get3A_230 = tpu.vector_load %arg6[%get3A_228, %get3A_229] {strides = array<i32>} : memref<160x128xi32, #tpu.memory_space<vmem>>, vector<1x16xi32>,
      %get3A_231 = vector.shape_cast %get3A_230 : vector<1x16xi32> to vector<16xi32>
      %and3A_232 = arith.andi %get3A_231, %broadcast_in_dim3A_143 : vector<16xi32>
      %swap3A_233 = arith.constant 64 : index
      %swap3A_234 = tpu.vector_load %arg7[%swap3A_233] {strides = array<i32>} : memref<128xi32, #tpu.memory_space<vmem>>, vector<16xi32>,
      %swap3A_235 = vector.shape_cast %swap3A_234 : vector<16xi32> to vector<16xi32>
      %swap3A_236 = vector.shape_cast %and3A_232 : vector<16xi32> to vector<16xi32>
      tpu.vector_store %arg7[%swap3A_233], %swap3A_236 {strides = array<i32>} : memref<128xi32, #tpu.memory_space<vmem>>, vector<16xi32>,
      %shift_right_logical3A_237 = arith.constant 14 : i32
      %shift_right_logical3A_238 = vector.broadcast %shift_right_logical3A_237 : i32 to vector<16xi32>
      %shift_right_logical3A_239 = arith.shrui %get3A_231, %shift_right_logical3A_238 : vector<16xi32>
      %swap3A_240 = arith.constant 0 : i32
      %swap3A_241 = arith.index_cast %swap3A_240 : i32 to index
      %swap3A_242 = arith.constant 64 : index
      %swap3A_243 = tpu.vector_load %arg8[%swap3A_241, %swap3A_242] {strides = array<i32>} : memref<1x128xi32, #tpu.memory_space<vmem>>, vector<1x16xi32>,
      %swap3A_244 = vector.shape_cast %swap3A_243 : vector<1x16xi32> to vector<16xi32>
      %swap3A_245 = vector.shape_cast %shift_right_logical3A_239 : vector<16xi32> to vector<1x16xi32>
      tpu.vector_store %arg8[%swap3A_241, %swap3A_242], %swap3A_245 {strides = array<i32>} : memref<1x128xi32, #tpu.memory_space<vmem>>, vector<1x16xi32>,
      %get3A_246 = arith.index_cast %while3A_157 : i32 to index
      %get3A_247 = arith.constant 80 : index
      %get3A_248 = tpu.vector_load %arg6[%get3A_246, %get3A_247] {strides = array<i32>} : memref<160x128xi32, #tpu.memory_space<vmem>>, vector<1x16xi32>,
      %get3A_249 = vector.shape_cast %get3A_248 : vector<1x16xi32> to vector<16xi32>
      %and3A_250 = arith.andi %get3A_249, %broadcast_in_dim3A_143 : vector<16xi32>
      %swap3A_251 = arith.constant 80 : index
      %swap3A_252 = tpu.vector_load %arg7[%swap3A_251] {strides = array<i32>} : memref<128xi32, #tpu.memory_space<vmem>>, vector<16xi32>,
      %swap3A_253 = vector.shape_cast %swap3A_252 : vector<16xi32> to vector<16xi32>
      %swap3A_254 = vector.shape_cast %and3A_250 : vector<16xi32> to vector<16xi32>
      tpu.vector_store %arg7[%swap3A_251], %swap3A_254 {strides = array<i32>} : memref<128xi32, #tpu.memory_space<vmem>>, vector<16xi32>,
      %shift_right_logical3A_255 = arith.constant 14 : i32
      %shift_right_logical3A_256 = vector.broadcast %shift_right_logical3A_255 : i32 to vector<16xi32>
      %shift_right_logical3A_257 = arith.shrui %get3A_249, %shift_right_logical3A_256 : vector<16xi32>
      %swap3A_258 = arith.constant 0 : i32
      %swap3A_259 = arith.index_cast %swap3A_258 : i32 to index
      %swap3A_260 = arith.constant 80 : index
      %swap3A_261 = tpu.vector_load %arg8[%swap3A_259, %swap3A_260] {strides = array<i32>} : memref<1x128xi32, #tpu.memory_space<vmem>>, vector<1x16xi32>,
      %swap3A_262 = vector.shape_cast %swap3A_261 : vector<1x16xi32> to vector<16xi32>
      %swap3A_263 = vector.shape_cast %shift_right_logical3A_257 : vector<16xi32> to vector<1x16xi32>
      tpu.vector_store %arg8[%swap3A_259, %swap3A_260], %swap3A_263 {strides = array<i32>} : memref<1x128xi32, #tpu.memory_space<vmem>>, vector<1x16xi32>,
      %get3A_264 = arith.index_cast %while3A_157 : i32 to index
      %get3A_265 = arith.constant 96 : index
      %get3A_266 = tpu.vector_load %arg6[%get3A_264, %get3A_265] {strides = array<i32>} : memref<160x128xi32, #tpu.memory_space<vmem>>, vector<1x16xi32>,
      %get3A_267 = vector.shape_cast %get3A_266 : vector<1x16xi32> to vector<16xi32>
      %and3A_268 = arith.andi %get3A_267, %broadcast_in_dim3A_143 : vector<16xi32>
      %swap3A_269 = arith.constant 96 : index
      %swap3A_270 = tpu.vector_load %arg7[%swap3A_269] {strides = array<i32>} : memref<128xi32, #tpu.memory_space<vmem>>, vector<16xi32>,
      %swap3A_271 = vector.shape_cast %swap3A_270 : vector<16xi32> to vector<16xi32>
      %swap3A_272 = vector.shape_cast %and3A_268 : vector<16xi32> to vector<16xi32>
      tpu.vector_store %arg7[%swap3A_269], %swap3A_272 {strides = array<i32>} : memref<128xi32, #tpu.memory_space<vmem>>, vector<16xi32>,
      %shift_right_logical3A_273 = arith.constant 14 : i32
      %shift_right_logical3A_274 = vector.broadcast %shift_right_logical3A_273 : i32 to vector<16xi32>
      %shift_right_logical3A_275 = arith.shrui %get3A_267, %shift_right_logical3A_274 : vector<16xi32>
      %swap3A_276 = arith.constant 0 : i32
      %swap3A_277 = arith.index_cast %swap3A_276 : i32 to index
      %swap3A_278 = arith.constant 96 : index
      %swap3A_279 = tpu.vector_load %arg8[%swap3A_277, %swap3A_278] {strides = array<i32>} : memref<1x128xi32, #tpu.memory_space<vmem>>, vector<1x16xi32>,
      %swap3A_280 = vector.shape_cast %swap3A_279 : vector<1x16xi32> to vector<16xi32>
      %swap3A_281 = vector.shape_cast %shift_right_logical3A_275 : vector<16xi32> to vector<1x16xi32>
      tpu.vector_store %arg8[%swap3A_277, %swap3A_278], %swap3A_281 {strides = array<i32>} : memref<1x128xi32, #tpu.memory_space<vmem>>, vector<1x16xi32>,
      %get3A_282 = arith.index_cast %while3A_157 : i32 to index
      %get3A_283 = arith.constant 112 : index
      %get3A_284 = tpu.vector_load %arg6[%get3A_282, %get3A_283] {strides = array<i32>} : memref<160x128xi32, #tpu.memory_space<vmem>>, vector<1x16xi32>,
      %get3A_285 = vector.shape_cast %get3A_284 : vector<1x16xi32> to vector<16xi32>
      %and3A_286 = arith.andi %get3A_285, %broadcast_in_dim3A_143 : vector<16xi32>
      %swap3A_287 = arith.constant 112 : index
      %swap3A_288 = tpu.vector_load %arg7[%swap3A_287] {strides = array<i32>} : memref<128xi32, #tpu.memory_space<vmem>>, vector<16xi32>,
      %swap3A_289 = vector.shape_cast %swap3A_288 : vector<16xi32> to vector<16xi32>
      %swap3A_290 = vector.shape_cast %and3A_286 : vector<16xi32> to vector<16xi32>
      tpu.vector_store %arg7[%swap3A_287], %swap3A_290 {strides = array<i32>} : memref<128xi32, #tpu.memory_space<vmem>>, vector<16xi32>,
      %shift_right_logical3A_291 = arith.constant 14 : i32
      %shift_right_logical3A_292 = vector.broadcast %shift_right_logical3A_291 : i32 to vector<16xi32>
      %shift_right_logical3A_293 = arith.shrui %get3A_285, %shift_right_logical3A_292 : vector<16xi32>
      %swap3A_294 = arith.constant 0 : i32
      %swap3A_295 = arith.index_cast %swap3A_294 : i32 to index
      %swap3A_296 = arith.constant 112 : index
      %swap3A_297 = tpu.vector_load %arg8[%swap3A_295, %swap3A_296] {strides = array<i32>} : memref<1x128xi32, #tpu.memory_space<vmem>>, vector<1x16xi32>,
      %swap3A_298 = vector.shape_cast %swap3A_297 : vector<1x16xi32> to vector<16xi32>
      %swap3A_299 = vector.shape_cast %shift_right_logical3A_293 : vector<16xi32> to vector<1x16xi32>
      tpu.vector_store %arg8[%swap3A_295, %swap3A_296], %swap3A_299 {strides = array<i32>} : memref<1x128xi32, #tpu.memory_space<vmem>>, vector<1x16xi32>,
      %dma_start3A_300 = arith.constant 0 : i32
      %dma_start3A_301 = arith.constant 0 : i32
      %dma_start3A_302 = tpu.memref_slice %arg2[%dma_start3A_300, %dma_start3A_301] : memref<10000x128xf32, #tpu.memory_space<hbm>> -> memref<10000x128xf32, #tpu.memory_space<hbm>>
      tpu.enqueue_indirect_dma source(%dma_start3A_302 : memref<10000x128xf32, #tpu.memory_space<hbm>>) target(%arg11 : memref<128x128xf32, #tpu.memory_space<vmem>>) offsets(%arg7 : memref<128xi32, #tpu.memory_space<vmem>>) semaphore(%arg16 : memref<!tpu.dma_semaphore, #tpu.memory_space<semaphore_mem>>)
      %dma_wait3A_303 = arith.constant 0 : i32
      %dma_wait3A_304 = arith.constant 0 : i32
      %dma_wait3A_305 = tpu.memref_slice %arg2[%dma_wait3A_303, %dma_wait3A_304] : memref<10000x128xf32, #tpu.memory_space<hbm>> -> memref<10000x128xf32, #tpu.memory_space<hbm>>
      tpu.wait_indirect_dma semaphore(%arg16 : memref<!tpu.dma_semaphore, #tpu.memory_space<semaphore_mem>>) src(%dma_wait3A_305 : memref<10000x128xf32, #tpu.memory_space<hbm>>) dst(%arg11 : memref<128x128xf32, #tpu.memory_space<vmem>>)
      %run_scoped3A = arith.constant 0 : i32
      "tpu.region"() ({
        %run_scoped3A_306 = tpu.sem_alloc : memref<!tpu.dma_semaphore, #tpu.memory_space<semaphore_mem>>
        %dma_start3A_307 = arith.constant 0 : i32
        %dma_start3A_308 = tpu.memref_slice %arg8[%run_scoped3A, %dma_start3A_307] : memref<1x128xi32, #tpu.memory_space<vmem>> -> memref<1x128xi32, #tpu.memory_space<vmem>>
        %dma_start3A_309 = tpu.memref_squeeze %dma_start3A_308 : memref<1x128xi32, #tpu.memory_space<vmem>> -> memref<128xi32, #tpu.memory_space<vmem>>
        %dma_start3A_310 = arith.constant 0 : i32
        %dma_start3A_311 = arith.constant 0 : i32
        %dma_start3A_312 = tpu.memref_slice %arg15[%dma_start3A_310, %dma_start3A_311] : memref<5120x128xf32, #tpu.memory_space<vmem_shared>> -> memref<5120x128xf32, #tpu.memory_space<vmem_shared>>
        tpu.enqueue_indirect_dma source(%arg11 : memref<128x128xf32, #tpu.memory_space<vmem>>) target(%dma_start3A_312 : memref<5120x128xf32, #tpu.memory_space<vmem_shared>>) offsets(%dma_start3A_309 : memref<128xi32, #tpu.memory_space<vmem>>) semaphore(%run_scoped3A_306 : memref<!tpu.dma_semaphore, #tpu.memory_space<semaphore_mem>>) {add = true}
        %dma_wait3A_313 = arith.constant 0 : i32
        %dma_wait3A_314 = tpu.memref_slice %arg8[%run_scoped3A, %dma_wait3A_313] : memref<1x128xi32, #tpu.memory_space<vmem>> -> memref<1x128xi32, #tpu.memory_space<vmem>>
        %dma_wait3A_315 = tpu.memref_squeeze %dma_wait3A_314 : memref<1x128xi32, #tpu.memory_space<vmem>> -> memref<128xi32, #tpu.memory_space<vmem>>
        %dma_wait3A_316 = arith.constant 0 : i32
        %dma_wait3A_317 = arith.constant 0 : i32
        %dma_wait3A_318 = tpu.memref_slice %arg15[%dma_wait3A_316, %dma_wait3A_317] : memref<5120x128xf32, #tpu.memory_space<vmem_shared>> -> memref<5120x128xf32, #tpu.memory_space<vmem_shared>>
        tpu.wait_indirect_dma semaphore(%run_scoped3A_306 : memref<!tpu.dma_semaphore, #tpu.memory_space<semaphore_mem>>) src(%arg11 : memref<128x128xf32, #tpu.memory_space<vmem>>) dst(%dma_wait3A_318 : memref<5120x128xf32, #tpu.memory_space<vmem_shared>>)
        tpu.yield
      }) : () -> ()
    }
    %while3A_152 = arith.constant 1 : i32
    scf.for %while3A_157 = %while3A_150 to %while3A_146 step %while3A_152  : i32 {
      %get3A_158 = arith.index_cast %while3A_157 : i32 to index
      %get3A_159 = arith.constant 0 : index
      %get3A_160 = tpu.vector_load %arg6[%get3A_158, %get3A_159] {strides = array<i32>} : memref<160x128xi32, #tpu.memory_space<vmem>>, vector<1x16xi32>,
      %get3A_161 = vector.shape_cast %get3A_160 : vector<1x16xi32> to vector<16xi32>
      %and3A = arith.andi %get3A_161, %broadcast_in_dim3A_143 : vector<16xi32>
      %swap3A_162 = arith.constant 0 : index
      %swap3A_163 = tpu.vector_load %arg7[%swap3A_162] {strides = array<i32>} : memref<128xi32, #tpu.memory_space<vmem>>, vector<16xi32>,
      %swap3A_164 = vector.shape_cast %swap3A_163 : vector<16xi32> to vector<16xi32>
      %swap3A_165 = vector.shape_cast %and3A : vector<16xi32> to vector<16xi32>
      tpu.vector_store %arg7[%swap3A_162], %swap3A_165 {strides = array<i32>} : memref<128xi32, #tpu.memory_space<vmem>>, vector<16xi32>,
      %shift_right_logical3A = arith.constant 14 : i32
      %shift_right_logical3A_166 = vector.broadcast %shift_right_logical3A : i32 to vector<16xi32>
      %shift_right_logical3A_167 = arith.shrui %get3A_161, %shift_right_logical3A_166 : vector<16xi32>
      %swap3A_168 = arith.constant 0 : i32
      %swap3A_169 = arith.index_cast %swap3A_168 : i32 to index
      %swap3A_170 = arith.constant 0 : index
      %swap3A_171 = tpu.vector_load %arg8[%swap3A_169, %swap3A_170] {strides = array<i32>} : memref<1x128xi32, #tpu.memory_space<vmem>>, vector<1x16xi32>,
      %swap3A_172 = vector.shape_cast %swap3A_171 : vector<1x16xi32> to vector<16xi32>
      %swap3A_173 = vector.shape_cast %shift_right_logical3A_167 : vector<16xi32> to vector<1x16xi32>
      tpu.vector_store %arg8[%swap3A_169, %swap3A_170], %swap3A_173 {strides = array<i32>} : memref<1x128xi32, #tpu.memory_space<vmem>>, vector<1x16xi32>,
      %get3A_174 = arith.index_cast %while3A_157 : i32 to index
      %get3A_175 = arith.constant 16 : index
      %get3A_176 = tpu.vector_load %arg6[%get3A_174, %get3A_175] {strides = array<i32>} : memref<160x128xi32, #tpu.memory_space<vmem>>, vector<1x16xi32>,
      %get3A_177 = vector.shape_cast %get3A_176 : vector<1x16xi32> to vector<16xi32>
      %and3A_178 = arith.andi %get3A_177, %broadcast_in_dim3A_143 : vector<16xi32>
      %swap3A_179 = arith.constant 16 : index
      %swap3A_180 = tpu.vector_load %arg7[%swap3A_179] {strides = array<i32>} : memref<128xi32, #tpu.memory_space<vmem>>, vector<16xi32>,
      %swap3A_181 = vector.shape_cast %swap3A_180 : vector<16xi32> to vector<16xi32>
      %swap3A_182 = vector.shape_cast %and3A_178 : vector<16xi32> to vector<16xi32>
      tpu.vector_store %arg7[%swap3A_179], %swap3A_182 {strides = array<i32>} : memref<128xi32, #tpu.memory_space<vmem>>, vector<16xi32>,
      %shift_right_logical3A_183 = arith.constant 14 : i32
      %shift_right_logical3A_184 = vector.broadcast %shift_right_logical3A_183 : i32 to vector<16xi32>
      %shift_right_logical3A_185 = arith.shrui %get3A_177, %shift_right_logical3A_184 : vector<16xi32>
      %swap3A_186 = arith.constant 0 : i32
      %swap3A_187 = arith.index_cast %swap3A_186 : i32 to index
      %swap3A_188 = arith.constant 16 : index
      %swap3A_189 = tpu.vector_load %arg8[%swap3A_187, %swap3A_188] {strides = array<i32>} : memref<1x128xi32, #tpu.memory_space<vmem>>, vector<1x16xi32>,
      %swap3A_190 = vector.shape_cast %swap3A_189 : vector<1x16xi32> to vector<16xi32>
      %swap3A_191 = vector.shape_cast %shift_right_logical3A_185 : vector<16xi32> to vector<1x16xi32>
      tpu.vector_store %arg8[%swap3A_187, %swap3A_188], %swap3A_191 {strides = array<i32>} : memref<1x128xi32, #tpu.memory_space<vmem>>, vector<1x16xi32>,
      %get3A_192 = arith.index_cast %while3A_157 : i32 to index
      %get3A_193 = arith.constant 32 : index
      %get3A_194 = tpu.vector_load %arg6[%get3A_192, %get3A_193] {strides = array<i32>} : memref<160x128xi32, #tpu.memory_space<vmem>>, vector<1x16xi32>,
      %get3A_195 = vector.shape_cast %get3A_194 : vector<1x16xi32> to vector<16xi32>
      %and3A_196 = arith.andi %get3A_195, %broadcast_in_dim3A_143 : vector<16xi32>
      %swap3A_197 = arith.constant 32 : index
      %swap3A_198 = tpu.vector_load %arg7[%swap3A_197] {strides = array<i32>} : memref<128xi32, #tpu.memory_space<vmem>>, vector<16xi32>,
      %swap3A_199 = vector.shape_cast %swap3A_198 : vector<16xi32> to vector<16xi32>
      %swap3A_200 = vector.shape_cast %and3A_196 : vector<16xi32> to vector<16xi32>
      tpu.vector_store %arg7[%swap3A_197], %swap3A_200 {strides = array<i32>} : memref<128xi32, #tpu.memory_space<vmem>>, vector<16xi32>,
      %shift_right_logical3A_201 = arith.constant 14 : i32
      %shift_right_logical3A_202 = vector.broadcast %shift_right_logical3A_201 : i32 to vector<16xi32>
      %shift_right_logical3A_203 = arith.shrui %get3A_195, %shift_right_logical3A_202 : vector<16xi32>
      %swap3A_204 = arith.constant 0 : i32
      %swap3A_205 = arith.index_cast %swap3A_204 : i32 to index
      %swap3A_206 = arith.constant 32 : index
      %swap3A_207 = tpu.vector_load %arg8[%swap3A_205, %swap3A_206] {strides = array<i32>} : memref<1x128xi32, #tpu.memory_space<vmem>>, vector<1x16xi32>,
      %swap3A_208 = vector.shape_cast %swap3A_207 : vector<1x16xi32> to vector<16xi32>
      %swap3A_209 = vector.shape_cast %shift_right_logical3A_203 : vector<16xi32> to vector<1x16xi32>
      tpu.vector_store %arg8[%swap3A_205, %swap3A_206], %swap3A_209 {strides = array<i32>} : memref<1x128xi32, #tpu.memory_space<vmem>>, vector<1x16xi32>,
      %get3A_210 = arith.index_cast %while3A_157 : i32 to index
      %get3A_211 = arith.constant 48 : index
      %get3A_212 = tpu.vector_load %arg6[%get3A_210, %get3A_211] {strides = array<i32>} : memref<160x128xi32, #tpu.memory_space<vmem>>, vector<1x16xi32>,
      %get3A_213 = vector.shape_cast %get3A_212 : vector<1x16xi32> to vector<16xi32>
      %and3A_214 = arith.andi %get3A_213, %broadcast_in_dim3A_143 : vector<16xi32>
      %swap3A_215 = arith.constant 48 : index
      %swap3A_216 = tpu.vector_load %arg7[%swap3A_215] {strides = array<i32>} : memref<128xi32, #tpu.memory_space<vmem>>, vector<16xi32>,
      %swap3A_217 = vector.shape_cast %swap3A_216 : vector<16xi32> to vector<16xi32>
      %swap3A_218 = vector.shape_cast %and3A_214 : vector<16xi32> to vector<16xi32>
      tpu.vector_store %arg7[%swap3A_215], %swap3A_218 {strides = array<i32>} : memref<128xi32, #tpu.memory_space<vmem>>, vector<16xi32>,
      %shift_right_logical3A_219 = arith.constant 14 : i32
      %shift_right_logical3A_220 = vector.broadcast %shift_right_logical3A_219 : i32 to vector<16xi32>
      %shift_right_logical3A_221 = arith.shrui %get3A_213, %shift_right_logical3A_220 : vector<16xi32>
      %swap3A_222 = arith.constant 0 : i32
      %swap3A_223 = arith.index_cast %swap3A_222 : i32 to index
      %swap3A_224 = arith.constant 48 : index
      %swap3A_225 = tpu.vector_load %arg8[%swap3A_223, %swap3A_224] {strides = array<i32>} : memref<1x128xi32, #tpu.memory_space<vmem>>, vector<1x16xi32>,
      %swap3A_226 = vector.shape_cast %swap3A_225 : vector<1x16xi32> to vector<16xi32>
      %swap3A_227 = vector.shape_cast %shift_right_logical3A_221 : vector<16xi32> to vector<1x16xi32>
      tpu.vector_store %arg8[%swap3A_223, %swap3A_224], %swap3A_227 {strides = array<i32>} : memref<1x128xi32, #tpu.memory_space<vmem>>, vector<1x16xi32>,
      %get3A_228 = arith.index_cast %while3A_157 : i32 to index
      %get3A_229 = arith.constant 64 : index
      %get3A_230 = tpu.vector_load %arg6[%get3A_228, %get3A_229] {strides = array<i32>} : memref<160x128xi32, #tpu.memory_space<vmem>>, vector<1x16xi32>,
      %get3A_231 = vector.shape_cast %get3A_230 : vector<1x16xi32> to vector<16xi32>
      %and3A_232 = arith.andi %get3A_231, %broadcast_in_dim3A_143 : vector<16xi32>
      %swap3A_233 = arith.constant 64 : index
      %swap3A_234 = tpu.vector_load %arg7[%swap3A_233] {strides = array<i32>} : memref<128xi32, #tpu.memory_space<vmem>>, vector<16xi32>,
      %swap3A_235 = vector.shape_cast %swap3A_234 : vector<16xi32> to vector<16xi32>
      %swap3A_236 = vector.shape_cast %and3A_232 : vector<16xi32> to vector<16xi32>
      tpu.vector_store %arg7[%swap3A_233], %swap3A_236 {strides = array<i32>} : memref<128xi32, #tpu.memory_space<vmem>>, vector<16xi32>,
      %shift_right_logical3A_237 = arith.constant 14 : i32
      %shift_right_logical3A_238 = vector.broadcast %shift_right_logical3A_237 : i32 to vector<16xi32>
      %shift_right_logical3A_239 = arith.shrui %get3A_231, %shift_right_logical3A_238 : vector<16xi32>
      %swap3A_240 = arith.constant 0 : i32
      %swap3A_241 = arith.index_cast %swap3A_240 : i32 to index
      %swap3A_242 = arith.constant 64 : index
      %swap3A_243 = tpu.vector_load %arg8[%swap3A_241, %swap3A_242] {strides = array<i32>} : memref<1x128xi32, #tpu.memory_space<vmem>>, vector<1x16xi32>,
      %swap3A_244 = vector.shape_cast %swap3A_243 : vector<1x16xi32> to vector<16xi32>
      %swap3A_245 = vector.shape_cast %shift_right_logical3A_239 : vector<16xi32> to vector<1x16xi32>
      tpu.vector_store %arg8[%swap3A_241, %swap3A_242], %swap3A_245 {strides = array<i32>} : memref<1x128xi32, #tpu.memory_space<vmem>>, vector<1x16xi32>,
      %get3A_246 = arith.index_cast %while3A_157 : i32 to index
      %get3A_247 = arith.constant 80 : index
      %get3A_248 = tpu.vector_load %arg6[%get3A_246, %get3A_247] {strides = array<i32>} : memref<160x128xi32, #tpu.memory_space<vmem>>, vector<1x16xi32>,
      %get3A_249 = vector.shape_cast %get3A_248 : vector<1x16xi32> to vector<16xi32>
      %and3A_250 = arith.andi %get3A_249, %broadcast_in_dim3A_143 : vector<16xi32>
      %swap3A_251 = arith.constant 80 : index
      %swap3A_252 = tpu.vector_load %arg7[%swap3A_251] {strides = array<i32>} : memref<128xi32, #tpu.memory_space<vmem>>, vector<16xi32>,
      %swap3A_253 = vector.shape_cast %swap3A_252 : vector<16xi32> to vector<16xi32>
      %swap3A_254 = vector.shape_cast %and3A_250 : vector<16xi32> to vector<16xi32>
      tpu.vector_store %arg7[%swap3A_251], %swap3A_254 {strides = array<i32>} : memref<128xi32, #tpu.memory_space<vmem>>, vector<16xi32>,
      %shift_right_logical3A_255 = arith.constant 14 : i32
      %shift_right_logical3A_256 = vector.broadcast %shift_right_logical3A_255 : i32 to vector<16xi32>
      %shift_right_logical3A_257 = arith.shrui %get3A_249, %shift_right_logical3A_256 : vector<16xi32>
      %swap3A_258 = arith.constant 0 : i32
      %swap3A_259 = arith.index_cast %swap3A_258 : i32 to index
      %swap3A_260 = arith.constant 80 : index
      %swap3A_261 = tpu.vector_load %arg8[%swap3A_259, %swap3A_260] {strides = array<i32>} : memref<1x128xi32, #tpu.memory_space<vmem>>, vector<1x16xi32>,
      %swap3A_262 = vector.shape_cast %swap3A_261 : vector<1x16xi32> to vector<16xi32>
      %swap3A_263 = vector.shape_cast %shift_right_logical3A_257 : vector<16xi32> to vector<1x16xi32>
      tpu.vector_store %arg8[%swap3A_259, %swap3A_260], %swap3A_263 {strides = array<i32>} : memref<1x128xi32, #tpu.memory_space<vmem>>, vector<1x16xi32>,
      %get3A_264 = arith.index_cast %while3A_157 : i32 to index
      %get3A_265 = arith.constant 96 : index
      %get3A_266 = tpu.vector_load %arg6[%get3A_264, %get3A_265] {strides = array<i32>} : memref<160x128xi32, #tpu.memory_space<vmem>>, vector<1x16xi32>,
      %get3A_267 = vector.shape_cast %get3A_266 : vector<1x16xi32> to vector<16xi32>
      %and3A_268 = arith.andi %get3A_267, %broadcast_in_dim3A_143 : vector<16xi32>
      %swap3A_269 = arith.constant 96 : index
      %swap3A_270 = tpu.vector_load %arg7[%swap3A_269] {strides = array<i32>} : memref<128xi32, #tpu.memory_space<vmem>>, vector<16xi32>,
      %swap3A_271 = vector.shape_cast %swap3A_270 : vector<16xi32> to vector<16xi32>
      %swap3A_272 = vector.shape_cast %and3A_268 : vector<16xi32> to vector<16xi32>
      tpu.vector_store %arg7[%swap3A_269], %swap3A_272 {strides = array<i32>} : memref<128xi32, #tpu.memory_space<vmem>>, vector<16xi32>,
      %shift_right_logical3A_273 = arith.constant 14 : i32
      %shift_right_logical3A_274 = vector.broadcast %shift_right_logical3A_273 : i32 to vector<16xi32>
      %shift_right_logical3A_275 = arith.shrui %get3A_267, %shift_right_logical3A_274 : vector<16xi32>
      %swap3A_276 = arith.constant 0 : i32
      %swap3A_277 = arith.index_cast %swap3A_276 : i32 to index
      %swap3A_278 = arith.constant 96 : index
      %swap3A_279 = tpu.vector_load %arg8[%swap3A_277, %swap3A_278] {strides = array<i32>} : memref<1x128xi32, #tpu.memory_space<vmem>>, vector<1x16xi32>,
      %swap3A_280 = vector.shape_cast %swap3A_279 : vector<1x16xi32> to vector<16xi32>
      %swap3A_281 = vector.shape_cast %shift_right_logical3A_275 : vector<16xi32> to vector<1x16xi32>
      tpu.vector_store %arg8[%swap3A_277, %swap3A_278], %swap3A_281 {strides = array<i32>} : memref<1x128xi32, #tpu.memory_space<vmem>>, vector<1x16xi32>,
      %get3A_282 = arith.index_cast %while3A_157 : i32 to index
      %get3A_283 = arith.constant 112 : index
      %get3A_284 = tpu.vector_load %arg6[%get3A_282, %get3A_283] {strides = array<i32>} : memref<160x128xi32, #tpu.memory_space<vmem>>, vector<1x16xi32>,
      %get3A_285 = vector.shape_cast %get3A_284 : vector<1x16xi32> to vector<16xi32>
      %and3A_286 = arith.andi %get3A_285, %broadcast_in_dim3A_143 : vector<16xi32>
      %swap3A_287 = arith.constant 112 : index
      %swap3A_288 = tpu.vector_load %arg7[%swap3A_287] {strides = array<i32>} : memref<128xi32, #tpu.memory_space<vmem>>, vector<16xi32>,
      %swap3A_289 = vector.shape_cast %swap3A_288 : vector<16xi32> to vector<16xi32>
      %swap3A_290 = vector.shape_cast %and3A_286 : vector<16xi32> to vector<16xi32>
      tpu.vector_store %arg7[%swap3A_287], %swap3A_290 {strides = array<i32>} : memref<128xi32, #tpu.memory_space<vmem>>, vector<16xi32>,
      %shift_right_logical3A_291 = arith.constant 14 : i32
      %shift_right_logical3A_292 = vector.broadcast %shift_right_logical3A_291 : i32 to vector<16xi32>
      %shift_right_logical3A_293 = arith.shrui %get3A_285, %shift_right_logical3A_292 : vector<16xi32>
      %swap3A_294 = arith.constant 0 : i32
      %swap3A_295 = arith.index_cast %swap3A_294 : i32 to index
      %swap3A_296 = arith.constant 112 : index
      %swap3A_297 = tpu.vector_load %arg8[%swap3A_295, %swap3A_296] {strides = array<i32>} : memref<1x128xi32, #tpu.memory_space<vmem>>, vector<1x16xi32>,
      %swap3A_298 = vector.shape_cast %swap3A_297 : vector<1x16xi32> to vector<16xi32>
      %swap3A_299 = vector.shape_cast %shift_right_logical3A_293 : vector<16xi32> to vector<1x16xi32>
      tpu.vector_store %arg8[%swap3A_295, %swap3A_296], %swap3A_299 {strides = array<i32>} : memref<1x128xi32, #tpu.memory_space<vmem>>, vector<1x16xi32>,
      %dma_start3A_300 = arith.constant 0 : i32
      %dma_start3A_301 = arith.constant 0 : i32
      %dma_start3A_302 = tpu.memref_slice %arg2[%dma_start3A_300, %dma_start3A_301] : memref<10000x128xf32, #tpu.memory_space<hbm>> -> memref<10000x128xf32, #tpu.memory_space<hbm>>
      tpu.enqueue_indirect_dma source(%dma_start3A_302 : memref<10000x128xf32, #tpu.memory_space<hbm>>) target(%arg11 : memref<128x128xf32, #tpu.memory_space<vmem>>) offsets(%arg7 : memref<128xi32, #tpu.memory_space<vmem>>) semaphore(%arg16 : memref<!tpu.dma_semaphore, #tpu.memory_space<semaphore_mem>>)
      %dma_wait3A_303 = arith.constant 0 : i32
      %dma_wait3A_304 = arith.constant 0 : i32
      %dma_wait3A_305 = tpu.memref_slice %arg2[%dma_wait3A_303, %dma_wait3A_304] : memref<10000x128xf32, #tpu.memory_space<hbm>> -> memref<10000x128xf32, #tpu.memory_space<hbm>>
      tpu.wait_indirect_dma semaphore(%arg16 : memref<!tpu.dma_semaphore, #tpu.memory_space<semaphore_mem>>) src(%dma_wait3A_305 : memref<10000x128xf32, #tpu.memory_space<hbm>>) dst(%arg11 : memref<128x128xf32, #tpu.memory_space<vmem>>)
      %run_scoped3A = arith.constant 0 : i32
      "tpu.region"() ({
        %run_scoped3A_306 = tpu.sem_alloc : memref<!tpu.dma_semaphore, #tpu.memory_space<semaphore_mem>>
        %dma_start3A_307 = arith.constant 0 : i32
        %dma_start3A_308 = tpu.memref_slice %arg8[%run_scoped3A, %dma_start3A_307] : memref<1x128xi32, #tpu.memory_space<vmem>> -> memref<1x128xi32, #tpu.memory_space<vmem>>
        %dma_start3A_309 = tpu.memref_squeeze %dma_start3A_308 : memref<1x128xi32, #tpu.memory_space<vmem>> -> memref<128xi32, #tpu.memory_space<vmem>>
        %dma_start3A_310 = arith.constant 0 : i32
        %dma_start3A_311 = arith.constant 0 : i32
        %dma_start3A_312 = tpu.memref_slice %arg15[%dma_start3A_310, %dma_start3A_311] : memref<5120x128xf32, #tpu.memory_space<vmem_shared>> -> memref<5120x128xf32, #tpu.memory_space<vmem_shared>>
        tpu.enqueue_indirect_dma source(%arg11 : memref<128x128xf32, #tpu.memory_space<vmem>>) target(%dma_start3A_312 : memref<5120x128xf32, #tpu.memory_space<vmem_shared>>) offsets(%dma_start3A_309 : memref<128xi32, #tpu.memory_space<vmem>>) semaphore(%run_scoped3A_306 : memref<!tpu.dma_semaphore, #tpu.memory_space<semaphore_mem>>) {add = true}
        %dma_wait3A_313 = arith.constant 0 : i32
        %dma_wait3A_314 = tpu.memref_slice %arg8[%run_scoped3A, %dma_wait3A_313] : memref<1x128xi32, #tpu.memory_space<vmem>> -> memref<1x128xi32, #tpu.memory_space<vmem>>
        %dma_wait3A_315 = tpu.memref_squeeze %dma_wait3A_314 : memref<1x128xi32, #tpu.memory_space<vmem>> -> memref<128xi32, #tpu.memory_space<vmem>>
        %dma_wait3A_316 = arith.constant 0 : i32
        %dma_wait3A_317 = arith.constant 0 : i32
        %dma_wait3A_318 = tpu.memref_slice %arg15[%dma_wait3A_316, %dma_wait3A_317] : memref<5120x128xf32, #tpu.memory_space<vmem_shared>> -> memref<5120x128xf32, #tpu.memory_space<vmem_shared>>
        tpu.wait_indirect_dma semaphore(%run_scoped3A_306 : memref<!tpu.dma_semaphore, #tpu.memory_space<semaphore_mem>>) src(%arg11 : memref<128x128xf32, #tpu.memory_space<vmem>>) dst(%dma_wait3A_318 : memref<5120x128xf32, #tpu.memory_space<vmem_shared>>)
        tpu.yield
      }) : () -> ()
    }
    %barrier3A_153 = arith.constant 0 : index
    tpu.barrier barrier_id(%barrier3A_153)
    %mul3A_154 = arith.constant 5120 : i32
    %mul3A_155 = arith.muli %arg0, %mul3A_154 : i32
    %add3A_156 = arith.addi %mul3A_155, %mul3A_2 : i32
    "tpu.region"() ({
      %run_scoped3A = tpu.sem_alloc : memref<!tpu.dma_semaphore, #tpu.memory_space<semaphore_mem>>
      %dma_start3A_157 = arith.constant 0 : i32
      %dma_start3A_158 = tpu.memref_slice %arg15[%mul3A_2, %dma_start3A_157] : memref<5120x128xf32, #tpu.memory_space<vmem_shared>> -> memref<320x128xf32, #tpu.memory_space<vmem_shared>>
      %dma_start3A_159 = arith.constant 0 : i32
      %dma_start3A_160 = tpu.memref_slice %arg15[%mul3A_2, %dma_start3A_159] : memref<5120x128xf32, #tpu.memory_space<vmem_shared>> -> memref<320x128xf32, #tpu.memory_space<vmem_shared>>
      tpu.enqueue_dma source(%dma_start3A_160 : memref<320x128xf32, #tpu.memory_space<vmem_shared>>) target(%arg13 : memref<320x128xf32, #tpu.memory_space<vmem>>) target_semaphore(%run_scoped3A : memref<!tpu.dma_semaphore, #tpu.memory_space<semaphore_mem>>)
      %dma_wait3A_161 = arith.constant 0 : i32
      %dma_wait3A_162 = tpu.memref_slice %arg15[%mul3A_2, %dma_wait3A_161] : memref<5120x128xf32, #tpu.memory_space<vmem_shared>> -> memref<320x128xf32, #tpu.memory_space<vmem_shared>>
      %dma_wait3A_163 = arith.constant 0 : i32
      %dma_wait3A_164 = tpu.memref_slice %arg15[%mul3A_2, %dma_wait3A_163] : memref<5120x128xf32, #tpu.memory_space<vmem_shared>> -> memref<320x128xf32, #tpu.memory_space<vmem_shared>>
      tpu.wait_dma2 semaphore(%run_scoped3A : memref<!tpu.dma_semaphore, #tpu.memory_space<semaphore_mem>>) src(%dma_wait3A_164 : memref<320x128xf32, #tpu.memory_space<vmem_shared>>) dst(%arg13 : memref<320x128xf32, #tpu.memory_space<vmem>>)
      tpu.yield
    }) : () -> ()
    "tpu.region"() ({
      %run_scoped3A = tpu.sem_alloc : memref<!tpu.dma_semaphore, #tpu.memory_space<semaphore_mem>>
      %dma_start3A_157 = arith.constant 0 : i32
      %dma_start3A_158 = tpu.memref_slice %arg5[%add3A_156, %dma_start3A_157] : memref<10240x128xf32, #tpu.memory_space<hbm>> -> memref<320x128xf32, #tpu.memory_space<hbm>>
      %dma_start3A_159 = arith.constant 0 : i32
      %dma_start3A_160 = tpu.memref_slice %arg5[%add3A_156, %dma_start3A_159] : memref<10240x128xf32, #tpu.memory_space<hbm>> -> memref<320x128xf32, #tpu.memory_space<hbm>>
      tpu.enqueue_dma source(%arg13 : memref<320x128xf32, #tpu.memory_space<vmem>>) target(%dma_start3A_160 : memref<320x128xf32, #tpu.memory_space<hbm>>) target_semaphore(%run_scoped3A : memref<!tpu.dma_semaphore, #tpu.memory_space<semaphore_mem>>)
      %dma_wait3A_161 = arith.constant 0 : i32
      %dma_wait3A_162 = tpu.memref_slice %arg5[%add3A_156, %dma_wait3A_161] : memref<10240x128xf32, #tpu.memory_space<hbm>> -> memref<320x128xf32, #tpu.memory_space<hbm>>
      %dma_wait3A_163 = arith.constant 0 : i32
      %dma_wait3A_164 = tpu.memref_slice %arg5[%add3A_156, %dma_wait3A_163] : memref<10240x128xf32, #tpu.memory_space<hbm>> -> memref<320x128xf32, #tpu.memory_space<hbm>>
      tpu.wait_dma2 semaphore(%run_scoped3A : memref<!tpu.dma_semaphore, #tpu.memory_space<semaphore_mem>>) src(%arg13 : memref<320x128xf32, #tpu.memory_space<vmem>>) dst(%dma_wait3A_164 : memref<320x128xf32, #tpu.memory_space<hbm>>)
      tpu.yield
    }) : () -> ()
    return
  }
}

#map = affine_map<(d0, d1) -> (0, 0)>
#map1 = affine_map<(d0, d1) -> (0)>
module attributes {stable_mosaic.version = 14 : i64} {
  func.func @body(%arg0: i32, %arg1: i32, %arg2: memref<10000x128xf32, #tpu.memory_space<hbm>>, %arg3: memref<5120x128xi32, #tpu.memory_space<hbm>>, %arg4: memref<512xi32, #tpu.memory_space<hbm>>, %arg5: memref<10240x128xf32, #tpu.memory_space<hbm>>, %arg6: memref<160x128xi32, #tpu.memory_space<vmem>>, %arg7: memref<128xi32, #tpu.memory_space<vmem>>, %arg8: memref<1x128xi32, #tpu.memory_space<vmem>>, %arg9: memref<128xi32, #tpu.memory_space<vmem>>, %arg10: memref<1x128xi32, #tpu.memory_space<vmem>>, %arg11: memref<128x128xf32, #tpu.memory_space<vmem>>, %arg12: memref<128x128xf32, #tpu.memory_space<vmem>>, %arg13: memref<320x128xf32, #tpu.memory_space<vmem>>, %arg14: memref<16xi32, #tpu.memory_space<vmem>>, %arg15: memref<5120x128xf32, #tpu.memory_space<vmem_shared>>, %arg16: memref<!tpu.dma_semaphore, #tpu.memory_space<semaphore_mem>>, %arg17: memref<!tpu.dma_semaphore, #tpu.memory_space<semaphore_mem>>, %arg18: memref<!tpu.dma_semaphore, #tpu.memory_space<semaphore_mem>>) attributes {dimension_semantics = [#tpu.dimension_semantics<core_parallel>, #tpu.dimension_semantics<subcore_parallel>], iteration_bounds = array<i64: 2, 16>, scalar_prefetch = 0 : i64, scratch_operands = 13 : i64, tpu.core_type = #tpu.core_type<sc_vector_subcore>, window_params = [{transform_indices = #map}, {transform_indices = #map}, {transform_indices = #map1}, {transform_indices = #map}]} {
    %mul3A = arith.constant 16 : i32
    %mul3A_0 = arith.muli %arg0, %mul3A : i32
    %add3A = arith.addi %mul3A_0, %arg1 : i32
    %mul3A_1 = arith.constant 320 : i32
    %mul3A_2 = arith.muli %arg1, %mul3A_1 : i32
    %broadcast_in_dim3A = arith.constant 0.000000e+00 : f32
    %broadcast_in_dim3A_3 = vector.broadcast %broadcast_in_dim3A : f32 to vector<16xf32>
    %scan3A = arith.constant 0 : i32
    %scan3A_4 = arith.constant 0 : i32
    %scan3A_5 = arith.constant 320 : i32
    %scan3A_6 = arith.addi %scan3A_4, %scan3A_5 : i32
    %scan3A_7 = arith.constant 1 : i32
    scf.for %scan3A_157 = %scan3A_4 to %scan3A_6 step %scan3A_7  : i32 {
      %swap3A_158 = arith.index_cast %scan3A_157 : i32 to index
      %swap3A_159 = arith.constant 0 : index
      %swap3A_160 = tpu.vector_load %arg13[%swap3A_158, %swap3A_159] {strides = array<i32>} : memref<320x128xf32, #tpu.memory_space<vmem>>, vector<1x16xf32>,
      %swap3A_161 = vector.shape_cast %swap3A_160 : vector<1x16xf32> to vector<16xf32>
      %swap3A_162 = vector.shape_cast %broadcast_in_dim3A_3 : vector<16xf32> to vector<1x16xf32>
      tpu.vector_store %arg13[%swap3A_158, %swap3A_159], %swap3A_162 {strides = array<i32>} : memref<320x128xf32, #tpu.memory_space<vmem>>, vector<1x16xf32>,
      %swap3A_163 = arith.index_cast %scan3A_157 : i32 to index
      %swap3A_164 = arith.constant 16 : index
      %swap3A_165 = tpu.vector_load %arg13[%swap3A_163, %swap3A_164] {strides = array<i32>} : memref<320x128xf32, #tpu.memory_space<vmem>>, vector<1x16xf32>,
      %swap3A_166 = vector.shape_cast %swap3A_165 : vector<1x16xf32> to vector<16xf32>
      %swap3A_167 = vector.shape_cast %broadcast_in_dim3A_3 : vector<16xf32> to vector<1x16xf32>
      tpu.vector_store %arg13[%swap3A_163, %swap3A_164], %swap3A_167 {strides = array<i32>} : memref<320x128xf32, #tpu.memory_space<vmem>>, vector<1x16xf32>,
      %swap3A_168 = arith.index_cast %scan3A_157 : i32 to index
      %swap3A_169 = arith.constant 32 : index
      %swap3A_170 = tpu.vector_load %arg13[%swap3A_168, %swap3A_169] {strides = array<i32>} : memref<320x128xf32, #tpu.memory_space<vmem>>, vector<1x16xf32>,
      %swap3A_171 = vector.shape_cast %swap3A_170 : vector<1x16xf32> to vector<16xf32>
      %swap3A_172 = vector.shape_cast %broadcast_in_dim3A_3 : vector<16xf32> to vector<1x16xf32>
      tpu.vector_store %arg13[%swap3A_168, %swap3A_169], %swap3A_172 {strides = array<i32>} : memref<320x128xf32, #tpu.memory_space<vmem>>, vector<1x16xf32>,
      %swap3A_173 = arith.index_cast %scan3A_157 : i32 to index
      %swap3A_174 = arith.constant 48 : index
      %swap3A_175 = tpu.vector_load %arg13[%swap3A_173, %swap3A_174] {strides = array<i32>} : memref<320x128xf32, #tpu.memory_space<vmem>>, vector<1x16xf32>,
      %swap3A_176 = vector.shape_cast %swap3A_175 : vector<1x16xf32> to vector<16xf32>
      %swap3A_177 = vector.shape_cast %broadcast_in_dim3A_3 : vector<16xf32> to vector<1x16xf32>
      tpu.vector_store %arg13[%swap3A_173, %swap3A_174], %swap3A_177 {strides = array<i32>} : memref<320x128xf32, #tpu.memory_space<vmem>>, vector<1x16xf32>,
      %swap3A_178 = arith.index_cast %scan3A_157 : i32 to index
      %swap3A_179 = arith.constant 64 : index
      %swap3A_180 = tpu.vector_load %arg13[%swap3A_178, %swap3A_179] {strides = array<i32>} : memref<320x128xf32, #tpu.memory_space<vmem>>, vector<1x16xf32>,
      %swap3A_181 = vector.shape_cast %swap3A_180 : vector<1x16xf32> to vector<16xf32>
      %swap3A_182 = vector.shape_cast %broadcast_in_dim3A_3 : vector<16xf32> to vector<1x16xf32>
      tpu.vector_store %arg13[%swap3A_178, %swap3A_179], %swap3A_182 {strides = array<i32>} : memref<320x128xf32, #tpu.memory_space<vmem>>, vector<1x16xf32>,
      %swap3A_183 = arith.index_cast %scan3A_157 : i32 to index
      %swap3A_184 = arith.constant 80 : index
      %swap3A_185 = tpu.vector_load %arg13[%swap3A_183, %swap3A_184] {strides = array<i32>} : memref<320x128xf32, #tpu.memory_space<vmem>>, vector<1x16xf32>,
      %swap3A_186 = vector.shape_cast %swap3A_185 : vector<1x16xf32> to vector<16xf32>
      %swap3A_187 = vector.shape_cast %broadcast_in_dim3A_3 : vector<16xf32> to vector<1x16xf32>
      tpu.vector_store %arg13[%swap3A_183, %swap3A_184], %swap3A_187 {strides = array<i32>} : memref<320x128xf32, #tpu.memory_space<vmem>>, vector<1x16xf32>,
      %swap3A_188 = arith.index_cast %scan3A_157 : i32 to index
      %swap3A_189 = arith.constant 96 : index
      %swap3A_190 = tpu.vector_load %arg13[%swap3A_188, %swap3A_189] {strides = array<i32>} : memref<320x128xf32, #tpu.memory_space<vmem>>, vector<1x16xf32>,
      %swap3A_191 = vector.shape_cast %swap3A_190 : vector<1x16xf32> to vector<16xf32>
      %swap3A_192 = vector.shape_cast %broadcast_in_dim3A_3 : vector<16xf32> to vector<1x16xf32>
      tpu.vector_store %arg13[%swap3A_188, %swap3A_189], %swap3A_192 {strides = array<i32>} : memref<320x128xf32, #tpu.memory_space<vmem>>, vector<1x16xf32>,
      %swap3A_193 = arith.index_cast %scan3A_157 : i32 to index
      %swap3A_194 = arith.constant 112 : index
      %swap3A_195 = tpu.vector_load %arg13[%swap3A_193, %swap3A_194] {strides = array<i32>} : memref<320x128xf32, #tpu.memory_space<vmem>>, vector<1x16xf32>,
      %swap3A_196 = vector.shape_cast %swap3A_195 : vector<1x16xf32> to vector<16xf32>
      %swap3A_197 = vector.shape_cast %broadcast_in_dim3A_3 : vector<16xf32> to vector<1x16xf32>
      tpu.vector_store %arg13[%swap3A_193, %swap3A_194], %swap3A_197 {strides = array<i32>} : memref<320x128xf32, #tpu.memory_space<vmem>>, vector<1x16xf32>,
    }
    %scan3A_8 = arith.constant 320 : i32
    "tpu.region"() ({
      %run_scoped3A = tpu.sem_alloc : memref<!tpu.dma_semaphore, #tpu.memory_space<semaphore_mem>>
      %dma_start3A_157 = arith.constant 0 : i32
      %dma_start3A_158 = tpu.memref_slice %arg15[%mul3A_2, %dma_start3A_157] : memref<5120x128xf32, #tpu.memory_space<vmem_shared>> -> memref<320x128xf32, #tpu.memory_space<vmem_shared>>
      %dma_start3A_159 = arith.constant 0 : i32
      %dma_start3A_160 = tpu.memref_slice %arg15[%mul3A_2, %dma_start3A_159] : memref<5120x128xf32, #tpu.memory_space<vmem_shared>> -> memref<320x128xf32, #tpu.memory_space<vmem_shared>>
      tpu.enqueue_dma source(%arg13 : memref<320x128xf32, #tpu.memory_space<vmem>>) target(%dma_start3A_160 : memref<320x128xf32, #tpu.memory_space<vmem_shared>>) target_semaphore(%run_scoped3A : memref<!tpu.dma_semaphore, #tpu.memory_space<semaphore_mem>>)
      %dma_wait3A_161 = arith.constant 0 : i32
      %dma_wait3A_162 = tpu.memref_slice %arg15[%mul3A_2, %dma_wait3A_161] : memref<5120x128xf32, #tpu.memory_space<vmem_shared>> -> memref<320x128xf32, #tpu.memory_space<vmem_shared>>
      %dma_wait3A_163 = arith.constant 0 : i32
      %dma_wait3A_164 = tpu.memref_slice %arg15[%mul3A_2, %dma_wait3A_163] : memref<5120x128xf32, #tpu.memory_space<vmem_shared>> -> memref<320x128xf32, #tpu.memory_space<vmem_shared>>
      tpu.wait_dma2 semaphore(%run_scoped3A : memref<!tpu.dma_semaphore, #tpu.memory_space<semaphore_mem>>) src(%arg13 : memref<320x128xf32, #tpu.memory_space<vmem>>) dst(%dma_wait3A_164 : memref<320x128xf32, #tpu.memory_space<vmem_shared>>)
      tpu.yield
    }) : () -> ()
    %barrier3A = arith.constant 0 : index
    tpu.barrier barrier_id(%barrier3A)
    %mul3A_9 = arith.constant 16 : i32
    %mul3A_10 = arith.muli %add3A, %mul3A_9 : i32
    "tpu.region"() ({
      %run_scoped3A = tpu.sem_alloc : memref<!tpu.dma_semaphore, #tpu.memory_space<semaphore_mem>>
      %dma_start3A_157 = tpu.memref_slice %arg4[%mul3A_10] : memref<512xi32, #tpu.memory_space<hbm>> -> memref<16xi32, #tpu.memory_space<hbm>>
      %dma_start3A_158 = tpu.memref_slice %arg4[%mul3A_10] : memref<512xi32, #tpu.memory_space<hbm>> -> memref<16xi32, #tpu.memory_space<hbm>>
      tpu.enqueue_dma source(%dma_start3A_158 : memref<16xi32, #tpu.memory_space<hbm>>) target(%arg14 : memref<16xi32, #tpu.memory_space<vmem>>) target_semaphore(%run_scoped3A : memref<!tpu.dma_semaphore, #tpu.memory_space<semaphore_mem>>)
      %dma_wait3A_159 = tpu.memref_slice %arg4[%mul3A_10] : memref<512xi32, #tpu.memory_space<hbm>> -> memref<16xi32, #tpu.memory_space<hbm>>
      %dma_wait3A_160 = tpu.memref_slice %arg4[%mul3A_10] : memref<512xi32, #tpu.memory_space<hbm>> -> memref<16xi32, #tpu.memory_space<hbm>>
      tpu.wait_dma2 semaphore(%run_scoped3A : memref<!tpu.dma_semaphore, #tpu.memory_space<semaphore_mem>>) src(%dma_wait3A_160 : memref<16xi32, #tpu.memory_space<hbm>>) dst(%arg14 : memref<16xi32, #tpu.memory_space<vmem>>)
      tpu.yield
    }) : () -> ()
    %get3A = arith.constant 0 : index
    %get3A_11 = tpu.vector_load %arg14[%get3A] {strides = array<i32>} : memref<16xi32, #tpu.memory_space<vmem>>, vector<16xi32>,
    %get3A_12 = vector.shape_cast %get3A_11 : vector<16xi32> to vector<16xi32>
    %slice3A = vector.extract_strided_slice %get3A_12 {offsets = [0], sizes = [1], strides = [1]} : vector<16xi32> to vector<1xi32>
    %squeeze3A = vector.extract %slice3A[0] : i32 from vector<1xi32>
    %iota3A = tpu.iota {dimensions = array<i32: 0>} : vector<16xi32>
    %mul3A_13 = arith.constant 160 : i32
    %mul3A_14 = arith.muli %add3A, %mul3A_13 : i32
    %add3A_15 = arith.constant 0 : i32
    %add3A_16 = arith.addi %mul3A_14, %add3A_15 : i32
    %add3A_17 = vector.broadcast %add3A_16 : i32 to vector<16xi32>
    %add3A_18 = arith.addi %add3A_17, %iota3A : vector<16xi32>
    %swap3A = arith.constant 0 : index
    %swap3A_19 = tpu.vector_load %arg7[%swap3A] {strides = array<i32>} : memref<128xi32, #tpu.memory_space<vmem>>, vector<16xi32>,
    %swap3A_20 = vector.shape_cast %swap3A_19 : vector<16xi32> to vector<16xi32>
    %swap3A_21 = vector.shape_cast %add3A_18 : vector<16xi32> to vector<16xi32>
    tpu.vector_store %arg7[%swap3A], %swap3A_21 {strides = array<i32>} : memref<128xi32, #tpu.memory_space<vmem>>, vector<16xi32>,
    %mul3A_22 = arith.constant 160 : i32
    %mul3A_23 = arith.muli %add3A, %mul3A_22 : i32
    %add3A_24 = arith.constant 16 : i32
    %add3A_25 = arith.addi %mul3A_23, %add3A_24 : i32
    %add3A_26 = vector.broadcast %add3A_25 : i32 to vector<16xi32>
    %add3A_27 = arith.addi %add3A_26, %iota3A : vector<16xi32>
    %swap3A_28 = arith.constant 16 : index
    %swap3A_29 = tpu.vector_load %arg7[%swap3A_28] {strides = array<i32>} : memref<128xi32, #tpu.memory_space<vmem>>, vector<16xi32>,
    %swap3A_30 = vector.shape_cast %swap3A_29 : vector<16xi32> to vector<16xi32>
    %swap3A_31 = vector.shape_cast %add3A_27 : vector<16xi32> to vector<16xi32>
    tpu.vector_store %arg7[%swap3A_28], %swap3A_31 {strides = array<i32>} : memref<128xi32, #tpu.memory_space<vmem>>, vector<16xi32>,
    %mul3A_32 = arith.constant 160 : i32
    %mul3A_33 = arith.muli %add3A, %mul3A_32 : i32
    %add3A_34 = arith.constant 32 : i32
    %add3A_35 = arith.addi %mul3A_33, %add3A_34 : i32
    %add3A_36 = vector.broadcast %add3A_35 : i32 to vector<16xi32>
    %add3A_37 = arith.addi %add3A_36, %iota3A : vector<16xi32>
    %swap3A_38 = arith.constant 32 : index
    %swap3A_39 = tpu.vector_load %arg7[%swap3A_38] {strides = array<i32>} : memref<128xi32, #tpu.memory_space<vmem>>, vector<16xi32>,
    %swap3A_40 = vector.shape_cast %swap3A_39 : vector<16xi32> to vector<16xi32>
    %swap3A_41 = vector.shape_cast %add3A_37 : vector<16xi32> to vector<16xi32>
    tpu.vector_store %arg7[%swap3A_38], %swap3A_41 {strides = array<i32>} : memref<128xi32, #tpu.memory_space<vmem>>, vector<16xi32>,
    %mul3A_42 = arith.constant 160 : i32
    %mul3A_43 = arith.muli %add3A, %mul3A_42 : i32
    %add3A_44 = arith.constant 48 : i32
    %add3A_45 = arith.addi %mul3A_43, %add3A_44 : i32
    %add3A_46 = vector.broadcast %add3A_45 : i32 to vector<16xi32>
    %add3A_47 = arith.addi %add3A_46, %iota3A : vector<16xi32>
    %swap3A_48 = arith.constant 48 : index
    %swap3A_49 = tpu.vector_load %arg7[%swap3A_48] {strides = array<i32>} : memref<128xi32, #tpu.memory_space<vmem>>, vector<16xi32>,
    %swap3A_50 = vector.shape_cast %swap3A_49 : vector<16xi32> to vector<16xi32>
    %swap3A_51 = vector.shape_cast %add3A_47 : vector<16xi32> to vector<16xi32>
    tpu.vector_store %arg7[%swap3A_48], %swap3A_51 {strides = array<i32>} : memref<128xi32, #tpu.memory_space<vmem>>, vector<16xi32>,
    %mul3A_52 = arith.constant 160 : i32
    %mul3A_53 = arith.muli %add3A, %mul3A_52 : i32
    %add3A_54 = arith.constant 64 : i32
    %add3A_55 = arith.addi %mul3A_53, %add3A_54 : i32
    %add3A_56 = vector.broadcast %add3A_55 : i32 to vector<16xi32>
    %add3A_57 = arith.addi %add3A_56, %iota3A : vector<16xi32>
    %swap3A_58 = arith.constant 64 : index
    %swap3A_59 = tpu.vector_load %arg7[%swap3A_58] {strides = array<i32>} : memref<128xi32, #tpu.memory_space<vmem>>, vector<16xi32>,
    %swap3A_60 = vector.shape_cast %swap3A_59 : vector<16xi32> to vector<16xi32>
    %swap3A_61 = vector.shape_cast %add3A_57 : vector<16xi32> to vector<16xi32>
    tpu.vector_store %arg7[%swap3A_58], %swap3A_61 {strides = array<i32>} : memref<128xi32, #tpu.memory_space<vmem>>, vector<16xi32>,
    %mul3A_62 = arith.constant 160 : i32
    %mul3A_63 = arith.muli %add3A, %mul3A_62 : i32
    %add3A_64 = arith.constant 80 : i32
    %add3A_65 = arith.addi %mul3A_63, %add3A_64 : i32
    %add3A_66 = vector.broadcast %add3A_65 : i32 to vector<16xi32>
    %add3A_67 = arith.addi %add3A_66, %iota3A : vector<16xi32>
    %swap3A_68 = arith.constant 80 : index
    %swap3A_69 = tpu.vector_load %arg7[%swap3A_68] {strides = array<i32>} : memref<128xi32, #tpu.memory_space<vmem>>, vector<16xi32>,
    %swap3A_70 = vector.shape_cast %swap3A_69 : vector<16xi32> to vector<16xi32>
    %swap3A_71 = vector.shape_cast %add3A_67 : vector<16xi32> to vector<16xi32>
    tpu.vector_store %arg7[%swap3A_68], %swap3A_71 {strides = array<i32>} : memref<128xi32, #tpu.memory_space<vmem>>, vector<16xi32>,
    %mul3A_72 = arith.constant 160 : i32
    %mul3A_73 = arith.muli %add3A, %mul3A_72 : i32
    %add3A_74 = arith.constant 96 : i32
    %add3A_75 = arith.addi %mul3A_73, %add3A_74 : i32
    %add3A_76 = vector.broadcast %add3A_75 : i32 to vector<16xi32>
    %add3A_77 = arith.addi %add3A_76, %iota3A : vector<16xi32>
    %swap3A_78 = arith.constant 96 : index
    %swap3A_79 = tpu.vector_load %arg7[%swap3A_78] {strides = array<i32>} : memref<128xi32, #tpu.memory_space<vmem>>, vector<16xi32>,
    %swap3A_80 = vector.shape_cast %swap3A_79 : vector<16xi32> to vector<16xi32>
    %swap3A_81 = vector.shape_cast %add3A_77 : vector<16xi32> to vector<16xi32>
    tpu.vector_store %arg7[%swap3A_78], %swap3A_81 {strides = array<i32>} : memref<128xi32, #tpu.memory_space<vmem>>, vector<16xi32>,
    %mul3A_82 = arith.constant 160 : i32
    %mul3A_83 = arith.muli %add3A, %mul3A_82 : i32
    %add3A_84 = arith.constant 112 : i32
    %add3A_85 = arith.addi %mul3A_83, %add3A_84 : i32
    %add3A_86 = vector.broadcast %add3A_85 : i32 to vector<16xi32>
    %add3A_87 = arith.addi %add3A_86, %iota3A : vector<16xi32>
    %swap3A_88 = arith.constant 112 : index
    %swap3A_89 = tpu.vector_load %arg7[%swap3A_88] {strides = array<i32>} : memref<128xi32, #tpu.memory_space<vmem>>, vector<16xi32>,
    %swap3A_90 = vector.shape_cast %swap3A_89 : vector<16xi32> to vector<16xi32>
    %swap3A_91 = vector.shape_cast %add3A_87 : vector<16xi32> to vector<16xi32>
    tpu.vector_store %arg7[%swap3A_88], %swap3A_91 {strides = array<i32>} : memref<128xi32, #tpu.memory_space<vmem>>, vector<16xi32>,
    %dma_start3A = arith.constant 0 : i32
    %dma_start3A_92 = arith.constant 0 : i32
    %dma_start3A_93 = tpu.memref_slice %arg6[%dma_start3A, %dma_start3A_92] : memref<160x128xi32, #tpu.memory_space<vmem>> -> memref<128x128xi32, #tpu.memory_space<vmem>>
    %dma_start3A_94 = arith.constant 0 : i32
    %dma_start3A_95 = arith.constant 0 : i32
    %dma_start3A_96 = tpu.memref_slice %arg3[%dma_start3A_94, %dma_start3A_95] : memref<5120x128xi32, #tpu.memory_space<hbm>> -> memref<5120x128xi32, #tpu.memory_space<hbm>>
    tpu.enqueue_indirect_dma source(%dma_start3A_96 : memref<5120x128xi32, #tpu.memory_space<hbm>>) target(%dma_start3A_93 : memref<128x128xi32, #tpu.memory_space<vmem>>) offsets(%arg7 : memref<128xi32, #tpu.memory_space<vmem>>) semaphore(%arg16 : memref<!tpu.dma_semaphore, #tpu.memory_space<semaphore_mem>>)
    %dma_wait3A = arith.constant 0 : i32
    %dma_wait3A_97 = arith.constant 0 : i32
    %dma_wait3A_98 = tpu.memref_slice %arg6[%dma_wait3A, %dma_wait3A_97] : memref<160x128xi32, #tpu.memory_space<vmem>> -> memref<128x128xi32, #tpu.memory_space<vmem>>
    %dma_wait3A_99 = arith.constant 0 : i32
    %dma_wait3A_100 = arith.constant 0 : i32
    %dma_wait3A_101 = tpu.memref_slice %arg3[%dma_wait3A_99, %dma_wait3A_100] : memref<5120x128xi32, #tpu.memory_space<hbm>> -> memref<5120x128xi32, #tpu.memory_space<hbm>>
    tpu.wait_indirect_dma semaphore(%arg16 : memref<!tpu.dma_semaphore, #tpu.memory_space<semaphore_mem>>) src(%dma_wait3A_101 : memref<5120x128xi32, #tpu.memory_space<hbm>>) dst(%dma_wait3A_98 : memref<128x128xi32, #tpu.memory_space<vmem>>)
    %mul3A_102 = arith.constant 160 : i32
    %mul3A_103 = arith.muli %add3A, %mul3A_102 : i32
    %add3A_104 = arith.constant 128 : i32
    %add3A_105 = arith.addi %mul3A_103, %add3A_104 : i32
    %add3A_106 = arith.constant 0 : i32
    %add3A_107 = arith.addi %add3A_105, %add3A_106 : i32
    %add3A_108 = vector.broadcast %add3A_107 : i32 to vector<16xi32>
    %add3A_109 = arith.addi %add3A_108, %iota3A : vector<16xi32>
    %swap3A_110 = arith.constant 0 : index
    %swap3A_111 = tpu.vector_load %arg7[%swap3A_110] {strides = array<i32>} : memref<128xi32, #tpu.memory_space<vmem>>, vector<16xi32>,
    %swap3A_112 = vector.shape_cast %swap3A_111 : vector<16xi32> to vector<16xi32>
    %swap3A_113 = vector.shape_cast %add3A_109 : vector<16xi32> to vector<16xi32>
    tpu.vector_store %arg7[%swap3A_110], %swap3A_113 {strides = array<i32>} : memref<128xi32, #tpu.memory_space<vmem>>, vector<16xi32>,
    %mul3A_114 = arith.constant 160 : i32
    %mul3A_115 = arith.muli %add3A, %mul3A_114 : i32
    %add3A_116 = arith.constant 128 : i32
    %add3A_117 = arith.addi %mul3A_115, %add3A_116 : i32
    %add3A_118 = arith.constant 16 : i32
    %add3A_119 = arith.addi %add3A_117, %add3A_118 : i32
    %add3A_120 = vector.broadcast %add3A_119 : i32 to vector<16xi32>
    %add3A_121 = arith.addi %add3A_120, %iota3A : vector<16xi32>
    %swap3A_122 = arith.constant 16 : index
    %swap3A_123 = tpu.vector_load %arg7[%swap3A_122] {strides = array<i32>} : memref<128xi32, #tpu.memory_space<vmem>>, vector<16xi32>,
    %swap3A_124 = vector.shape_cast %swap3A_123 : vector<16xi32> to vector<16xi32>
    %swap3A_125 = vector.shape_cast %add3A_121 : vector<16xi32> to vector<16xi32>
    tpu.vector_store %arg7[%swap3A_122], %swap3A_125 {strides = array<i32>} : memref<128xi32, #tpu.memory_space<vmem>>, vector<16xi32>,
    %dma_start3A_126 = arith.constant 128 : i32
    %dma_start3A_127 = arith.constant 0 : i32
    %dma_start3A_128 = tpu.memref_slice %arg6[%dma_start3A_126, %dma_start3A_127] : memref<160x128xi32, #tpu.memory_space<vmem>> -> memref<32x128xi32, #tpu.memory_space<vmem>>
    %dma_start3A_129 = arith.constant 0 : i32
    %dma_start3A_130 = tpu.memref_slice %arg7[%dma_start3A_129] : memref<128xi32, #tpu.memory_space<vmem>> -> memref<32xi32, #tpu.memory_space<vmem>>
    %dma_start3A_131 = arith.constant 0 : i32
    %dma_start3A_132 = arith.constant 0 : i32
    %dma_start3A_133 = tpu.memref_slice %arg3[%dma_start3A_131, %dma_start3A_132] : memref<5120x128xi32, #tpu.memory_space<hbm>> -> memref<5120x128xi32, #tpu.memory_space<hbm>>
    tpu.enqueue_indirect_dma source(%dma_start3A_133 : memref<5120x128xi32, #tpu.memory_space<hbm>>) target(%dma_start3A_128 : memref<32x128xi32, #tpu.memory_space<vmem>>) offsets(%dma_start3A_130 : memref<32xi32, #tpu.memory_space<vmem>>) semaphore(%arg16 : memref<!tpu.dma_semaphore, #tpu.memory_space<semaphore_mem>>)
    %dma_wait3A_134 = arith.constant 128 : i32
    %dma_wait3A_135 = arith.constant 0 : i32
    %dma_wait3A_136 = tpu.memref_slice %arg6[%dma_wait3A_134, %dma_wait3A_135] : memref<160x128xi32, #tpu.memory_space<vmem>> -> memref<32x128xi32, #tpu.memory_space<vmem>>
    %dma_wait3A_137 = arith.constant 0 : i32
    %dma_wait3A_138 = tpu.memref_slice %arg7[%dma_wait3A_137] : memref<128xi32, #tpu.memory_space<vmem>> -> memref<32xi32, #tpu.memory_space<vmem>>
    %dma_wait3A_139 = arith.constant 0 : i32
    %dma_wait3A_140 = arith.constant 0 : i32
    %dma_wait3A_141 = tpu.memref_slice %arg3[%dma_wait3A_139, %dma_wait3A_140] : memref<5120x128xi32, #tpu.memory_space<hbm>> -> memref<5120x128xi32, #tpu.memory_space<hbm>>
    tpu.wait_indirect_dma semaphore(%arg16 : memref<!tpu.dma_semaphore, #tpu.memory_space<semaphore_mem>>) src(%dma_wait3A_141 : memref<5120x128xi32, #tpu.memory_space<hbm>>) dst(%dma_wait3A_136 : memref<32x128xi32, #tpu.memory_space<vmem>>)
    %broadcast_in_dim3A_142 = arith.constant 16383 : i32
    %broadcast_in_dim3A_143 = vector.broadcast %broadcast_in_dim3A_142 : i32 to vector<16xi32>
    %while3A = arith.constant 0 : i32
    %while3A_144 = arith.constant 0 : i32
    %while3A_145 = arith.subi %squeeze3A, %while3A_144 : i32
    %while3A_146 = arith.addi %while3A_144, %while3A_145 : i32
    %while3A_147 = arith.constant 1 : i32
    %while3A_148 = arith.divsi %while3A_145, %while3A_147 : i32
    %while3A_149 = arith.muli %while3A_148, %while3A_147 : i32
    %while3A_150 = arith.addi %while3A_144, %while3A_149 : i32
    %while3A_151 = arith.constant 1 : i32
    scf.for %while3A_157 = %while3A_144 to %while3A_150 step %while3A_151  : i32 {
      %get3A_158 = arith.index_cast %while3A_157 : i32 to index
      %get3A_159 = arith.constant 0 : index
      %get3A_160 = tpu.vector_load %arg6[%get3A_158, %get3A_159] {strides = array<i32>} : memref<160x128xi32, #tpu.memory_space<vmem>>, vector<1x16xi32>,
      %get3A_161 = vector.shape_cast %get3A_160 : vector<1x16xi32> to vector<16xi32>
      %and3A = arith.andi %get3A_161, %broadcast_in_dim3A_143 : vector<16xi32>
      %swap3A_162 = arith.constant 0 : index
      %swap3A_163 = tpu.vector_load %arg7[%swap3A_162] {strides = array<i32>} : memref<128xi32, #tpu.memory_space<vmem>>, vector<16xi32>,
      %swap3A_164 = vector.shape_cast %swap3A_163 : vector<16xi32> to vector<16xi32>
      %swap3A_165 = vector.shape_cast %and3A : vector<16xi32> to vector<16xi32>
      tpu.vector_store %arg7[%swap3A_162], %swap3A_165 {strides = array<i32>} : memref<128xi32, #tpu.memory_space<vmem>>, vector<16xi32>,
      %shift_right_logical3A = arith.constant 14 : i32
      %shift_right_logical3A_166 = vector.broadcast %shift_right_logical3A : i32 to vector<16xi32>
      %shift_right_logical3A_167 = arith.shrui %get3A_161, %shift_right_logical3A_166 : vector<16xi32>
      %swap3A_168 = arith.constant 0 : i32
      %swap3A_169 = arith.index_cast %swap3A_168 : i32 to index
      %swap3A_170 = arith.constant 0 : index
      %swap3A_171 = tpu.vector_load %arg8[%swap3A_169, %swap3A_170] {strides = array<i32>} : memref<1x128xi32, #tpu.memory_space<vmem>>, vector<1x16xi32>,
      %swap3A_172 = vector.shape_cast %swap3A_171 : vector<1x16xi32> to vector<16xi32>
      %swap3A_173 = vector.shape_cast %shift_right_logical3A_167 : vector<16xi32> to vector<1x16xi32>
      tpu.vector_store %arg8[%swap3A_169, %swap3A_170], %swap3A_173 {strides = array<i32>} : memref<1x128xi32, #tpu.memory_space<vmem>>, vector<1x16xi32>,
      %get3A_174 = arith.index_cast %while3A_157 : i32 to index
      %get3A_175 = arith.constant 16 : index
      %get3A_176 = tpu.vector_load %arg6[%get3A_174, %get3A_175] {strides = array<i32>} : memref<160x128xi32, #tpu.memory_space<vmem>>, vector<1x16xi32>,
      %get3A_177 = vector.shape_cast %get3A_176 : vector<1x16xi32> to vector<16xi32>
      %and3A_178 = arith.andi %get3A_177, %broadcast_in_dim3A_143 : vector<16xi32>
      %swap3A_179 = arith.constant 16 : index
      %swap3A_180 = tpu.vector_load %arg7[%swap3A_179] {strides = array<i32>} : memref<128xi32, #tpu.memory_space<vmem>>, vector<16xi32>,
      %swap3A_181 = vector.shape_cast %swap3A_180 : vector<16xi32> to vector<16xi32>
      %swap3A_182 = vector.shape_cast %and3A_178 : vector<16xi32> to vector<16xi32>
      tpu.vector_store %arg7[%swap3A_179], %swap3A_182 {strides = array<i32>} : memref<128xi32, #tpu.memory_space<vmem>>, vector<16xi32>,
      %shift_right_logical3A_183 = arith.constant 14 : i32
      %shift_right_logical3A_184 = vector.broadcast %shift_right_logical3A_183 : i32 to vector<16xi32>
      %shift_right_logical3A_185 = arith.shrui %get3A_177, %shift_right_logical3A_184 : vector<16xi32>
      %swap3A_186 = arith.constant 0 : i32
      %swap3A_187 = arith.index_cast %swap3A_186 : i32 to index
      %swap3A_188 = arith.constant 16 : index
      %swap3A_189 = tpu.vector_load %arg8[%swap3A_187, %swap3A_188] {strides = array<i32>} : memref<1x128xi32, #tpu.memory_space<vmem>>, vector<1x16xi32>,
      %swap3A_190 = vector.shape_cast %swap3A_189 : vector<1x16xi32> to vector<16xi32>
      %swap3A_191 = vector.shape_cast %shift_right_logical3A_185 : vector<16xi32> to vector<1x16xi32>
      tpu.vector_store %arg8[%swap3A_187, %swap3A_188], %swap3A_191 {strides = array<i32>} : memref<1x128xi32, #tpu.memory_space<vmem>>, vector<1x16xi32>,
      %get3A_192 = arith.index_cast %while3A_157 : i32 to index
      %get3A_193 = arith.constant 32 : index
      %get3A_194 = tpu.vector_load %arg6[%get3A_192, %get3A_193] {strides = array<i32>} : memref<160x128xi32, #tpu.memory_space<vmem>>, vector<1x16xi32>,
      %get3A_195 = vector.shape_cast %get3A_194 : vector<1x16xi32> to vector<16xi32>
      %and3A_196 = arith.andi %get3A_195, %broadcast_in_dim3A_143 : vector<16xi32>
      %swap3A_197 = arith.constant 32 : index
      %swap3A_198 = tpu.vector_load %arg7[%swap3A_197] {strides = array<i32>} : memref<128xi32, #tpu.memory_space<vmem>>, vector<16xi32>,
      %swap3A_199 = vector.shape_cast %swap3A_198 : vector<16xi32> to vector<16xi32>
      %swap3A_200 = vector.shape_cast %and3A_196 : vector<16xi32> to vector<16xi32>
      tpu.vector_store %arg7[%swap3A_197], %swap3A_200 {strides = array<i32>} : memref<128xi32, #tpu.memory_space<vmem>>, vector<16xi32>,
      %shift_right_logical3A_201 = arith.constant 14 : i32
      %shift_right_logical3A_202 = vector.broadcast %shift_right_logical3A_201 : i32 to vector<16xi32>
      %shift_right_logical3A_203 = arith.shrui %get3A_195, %shift_right_logical3A_202 : vector<16xi32>
      %swap3A_204 = arith.constant 0 : i32
      %swap3A_205 = arith.index_cast %swap3A_204 : i32 to index
      %swap3A_206 = arith.constant 32 : index
      %swap3A_207 = tpu.vector_load %arg8[%swap3A_205, %swap3A_206] {strides = array<i32>} : memref<1x128xi32, #tpu.memory_space<vmem>>, vector<1x16xi32>,
      %swap3A_208 = vector.shape_cast %swap3A_207 : vector<1x16xi32> to vector<16xi32>
      %swap3A_209 = vector.shape_cast %shift_right_logical3A_203 : vector<16xi32> to vector<1x16xi32>
      tpu.vector_store %arg8[%swap3A_205, %swap3A_206], %swap3A_209 {strides = array<i32>} : memref<1x128xi32, #tpu.memory_space<vmem>>, vector<1x16xi32>,
      %get3A_210 = arith.index_cast %while3A_157 : i32 to index
      %get3A_211 = arith.constant 48 : index
      %get3A_212 = tpu.vector_load %arg6[%get3A_210, %get3A_211] {strides = array<i32>} : memref<160x128xi32, #tpu.memory_space<vmem>>, vector<1x16xi32>,
      %get3A_213 = vector.shape_cast %get3A_212 : vector<1x16xi32> to vector<16xi32>
      %and3A_214 = arith.andi %get3A_213, %broadcast_in_dim3A_143 : vector<16xi32>
      %swap3A_215 = arith.constant 48 : index
      %swap3A_216 = tpu.vector_load %arg7[%swap3A_215] {strides = array<i32>} : memref<128xi32, #tpu.memory_space<vmem>>, vector<16xi32>,
      %swap3A_217 = vector.shape_cast %swap3A_216 : vector<16xi32> to vector<16xi32>
      %swap3A_218 = vector.shape_cast %and3A_214 : vector<16xi32> to vector<16xi32>
      tpu.vector_store %arg7[%swap3A_215], %swap3A_218 {strides = array<i32>} : memref<128xi32, #tpu.memory_space<vmem>>, vector<16xi32>,
      %shift_right_logical3A_219 = arith.constant 14 : i32
      %shift_right_logical3A_220 = vector.broadcast %shift_right_logical3A_219 : i32 to vector<16xi32>
      %shift_right_logical3A_221 = arith.shrui %get3A_213, %shift_right_logical3A_220 : vector<16xi32>
      %swap3A_222 = arith.constant 0 : i32
      %swap3A_223 = arith.index_cast %swap3A_222 : i32 to index
      %swap3A_224 = arith.constant 48 : index
      %swap3A_225 = tpu.vector_load %arg8[%swap3A_223, %swap3A_224] {strides = array<i32>} : memref<1x128xi32, #tpu.memory_space<vmem>>, vector<1x16xi32>,
      %swap3A_226 = vector.shape_cast %swap3A_225 : vector<1x16xi32> to vector<16xi32>
      %swap3A_227 = vector.shape_cast %shift_right_logical3A_221 : vector<16xi32> to vector<1x16xi32>
      tpu.vector_store %arg8[%swap3A_223, %swap3A_224], %swap3A_227 {strides = array<i32>} : memref<1x128xi32, #tpu.memory_space<vmem>>, vector<1x16xi32>,
      %get3A_228 = arith.index_cast %while3A_157 : i32 to index
      %get3A_229 = arith.constant 64 : index
      %get3A_230 = tpu.vector_load %arg6[%get3A_228, %get3A_229] {strides = array<i32>} : memref<160x128xi32, #tpu.memory_space<vmem>>, vector<1x16xi32>,
      %get3A_231 = vector.shape_cast %get3A_230 : vector<1x16xi32> to vector<16xi32>
      %and3A_232 = arith.andi %get3A_231, %broadcast_in_dim3A_143 : vector<16xi32>
      %swap3A_233 = arith.constant 64 : index
      %swap3A_234 = tpu.vector_load %arg7[%swap3A_233] {strides = array<i32>} : memref<128xi32, #tpu.memory_space<vmem>>, vector<16xi32>,
      %swap3A_235 = vector.shape_cast %swap3A_234 : vector<16xi32> to vector<16xi32>
      %swap3A_236 = vector.shape_cast %and3A_232 : vector<16xi32> to vector<16xi32>
      tpu.vector_store %arg7[%swap3A_233], %swap3A_236 {strides = array<i32>} : memref<128xi32, #tpu.memory_space<vmem>>, vector<16xi32>,
      %shift_right_logical3A_237 = arith.constant 14 : i32
      %shift_right_logical3A_238 = vector.broadcast %shift_right_logical3A_237 : i32 to vector<16xi32>
      %shift_right_logical3A_239 = arith.shrui %get3A_231, %shift_right_logical3A_238 : vector<16xi32>
      %swap3A_240 = arith.constant 0 : i32
      %swap3A_241 = arith.index_cast %swap3A_240 : i32 to index
      %swap3A_242 = arith.constant 64 : index
      %swap3A_243 = tpu.vector_load %arg8[%swap3A_241, %swap3A_242] {strides = array<i32>} : memref<1x128xi32, #tpu.memory_space<vmem>>, vector<1x16xi32>,
      %swap3A_244 = vector.shape_cast %swap3A_243 : vector<1x16xi32> to vector<16xi32>
      %swap3A_245 = vector.shape_cast %shift_right_logical3A_239 : vector<16xi32> to vector<1x16xi32>
      tpu.vector_store %arg8[%swap3A_241, %swap3A_242], %swap3A_245 {strides = array<i32>} : memref<1x128xi32, #tpu.memory_space<vmem>>, vector<1x16xi32>,
      %get3A_246 = arith.index_cast %while3A_157 : i32 to index
      %get3A_247 = arith.constant 80 : index
      %get3A_248 = tpu.vector_load %arg6[%get3A_246, %get3A_247] {strides = array<i32>} : memref<160x128xi32, #tpu.memory_space<vmem>>, vector<1x16xi32>,
      %get3A_249 = vector.shape_cast %get3A_248 : vector<1x16xi32> to vector<16xi32>
      %and3A_250 = arith.andi %get3A_249, %broadcast_in_dim3A_143 : vector<16xi32>
      %swap3A_251 = arith.constant 80 : index
      %swap3A_252 = tpu.vector_load %arg7[%swap3A_251] {strides = array<i32>} : memref<128xi32, #tpu.memory_space<vmem>>, vector<16xi32>,
      %swap3A_253 = vector.shape_cast %swap3A_252 : vector<16xi32> to vector<16xi32>
      %swap3A_254 = vector.shape_cast %and3A_250 : vector<16xi32> to vector<16xi32>
      tpu.vector_store %arg7[%swap3A_251], %swap3A_254 {strides = array<i32>} : memref<128xi32, #tpu.memory_space<vmem>>, vector<16xi32>,
      %shift_right_logical3A_255 = arith.constant 14 : i32
      %shift_right_logical3A_256 = vector.broadcast %shift_right_logical3A_255 : i32 to vector<16xi32>
      %shift_right_logical3A_257 = arith.shrui %get3A_249, %shift_right_logical3A_256 : vector<16xi32>
      %swap3A_258 = arith.constant 0 : i32
      %swap3A_259 = arith.index_cast %swap3A_258 : i32 to index
      %swap3A_260 = arith.constant 80 : index
      %swap3A_261 = tpu.vector_load %arg8[%swap3A_259, %swap3A_260] {strides = array<i32>} : memref<1x128xi32, #tpu.memory_space<vmem>>, vector<1x16xi32>,
      %swap3A_262 = vector.shape_cast %swap3A_261 : vector<1x16xi32> to vector<16xi32>
      %swap3A_263 = vector.shape_cast %shift_right_logical3A_257 : vector<16xi32> to vector<1x16xi32>
      tpu.vector_store %arg8[%swap3A_259, %swap3A_260], %swap3A_263 {strides = array<i32>} : memref<1x128xi32, #tpu.memory_space<vmem>>, vector<1x16xi32>,
      %get3A_264 = arith.index_cast %while3A_157 : i32 to index
      %get3A_265 = arith.constant 96 : index
      %get3A_266 = tpu.vector_load %arg6[%get3A_264, %get3A_265] {strides = array<i32>} : memref<160x128xi32, #tpu.memory_space<vmem>>, vector<1x16xi32>,
      %get3A_267 = vector.shape_cast %get3A_266 : vector<1x16xi32> to vector<16xi32>
      %and3A_268 = arith.andi %get3A_267, %broadcast_in_dim3A_143 : vector<16xi32>
      %swap3A_269 = arith.constant 96 : index
      %swap3A_270 = tpu.vector_load %arg7[%swap3A_269] {strides = array<i32>} : memref<128xi32, #tpu.memory_space<vmem>>, vector<16xi32>,
      %swap3A_271 = vector.shape_cast %swap3A_270 : vector<16xi32> to vector<16xi32>
      %swap3A_272 = vector.shape_cast %and3A_268 : vector<16xi32> to vector<16xi32>
      tpu.vector_store %arg7[%swap3A_269], %swap3A_272 {strides = array<i32>} : memref<128xi32, #tpu.memory_space<vmem>>, vector<16xi32>,
      %shift_right_logical3A_273 = arith.constant 14 : i32
      %shift_right_logical3A_274 = vector.broadcast %shift_right_logical3A_273 : i32 to vector<16xi32>
      %shift_right_logical3A_275 = arith.shrui %get3A_267, %shift_right_logical3A_274 : vector<16xi32>
      %swap3A_276 = arith.constant 0 : i32
      %swap3A_277 = arith.index_cast %swap3A_276 : i32 to index
      %swap3A_278 = arith.constant 96 : index
      %swap3A_279 = tpu.vector_load %arg8[%swap3A_277, %swap3A_278] {strides = array<i32>} : memref<1x128xi32, #tpu.memory_space<vmem>>, vector<1x16xi32>,
      %swap3A_280 = vector.shape_cast %swap3A_279 : vector<1x16xi32> to vector<16xi32>
      %swap3A_281 = vector.shape_cast %shift_right_logical3A_275 : vector<16xi32> to vector<1x16xi32>
      tpu.vector_store %arg8[%swap3A_277, %swap3A_278], %swap3A_281 {strides = array<i32>} : memref<1x128xi32, #tpu.memory_space<vmem>>, vector<1x16xi32>,
      %get3A_282 = arith.index_cast %while3A_157 : i32 to index
      %get3A_283 = arith.constant 112 : index
      %get3A_284 = tpu.vector_load %arg6[%get3A_282, %get3A_283] {strides = array<i32>} : memref<160x128xi32, #tpu.memory_space<vmem>>, vector<1x16xi32>,
      %get3A_285 = vector.shape_cast %get3A_284 : vector<1x16xi32> to vector<16xi32>
      %and3A_286 = arith.andi %get3A_285, %broadcast_in_dim3A_143 : vector<16xi32>
      %swap3A_287 = arith.constant 112 : index
      %swap3A_288 = tpu.vector_load %arg7[%swap3A_287] {strides = array<i32>} : memref<128xi32, #tpu.memory_space<vmem>>, vector<16xi32>,
      %swap3A_289 = vector.shape_cast %swap3A_288 : vector<16xi32> to vector<16xi32>
      %swap3A_290 = vector.shape_cast %and3A_286 : vector<16xi32> to vector<16xi32>
      tpu.vector_store %arg7[%swap3A_287], %swap3A_290 {strides = array<i32>} : memref<128xi32, #tpu.memory_space<vmem>>, vector<16xi32>,
      %shift_right_logical3A_291 = arith.constant 14 : i32
      %shift_right_logical3A_292 = vector.broadcast %shift_right_logical3A_291 : i32 to vector<16xi32>
      %shift_right_logical3A_293 = arith.shrui %get3A_285, %shift_right_logical3A_292 : vector<16xi32>
      %swap3A_294 = arith.constant 0 : i32
      %swap3A_295 = arith.index_cast %swap3A_294 : i32 to index
      %swap3A_296 = arith.constant 112 : index
      %swap3A_297 = tpu.vector_load %arg8[%swap3A_295, %swap3A_296] {strides = array<i32>} : memref<1x128xi32, #tpu.memory_space<vmem>>, vector<1x16xi32>,
      %swap3A_298 = vector.shape_cast %swap3A_297 : vector<1x16xi32> to vector<16xi32>
      %swap3A_299 = vector.shape_cast %shift_right_logical3A_293 : vector<16xi32> to vector<1x16xi32>
      tpu.vector_store %arg8[%swap3A_295, %swap3A_296], %swap3A_299 {strides = array<i32>} : memref<1x128xi32, #tpu.memory_space<vmem>>, vector<1x16xi32>,
      %dma_start3A_300 = arith.constant 0 : i32
      %dma_start3A_301 = arith.constant 0 : i32
      %dma_start3A_302 = tpu.memref_slice %arg2[%dma_start3A_300, %dma_start3A_301] : memref<10000x128xf32, #tpu.memory_space<hbm>> -> memref<10000x128xf32, #tpu.memory_space<hbm>>
      tpu.enqueue_indirect_dma source(%dma_start3A_302 : memref<10000x128xf32, #tpu.memory_space<hbm>>) target(%arg11 : memref<128x128xf32, #tpu.memory_space<vmem>>) offsets(%arg7 : memref<128xi32, #tpu.memory_space<vmem>>) semaphore(%arg16 : memref<!tpu.dma_semaphore, #tpu.memory_space<semaphore_mem>>)
      %dma_wait3A_303 = arith.constant 0 : i32
      %dma_wait3A_304 = arith.constant 0 : i32
      %dma_wait3A_305 = tpu.memref_slice %arg2[%dma_wait3A_303, %dma_wait3A_304] : memref<10000x128xf32, #tpu.memory_space<hbm>> -> memref<10000x128xf32, #tpu.memory_space<hbm>>
      tpu.wait_indirect_dma semaphore(%arg16 : memref<!tpu.dma_semaphore, #tpu.memory_space<semaphore_mem>>) src(%dma_wait3A_305 : memref<10000x128xf32, #tpu.memory_space<hbm>>) dst(%arg11 : memref<128x128xf32, #tpu.memory_space<vmem>>)
      %run_scoped3A = arith.constant 0 : i32
      "tpu.region"() ({
        %run_scoped3A_306 = tpu.sem_alloc : memref<!tpu.dma_semaphore, #tpu.memory_space<semaphore_mem>>
        %dma_start3A_307 = arith.constant 0 : i32
        %dma_start3A_308 = tpu.memref_slice %arg8[%run_scoped3A, %dma_start3A_307] : memref<1x128xi32, #tpu.memory_space<vmem>> -> memref<1x128xi32, #tpu.memory_space<vmem>>
        %dma_start3A_309 = tpu.memref_squeeze %dma_start3A_308 : memref<1x128xi32, #tpu.memory_space<vmem>> -> memref<128xi32, #tpu.memory_space<vmem>>
        %dma_start3A_310 = arith.constant 0 : i32
        %dma_start3A_311 = arith.constant 0 : i32
        %dma_start3A_312 = tpu.memref_slice %arg15[%dma_start3A_310, %dma_start3A_311] : memref<5120x128xf32, #tpu.memory_space<vmem_shared>> -> memref<5120x128xf32, #tpu.memory_space<vmem_shared>>
        tpu.enqueue_indirect_dma source(%arg11 : memref<128x128xf32, #tpu.memory_space<vmem>>) target(%dma_start3A_312 : memref<5120x128xf32, #tpu.memory_space<vmem_shared>>) offsets(%dma_start3A_309 : memref<128xi32, #tpu.memory_space<vmem>>) semaphore(%run_scoped3A_306 : memref<!tpu.dma_semaphore, #tpu.memory_space<semaphore_mem>>) {add = true}
        %dma_wait3A_313 = arith.constant 0 : i32
        %dma_wait3A_314 = tpu.memref_slice %arg8[%run_scoped3A, %dma_wait3A_313] : memref<1x128xi32, #tpu.memory_space<vmem>> -> memref<1x128xi32, #tpu.memory_space<vmem>>
        %dma_wait3A_315 = tpu.memref_squeeze %dma_wait3A_314 : memref<1x128xi32, #tpu.memory_space<vmem>> -> memref<128xi32, #tpu.memory_space<vmem>>
        %dma_wait3A_316 = arith.constant 0 : i32
        %dma_wait3A_317 = arith.constant 0 : i32
        %dma_wait3A_318 = tpu.memref_slice %arg15[%dma_wait3A_316, %dma_wait3A_317] : memref<5120x128xf32, #tpu.memory_space<vmem_shared>> -> memref<5120x128xf32, #tpu.memory_space<vmem_shared>>
        tpu.wait_indirect_dma semaphore(%run_scoped3A_306 : memref<!tpu.dma_semaphore, #tpu.memory_space<semaphore_mem>>) src(%arg11 : memref<128x128xf32, #tpu.memory_space<vmem>>) dst(%dma_wait3A_318 : memref<5120x128xf32, #tpu.memory_space<vmem_shared>>)
        tpu.yield
      }) : () -> ()
    }
    %while3A_152 = arith.constant 1 : i32
    scf.for %while3A_157 = %while3A_150 to %while3A_146 step %while3A_152  : i32 {
      %get3A_158 = arith.index_cast %while3A_157 : i32 to index
      %get3A_159 = arith.constant 0 : index
      %get3A_160 = tpu.vector_load %arg6[%get3A_158, %get3A_159] {strides = array<i32>} : memref<160x128xi32, #tpu.memory_space<vmem>>, vector<1x16xi32>,
      %get3A_161 = vector.shape_cast %get3A_160 : vector<1x16xi32> to vector<16xi32>
      %and3A = arith.andi %get3A_161, %broadcast_in_dim3A_143 : vector<16xi32>
      %swap3A_162 = arith.constant 0 : index
      %swap3A_163 = tpu.vector_load %arg7[%swap3A_162] {strides = array<i32>} : memref<128xi32, #tpu.memory_space<vmem>>, vector<16xi32>,
      %swap3A_164 = vector.shape_cast %swap3A_163 : vector<16xi32> to vector<16xi32>
      %swap3A_165 = vector.shape_cast %and3A : vector<16xi32> to vector<16xi32>
      tpu.vector_store %arg7[%swap3A_162], %swap3A_165 {strides = array<i32>} : memref<128xi32, #tpu.memory_space<vmem>>, vector<16xi32>,
      %shift_right_logical3A = arith.constant 14 : i32
      %shift_right_logical3A_166 = vector.broadcast %shift_right_logical3A : i32 to vector<16xi32>
      %shift_right_logical3A_167 = arith.shrui %get3A_161, %shift_right_logical3A_166 : vector<16xi32>
      %swap3A_168 = arith.constant 0 : i32
      %swap3A_169 = arith.index_cast %swap3A_168 : i32 to index
      %swap3A_170 = arith.constant 0 : index
      %swap3A_171 = tpu.vector_load %arg8[%swap3A_169, %swap3A_170] {strides = array<i32>} : memref<1x128xi32, #tpu.memory_space<vmem>>, vector<1x16xi32>,
      %swap3A_172 = vector.shape_cast %swap3A_171 : vector<1x16xi32> to vector<16xi32>
      %swap3A_173 = vector.shape_cast %shift_right_logical3A_167 : vector<16xi32> to vector<1x16xi32>
      tpu.vector_store %arg8[%swap3A_169, %swap3A_170], %swap3A_173 {strides = array<i32>} : memref<1x128xi32, #tpu.memory_space<vmem>>, vector<1x16xi32>,
      %get3A_174 = arith.index_cast %while3A_157 : i32 to index
      %get3A_175 = arith.constant 16 : index
      %get3A_176 = tpu.vector_load %arg6[%get3A_174, %get3A_175] {strides = array<i32>} : memref<160x128xi32, #tpu.memory_space<vmem>>, vector<1x16xi32>,
      %get3A_177 = vector.shape_cast %get3A_176 : vector<1x16xi32> to vector<16xi32>
      %and3A_178 = arith.andi %get3A_177, %broadcast_in_dim3A_143 : vector<16xi32>
      %swap3A_179 = arith.constant 16 : index
      %swap3A_180 = tpu.vector_load %arg7[%swap3A_179] {strides = array<i32>} : memref<128xi32, #tpu.memory_space<vmem>>, vector<16xi32>,
      %swap3A_181 = vector.shape_cast %swap3A_180 : vector<16xi32> to vector<16xi32>
      %swap3A_182 = vector.shape_cast %and3A_178 : vector<16xi32> to vector<16xi32>
      tpu.vector_store %arg7[%swap3A_179], %swap3A_182 {strides = array<i32>} : memref<128xi32, #tpu.memory_space<vmem>>, vector<16xi32>,
      %shift_right_logical3A_183 = arith.constant 14 : i32
      %shift_right_logical3A_184 = vector.broadcast %shift_right_logical3A_183 : i32 to vector<16xi32>
      %shift_right_logical3A_185 = arith.shrui %get3A_177, %shift_right_logical3A_184 : vector<16xi32>
      %swap3A_186 = arith.constant 0 : i32
      %swap3A_187 = arith.index_cast %swap3A_186 : i32 to index
      %swap3A_188 = arith.constant 16 : index
      %swap3A_189 = tpu.vector_load %arg8[%swap3A_187, %swap3A_188] {strides = array<i32>} : memref<1x128xi32, #tpu.memory_space<vmem>>, vector<1x16xi32>,
      %swap3A_190 = vector.shape_cast %swap3A_189 : vector<1x16xi32> to vector<16xi32>
      %swap3A_191 = vector.shape_cast %shift_right_logical3A_185 : vector<16xi32> to vector<1x16xi32>
      tpu.vector_store %arg8[%swap3A_187, %swap3A_188], %swap3A_191 {strides = array<i32>} : memref<1x128xi32, #tpu.memory_space<vmem>>, vector<1x16xi32>,
      %get3A_192 = arith.index_cast %while3A_157 : i32 to index
      %get3A_193 = arith.constant 32 : index
      %get3A_194 = tpu.vector_load %arg6[%get3A_192, %get3A_193] {strides = array<i32>} : memref<160x128xi32, #tpu.memory_space<vmem>>, vector<1x16xi32>,
      %get3A_195 = vector.shape_cast %get3A_194 : vector<1x16xi32> to vector<16xi32>
      %and3A_196 = arith.andi %get3A_195, %broadcast_in_dim3A_143 : vector<16xi32>
      %swap3A_197 = arith.constant 32 : index
      %swap3A_198 = tpu.vector_load %arg7[%swap3A_197] {strides = array<i32>} : memref<128xi32, #tpu.memory_space<vmem>>, vector<16xi32>,
      %swap3A_199 = vector.shape_cast %swap3A_198 : vector<16xi32> to vector<16xi32>
      %swap3A_200 = vector.shape_cast %and3A_196 : vector<16xi32> to vector<16xi32>
      tpu.vector_store %arg7[%swap3A_197], %swap3A_200 {strides = array<i32>} : memref<128xi32, #tpu.memory_space<vmem>>, vector<16xi32>,
      %shift_right_logical3A_201 = arith.constant 14 : i32
      %shift_right_logical3A_202 = vector.broadcast %shift_right_logical3A_201 : i32 to vector<16xi32>
      %shift_right_logical3A_203 = arith.shrui %get3A_195, %shift_right_logical3A_202 : vector<16xi32>
      %swap3A_204 = arith.constant 0 : i32
      %swap3A_205 = arith.index_cast %swap3A_204 : i32 to index
      %swap3A_206 = arith.constant 32 : index
      %swap3A_207 = tpu.vector_load %arg8[%swap3A_205, %swap3A_206] {strides = array<i32>} : memref<1x128xi32, #tpu.memory_space<vmem>>, vector<1x16xi32>,
      %swap3A_208 = vector.shape_cast %swap3A_207 : vector<1x16xi32> to vector<16xi32>
      %swap3A_209 = vector.shape_cast %shift_right_logical3A_203 : vector<16xi32> to vector<1x16xi32>
      tpu.vector_store %arg8[%swap3A_205, %swap3A_206], %swap3A_209 {strides = array<i32>} : memref<1x128xi32, #tpu.memory_space<vmem>>, vector<1x16xi32>,
      %get3A_210 = arith.index_cast %while3A_157 : i32 to index
      %get3A_211 = arith.constant 48 : index
      %get3A_212 = tpu.vector_load %arg6[%get3A_210, %get3A_211] {strides = array<i32>} : memref<160x128xi32, #tpu.memory_space<vmem>>, vector<1x16xi32>,
      %get3A_213 = vector.shape_cast %get3A_212 : vector<1x16xi32> to vector<16xi32>
      %and3A_214 = arith.andi %get3A_213, %broadcast_in_dim3A_143 : vector<16xi32>
      %swap3A_215 = arith.constant 48 : index
      %swap3A_216 = tpu.vector_load %arg7[%swap3A_215] {strides = array<i32>} : memref<128xi32, #tpu.memory_space<vmem>>, vector<16xi32>,
      %swap3A_217 = vector.shape_cast %swap3A_216 : vector<16xi32> to vector<16xi32>
      %swap3A_218 = vector.shape_cast %and3A_214 : vector<16xi32> to vector<16xi32>
      tpu.vector_store %arg7[%swap3A_215], %swap3A_218 {strides = array<i32>} : memref<128xi32, #tpu.memory_space<vmem>>, vector<16xi32>,
      %shift_right_logical3A_219 = arith.constant 14 : i32
      %shift_right_logical3A_220 = vector.broadcast %shift_right_logical3A_219 : i32 to vector<16xi32>
      %shift_right_logical3A_221 = arith.shrui %get3A_213, %shift_right_logical3A_220 : vector<16xi32>
      %swap3A_222 = arith.constant 0 : i32
      %swap3A_223 = arith.index_cast %swap3A_222 : i32 to index
      %swap3A_224 = arith.constant 48 : index
      %swap3A_225 = tpu.vector_load %arg8[%swap3A_223, %swap3A_224] {strides = array<i32>} : memref<1x128xi32, #tpu.memory_space<vmem>>, vector<1x16xi32>,
      %swap3A_226 = vector.shape_cast %swap3A_225 : vector<1x16xi32> to vector<16xi32>
      %swap3A_227 = vector.shape_cast %shift_right_logical3A_221 : vector<16xi32> to vector<1x16xi32>
      tpu.vector_store %arg8[%swap3A_223, %swap3A_224], %swap3A_227 {strides = array<i32>} : memref<1x128xi32, #tpu.memory_space<vmem>>, vector<1x16xi32>,
      %get3A_228 = arith.index_cast %while3A_157 : i32 to index
      %get3A_229 = arith.constant 64 : index
      %get3A_230 = tpu.vector_load %arg6[%get3A_228, %get3A_229] {strides = array<i32>} : memref<160x128xi32, #tpu.memory_space<vmem>>, vector<1x16xi32>,
      %get3A_231 = vector.shape_cast %get3A_230 : vector<1x16xi32> to vector<16xi32>
      %and3A_232 = arith.andi %get3A_231, %broadcast_in_dim3A_143 : vector<16xi32>
      %swap3A_233 = arith.constant 64 : index
      %swap3A_234 = tpu.vector_load %arg7[%swap3A_233] {strides = array<i32>} : memref<128xi32, #tpu.memory_space<vmem>>, vector<16xi32>,
      %swap3A_235 = vector.shape_cast %swap3A_234 : vector<16xi32> to vector<16xi32>
      %swap3A_236 = vector.shape_cast %and3A_232 : vector<16xi32> to vector<16xi32>
      tpu.vector_store %arg7[%swap3A_233], %swap3A_236 {strides = array<i32>} : memref<128xi32, #tpu.memory_space<vmem>>, vector<16xi32>,
      %shift_right_logical3A_237 = arith.constant 14 : i32
      %shift_right_logical3A_238 = vector.broadcast %shift_right_logical3A_237 : i32 to vector<16xi32>
      %shift_right_logical3A_239 = arith.shrui %get3A_231, %shift_right_logical3A_238 : vector<16xi32>
      %swap3A_240 = arith.constant 0 : i32
      %swap3A_241 = arith.index_cast %swap3A_240 : i32 to index
      %swap3A_242 = arith.constant 64 : index
      %swap3A_243 = tpu.vector_load %arg8[%swap3A_241, %swap3A_242] {strides = array<i32>} : memref<1x128xi32, #tpu.memory_space<vmem>>, vector<1x16xi32>,
      %swap3A_244 = vector.shape_cast %swap3A_243 : vector<1x16xi32> to vector<16xi32>
      %swap3A_245 = vector.shape_cast %shift_right_logical3A_239 : vector<16xi32> to vector<1x16xi32>
      tpu.vector_store %arg8[%swap3A_241, %swap3A_242], %swap3A_245 {strides = array<i32>} : memref<1x128xi32, #tpu.memory_space<vmem>>, vector<1x16xi32>,
      %get3A_246 = arith.index_cast %while3A_157 : i32 to index
      %get3A_247 = arith.constant 80 : index
      %get3A_248 = tpu.vector_load %arg6[%get3A_246, %get3A_247] {strides = array<i32>} : memref<160x128xi32, #tpu.memory_space<vmem>>, vector<1x16xi32>,
      %get3A_249 = vector.shape_cast %get3A_248 : vector<1x16xi32> to vector<16xi32>
      %and3A_250 = arith.andi %get3A_249, %broadcast_in_dim3A_143 : vector<16xi32>
      %swap3A_251 = arith.constant 80 : index
      %swap3A_252 = tpu.vector_load %arg7[%swap3A_251] {strides = array<i32>} : memref<128xi32, #tpu.memory_space<vmem>>, vector<16xi32>,
      %swap3A_253 = vector.shape_cast %swap3A_252 : vector<16xi32> to vector<16xi32>
      %swap3A_254 = vector.shape_cast %and3A_250 : vector<16xi32> to vector<16xi32>
      tpu.vector_store %arg7[%swap3A_251], %swap3A_254 {strides = array<i32>} : memref<128xi32, #tpu.memory_space<vmem>>, vector<16xi32>,
      %shift_right_logical3A_255 = arith.constant 14 : i32
      %shift_right_logical3A_256 = vector.broadcast %shift_right_logical3A_255 : i32 to vector<16xi32>
      %shift_right_logical3A_257 = arith.shrui %get3A_249, %shift_right_logical3A_256 : vector<16xi32>
      %swap3A_258 = arith.constant 0 : i32
      %swap3A_259 = arith.index_cast %swap3A_258 : i32 to index
      %swap3A_260 = arith.constant 80 : index
      %swap3A_261 = tpu.vector_load %arg8[%swap3A_259, %swap3A_260] {strides = array<i32>} : memref<1x128xi32, #tpu.memory_space<vmem>>, vector<1x16xi32>,
      %swap3A_262 = vector.shape_cast %swap3A_261 : vector<1x16xi32> to vector<16xi32>
      %swap3A_263 = vector.shape_cast %shift_right_logical3A_257 : vector<16xi32> to vector<1x16xi32>
      tpu.vector_store %arg8[%swap3A_259, %swap3A_260], %swap3A_263 {strides = array<i32>} : memref<1x128xi32, #tpu.memory_space<vmem>>, vector<1x16xi32>,
      %get3A_264 = arith.index_cast %while3A_157 : i32 to index
      %get3A_265 = arith.constant 96 : index
      %get3A_266 = tpu.vector_load %arg6[%get3A_264, %get3A_265] {strides = array<i32>} : memref<160x128xi32, #tpu.memory_space<vmem>>, vector<1x16xi32>,
      %get3A_267 = vector.shape_cast %get3A_266 : vector<1x16xi32> to vector<16xi32>
      %and3A_268 = arith.andi %get3A_267, %broadcast_in_dim3A_143 : vector<16xi32>
      %swap3A_269 = arith.constant 96 : index
      %swap3A_270 = tpu.vector_load %arg7[%swap3A_269] {strides = array<i32>} : memref<128xi32, #tpu.memory_space<vmem>>, vector<16xi32>,
      %swap3A_271 = vector.shape_cast %swap3A_270 : vector<16xi32> to vector<16xi32>
      %swap3A_272 = vector.shape_cast %and3A_268 : vector<16xi32> to vector<16xi32>
      tpu.vector_store %arg7[%swap3A_269], %swap3A_272 {strides = array<i32>} : memref<128xi32, #tpu.memory_space<vmem>>, vector<16xi32>,
      %shift_right_logical3A_273 = arith.constant 14 : i32
      %shift_right_logical3A_274 = vector.broadcast %shift_right_logical3A_273 : i32 to vector<16xi32>
      %shift_right_logical3A_275 = arith.shrui %get3A_267, %shift_right_logical3A_274 : vector<16xi32>
      %swap3A_276 = arith.constant 0 : i32
      %swap3A_277 = arith.index_cast %swap3A_276 : i32 to index
      %swap3A_278 = arith.constant 96 : index
      %swap3A_279 = tpu.vector_load %arg8[%swap3A_277, %swap3A_278] {strides = array<i32>} : memref<1x128xi32, #tpu.memory_space<vmem>>, vector<1x16xi32>,
      %swap3A_280 = vector.shape_cast %swap3A_279 : vector<1x16xi32> to vector<16xi32>
      %swap3A_281 = vector.shape_cast %shift_right_logical3A_275 : vector<16xi32> to vector<1x16xi32>
      tpu.vector_store %arg8[%swap3A_277, %swap3A_278], %swap3A_281 {strides = array<i32>} : memref<1x128xi32, #tpu.memory_space<vmem>>, vector<1x16xi32>,
      %get3A_282 = arith.index_cast %while3A_157 : i32 to index
      %get3A_283 = arith.constant 112 : index
      %get3A_284 = tpu.vector_load %arg6[%get3A_282, %get3A_283] {strides = array<i32>} : memref<160x128xi32, #tpu.memory_space<vmem>>, vector<1x16xi32>,
      %get3A_285 = vector.shape_cast %get3A_284 : vector<1x16xi32> to vector<16xi32>
      %and3A_286 = arith.andi %get3A_285, %broadcast_in_dim3A_143 : vector<16xi32>
      %swap3A_287 = arith.constant 112 : index
      %swap3A_288 = tpu.vector_load %arg7[%swap3A_287] {strides = array<i32>} : memref<128xi32, #tpu.memory_space<vmem>>, vector<16xi32>,
      %swap3A_289 = vector.shape_cast %swap3A_288 : vector<16xi32> to vector<16xi32>
      %swap3A_290 = vector.shape_cast %and3A_286 : vector<16xi32> to vector<16xi32>
      tpu.vector_store %arg7[%swap3A_287], %swap3A_290 {strides = array<i32>} : memref<128xi32, #tpu.memory_space<vmem>>, vector<16xi32>,
      %shift_right_logical3A_291 = arith.constant 14 : i32
      %shift_right_logical3A_292 = vector.broadcast %shift_right_logical3A_291 : i32 to vector<16xi32>
      %shift_right_logical3A_293 = arith.shrui %get3A_285, %shift_right_logical3A_292 : vector<16xi32>
      %swap3A_294 = arith.constant 0 : i32
      %swap3A_295 = arith.index_cast %swap3A_294 : i32 to index
      %swap3A_296 = arith.constant 112 : index
      %swap3A_297 = tpu.vector_load %arg8[%swap3A_295, %swap3A_296] {strides = array<i32>} : memref<1x128xi32, #tpu.memory_space<vmem>>, vector<1x16xi32>,
      %swap3A_298 = vector.shape_cast %swap3A_297 : vector<1x16xi32> to vector<16xi32>
      %swap3A_299 = vector.shape_cast %shift_right_logical3A_293 : vector<16xi32> to vector<1x16xi32>
      tpu.vector_store %arg8[%swap3A_295, %swap3A_296], %swap3A_299 {strides = array<i32>} : memref<1x128xi32, #tpu.memory_space<vmem>>, vector<1x16xi32>,
      %dma_start3A_300 = arith.constant 0 : i32
      %dma_start3A_301 = arith.constant 0 : i32
      %dma_start3A_302 = tpu.memref_slice %arg2[%dma_start3A_300, %dma_start3A_301] : memref<10000x128xf32, #tpu.memory_space<hbm>> -> memref<10000x128xf32, #tpu.memory_space<hbm>>
      tpu.enqueue_indirect_dma source(%dma_start3A_302 : memref<10000x128xf32, #tpu.memory_space<hbm>>) target(%arg11 : memref<128x128xf32, #tpu.memory_space<vmem>>) offsets(%arg7 : memref<128xi32, #tpu.memory_space<vmem>>) semaphore(%arg16 : memref<!tpu.dma_semaphore, #tpu.memory_space<semaphore_mem>>)
      %dma_wait3A_303 = arith.constant 0 : i32
      %dma_wait3A_304 = arith.constant 0 : i32
      %dma_wait3A_305 = tpu.memref_slice %arg2[%dma_wait3A_303, %dma_wait3A_304] : memref<10000x128xf32, #tpu.memory_space<hbm>> -> memref<10000x128xf32, #tpu.memory_space<hbm>>
      tpu.wait_indirect_dma semaphore(%arg16 : memref<!tpu.dma_semaphore, #tpu.memory_space<semaphore_mem>>) src(%dma_wait3A_305 : memref<10000x128xf32, #tpu.memory_space<hbm>>) dst(%arg11 : memref<128x128xf32, #tpu.memory_space<vmem>>)
      %run_scoped3A = arith.constant 0 : i32
      "tpu.region"() ({
        %run_scoped3A_306 = tpu.sem_alloc : memref<!tpu.dma_semaphore, #tpu.memory_space<semaphore_mem>>
        %dma_start3A_307 = arith.constant 0 : i32
        %dma_start3A_308 = tpu.memref_slice %arg8[%run_scoped3A, %dma_start3A_307] : memref<1x128xi32, #tpu.memory_space<vmem>> -> memref<1x128xi32, #tpu.memory_space<vmem>>
        %dma_start3A_309 = tpu.memref_squeeze %dma_start3A_308 : memref<1x128xi32, #tpu.memory_space<vmem>> -> memref<128xi32, #tpu.memory_space<vmem>>
        %dma_start3A_310 = arith.constant 0 : i32
        %dma_start3A_311 = arith.constant 0 : i32
        %dma_start3A_312 = tpu.memref_slice %arg15[%dma_start3A_310, %dma_start3A_311] : memref<5120x128xf32, #tpu.memory_space<vmem_shared>> -> memref<5120x128xf32, #tpu.memory_space<vmem_shared>>
        tpu.enqueue_indirect_dma source(%arg11 : memref<128x128xf32, #tpu.memory_space<vmem>>) target(%dma_start3A_312 : memref<5120x128xf32, #tpu.memory_space<vmem_shared>>) offsets(%dma_start3A_309 : memref<128xi32, #tpu.memory_space<vmem>>) semaphore(%run_scoped3A_306 : memref<!tpu.dma_semaphore, #tpu.memory_space<semaphore_mem>>) {add = true}
        %dma_wait3A_313 = arith.constant 0 : i32
        %dma_wait3A_314 = tpu.memref_slice %arg8[%run_scoped3A, %dma_wait3A_313] : memref<1x128xi32, #tpu.memory_space<vmem>> -> memref<1x128xi32, #tpu.memory_space<vmem>>
        %dma_wait3A_315 = tpu.memref_squeeze %dma_wait3A_314 : memref<1x128xi32, #tpu.memory_space<vmem>> -> memref<128xi32, #tpu.memory_space<vmem>>
        %dma_wait3A_316 = arith.constant 0 : i32
        %dma_wait3A_317 = arith.constant 0 : i32
        %dma_wait3A_318 = tpu.memref_slice %arg15[%dma_wait3A_316, %dma_wait3A_317] : memref<5120x128xf32, #tpu.memory_space<vmem_shared>> -> memref<5120x128xf32, #tpu.memory_space<vmem_shared>>
        tpu.wait_indirect_dma semaphore(%run_scoped3A_306 : memref<!tpu.dma_semaphore, #tpu.memory_space<semaphore_mem>>) src(%arg11 : memref<128x128xf32, #tpu.memory_space<vmem>>) dst(%dma_wait3A_318 : memref<5120x128xf32, #tpu.memory_space<vmem_shared>>)
        tpu.yield
      }) : () -> ()
    }
    %barrier3A_153 = arith.constant 0 : index
    tpu.barrier barrier_id(%barrier3A_153)
    %mul3A_154 = arith.constant 5120 : i32
    %mul3A_155 = arith.muli %arg0, %mul3A_154 : i32
    %add3A_156 = arith.addi %mul3A_155, %mul3A_2 : i32
    "tpu.region"() ({
      %run_scoped3A = tpu.sem_alloc : memref<!tpu.dma_semaphore, #tpu.memory_space<semaphore_mem>>
      %dma_start3A_157 = arith.constant 0 : i32
      %dma_start3A_158 = tpu.memref_slice %arg15[%mul3A_2, %dma_start3A_157] : memref<5120x128xf32, #tpu.memory_space<vmem_shared>> -> memref<320x128xf32, #tpu.memory_space<vmem_shared>>
      %dma_start3A_159 = arith.constant 0 : i32
      %dma_start3A_160 = tpu.memref_slice %arg15[%mul3A_2, %dma_start3A_159] : memref<5120x128xf32, #tpu.memory_space<vmem_shared>> -> memref<320x128xf32, #tpu.memory_space<vmem_shared>>
      tpu.enqueue_dma source(%dma_start3A_160 : memref<320x128xf32, #tpu.memory_space<vmem_shared>>) target(%arg13 : memref<320x128xf32, #tpu.memory_space<vmem>>) target_semaphore(%run_scoped3A : memref<!tpu.dma_semaphore, #tpu.memory_space<semaphore_mem>>)
      %dma_wait3A_161 = arith.constant 0 : i32
      %dma_wait3A_162 = tpu.memref_slice %arg15[%mul3A_2, %dma_wait3A_161] : memref<5120x128xf32, #tpu.memory_space<vmem_shared>> -> memref<320x128xf32, #tpu.memory_space<vmem_shared>>
      %dma_wait3A_163 = arith.constant 0 : i32
      %dma_wait3A_164 = tpu.memref_slice %arg15[%mul3A_2, %dma_wait3A_163] : memref<5120x128xf32, #tpu.memory_space<vmem_shared>> -> memref<320x128xf32, #tpu.memory_space<vmem_shared>>
      tpu.wait_dma2 semaphore(%run_scoped3A : memref<!tpu.dma_semaphore, #tpu.memory_space<semaphore_mem>>) src(%dma_wait3A_164 : memref<320x128xf32, #tpu.memory_space<vmem_shared>>) dst(%arg13 : memref<320x128xf32, #tpu.memory_space<vmem>>)
      tpu.yield
    }) : () -> ()
    "tpu.region"() ({
      %run_scoped3A = tpu.sem_alloc : memref<!tpu.dma_semaphore, #tpu.memory_space<semaphore_mem>>
      %dma_start3A_157 = arith.constant 0 : i32
      %dma_start3A_158 = tpu.memref_slice %arg5[%add3A_156, %dma_start3A_157] : memref<10240x128xf32, #tpu.memory_space<hbm>> -> memref<320x128xf32, #tpu.memory_space<hbm>>
      %dma_start3A_159 = arith.constant 0 : i32
      %dma_start3A_160 = tpu.memref_slice %arg5[%add3A_156, %dma_start3A_159] : memref<10240x128xf32, #tpu.memory_space<hbm>> -> memref<320x128xf32, #tpu.memory_space<hbm>>
      tpu.enqueue_dma source(%arg13 : memref<320x128xf32, #tpu.memory_space<vmem>>) target(%dma_start3A_160 : memref<320x128xf32, #tpu.memory_space<hbm>>) target_semaphore(%run_scoped3A : memref<!tpu.dma_semaphore, #tpu.memory_space<semaphore_mem>>)
      %dma_wait3A_161 = arith.constant 0 : i32
      %dma_wait3A_162 = tpu.memref_slice %arg5[%add3A_156, %dma_wait3A_161] : memref<10240x128xf32, #tpu.memory_space<hbm>> -> memref<320x128xf32, #tpu.memory_space<hbm>>
      %dma_wait3A_163 = arith.constant 0 : i32
      %dma_wait3A_164 = tpu.memref_slice %arg5[%add3A_156, %dma_wait3A_163] : memref<10240x128xf32, #tpu.memory_space<hbm>> -> memref<320x128xf32, #tpu.memory_space<hbm>>
      tpu.wait_dma2 semaphore(%run_scoped3A : memref<!tpu.dma_semaphore, #tpu.memory_space<semaphore_mem>>) src(%arg13 : memref<320x128xf32, #tpu.memory_space<vmem>>) dst(%dma_wait3A_164 : memref<320x128xf32, #tpu.memory_space<hbm>>)
      tpu.yield
    }) : () -> ()
    return
  }
}

#map = affine_map<(d0, d1) -> (0)>
#map1 = affine_map<(d0, d1) -> (0, 0)>
module attributes {stable_mosaic.version = 14 : i64} {
  func.func @body(%arg0: i32, %arg1: i32, %arg2: memref<320000xi32, #tpu.memory_space<hbm>>, %arg3: memref<320000xi32, #tpu.memory_space<hbm>>, %arg4: memref<5120x128xi32, #tpu.memory_space<hbm>>, %arg5: memref<512xi32, #tpu.memory_space<hbm>>, %arg6: memref<1x128xi32, #tpu.memory_space<vmem>>, %arg7: memref<1x128xi32, #tpu.memory_space<vmem>>, %arg8: memref<160x128xi32, #tpu.memory_space<vmem>>, %arg9: memref<16xi32, #tpu.memory_space<vmem>>) attributes {dimension_semantics = [#tpu.dimension_semantics<core_parallel>, #tpu.dimension_semantics<subcore_parallel>], iteration_bounds = array<i64: 2, 16>, scalar_prefetch = 0 : i64, scratch_operands = 4 : i64, tpu.core_type = #tpu.core_type<sc_vector_subcore>, window_params = [{transform_indices = #map}, {transform_indices = #map}, {transform_indices = #map1}, {transform_indices = #map}]} {
    %mul3A = arith.constant 16 : i32
    %mul3A_0 = arith.muli %arg0, %mul3A : i32
    %add3A = arith.addi %mul3A_0, %arg1 : i32
    %mul3A_1 = arith.constant 5000 : i32
    %mul3A_2 = arith.muli %arg0, %mul3A_1 : i32
    %iota3A = tpu.iota {dimensions = array<i32: 0>} : vector<16xi32>
    %sub3A = arith.constant 2500 : i32
    %sub3A_3 = arith.subi %sub3A, %arg1 : i32
    %add3A_4 = arith.constant 16 : i32
    %add3A_5 = arith.addi %sub3A_3, %add3A_4 : i32
    %sub3A_6 = arith.constant 1 : i32
    %sub3A_7 = arith.subi %add3A_5, %sub3A_6 : i32
    %jit3A = arith.constant 16 : i32
    %div3A = arith.divsi %sub3A_7, %jit3A : i32
    %sign3A = arith.constant 0 : i32
    %sign3A_8 = arith.cmpi sgt, %sub3A_7, %sign3A : i32
    %sign3A_9 = arith.extui %sign3A_8 : i1 to i32
    %sign3A_10 = arith.constant 0 : i32
    %sign3A_11 = arith.cmpi slt, %sub3A_7, %sign3A_10 : i32
    %sign3A_12 = arith.extui %sign3A_11 : i1 to i32
    %sign3A_13 = arith.subi %sign3A_9, %sign3A_12 : i32
    %sign3A_14 = arith.constant 0 : i32
    %sign3A_15 = arith.cmpi sgt, %jit3A, %sign3A_14 : i32
    %sign3A_16 = arith.extui %sign3A_15 : i1 to i32
    %sign3A_17 = arith.constant 0 : i32
    %sign3A_18 = arith.cmpi slt, %jit3A, %sign3A_17 : i32
    %sign3A_19 = arith.extui %sign3A_18 : i1 to i32
    %sign3A_20 = arith.subi %sign3A_16, %sign3A_19 : i32
    %ne3A = arith.cmpi ne, %sign3A_13, %sign3A_20 : i32
    %rem3A = arith.remsi %sub3A_7, %jit3A : i32
    %ne3A_21 = arith.constant 0 : i32
    %ne3A_22 = arith.cmpi ne, %rem3A, %ne3A_21 : i32
    %and3A = arith.andi %ne3A, %ne3A_22 : i1
    %sub3A_23 = arith.constant 1 : i32
    %sub3A_24 = arith.subi %div3A, %sub3A_23 : i32
    %select_n3A = arith.select %and3A, %sub3A_24, %div3A : i32
    %while3A = arith.constant 0 : i32
    %while3A_25 = arith.constant 0 : i32
    %while3A_26 = arith.subi %select_n3A, %while3A : i32
    %while3A_27 = arith.addi %while3A, %while3A_26 : i32
    %while3A_28 = arith.constant 1 : i32
    %while3A_29 = arith.divsi %while3A_26, %while3A_28 : i32
    %while3A_30 = arith.muli %while3A_29, %while3A_28 : i32
    %while3A_31 = arith.addi %while3A, %while3A_30 : i32
    %while3A_32 = arith.constant 1 : i32
    %while3A_33 = scf.for %while3A_151 = %while3A to %while3A_31 step %while3A_32 iter_args(%while3A_152 = %while3A_25) -> (i32)  : i32 {
      %mul3A_153 = arith.constant 16 : i32
      %mul3A_154 = arith.muli %while3A_151, %mul3A_153 : i32
      %add3A_155 = arith.addi %arg1, %mul3A_154 : i32
      %mul3A_156 = arith.constant 128 : i32
      %mul3A_157 = arith.muli %add3A_155, %mul3A_156 : i32
      %run_scoped3A = arith.constant 0 : i32
      "tpu.region"() ({
        %run_scoped3A_496 = tpu.sem_alloc : memref<!tpu.dma_semaphore, #tpu.memory_space<semaphore_mem>>
        %dma_start3A = arith.constant 0 : i32
        %dma_start3A_497 = tpu.memref_slice %arg6[%run_scoped3A, %dma_start3A] : memref<1x128xi32, #tpu.memory_space<vmem>> -> memref<1x128xi32, #tpu.memory_space<vmem>>
        %dma_start3A_498 = tpu.memref_squeeze %dma_start3A_497 : memref<1x128xi32, #tpu.memory_space<vmem>> -> memref<128xi32, #tpu.memory_space<vmem>>
        %dma_start3A_499 = tpu.memref_slice %arg2[%mul3A_157] : memref<320000xi32, #tpu.memory_space<hbm>> -> memref<128xi32, #tpu.memory_space<hbm>>
        %dma_start3A_500 = arith.constant 0 : i32
        %dma_start3A_501 = tpu.memref_slice %arg6[%run_scoped3A, %dma_start3A_500] : memref<1x128xi32, #tpu.memory_space<vmem>> -> memref<1x128xi32, #tpu.memory_space<vmem>>
        %dma_start3A_502 = tpu.memref_squeeze %dma_start3A_501 : memref<1x128xi32, #tpu.memory_space<vmem>> -> memref<128xi32, #tpu.memory_space<vmem>>
        %dma_start3A_503 = tpu.memref_slice %arg2[%mul3A_157] : memref<320000xi32, #tpu.memory_space<hbm>> -> memref<128xi32, #tpu.memory_space<hbm>>
        tpu.enqueue_dma source(%dma_start3A_503 : memref<128xi32, #tpu.memory_space<hbm>>) target(%dma_start3A_502 : memref<128xi32, #tpu.memory_space<vmem>>) target_semaphore(%run_scoped3A_496 : memref<!tpu.dma_semaphore, #tpu.memory_space<semaphore_mem>>)
        %dma_wait3A = arith.constant 0 : i32
        %dma_wait3A_504 = tpu.memref_slice %arg6[%run_scoped3A, %dma_wait3A] : memref<1x128xi32, #tpu.memory_space<vmem>> -> memref<1x128xi32, #tpu.memory_space<vmem>>
        %dma_wait3A_505 = tpu.memref_squeeze %dma_wait3A_504 : memref<1x128xi32, #tpu.memory_space<vmem>> -> memref<128xi32, #tpu.memory_space<vmem>>
        %dma_wait3A_506 = tpu.memref_slice %arg2[%mul3A_157] : memref<320000xi32, #tpu.memory_space<hbm>> -> memref<128xi32, #tpu.memory_space<hbm>>
        %dma_wait3A_507 = arith.constant 0 : i32
        %dma_wait3A_508 = tpu.memref_slice %arg6[%run_scoped3A, %dma_wait3A_507] : memref<1x128xi32, #tpu.memory_space<vmem>> -> memref<1x128xi32, #tpu.memory_space<vmem>>
        %dma_wait3A_509 = tpu.memref_squeeze %dma_wait3A_508 : memref<1x128xi32, #tpu.memory_space<vmem>> -> memref<128xi32, #tpu.memory_space<vmem>>
        %dma_wait3A_510 = tpu.memref_slice %arg2[%mul3A_157] : memref<320000xi32, #tpu.memory_space<hbm>> -> memref<128xi32, #tpu.memory_space<hbm>>
        tpu.wait_dma2 semaphore(%run_scoped3A_496 : memref<!tpu.dma_semaphore, #tpu.memory_space<semaphore_mem>>) src(%dma_wait3A_510 : memref<128xi32, #tpu.memory_space<hbm>>) dst(%dma_wait3A_509 : memref<128xi32, #tpu.memory_space<vmem>>)
        tpu.yield
      }) : () -> ()
      %run_scoped3A_158 = arith.constant 0 : i32
      "tpu.region"() ({
        %run_scoped3A_496 = tpu.sem_alloc : memref<!tpu.dma_semaphore, #tpu.memory_space<semaphore_mem>>
        %dma_start3A = arith.constant 0 : i32
        %dma_start3A_497 = tpu.memref_slice %arg7[%run_scoped3A_158, %dma_start3A] : memref<1x128xi32, #tpu.memory_space<vmem>> -> memref<1x128xi32, #tpu.memory_space<vmem>>
        %dma_start3A_498 = tpu.memref_squeeze %dma_start3A_497 : memref<1x128xi32, #tpu.memory_space<vmem>> -> memref<128xi32, #tpu.memory_space<vmem>>
        %dma_start3A_499 = tpu.memref_slice %arg3[%mul3A_157] : memref<320000xi32, #tpu.memory_space<hbm>> -> memref<128xi32, #tpu.memory_space<hbm>>
        %dma_start3A_500 = arith.constant 0 : i32
        %dma_start3A_501 = tpu.memref_slice %arg7[%run_scoped3A_158, %dma_start3A_500] : memref<1x128xi32, #tpu.memory_space<vmem>> -> memref<1x128xi32, #tpu.memory_space<vmem>>
        %dma_start3A_502 = tpu.memref_squeeze %dma_start3A_501 : memref<1x128xi32, #tpu.memory_space<vmem>> -> memref<128xi32, #tpu.memory_space<vmem>>
        %dma_start3A_503 = tpu.memref_slice %arg3[%mul3A_157] : memref<320000xi32, #tpu.memory_space<hbm>> -> memref<128xi32, #tpu.memory_space<hbm>>
        tpu.enqueue_dma source(%dma_start3A_503 : memref<128xi32, #tpu.memory_space<hbm>>) target(%dma_start3A_502 : memref<128xi32, #tpu.memory_space<vmem>>) target_semaphore(%run_scoped3A_496 : memref<!tpu.dma_semaphore, #tpu.memory_space<semaphore_mem>>)
        %dma_wait3A = arith.constant 0 : i32
        %dma_wait3A_504 = tpu.memref_slice %arg7[%run_scoped3A_158, %dma_wait3A] : memref<1x128xi32, #tpu.memory_space<vmem>> -> memref<1x128xi32, #tpu.memory_space<vmem>>
        %dma_wait3A_505 = tpu.memref_squeeze %dma_wait3A_504 : memref<1x128xi32, #tpu.memory_space<vmem>> -> memref<128xi32, #tpu.memory_space<vmem>>
        %dma_wait3A_506 = tpu.memref_slice %arg3[%mul3A_157] : memref<320000xi32, #tpu.memory_space<hbm>> -> memref<128xi32, #tpu.memory_space<hbm>>
        %dma_wait3A_507 = arith.constant 0 : i32
        %dma_wait3A_508 = tpu.memref_slice %arg7[%run_scoped3A_158, %dma_wait3A_507] : memref<1x128xi32, #tpu.memory_space<vmem>> -> memref<1x128xi32, #tpu.memory_space<vmem>>
        %dma_wait3A_509 = tpu.memref_squeeze %dma_wait3A_508 : memref<1x128xi32, #tpu.memory_space<vmem>> -> memref<128xi32, #tpu.memory_space<vmem>>
        %dma_wait3A_510 = tpu.memref_slice %arg3[%mul3A_157] : memref<320000xi32, #tpu.memory_space<hbm>> -> memref<128xi32, #tpu.memory_space<hbm>>
        tpu.wait_dma2 semaphore(%run_scoped3A_496 : memref<!tpu.dma_semaphore, #tpu.memory_space<semaphore_mem>>) src(%dma_wait3A_510 : memref<128xi32, #tpu.memory_space<hbm>>) dst(%dma_wait3A_509 : memref<128xi32, #tpu.memory_space<vmem>>)
        tpu.yield
      }) : () -> ()
      %get3A = arith.constant 0 : i32
      %get3A_159 = arith.index_cast %get3A : i32 to index
      %get3A_160 = arith.constant 0 : index
      %get3A_161 = tpu.vector_load %arg6[%get3A_159, %get3A_160] {strides = array<i32>} : memref<1x128xi32, #tpu.memory_space<vmem>>, vector<16xi32>,
      %get3A_162 = arith.constant 0 : i32
      %get3A_163 = arith.index_cast %get3A_162 : i32 to index
      %get3A_164 = arith.constant 0 : index
      %get3A_165 = tpu.vector_load %arg7[%get3A_163, %get3A_164] {strides = array<i32>} : memref<1x128xi32, #tpu.memory_space<vmem>>, vector<16xi32>,
      %ge3A = vector.broadcast %mul3A_2 : i32 to vector<16xi32>
      %ge3A_166 = arith.cmpi sge, %get3A_165, %ge3A : vector<16xi32>
      %add3A_167 = arith.constant 5000 : i32
      %add3A_168 = arith.addi %mul3A_2, %add3A_167 : i32
      %lt3A_169 = vector.broadcast %add3A_168 : i32 to vector<16xi32>
      %lt3A_170 = arith.cmpi slt, %get3A_165, %lt3A_169 : vector<16xi32>
      %and3A_171 = arith.andi %ge3A_166, %lt3A_170 : vector<16xi1>
      %convert_element_type3A = arith.extui %and3A_171 : vector<16xi1> to vector<16xi32>
      %broadcast_in_dim3A_172 = arith.constant true
      %broadcast_in_dim3A_173 = vector.broadcast %broadcast_in_dim3A_172 : i1 to vector<16xi1>
      %masked_cumsum3A = tpu.scan <sum>, %convert_element_type3A masked %broadcast_in_dim3A_173 : vector<16xi32>, vector<16xi1> -> vector<16xi32>
      %add3A_174 = vector.broadcast %while3A_152 : i32 to vector<16xi32>
      %add3A_175 = arith.addi %add3A_174, %masked_cumsum3A : vector<16xi32>
      %sub3A_176 = arith.subi %add3A_175, %convert_element_type3A : vector<16xi32>
      %sub3A_177 = vector.broadcast %mul3A_2 : i32 to vector<16xi32>
      %sub3A_178 = arith.subi %get3A_165, %sub3A_177 : vector<16xi32>
      %shift_left3A = arith.constant 14 : i32
      %shift_left3A_179 = vector.broadcast %shift_left3A : i32 to vector<16xi32>
      %shift_left3A_180 = arith.shli %sub3A_178, %shift_left3A_179 : vector<16xi32>
      %or3A = arith.ori %get3A_161, %shift_left3A_180 : vector<16xi32>
      %shift_right_logical3A_181 = arith.constant 7 : i32
      %shift_right_logical3A_182 = vector.broadcast %shift_right_logical3A_181 : i32 to vector<16xi32>
      %shift_right_logical3A_183 = arith.shrui %sub3A_176, %shift_right_logical3A_182 : vector<16xi32>
      %and3A_184 = arith.constant 127 : i32
      %and3A_185 = vector.broadcast %and3A_184 : i32 to vector<16xi32>
      %and3A_186 = arith.andi %sub3A_176, %and3A_185 : vector<16xi32>
      tpu.vector_store_idx %arg8[%shift_right_logical3A_183, %and3A_186], %or3A masked %and3A_171 : memref<160x128xi32, #tpu.memory_space<vmem>>[vector<16xi32>, vector<16xi32>], vector<16xi32>, vector<16xi1>
      %reduce_max3A = arith.constant true
      %reduce_max3A_187 = vector.broadcast %reduce_max3A : i1 to vector<16xi1>
      %reduce_max3A_188 = arith.constant -2147483648 : i32
      %reduce_max3A_189 = vector.broadcast %reduce_max3A_188 : i32 to vector<16xi32>
      %reduce_max3A_190 = arith.xori %masked_cumsum3A, %reduce_max3A_189 : vector<16xi32>
      %reduce_max3A_191 = tpu.scan <max>, %reduce_max3A_190 masked %reduce_max3A_187 : vector<16xi32>, vector<16xi1> -> vector<16xi32>
      %reduce_max3A_192 = arith.xori %reduce_max3A_191, %reduce_max3A_189 : vector<16xi32>
      %reduce_max3A_193 = vector.extract %reduce_max3A_192[15] : i32 from vector<16xi32>
      %add3A_194 = arith.addi %while3A_152, %reduce_max3A_193 : i32
      %get3A_195 = arith.constant 0 : i32
      %get3A_196 = arith.index_cast %get3A_195 : i32 to index
      %get3A_197 = arith.constant 16 : index
      %get3A_198 = tpu.vector_load %arg6[%get3A_196, %get3A_197] {strides = array<i32>} : memref<1x128xi32, #tpu.memory_space<vmem>>, vector<16xi32>,
      %get3A_199 = arith.constant 0 : i32
      %get3A_200 = arith.index_cast %get3A_199 : i32 to index
      %get3A_201 = arith.constant 16 : index
      %get3A_202 = tpu.vector_load %arg7[%get3A_200, %get3A_201] {strides = array<i32>} : memref<1x128xi32, #tpu.memory_space<vmem>>, vector<16xi32>,
      %ge3A_203 = vector.broadcast %mul3A_2 : i32 to vector<16xi32>
      %ge3A_204 = arith.cmpi sge, %get3A_202, %ge3A_203 : vector<16xi32>
      %add3A_205 = arith.constant 5000 : i32
      %add3A_206 = arith.addi %mul3A_2, %add3A_205 : i32
      %lt3A_207 = vector.broadcast %add3A_206 : i32 to vector<16xi32>
      %lt3A_208 = arith.cmpi slt, %get3A_202, %lt3A_207 : vector<16xi32>
      %and3A_209 = arith.andi %ge3A_204, %lt3A_208 : vector<16xi1>
      %convert_element_type3A_210 = arith.extui %and3A_209 : vector<16xi1> to vector<16xi32>
      %broadcast_in_dim3A_211 = arith.constant true
      %broadcast_in_dim3A_212 = vector.broadcast %broadcast_in_dim3A_211 : i1 to vector<16xi1>
      %masked_cumsum3A_213 = tpu.scan <sum>, %convert_element_type3A_210 masked %broadcast_in_dim3A_212 : vector<16xi32>, vector<16xi1> -> vector<16xi32>
      %add3A_214 = vector.broadcast %add3A_194 : i32 to vector<16xi32>
      %add3A_215 = arith.addi %add3A_214, %masked_cumsum3A_213 : vector<16xi32>
      %sub3A_216 = arith.subi %add3A_215, %convert_element_type3A_210 : vector<16xi32>
      %sub3A_217 = vector.broadcast %mul3A_2 : i32 to vector<16xi32>
      %sub3A_218 = arith.subi %get3A_202, %sub3A_217 : vector<16xi32>
      %shift_left3A_219 = arith.constant 14 : i32
      %shift_left3A_220 = vector.broadcast %shift_left3A_219 : i32 to vector<16xi32>
      %shift_left3A_221 = arith.shli %sub3A_218, %shift_left3A_220 : vector<16xi32>
      %or3A_222 = arith.ori %get3A_198, %shift_left3A_221 : vector<16xi32>
      %shift_right_logical3A_223 = arith.constant 7 : i32
      %shift_right_logical3A_224 = vector.broadcast %shift_right_logical3A_223 : i32 to vector<16xi32>
      %shift_right_logical3A_225 = arith.shrui %sub3A_216, %shift_right_logical3A_224 : vector<16xi32>
      %and3A_226 = arith.constant 127 : i32
      %and3A_227 = vector.broadcast %and3A_226 : i32 to vector<16xi32>
      %and3A_228 = arith.andi %sub3A_216, %and3A_227 : vector<16xi32>
      tpu.vector_store_idx %arg8[%shift_right_logical3A_225, %and3A_228], %or3A_222 masked %and3A_209 : memref<160x128xi32, #tpu.memory_space<vmem>>[vector<16xi32>, vector<16xi32>], vector<16xi32>, vector<16xi1>
      %reduce_max3A_229 = arith.constant true
      %reduce_max3A_230 = vector.broadcast %reduce_max3A_229 : i1 to vector<16xi1>
      %reduce_max3A_231 = arith.constant -2147483648 : i32
      %reduce_max3A_232 = vector.broadcast %reduce_max3A_231 : i32 to vector<16xi32>
      %reduce_max3A_233 = arith.xori %masked_cumsum3A_213, %reduce_max3A_232 : vector<16xi32>
      %reduce_max3A_234 = tpu.scan <max>, %reduce_max3A_233 masked %reduce_max3A_230 : vector<16xi32>, vector<16xi1> -> vector<16xi32>
      %reduce_max3A_235 = arith.xori %reduce_max3A_234, %reduce_max3A_232 : vector<16xi32>
      %reduce_max3A_236 = vector.extract %reduce_max3A_235[15] : i32 from vector<16xi32>
      %add3A_237 = arith.addi %add3A_194, %reduce_max3A_236 : i32
      %get3A_238 = arith.constant 0 : i32
      %get3A_239 = arith.index_cast %get3A_238 : i32 to index
      %get3A_240 = arith.constant 32 : index
      %get3A_241 = tpu.vector_load %arg6[%get3A_239, %get3A_240] {strides = array<i32>} : memref<1x128xi32, #tpu.memory_space<vmem>>, vector<16xi32>,
      %get3A_242 = arith.constant 0 : i32
      %get3A_243 = arith.index_cast %get3A_242 : i32 to index
      %get3A_244 = arith.constant 32 : index
      %get3A_245 = tpu.vector_load %arg7[%get3A_243, %get3A_244] {strides = array<i32>} : memref<1x128xi32, #tpu.memory_space<vmem>>, vector<16xi32>,
      %ge3A_246 = vector.broadcast %mul3A_2 : i32 to vector<16xi32>
      %ge3A_247 = arith.cmpi sge, %get3A_245, %ge3A_246 : vector<16xi32>
      %add3A_248 = arith.constant 5000 : i32
      %add3A_249 = arith.addi %mul3A_2, %add3A_248 : i32
      %lt3A_250 = vector.broadcast %add3A_249 : i32 to vector<16xi32>
      %lt3A_251 = arith.cmpi slt, %get3A_245, %lt3A_250 : vector<16xi32>
      %and3A_252 = arith.andi %ge3A_247, %lt3A_251 : vector<16xi1>
      %convert_element_type3A_253 = arith.extui %and3A_252 : vector<16xi1> to vector<16xi32>
      %broadcast_in_dim3A_254 = arith.constant true
      %broadcast_in_dim3A_255 = vector.broadcast %broadcast_in_dim3A_254 : i1 to vector<16xi1>
      %masked_cumsum3A_256 = tpu.scan <sum>, %convert_element_type3A_253 masked %broadcast_in_dim3A_255 : vector<16xi32>, vector<16xi1> -> vector<16xi32>
      %add3A_257 = vector.broadcast %add3A_237 : i32 to vector<16xi32>
      %add3A_258 = arith.addi %add3A_257, %masked_cumsum3A_256 : vector<16xi32>
      %sub3A_259 = arith.subi %add3A_258, %convert_element_type3A_253 : vector<16xi32>
      %sub3A_260 = vector.broadcast %mul3A_2 : i32 to vector<16xi32>
      %sub3A_261 = arith.subi %get3A_245, %sub3A_260 : vector<16xi32>
      %shift_left3A_262 = arith.constant 14 : i32
      %shift_left3A_263 = vector.broadcast %shift_left3A_262 : i32 to vector<16xi32>
      %shift_left3A_264 = arith.shli %sub3A_261, %shift_left3A_263 : vector<16xi32>
      %or3A_265 = arith.ori %get3A_241, %shift_left3A_264 : vector<16xi32>
      %shift_right_logical3A_266 = arith.constant 7 : i32
      %shift_right_logical3A_267 = vector.broadcast %shift_right_logical3A_266 : i32 to vector<16xi32>
      %shift_right_logical3A_268 = arith.shrui %sub3A_259, %shift_right_logical3A_267 : vector<16xi32>
      %and3A_269 = arith.constant 127 : i32
      %and3A_270 = vector.broadcast %and3A_269 : i32 to vector<16xi32>
      %and3A_271 = arith.andi %sub3A_259, %and3A_270 : vector<16xi32>
      tpu.vector_store_idx %arg8[%shift_right_logical3A_268, %and3A_271], %or3A_265 masked %and3A_252 : memref<160x128xi32, #tpu.memory_space<vmem>>[vector<16xi32>, vector<16xi32>], vector<16xi32>, vector<16xi1>
      %reduce_max3A_272 = arith.constant true
      %reduce_max3A_273 = vector.broadcast %reduce_max3A_272 : i1 to vector<16xi1>
      %reduce_max3A_274 = arith.constant -2147483648 : i32
      %reduce_max3A_275 = vector.broadcast %reduce_max3A_274 : i32 to vector<16xi32>
      %reduce_max3A_276 = arith.xori %masked_cumsum3A_256, %reduce_max3A_275 : vector<16xi32>
      %reduce_max3A_277 = tpu.scan <max>, %reduce_max3A_276 masked %reduce_max3A_273 : vector<16xi32>, vector<16xi1> -> vector<16xi32>
      %reduce_max3A_278 = arith.xori %reduce_max3A_277, %reduce_max3A_275 : vector<16xi32>
      %reduce_max3A_279 = vector.extract %reduce_max3A_278[15] : i32 from vector<16xi32>
      %add3A_280 = arith.addi %add3A_237, %reduce_max3A_279 : i32
      %get3A_281 = arith.constant 0 : i32
      %get3A_282 = arith.index_cast %get3A_281 : i32 to index
      %get3A_283 = arith.constant 48 : index
      %get3A_284 = tpu.vector_load %arg6[%get3A_282, %get3A_283] {strides = array<i32>} : memref<1x128xi32, #tpu.memory_space<vmem>>, vector<16xi32>,
      %get3A_285 = arith.constant 0 : i32
      %get3A_286 = arith.index_cast %get3A_285 : i32 to index
      %get3A_287 = arith.constant 48 : index
      %get3A_288 = tpu.vector_load %arg7[%get3A_286, %get3A_287] {strides = array<i32>} : memref<1x128xi32, #tpu.memory_space<vmem>>, vector<16xi32>,
      %ge3A_289 = vector.broadcast %mul3A_2 : i32 to vector<16xi32>
      %ge3A_290 = arith.cmpi sge, %get3A_288, %ge3A_289 : vector<16xi32>
      %add3A_291 = arith.constant 5000 : i32
      %add3A_292 = arith.addi %mul3A_2, %add3A_291 : i32
      %lt3A_293 = vector.broadcast %add3A_292 : i32 to vector<16xi32>
      %lt3A_294 = arith.cmpi slt, %get3A_288, %lt3A_293 : vector<16xi32>
      %and3A_295 = arith.andi %ge3A_290, %lt3A_294 : vector<16xi1>
      %convert_element_type3A_296 = arith.extui %and3A_295 : vector<16xi1> to vector<16xi32>
      %broadcast_in_dim3A_297 = arith.constant true
      %broadcast_in_dim3A_298 = vector.broadcast %broadcast_in_dim3A_297 : i1 to vector<16xi1>
      %masked_cumsum3A_299 = tpu.scan <sum>, %convert_element_type3A_296 masked %broadcast_in_dim3A_298 : vector<16xi32>, vector<16xi1> -> vector<16xi32>
      %add3A_300 = vector.broadcast %add3A_280 : i32 to vector<16xi32>
      %add3A_301 = arith.addi %add3A_300, %masked_cumsum3A_299 : vector<16xi32>
      %sub3A_302 = arith.subi %add3A_301, %convert_element_type3A_296 : vector<16xi32>
      %sub3A_303 = vector.broadcast %mul3A_2 : i32 to vector<16xi32>
      %sub3A_304 = arith.subi %get3A_288, %sub3A_303 : vector<16xi32>
      %shift_left3A_305 = arith.constant 14 : i32
      %shift_left3A_306 = vector.broadcast %shift_left3A_305 : i32 to vector<16xi32>
      %shift_left3A_307 = arith.shli %sub3A_304, %shift_left3A_306 : vector<16xi32>
      %or3A_308 = arith.ori %get3A_284, %shift_left3A_307 : vector<16xi32>
      %shift_right_logical3A_309 = arith.constant 7 : i32
      %shift_right_logical3A_310 = vector.broadcast %shift_right_logical3A_309 : i32 to vector<16xi32>
      %shift_right_logical3A_311 = arith.shrui %sub3A_302, %shift_right_logical3A_310 : vector<16xi32>
      %and3A_312 = arith.constant 127 : i32
      %and3A_313 = vector.broadcast %and3A_312 : i32 to vector<16xi32>
      %and3A_314 = arith.andi %sub3A_302, %and3A_313 : vector<16xi32>
      tpu.vector_store_idx %arg8[%shift_right_logical3A_311, %and3A_314], %or3A_308 masked %and3A_295 : memref<160x128xi32, #tpu.memory_space<vmem>>[vector<16xi32>, vector<16xi32>], vector<16xi32>, vector<16xi1>
      %reduce_max3A_315 = arith.constant true
      %reduce_max3A_316 = vector.broadcast %reduce_max3A_315 : i1 to vector<16xi1>
      %reduce_max3A_317 = arith.constant -2147483648 : i32
      %reduce_max3A_318 = vector.broadcast %reduce_max3A_317 : i32 to vector<16xi32>
      %reduce_max3A_319 = arith.xori %masked_cumsum3A_299, %reduce_max3A_318 : vector<16xi32>
      %reduce_max3A_320 = tpu.scan <max>, %reduce_max3A_319 masked %reduce_max3A_316 : vector<16xi32>, vector<16xi1> -> vector<16xi32>
      %reduce_max3A_321 = arith.xori %reduce_max3A_320, %reduce_max3A_318 : vector<16xi32>
      %reduce_max3A_322 = vector.extract %reduce_max3A_321[15] : i32 from vector<16xi32>
      %add3A_323 = arith.addi %add3A_280, %reduce_max3A_322 : i32
      %get3A_324 = arith.constant 0 : i32
      %get3A_325 = arith.index_cast %get3A_324 : i32 to index
      %get3A_326 = arith.constant 64 : index
      %get3A_327 = tpu.vector_load %arg6[%get3A_325, %get3A_326] {strides = array<i32>} : memref<1x128xi32, #tpu.memory_space<vmem>>, vector<16xi32>,
      %get3A_328 = arith.constant 0 : i32
      %get3A_329 = arith.index_cast %get3A_328 : i32 to index
      %get3A_330 = arith.constant 64 : index
      %get3A_331 = tpu.vector_load %arg7[%get3A_329, %get3A_330] {strides = array<i32>} : memref<1x128xi32, #tpu.memory_space<vmem>>, vector<16xi32>,
      %ge3A_332 = vector.broadcast %mul3A_2 : i32 to vector<16xi32>
      %ge3A_333 = arith.cmpi sge, %get3A_331, %ge3A_332 : vector<16xi32>
      %add3A_334 = arith.constant 5000 : i32
      %add3A_335 = arith.addi %mul3A_2, %add3A_334 : i32
      %lt3A_336 = vector.broadcast %add3A_335 : i32 to vector<16xi32>
      %lt3A_337 = arith.cmpi slt, %get3A_331, %lt3A_336 : vector<16xi32>
      %and3A_338 = arith.andi %ge3A_333, %lt3A_337 : vector<16xi1>
      %convert_element_type3A_339 = arith.extui %and3A_338 : vector<16xi1> to vector<16xi32>
      %broadcast_in_dim3A_340 = arith.constant true
      %broadcast_in_dim3A_341 = vector.broadcast %broadcast_in_dim3A_340 : i1 to vector<16xi1>
      %masked_cumsum3A_342 = tpu.scan <sum>, %convert_element_type3A_339 masked %broadcast_in_dim3A_341 : vector<16xi32>, vector<16xi1> -> vector<16xi32>
      %add3A_343 = vector.broadcast %add3A_323 : i32 to vector<16xi32>
      %add3A_344 = arith.addi %add3A_343, %masked_cumsum3A_342 : vector<16xi32>
      %sub3A_345 = arith.subi %add3A_344, %convert_element_type3A_339 : vector<16xi32>
      %sub3A_346 = vector.broadcast %mul3A_2 : i32 to vector<16xi32>
      %sub3A_347 = arith.subi %get3A_331, %sub3A_346 : vector<16xi32>
      %shift_left3A_348 = arith.constant 14 : i32
      %shift_left3A_349 = vector.broadcast %shift_left3A_348 : i32 to vector<16xi32>
      %shift_left3A_350 = arith.shli %sub3A_347, %shift_left3A_349 : vector<16xi32>
      %or3A_351 = arith.ori %get3A_327, %shift_left3A_350 : vector<16xi32>
      %shift_right_logical3A_352 = arith.constant 7 : i32
      %shift_right_logical3A_353 = vector.broadcast %shift_right_logical3A_352 : i32 to vector<16xi32>
      %shift_right_logical3A_354 = arith.shrui %sub3A_345, %shift_right_logical3A_353 : vector<16xi32>
      %and3A_355 = arith.constant 127 : i32
      %and3A_356 = vector.broadcast %and3A_355 : i32 to vector<16xi32>
      %and3A_357 = arith.andi %sub3A_345, %and3A_356 : vector<16xi32>
      tpu.vector_store_idx %arg8[%shift_right_logical3A_354, %and3A_357], %or3A_351 masked %and3A_338 : memref<160x128xi32, #tpu.memory_space<vmem>>[vector<16xi32>, vector<16xi32>], vector<16xi32>, vector<16xi1>
      %reduce_max3A_358 = arith.constant true
      %reduce_max3A_359 = vector.broadcast %reduce_max3A_358 : i1 to vector<16xi1>
      %reduce_max3A_360 = arith.constant -2147483648 : i32
      %reduce_max3A_361 = vector.broadcast %reduce_max3A_360 : i32 to vector<16xi32>
      %reduce_max3A_362 = arith.xori %masked_cumsum3A_342, %reduce_max3A_361 : vector<16xi32>
      %reduce_max3A_363 = tpu.scan <max>, %reduce_max3A_362 masked %reduce_max3A_359 : vector<16xi32>, vector<16xi1> -> vector<16xi32>
      %reduce_max3A_364 = arith.xori %reduce_max3A_363, %reduce_max3A_361 : vector<16xi32>
      %reduce_max3A_365 = vector.extract %reduce_max3A_364[15] : i32 from vector<16xi32>
      %add3A_366 = arith.addi %add3A_323, %reduce_max3A_365 : i32
      %get3A_367 = arith.constant 0 : i32
      %get3A_368 = arith.index_cast %get3A_367 : i32 to index
      %get3A_369 = arith.constant 80 : index
      %get3A_370 = tpu.vector_load %arg6[%get3A_368, %get3A_369] {strides = array<i32>} : memref<1x128xi32, #tpu.memory_space<vmem>>, vector<16xi32>,
      %get3A_371 = arith.constant 0 : i32
      %get3A_372 = arith.index_cast %get3A_371 : i32 to index
      %get3A_373 = arith.constant 80 : index
      %get3A_374 = tpu.vector_load %arg7[%get3A_372, %get3A_373] {strides = array<i32>} : memref<1x128xi32, #tpu.memory_space<vmem>>, vector<16xi32>,
      %ge3A_375 = vector.broadcast %mul3A_2 : i32 to vector<16xi32>
      %ge3A_376 = arith.cmpi sge, %get3A_374, %ge3A_375 : vector<16xi32>
      %add3A_377 = arith.constant 5000 : i32
      %add3A_378 = arith.addi %mul3A_2, %add3A_377 : i32
      %lt3A_379 = vector.broadcast %add3A_378 : i32 to vector<16xi32>
      %lt3A_380 = arith.cmpi slt, %get3A_374, %lt3A_379 : vector<16xi32>
      %and3A_381 = arith.andi %ge3A_376, %lt3A_380 : vector<16xi1>
      %convert_element_type3A_382 = arith.extui %and3A_381 : vector<16xi1> to vector<16xi32>
      %broadcast_in_dim3A_383 = arith.constant true
      %broadcast_in_dim3A_384 = vector.broadcast %broadcast_in_dim3A_383 : i1 to vector<16xi1>
      %masked_cumsum3A_385 = tpu.scan <sum>, %convert_element_type3A_382 masked %broadcast_in_dim3A_384 : vector<16xi32>, vector<16xi1> -> vector<16xi32>
      %add3A_386 = vector.broadcast %add3A_366 : i32 to vector<16xi32>
      %add3A_387 = arith.addi %add3A_386, %masked_cumsum3A_385 : vector<16xi32>
      %sub3A_388 = arith.subi %add3A_387, %convert_element_type3A_382 : vector<16xi32>
      %sub3A_389 = vector.broadcast %mul3A_2 : i32 to vector<16xi32>
      %sub3A_390 = arith.subi %get3A_374, %sub3A_389 : vector<16xi32>
      %shift_left3A_391 = arith.constant 14 : i32
      %shift_left3A_392 = vector.broadcast %shift_left3A_391 : i32 to vector<16xi32>
      %shift_left3A_393 = arith.shli %sub3A_390, %shift_left3A_392 : vector<16xi32>
      %or3A_394 = arith.ori %get3A_370, %shift_left3A_393 : vector<16xi32>
      %shift_right_logical3A_395 = arith.constant 7 : i32
      %shift_right_logical3A_396 = vector.broadcast %shift_right_logical3A_395 : i32 to vector<16xi32>
      %shift_right_logical3A_397 = arith.shrui %sub3A_388, %shift_right_logical3A_396 : vector<16xi32>
      %and3A_398 = arith.constant 127 : i32
      %and3A_399 = vector.broadcast %and3A_398 : i32 to vector<16xi32>
      %and3A_400 = arith.andi %sub3A_388, %and3A_399 : vector<16xi32>
      tpu.vector_store_idx %arg8[%shift_right_logical3A_397, %and3A_400], %or3A_394 masked %and3A_381 : memref<160x128xi32, #tpu.memory_space<vmem>>[vector<16xi32>, vector<16xi32>], vector<16xi32>, vector<16xi1>
      %reduce_max3A_401 = arith.constant true
      %reduce_max3A_402 = vector.broadcast %reduce_max3A_401 : i1 to vector<16xi1>
      %reduce_max3A_403 = arith.constant -2147483648 : i32
      %reduce_max3A_404 = vector.broadcast %reduce_max3A_403 : i32 to vector<16xi32>
      %reduce_max3A_405 = arith.xori %masked_cumsum3A_385, %reduce_max3A_404 : vector<16xi32>
      %reduce_max3A_406 = tpu.scan <max>, %reduce_max3A_405 masked %reduce_max3A_402 : vector<16xi32>, vector<16xi1> -> vector<16xi32>
      %reduce_max3A_407 = arith.xori %reduce_max3A_406, %reduce_max3A_404 : vector<16xi32>
      %reduce_max3A_408 = vector.extract %reduce_max3A_407[15] : i32 from vector<16xi32>
      %add3A_409 = arith.addi %add3A_366, %reduce_max3A_408 : i32
      %get3A_410 = arith.constant 0 : i32
      %get3A_411 = arith.index_cast %get3A_410 : i32 to index
      %get3A_412 = arith.constant 96 : index
      %get3A_413 = tpu.vector_load %arg6[%get3A_411, %get3A_412] {strides = array<i32>} : memref<1x128xi32, #tpu.memory_space<vmem>>, vector<16xi32>,
      %get3A_414 = arith.constant 0 : i32
      %get3A_415 = arith.index_cast %get3A_414 : i32 to index
      %get3A_416 = arith.constant 96 : index
      %get3A_417 = tpu.vector_load %arg7[%get3A_415, %get3A_416] {strides = array<i32>} : memref<1x128xi32, #tpu.memory_space<vmem>>, vector<16xi32>,
      %ge3A_418 = vector.broadcast %mul3A_2 : i32 to vector<16xi32>
      %ge3A_419 = arith.cmpi sge, %get3A_417, %ge3A_418 : vector<16xi32>
      %add3A_420 = arith.constant 5000 : i32
      %add3A_421 = arith.addi %mul3A_2, %add3A_420 : i32
      %lt3A_422 = vector.broadcast %add3A_421 : i32 to vector<16xi32>
      %lt3A_423 = arith.cmpi slt, %get3A_417, %lt3A_422 : vector<16xi32>
      %and3A_424 = arith.andi %ge3A_419, %lt3A_423 : vector<16xi1>
      %convert_element_type3A_425 = arith.extui %and3A_424 : vector<16xi1> to vector<16xi32>
      %broadcast_in_dim3A_426 = arith.constant true
      %broadcast_in_dim3A_427 = vector.broadcast %broadcast_in_dim3A_426 : i1 to vector<16xi1>
      %masked_cumsum3A_428 = tpu.scan <sum>, %convert_element_type3A_425 masked %broadcast_in_dim3A_427 : vector<16xi32>, vector<16xi1> -> vector<16xi32>
      %add3A_429 = vector.broadcast %add3A_409 : i32 to vector<16xi32>
      %add3A_430 = arith.addi %add3A_429, %masked_cumsum3A_428 : vector<16xi32>
      %sub3A_431 = arith.subi %add3A_430, %convert_element_type3A_425 : vector<16xi32>
      %sub3A_432 = vector.broadcast %mul3A_2 : i32 to vector<16xi32>
      %sub3A_433 = arith.subi %get3A_417, %sub3A_432 : vector<16xi32>
      %shift_left3A_434 = arith.constant 14 : i32
      %shift_left3A_435 = vector.broadcast %shift_left3A_434 : i32 to vector<16xi32>
      %shift_left3A_436 = arith.shli %sub3A_433, %shift_left3A_435 : vector<16xi32>
      %or3A_437 = arith.ori %get3A_413, %shift_left3A_436 : vector<16xi32>
      %shift_right_logical3A_438 = arith.constant 7 : i32
      %shift_right_logical3A_439 = vector.broadcast %shift_right_logical3A_438 : i32 to vector<16xi32>
      %shift_right_logical3A_440 = arith.shrui %sub3A_431, %shift_right_logical3A_439 : vector<16xi32>
      %and3A_441 = arith.constant 127 : i32
      %and3A_442 = vector.broadcast %and3A_441 : i32 to vector<16xi32>
      %and3A_443 = arith.andi %sub3A_431, %and3A_442 : vector<16xi32>
      tpu.vector_store_idx %arg8[%shift_right_logical3A_440, %and3A_443], %or3A_437 masked %and3A_424 : memref<160x128xi32, #tpu.memory_space<vmem>>[vector<16xi32>, vector<16xi32>], vector<16xi32>, vector<16xi1>
      %reduce_max3A_444 = arith.constant true
      %reduce_max3A_445 = vector.broadcast %reduce_max3A_444 : i1 to vector<16xi1>
      %reduce_max3A_446 = arith.constant -2147483648 : i32
      %reduce_max3A_447 = vector.broadcast %reduce_max3A_446 : i32 to vector<16xi32>
      %reduce_max3A_448 = arith.xori %masked_cumsum3A_428, %reduce_max3A_447 : vector<16xi32>
      %reduce_max3A_449 = tpu.scan <max>, %reduce_max3A_448 masked %reduce_max3A_445 : vector<16xi32>, vector<16xi1> -> vector<16xi32>
      %reduce_max3A_450 = arith.xori %reduce_max3A_449, %reduce_max3A_447 : vector<16xi32>
      %reduce_max3A_451 = vector.extract %reduce_max3A_450[15] : i32 from vector<16xi32>
      %add3A_452 = arith.addi %add3A_409, %reduce_max3A_451 : i32
      %get3A_453 = arith.constant 0 : i32
      %get3A_454 = arith.index_cast %get3A_453 : i32 to index
      %get3A_455 = arith.constant 112 : index
      %get3A_456 = tpu.vector_load %arg6[%get3A_454, %get3A_455] {strides = array<i32>} : memref<1x128xi32, #tpu.memory_space<vmem>>, vector<16xi32>,
      %get3A_457 = arith.constant 0 : i32
      %get3A_458 = arith.index_cast %get3A_457 : i32 to index
      %get3A_459 = arith.constant 112 : index
      %get3A_460 = tpu.vector_load %arg7[%get3A_458, %get3A_459] {strides = array<i32>} : memref<1x128xi32, #tpu.memory_space<vmem>>, vector<16xi32>,
      %ge3A_461 = vector.broadcast %mul3A_2 : i32 to vector<16xi32>
      %ge3A_462 = arith.cmpi sge, %get3A_460, %ge3A_461 : vector<16xi32>
      %add3A_463 = arith.constant 5000 : i32
      %add3A_464 = arith.addi %mul3A_2, %add3A_463 : i32
      %lt3A_465 = vector.broadcast %add3A_464 : i32 to vector<16xi32>
      %lt3A_466 = arith.cmpi slt, %get3A_460, %lt3A_465 : vector<16xi32>
      %and3A_467 = arith.andi %ge3A_462, %lt3A_466 : vector<16xi1>
      %convert_element_type3A_468 = arith.extui %and3A_467 : vector<16xi1> to vector<16xi32>
      %broadcast_in_dim3A_469 = arith.constant true
      %broadcast_in_dim3A_470 = vector.broadcast %broadcast_in_dim3A_469 : i1 to vector<16xi1>
      %masked_cumsum3A_471 = tpu.scan <sum>, %convert_element_type3A_468 masked %broadcast_in_dim3A_470 : vector<16xi32>, vector<16xi1> -> vector<16xi32>
      %add3A_472 = vector.broadcast %add3A_452 : i32 to vector<16xi32>
      %add3A_473 = arith.addi %add3A_472, %masked_cumsum3A_471 : vector<16xi32>
      %sub3A_474 = arith.subi %add3A_473, %convert_element_type3A_468 : vector<16xi32>
      %sub3A_475 = vector.broadcast %mul3A_2 : i32 to vector<16xi32>
      %sub3A_476 = arith.subi %get3A_460, %sub3A_475 : vector<16xi32>
      %shift_left3A_477 = arith.constant 14 : i32
      %shift_left3A_478 = vector.broadcast %shift_left3A_477 : i32 to vector<16xi32>
      %shift_left3A_479 = arith.shli %sub3A_476, %shift_left3A_478 : vector<16xi32>
      %or3A_480 = arith.ori %get3A_456, %shift_left3A_479 : vector<16xi32>
      %shift_right_logical3A_481 = arith.constant 7 : i32
      %shift_right_logical3A_482 = vector.broadcast %shift_right_logical3A_481 : i32 to vector<16xi32>
      %shift_right_logical3A_483 = arith.shrui %sub3A_474, %shift_right_logical3A_482 : vector<16xi32>
      %and3A_484 = arith.constant 127 : i32
      %and3A_485 = vector.broadcast %and3A_484 : i32 to vector<16xi32>
      %and3A_486 = arith.andi %sub3A_474, %and3A_485 : vector<16xi32>
      tpu.vector_store_idx %arg8[%shift_right_logical3A_483, %and3A_486], %or3A_480 masked %and3A_467 : memref<160x128xi32, #tpu.memory_space<vmem>>[vector<16xi32>, vector<16xi32>], vector<16xi32>, vector<16xi1>
      %reduce_max3A_487 = arith.constant true
      %reduce_max3A_488 = vector.broadcast %reduce_max3A_487 : i1 to vector<16xi1>
      %reduce_max3A_489 = arith.constant -2147483648 : i32
      %reduce_max3A_490 = vector.broadcast %reduce_max3A_489 : i32 to vector<16xi32>
      %reduce_max3A_491 = arith.xori %masked_cumsum3A_471, %reduce_max3A_490 : vector<16xi32>
      %reduce_max3A_492 = tpu.scan <max>, %reduce_max3A_491 masked %reduce_max3A_488 : vector<16xi32>, vector<16xi1> -> vector<16xi32>
      %reduce_max3A_493 = arith.xori %reduce_max3A_492, %reduce_max3A_490 : vector<16xi32>
      %reduce_max3A_494 = vector.extract %reduce_max3A_493[15] : i32 from vector<16xi32>
      %add3A_495 = arith.addi %add3A_452, %reduce_max3A_494 : i32
      scf.yield %add3A_495 : i32
    }
    %while3A_34 = arith.constant 1 : i32
    %while3A_35 = scf.for %while3A_151 = %while3A_31 to %while3A_27 step %while3A_34 iter_args(%while3A_152 = %while3A_33) -> (i32)  : i32 {
      %mul3A_153 = arith.constant 16 : i32
      %mul3A_154 = arith.muli %while3A_151, %mul3A_153 : i32
      %add3A_155 = arith.addi %arg1, %mul3A_154 : i32
      %mul3A_156 = arith.constant 128 : i32
      %mul3A_157 = arith.muli %add3A_155, %mul3A_156 : i32
      %run_scoped3A = arith.constant 0 : i32
      "tpu.region"() ({
        %run_scoped3A_496 = tpu.sem_alloc : memref<!tpu.dma_semaphore, #tpu.memory_space<semaphore_mem>>
        %dma_start3A = arith.constant 0 : i32
        %dma_start3A_497 = tpu.memref_slice %arg6[%run_scoped3A, %dma_start3A] : memref<1x128xi32, #tpu.memory_space<vmem>> -> memref<1x128xi32, #tpu.memory_space<vmem>>
        %dma_start3A_498 = tpu.memref_squeeze %dma_start3A_497 : memref<1x128xi32, #tpu.memory_space<vmem>> -> memref<128xi32, #tpu.memory_space<vmem>>
        %dma_start3A_499 = tpu.memref_slice %arg2[%mul3A_157] : memref<320000xi32, #tpu.memory_space<hbm>> -> memref<128xi32, #tpu.memory_space<hbm>>
        %dma_start3A_500 = arith.constant 0 : i32
        %dma_start3A_501 = tpu.memref_slice %arg6[%run_scoped3A, %dma_start3A_500] : memref<1x128xi32, #tpu.memory_space<vmem>> -> memref<1x128xi32, #tpu.memory_space<vmem>>
        %dma_start3A_502 = tpu.memref_squeeze %dma_start3A_501 : memref<1x128xi32, #tpu.memory_space<vmem>> -> memref<128xi32, #tpu.memory_space<vmem>>
        %dma_start3A_503 = tpu.memref_slice %arg2[%mul3A_157] : memref<320000xi32, #tpu.memory_space<hbm>> -> memref<128xi32, #tpu.memory_space<hbm>>
        tpu.enqueue_dma source(%dma_start3A_503 : memref<128xi32, #tpu.memory_space<hbm>>) target(%dma_start3A_502 : memref<128xi32, #tpu.memory_space<vmem>>) target_semaphore(%run_scoped3A_496 : memref<!tpu.dma_semaphore, #tpu.memory_space<semaphore_mem>>)
        %dma_wait3A = arith.constant 0 : i32
        %dma_wait3A_504 = tpu.memref_slice %arg6[%run_scoped3A, %dma_wait3A] : memref<1x128xi32, #tpu.memory_space<vmem>> -> memref<1x128xi32, #tpu.memory_space<vmem>>
        %dma_wait3A_505 = tpu.memref_squeeze %dma_wait3A_504 : memref<1x128xi32, #tpu.memory_space<vmem>> -> memref<128xi32, #tpu.memory_space<vmem>>
        %dma_wait3A_506 = tpu.memref_slice %arg2[%mul3A_157] : memref<320000xi32, #tpu.memory_space<hbm>> -> memref<128xi32, #tpu.memory_space<hbm>>
        %dma_wait3A_507 = arith.constant 0 : i32
        %dma_wait3A_508 = tpu.memref_slice %arg6[%run_scoped3A, %dma_wait3A_507] : memref<1x128xi32, #tpu.memory_space<vmem>> -> memref<1x128xi32, #tpu.memory_space<vmem>>
        %dma_wait3A_509 = tpu.memref_squeeze %dma_wait3A_508 : memref<1x128xi32, #tpu.memory_space<vmem>> -> memref<128xi32, #tpu.memory_space<vmem>>
        %dma_wait3A_510 = tpu.memref_slice %arg2[%mul3A_157] : memref<320000xi32, #tpu.memory_space<hbm>> -> memref<128xi32, #tpu.memory_space<hbm>>
        tpu.wait_dma2 semaphore(%run_scoped3A_496 : memref<!tpu.dma_semaphore, #tpu.memory_space<semaphore_mem>>) src(%dma_wait3A_510 : memref<128xi32, #tpu.memory_space<hbm>>) dst(%dma_wait3A_509 : memref<128xi32, #tpu.memory_space<vmem>>)
        tpu.yield
      }) : () -> ()
      %run_scoped3A_158 = arith.constant 0 : i32
      "tpu.region"() ({
        %run_scoped3A_496 = tpu.sem_alloc : memref<!tpu.dma_semaphore, #tpu.memory_space<semaphore_mem>>
        %dma_start3A = arith.constant 0 : i32
        %dma_start3A_497 = tpu.memref_slice %arg7[%run_scoped3A_158, %dma_start3A] : memref<1x128xi32, #tpu.memory_space<vmem>> -> memref<1x128xi32, #tpu.memory_space<vmem>>
        %dma_start3A_498 = tpu.memref_squeeze %dma_start3A_497 : memref<1x128xi32, #tpu.memory_space<vmem>> -> memref<128xi32, #tpu.memory_space<vmem>>
        %dma_start3A_499 = tpu.memref_slice %arg3[%mul3A_157] : memref<320000xi32, #tpu.memory_space<hbm>> -> memref<128xi32, #tpu.memory_space<hbm>>
        %dma_start3A_500 = arith.constant 0 : i32
        %dma_start3A_501 = tpu.memref_slice %arg7[%run_scoped3A_158, %dma_start3A_500] : memref<1x128xi32, #tpu.memory_space<vmem>> -> memref<1x128xi32, #tpu.memory_space<vmem>>
        %dma_start3A_502 = tpu.memref_squeeze %dma_start3A_501 : memref<1x128xi32, #tpu.memory_space<vmem>> -> memref<128xi32, #tpu.memory_space<vmem>>
        %dma_start3A_503 = tpu.memref_slice %arg3[%mul3A_157] : memref<320000xi32, #tpu.memory_space<hbm>> -> memref<128xi32, #tpu.memory_space<hbm>>
        tpu.enqueue_dma source(%dma_start3A_503 : memref<128xi32, #tpu.memory_space<hbm>>) target(%dma_start3A_502 : memref<128xi32, #tpu.memory_space<vmem>>) target_semaphore(%run_scoped3A_496 : memref<!tpu.dma_semaphore, #tpu.memory_space<semaphore_mem>>)
        %dma_wait3A = arith.constant 0 : i32
        %dma_wait3A_504 = tpu.memref_slice %arg7[%run_scoped3A_158, %dma_wait3A] : memref<1x128xi32, #tpu.memory_space<vmem>> -> memref<1x128xi32, #tpu.memory_space<vmem>>
        %dma_wait3A_505 = tpu.memref_squeeze %dma_wait3A_504 : memref<1x128xi32, #tpu.memory_space<vmem>> -> memref<128xi32, #tpu.memory_space<vmem>>
        %dma_wait3A_506 = tpu.memref_slice %arg3[%mul3A_157] : memref<320000xi32, #tpu.memory_space<hbm>> -> memref<128xi32, #tpu.memory_space<hbm>>
        %dma_wait3A_507 = arith.constant 0 : i32
        %dma_wait3A_508 = tpu.memref_slice %arg7[%run_scoped3A_158, %dma_wait3A_507] : memref<1x128xi32, #tpu.memory_space<vmem>> -> memref<1x128xi32, #tpu.memory_space<vmem>>
        %dma_wait3A_509 = tpu.memref_squeeze %dma_wait3A_508 : memref<1x128xi32, #tpu.memory_space<vmem>> -> memref<128xi32, #tpu.memory_space<vmem>>
        %dma_wait3A_510 = tpu.memref_slice %arg3[%mul3A_157] : memref<320000xi32, #tpu.memory_space<hbm>> -> memref<128xi32, #tpu.memory_space<hbm>>
        tpu.wait_dma2 semaphore(%run_scoped3A_496 : memref<!tpu.dma_semaphore, #tpu.memory_space<semaphore_mem>>) src(%dma_wait3A_510 : memref<128xi32, #tpu.memory_space<hbm>>) dst(%dma_wait3A_509 : memref<128xi32, #tpu.memory_space<vmem>>)
        tpu.yield
      }) : () -> ()
      %get3A = arith.constant 0 : i32
      %get3A_159 = arith.index_cast %get3A : i32 to index
      %get3A_160 = arith.constant 0 : index
      %get3A_161 = tpu.vector_load %arg6[%get3A_159, %get3A_160] {strides = array<i32>} : memref<1x128xi32, #tpu.memory_space<vmem>>, vector<16xi32>,
      %get3A_162 = arith.constant 0 : i32
      %get3A_163 = arith.index_cast %get3A_162 : i32 to index
      %get3A_164 = arith.constant 0 : index
      %get3A_165 = tpu.vector_load %arg7[%get3A_163, %get3A_164] {strides = array<i32>} : memref<1x128xi32, #tpu.memory_space<vmem>>, vector<16xi32>,
      %ge3A = vector.broadcast %mul3A_2 : i32 to vector<16xi32>
      %ge3A_166 = arith.cmpi sge, %get3A_165, %ge3A : vector<16xi32>
      %add3A_167 = arith.constant 5000 : i32
      %add3A_168 = arith.addi %mul3A_2, %add3A_167 : i32
      %lt3A_169 = vector.broadcast %add3A_168 : i32 to vector<16xi32>
      %lt3A_170 = arith.cmpi slt, %get3A_165, %lt3A_169 : vector<16xi32>
      %and3A_171 = arith.andi %ge3A_166, %lt3A_170 : vector<16xi1>
      %convert_element_type3A = arith.extui %and3A_171 : vector<16xi1> to vector<16xi32>
      %broadcast_in_dim3A_172 = arith.constant true
      %broadcast_in_dim3A_173 = vector.broadcast %broadcast_in_dim3A_172 : i1 to vector<16xi1>
      %masked_cumsum3A = tpu.scan <sum>, %convert_element_type3A masked %broadcast_in_dim3A_173 : vector<16xi32>, vector<16xi1> -> vector<16xi32>
      %add3A_174 = vector.broadcast %while3A_152 : i32 to vector<16xi32>
      %add3A_175 = arith.addi %add3A_174, %masked_cumsum3A : vector<16xi32>
      %sub3A_176 = arith.subi %add3A_175, %convert_element_type3A : vector<16xi32>
      %sub3A_177 = vector.broadcast %mul3A_2 : i32 to vector<16xi32>
      %sub3A_178 = arith.subi %get3A_165, %sub3A_177 : vector<16xi32>
      %shift_left3A = arith.constant 14 : i32
      %shift_left3A_179 = vector.broadcast %shift_left3A : i32 to vector<16xi32>
      %shift_left3A_180 = arith.shli %sub3A_178, %shift_left3A_179 : vector<16xi32>
      %or3A = arith.ori %get3A_161, %shift_left3A_180 : vector<16xi32>
      %shift_right_logical3A_181 = arith.constant 7 : i32
      %shift_right_logical3A_182 = vector.broadcast %shift_right_logical3A_181 : i32 to vector<16xi32>
      %shift_right_logical3A_183 = arith.shrui %sub3A_176, %shift_right_logical3A_182 : vector<16xi32>
      %and3A_184 = arith.constant 127 : i32
      %and3A_185 = vector.broadcast %and3A_184 : i32 to vector<16xi32>
      %and3A_186 = arith.andi %sub3A_176, %and3A_185 : vector<16xi32>
      tpu.vector_store_idx %arg8[%shift_right_logical3A_183, %and3A_186], %or3A masked %and3A_171 : memref<160x128xi32, #tpu.memory_space<vmem>>[vector<16xi32>, vector<16xi32>], vector<16xi32>, vector<16xi1>
      %reduce_max3A = arith.constant true
      %reduce_max3A_187 = vector.broadcast %reduce_max3A : i1 to vector<16xi1>
      %reduce_max3A_188 = arith.constant -2147483648 : i32
      %reduce_max3A_189 = vector.broadcast %reduce_max3A_188 : i32 to vector<16xi32>
      %reduce_max3A_190 = arith.xori %masked_cumsum3A, %reduce_max3A_189 : vector<16xi32>
      %reduce_max3A_191 = tpu.scan <max>, %reduce_max3A_190 masked %reduce_max3A_187 : vector<16xi32>, vector<16xi1> -> vector<16xi32>
      %reduce_max3A_192 = arith.xori %reduce_max3A_191, %reduce_max3A_189 : vector<16xi32>
      %reduce_max3A_193 = vector.extract %reduce_max3A_192[15] : i32 from vector<16xi32>
      %add3A_194 = arith.addi %while3A_152, %reduce_max3A_193 : i32
      %get3A_195 = arith.constant 0 : i32
      %get3A_196 = arith.index_cast %get3A_195 : i32 to index
      %get3A_197 = arith.constant 16 : index
      %get3A_198 = tpu.vector_load %arg6[%get3A_196, %get3A_197] {strides = array<i32>} : memref<1x128xi32, #tpu.memory_space<vmem>>, vector<16xi32>,
      %get3A_199 = arith.constant 0 : i32
      %get3A_200 = arith.index_cast %get3A_199 : i32 to index
      %get3A_201 = arith.constant 16 : index
      %get3A_202 = tpu.vector_load %arg7[%get3A_200, %get3A_201] {strides = array<i32>} : memref<1x128xi32, #tpu.memory_space<vmem>>, vector<16xi32>,
      %ge3A_203 = vector.broadcast %mul3A_2 : i32 to vector<16xi32>
      %ge3A_204 = arith.cmpi sge, %get3A_202, %ge3A_203 : vector<16xi32>
      %add3A_205 = arith.constant 5000 : i32
      %add3A_206 = arith.addi %mul3A_2, %add3A_205 : i32
      %lt3A_207 = vector.broadcast %add3A_206 : i32 to vector<16xi32>
      %lt3A_208 = arith.cmpi slt, %get3A_202, %lt3A_207 : vector<16xi32>
      %and3A_209 = arith.andi %ge3A_204, %lt3A_208 : vector<16xi1>
      %convert_element_type3A_210 = arith.extui %and3A_209 : vector<16xi1> to vector<16xi32>
      %broadcast_in_dim3A_211 = arith.constant true
      %broadcast_in_dim3A_212 = vector.broadcast %broadcast_in_dim3A_211 : i1 to vector<16xi1>
      %masked_cumsum3A_213 = tpu.scan <sum>, %convert_element_type3A_210 masked %broadcast_in_dim3A_212 : vector<16xi32>, vector<16xi1> -> vector<16xi32>
      %add3A_214 = vector.broadcast %add3A_194 : i32 to vector<16xi32>
      %add3A_215 = arith.addi %add3A_214, %masked_cumsum3A_213 : vector<16xi32>
      %sub3A_216 = arith.subi %add3A_215, %convert_element_type3A_210 : vector<16xi32>
      %sub3A_217 = vector.broadcast %mul3A_2 : i32 to vector<16xi32>
      %sub3A_218 = arith.subi %get3A_202, %sub3A_217 : vector<16xi32>
      %shift_left3A_219 = arith.constant 14 : i32
      %shift_left3A_220 = vector.broadcast %shift_left3A_219 : i32 to vector<16xi32>
      %shift_left3A_221 = arith.shli %sub3A_218, %shift_left3A_220 : vector<16xi32>
      %or3A_222 = arith.ori %get3A_198, %shift_left3A_221 : vector<16xi32>
      %shift_right_logical3A_223 = arith.constant 7 : i32
      %shift_right_logical3A_224 = vector.broadcast %shift_right_logical3A_223 : i32 to vector<16xi32>
      %shift_right_logical3A_225 = arith.shrui %sub3A_216, %shift_right_logical3A_224 : vector<16xi32>
      %and3A_226 = arith.constant 127 : i32
      %and3A_227 = vector.broadcast %and3A_226 : i32 to vector<16xi32>
      %and3A_228 = arith.andi %sub3A_216, %and3A_227 : vector<16xi32>
      tpu.vector_store_idx %arg8[%shift_right_logical3A_225, %and3A_228], %or3A_222 masked %and3A_209 : memref<160x128xi32, #tpu.memory_space<vmem>>[vector<16xi32>, vector<16xi32>], vector<16xi32>, vector<16xi1>
      %reduce_max3A_229 = arith.constant true
      %reduce_max3A_230 = vector.broadcast %reduce_max3A_229 : i1 to vector<16xi1>
      %reduce_max3A_231 = arith.constant -2147483648 : i32
      %reduce_max3A_232 = vector.broadcast %reduce_max3A_231 : i32 to vector<16xi32>
      %reduce_max3A_233 = arith.xori %masked_cumsum3A_213, %reduce_max3A_232 : vector<16xi32>
      %reduce_max3A_234 = tpu.scan <max>, %reduce_max3A_233 masked %reduce_max3A_230 : vector<16xi32>, vector<16xi1> -> vector<16xi32>
      %reduce_max3A_235 = arith.xori %reduce_max3A_234, %reduce_max3A_232 : vector<16xi32>
      %reduce_max3A_236 = vector.extract %reduce_max3A_235[15] : i32 from vector<16xi32>
      %add3A_237 = arith.addi %add3A_194, %reduce_max3A_236 : i32
      %get3A_238 = arith.constant 0 : i32
      %get3A_239 = arith.index_cast %get3A_238 : i32 to index
      %get3A_240 = arith.constant 32 : index
      %get3A_241 = tpu.vector_load %arg6[%get3A_239, %get3A_240] {strides = array<i32>} : memref<1x128xi32, #tpu.memory_space<vmem>>, vector<16xi32>,
      %get3A_242 = arith.constant 0 : i32
      %get3A_243 = arith.index_cast %get3A_242 : i32 to index
      %get3A_244 = arith.constant 32 : index
      %get3A_245 = tpu.vector_load %arg7[%get3A_243, %get3A_244] {strides = array<i32>} : memref<1x128xi32, #tpu.memory_space<vmem>>, vector<16xi32>,
      %ge3A_246 = vector.broadcast %mul3A_2 : i32 to vector<16xi32>
      %ge3A_247 = arith.cmpi sge, %get3A_245, %ge3A_246 : vector<16xi32>
      %add3A_248 = arith.constant 5000 : i32
      %add3A_249 = arith.addi %mul3A_2, %add3A_248 : i32
      %lt3A_250 = vector.broadcast %add3A_249 : i32 to vector<16xi32>
      %lt3A_251 = arith.cmpi slt, %get3A_245, %lt3A_250 : vector<16xi32>
      %and3A_252 = arith.andi %ge3A_247, %lt3A_251 : vector<16xi1>
      %convert_element_type3A_253 = arith.extui %and3A_252 : vector<16xi1> to vector<16xi32>
      %broadcast_in_dim3A_254 = arith.constant true
      %broadcast_in_dim3A_255 = vector.broadcast %broadcast_in_dim3A_254 : i1 to vector<16xi1>
      %masked_cumsum3A_256 = tpu.scan <sum>, %convert_element_type3A_253 masked %broadcast_in_dim3A_255 : vector<16xi32>, vector<16xi1> -> vector<16xi32>
      %add3A_257 = vector.broadcast %add3A_237 : i32 to vector<16xi32>
      %add3A_258 = arith.addi %add3A_257, %masked_cumsum3A_256 : vector<16xi32>
      %sub3A_259 = arith.subi %add3A_258, %convert_element_type3A_253 : vector<16xi32>
      %sub3A_260 = vector.broadcast %mul3A_2 : i32 to vector<16xi32>
      %sub3A_261 = arith.subi %get3A_245, %sub3A_260 : vector<16xi32>
      %shift_left3A_262 = arith.constant 14 : i32
      %shift_left3A_263 = vector.broadcast %shift_left3A_262 : i32 to vector<16xi32>
      %shift_left3A_264 = arith.shli %sub3A_261, %shift_left3A_263 : vector<16xi32>
      %or3A_265 = arith.ori %get3A_241, %shift_left3A_264 : vector<16xi32>
      %shift_right_logical3A_266 = arith.constant 7 : i32
      %shift_right_logical3A_267 = vector.broadcast %shift_right_logical3A_266 : i32 to vector<16xi32>
      %shift_right_logical3A_268 = arith.shrui %sub3A_259, %shift_right_logical3A_267 : vector<16xi32>
      %and3A_269 = arith.constant 127 : i32
      %and3A_270 = vector.broadcast %and3A_269 : i32 to vector<16xi32>
      %and3A_271 = arith.andi %sub3A_259, %and3A_270 : vector<16xi32>
      tpu.vector_store_idx %arg8[%shift_right_logical3A_268, %and3A_271], %or3A_265 masked %and3A_252 : memref<160x128xi32, #tpu.memory_space<vmem>>[vector<16xi32>, vector<16xi32>], vector<16xi32>, vector<16xi1>
      %reduce_max3A_272 = arith.constant true
      %reduce_max3A_273 = vector.broadcast %reduce_max3A_272 : i1 to vector<16xi1>
      %reduce_max3A_274 = arith.constant -2147483648 : i32
      %reduce_max3A_275 = vector.broadcast %reduce_max3A_274 : i32 to vector<16xi32>
      %reduce_max3A_276 = arith.xori %masked_cumsum3A_256, %reduce_max3A_275 : vector<16xi32>
      %reduce_max3A_277 = tpu.scan <max>, %reduce_max3A_276 masked %reduce_max3A_273 : vector<16xi32>, vector<16xi1> -> vector<16xi32>
      %reduce_max3A_278 = arith.xori %reduce_max3A_277, %reduce_max3A_275 : vector<16xi32>
      %reduce_max3A_279 = vector.extract %reduce_max3A_278[15] : i32 from vector<16xi32>
      %add3A_280 = arith.addi %add3A_237, %reduce_max3A_279 : i32
      %get3A_281 = arith.constant 0 : i32
      %get3A_282 = arith.index_cast %get3A_281 : i32 to index
      %get3A_283 = arith.constant 48 : index
      %get3A_284 = tpu.vector_load %arg6[%get3A_282, %get3A_283] {strides = array<i32>} : memref<1x128xi32, #tpu.memory_space<vmem>>, vector<16xi32>,
      %get3A_285 = arith.constant 0 : i32
      %get3A_286 = arith.index_cast %get3A_285 : i32 to index
      %get3A_287 = arith.constant 48 : index
      %get3A_288 = tpu.vector_load %arg7[%get3A_286, %get3A_287] {strides = array<i32>} : memref<1x128xi32, #tpu.memory_space<vmem>>, vector<16xi32>,
      %ge3A_289 = vector.broadcast %mul3A_2 : i32 to vector<16xi32>
      %ge3A_290 = arith.cmpi sge, %get3A_288, %ge3A_289 : vector<16xi32>
      %add3A_291 = arith.constant 5000 : i32
      %add3A_292 = arith.addi %mul3A_2, %add3A_291 : i32
      %lt3A_293 = vector.broadcast %add3A_292 : i32 to vector<16xi32>
      %lt3A_294 = arith.cmpi slt, %get3A_288, %lt3A_293 : vector<16xi32>
      %and3A_295 = arith.andi %ge3A_290, %lt3A_294 : vector<16xi1>
      %convert_element_type3A_296 = arith.extui %and3A_295 : vector<16xi1> to vector<16xi32>
      %broadcast_in_dim3A_297 = arith.constant true
      %broadcast_in_dim3A_298 = vector.broadcast %broadcast_in_dim3A_297 : i1 to vector<16xi1>
      %masked_cumsum3A_299 = tpu.scan <sum>, %convert_element_type3A_296 masked %broadcast_in_dim3A_298 : vector<16xi32>, vector<16xi1> -> vector<16xi32>
      %add3A_300 = vector.broadcast %add3A_280 : i32 to vector<16xi32>
      %add3A_301 = arith.addi %add3A_300, %masked_cumsum3A_299 : vector<16xi32>
      %sub3A_302 = arith.subi %add3A_301, %convert_element_type3A_296 : vector<16xi32>
      %sub3A_303 = vector.broadcast %mul3A_2 : i32 to vector<16xi32>
      %sub3A_304 = arith.subi %get3A_288, %sub3A_303 : vector<16xi32>
      %shift_left3A_305 = arith.constant 14 : i32
      %shift_left3A_306 = vector.broadcast %shift_left3A_305 : i32 to vector<16xi32>
      %shift_left3A_307 = arith.shli %sub3A_304, %shift_left3A_306 : vector<16xi32>
      %or3A_308 = arith.ori %get3A_284, %shift_left3A_307 : vector<16xi32>
      %shift_right_logical3A_309 = arith.constant 7 : i32
      %shift_right_logical3A_310 = vector.broadcast %shift_right_logical3A_309 : i32 to vector<16xi32>
      %shift_right_logical3A_311 = arith.shrui %sub3A_302, %shift_right_logical3A_310 : vector<16xi32>
      %and3A_312 = arith.constant 127 : i32
      %and3A_313 = vector.broadcast %and3A_312 : i32 to vector<16xi32>
      %and3A_314 = arith.andi %sub3A_302, %and3A_313 : vector<16xi32>
      tpu.vector_store_idx %arg8[%shift_right_logical3A_311, %and3A_314], %or3A_308 masked %and3A_295 : memref<160x128xi32, #tpu.memory_space<vmem>>[vector<16xi32>, vector<16xi32>], vector<16xi32>, vector<16xi1>
      %reduce_max3A_315 = arith.constant true
      %reduce_max3A_316 = vector.broadcast %reduce_max3A_315 : i1 to vector<16xi1>
      %reduce_max3A_317 = arith.constant -2147483648 : i32
      %reduce_max3A_318 = vector.broadcast %reduce_max3A_317 : i32 to vector<16xi32>
      %reduce_max3A_319 = arith.xori %masked_cumsum3A_299, %reduce_max3A_318 : vector<16xi32>
      %reduce_max3A_320 = tpu.scan <max>, %reduce_max3A_319 masked %reduce_max3A_316 : vector<16xi32>, vector<16xi1> -> vector<16xi32>
      %reduce_max3A_321 = arith.xori %reduce_max3A_320, %reduce_max3A_318 : vector<16xi32>
      %reduce_max3A_322 = vector.extract %reduce_max3A_321[15] : i32 from vector<16xi32>
      %add3A_323 = arith.addi %add3A_280, %reduce_max3A_322 : i32
      %get3A_324 = arith.constant 0 : i32
      %get3A_325 = arith.index_cast %get3A_324 : i32 to index
      %get3A_326 = arith.constant 64 : index
      %get3A_327 = tpu.vector_load %arg6[%get3A_325, %get3A_326] {strides = array<i32>} : memref<1x128xi32, #tpu.memory_space<vmem>>, vector<16xi32>,
      %get3A_328 = arith.constant 0 : i32
      %get3A_329 = arith.index_cast %get3A_328 : i32 to index
      %get3A_330 = arith.constant 64 : index
      %get3A_331 = tpu.vector_load %arg7[%get3A_329, %get3A_330] {strides = array<i32>} : memref<1x128xi32, #tpu.memory_space<vmem>>, vector<16xi32>,
      %ge3A_332 = vector.broadcast %mul3A_2 : i32 to vector<16xi32>
      %ge3A_333 = arith.cmpi sge, %get3A_331, %ge3A_332 : vector<16xi32>
      %add3A_334 = arith.constant 5000 : i32
      %add3A_335 = arith.addi %mul3A_2, %add3A_334 : i32
      %lt3A_336 = vector.broadcast %add3A_335 : i32 to vector<16xi32>
      %lt3A_337 = arith.cmpi slt, %get3A_331, %lt3A_336 : vector<16xi32>
      %and3A_338 = arith.andi %ge3A_333, %lt3A_337 : vector<16xi1>
      %convert_element_type3A_339 = arith.extui %and3A_338 : vector<16xi1> to vector<16xi32>
      %broadcast_in_dim3A_340 = arith.constant true
      %broadcast_in_dim3A_341 = vector.broadcast %broadcast_in_dim3A_340 : i1 to vector<16xi1>
      %masked_cumsum3A_342 = tpu.scan <sum>, %convert_element_type3A_339 masked %broadcast_in_dim3A_341 : vector<16xi32>, vector<16xi1> -> vector<16xi32>
      %add3A_343 = vector.broadcast %add3A_323 : i32 to vector<16xi32>
      %add3A_344 = arith.addi %add3A_343, %masked_cumsum3A_342 : vector<16xi32>
      %sub3A_345 = arith.subi %add3A_344, %convert_element_type3A_339 : vector<16xi32>
      %sub3A_346 = vector.broadcast %mul3A_2 : i32 to vector<16xi32>
      %sub3A_347 = arith.subi %get3A_331, %sub3A_346 : vector<16xi32>
      %shift_left3A_348 = arith.constant 14 : i32
      %shift_left3A_349 = vector.broadcast %shift_left3A_348 : i32 to vector<16xi32>
      %shift_left3A_350 = arith.shli %sub3A_347, %shift_left3A_349 : vector<16xi32>
      %or3A_351 = arith.ori %get3A_327, %shift_left3A_350 : vector<16xi32>
      %shift_right_logical3A_352 = arith.constant 7 : i32
      %shift_right_logical3A_353 = vector.broadcast %shift_right_logical3A_352 : i32 to vector<16xi32>
      %shift_right_logical3A_354 = arith.shrui %sub3A_345, %shift_right_logical3A_353 : vector<16xi32>
      %and3A_355 = arith.constant 127 : i32
      %and3A_356 = vector.broadcast %and3A_355 : i32 to vector<16xi32>
      %and3A_357 = arith.andi %sub3A_345, %and3A_356 : vector<16xi32>
      tpu.vector_store_idx %arg8[%shift_right_logical3A_354, %and3A_357], %or3A_351 masked %and3A_338 : memref<160x128xi32, #tpu.memory_space<vmem>>[vector<16xi32>, vector<16xi32>], vector<16xi32>, vector<16xi1>
      %reduce_max3A_358 = arith.constant true
      %reduce_max3A_359 = vector.broadcast %reduce_max3A_358 : i1 to vector<16xi1>
      %reduce_max3A_360 = arith.constant -2147483648 : i32
      %reduce_max3A_361 = vector.broadcast %reduce_max3A_360 : i32 to vector<16xi32>
      %reduce_max3A_362 = arith.xori %masked_cumsum3A_342, %reduce_max3A_361 : vector<16xi32>
      %reduce_max3A_363 = tpu.scan <max>, %reduce_max3A_362 masked %reduce_max3A_359 : vector<16xi32>, vector<16xi1> -> vector<16xi32>
      %reduce_max3A_364 = arith.xori %reduce_max3A_363, %reduce_max3A_361 : vector<16xi32>
      %reduce_max3A_365 = vector.extract %reduce_max3A_364[15] : i32 from vector<16xi32>
      %add3A_366 = arith.addi %add3A_323, %reduce_max3A_365 : i32
      %get3A_367 = arith.constant 0 : i32
      %get3A_368 = arith.index_cast %get3A_367 : i32 to index
      %get3A_369 = arith.constant 80 : index
      %get3A_370 = tpu.vector_load %arg6[%get3A_368, %get3A_369] {strides = array<i32>} : memref<1x128xi32, #tpu.memory_space<vmem>>, vector<16xi32>,
      %get3A_371 = arith.constant 0 : i32
      %get3A_372 = arith.index_cast %get3A_371 : i32 to index
      %get3A_373 = arith.constant 80 : index
      %get3A_374 = tpu.vector_load %arg7[%get3A_372, %get3A_373] {strides = array<i32>} : memref<1x128xi32, #tpu.memory_space<vmem>>, vector<16xi32>,
      %ge3A_375 = vector.broadcast %mul3A_2 : i32 to vector<16xi32>
      %ge3A_376 = arith.cmpi sge, %get3A_374, %ge3A_375 : vector<16xi32>
      %add3A_377 = arith.constant 5000 : i32
      %add3A_378 = arith.addi %mul3A_2, %add3A_377 : i32
      %lt3A_379 = vector.broadcast %add3A_378 : i32 to vector<16xi32>
      %lt3A_380 = arith.cmpi slt, %get3A_374, %lt3A_379 : vector<16xi32>
      %and3A_381 = arith.andi %ge3A_376, %lt3A_380 : vector<16xi1>
      %convert_element_type3A_382 = arith.extui %and3A_381 : vector<16xi1> to vector<16xi32>
      %broadcast_in_dim3A_383 = arith.constant true
      %broadcast_in_dim3A_384 = vector.broadcast %broadcast_in_dim3A_383 : i1 to vector<16xi1>
      %masked_cumsum3A_385 = tpu.scan <sum>, %convert_element_type3A_382 masked %broadcast_in_dim3A_384 : vector<16xi32>, vector<16xi1> -> vector<16xi32>
      %add3A_386 = vector.broadcast %add3A_366 : i32 to vector<16xi32>
      %add3A_387 = arith.addi %add3A_386, %masked_cumsum3A_385 : vector<16xi32>
      %sub3A_388 = arith.subi %add3A_387, %convert_element_type3A_382 : vector<16xi32>
      %sub3A_389 = vector.broadcast %mul3A_2 : i32 to vector<16xi32>
      %sub3A_390 = arith.subi %get3A_374, %sub3A_389 : vector<16xi32>
      %shift_left3A_391 = arith.constant 14 : i32
      %shift_left3A_392 = vector.broadcast %shift_left3A_391 : i32 to vector<16xi32>
      %shift_left3A_393 = arith.shli %sub3A_390, %shift_left3A_392 : vector<16xi32>
      %or3A_394 = arith.ori %get3A_370, %shift_left3A_393 : vector<16xi32>
      %shift_right_logical3A_395 = arith.constant 7 : i32
      %shift_right_logical3A_396 = vector.broadcast %shift_right_logical3A_395 : i32 to vector<16xi32>
      %shift_right_logical3A_397 = arith.shrui %sub3A_388, %shift_right_logical3A_396 : vector<16xi32>
      %and3A_398 = arith.constant 127 : i32
      %and3A_399 = vector.broadcast %and3A_398 : i32 to vector<16xi32>
      %and3A_400 = arith.andi %sub3A_388, %and3A_399 : vector<16xi32>
      tpu.vector_store_idx %arg8[%shift_right_logical3A_397, %and3A_400], %or3A_394 masked %and3A_381 : memref<160x128xi32, #tpu.memory_space<vmem>>[vector<16xi32>, vector<16xi32>], vector<16xi32>, vector<16xi1>
      %reduce_max3A_401 = arith.constant true
      %reduce_max3A_402 = vector.broadcast %reduce_max3A_401 : i1 to vector<16xi1>
      %reduce_max3A_403 = arith.constant -2147483648 : i32
      %reduce_max3A_404 = vector.broadcast %reduce_max3A_403 : i32 to vector<16xi32>
      %reduce_max3A_405 = arith.xori %masked_cumsum3A_385, %reduce_max3A_404 : vector<16xi32>
      %reduce_max3A_406 = tpu.scan <max>, %reduce_max3A_405 masked %reduce_max3A_402 : vector<16xi32>, vector<16xi1> -> vector<16xi32>
      %reduce_max3A_407 = arith.xori %reduce_max3A_406, %reduce_max3A_404 : vector<16xi32>
      %reduce_max3A_408 = vector.extract %reduce_max3A_407[15] : i32 from vector<16xi32>
      %add3A_409 = arith.addi %add3A_366, %reduce_max3A_408 : i32
      %get3A_410 = arith.constant 0 : i32
      %get3A_411 = arith.index_cast %get3A_410 : i32 to index
      %get3A_412 = arith.constant 96 : index
      %get3A_413 = tpu.vector_load %arg6[%get3A_411, %get3A_412] {strides = array<i32>} : memref<1x128xi32, #tpu.memory_space<vmem>>, vector<16xi32>,
      %get3A_414 = arith.constant 0 : i32
      %get3A_415 = arith.index_cast %get3A_414 : i32 to index
      %get3A_416 = arith.constant 96 : index
      %get3A_417 = tpu.vector_load %arg7[%get3A_415, %get3A_416] {strides = array<i32>} : memref<1x128xi32, #tpu.memory_space<vmem>>, vector<16xi32>,
      %ge3A_418 = vector.broadcast %mul3A_2 : i32 to vector<16xi32>
      %ge3A_419 = arith.cmpi sge, %get3A_417, %ge3A_418 : vector<16xi32>
      %add3A_420 = arith.constant 5000 : i32
      %add3A_421 = arith.addi %mul3A_2, %add3A_420 : i32
      %lt3A_422 = vector.broadcast %add3A_421 : i32 to vector<16xi32>
      %lt3A_423 = arith.cmpi slt, %get3A_417, %lt3A_422 : vector<16xi32>
      %and3A_424 = arith.andi %ge3A_419, %lt3A_423 : vector<16xi1>
      %convert_element_type3A_425 = arith.extui %and3A_424 : vector<16xi1> to vector<16xi32>
      %broadcast_in_dim3A_426 = arith.constant true
      %broadcast_in_dim3A_427 = vector.broadcast %broadcast_in_dim3A_426 : i1 to vector<16xi1>
      %masked_cumsum3A_428 = tpu.scan <sum>, %convert_element_type3A_425 masked %broadcast_in_dim3A_427 : vector<16xi32>, vector<16xi1> -> vector<16xi32>
      %add3A_429 = vector.broadcast %add3A_409 : i32 to vector<16xi32>
      %add3A_430 = arith.addi %add3A_429, %masked_cumsum3A_428 : vector<16xi32>
      %sub3A_431 = arith.subi %add3A_430, %convert_element_type3A_425 : vector<16xi32>
      %sub3A_432 = vector.broadcast %mul3A_2 : i32 to vector<16xi32>
      %sub3A_433 = arith.subi %get3A_417, %sub3A_432 : vector<16xi32>
      %shift_left3A_434 = arith.constant 14 : i32
      %shift_left3A_435 = vector.broadcast %shift_left3A_434 : i32 to vector<16xi32>
      %shift_left3A_436 = arith.shli %sub3A_433, %shift_left3A_435 : vector<16xi32>
      %or3A_437 = arith.ori %get3A_413, %shift_left3A_436 : vector<16xi32>
      %shift_right_logical3A_438 = arith.constant 7 : i32
      %shift_right_logical3A_439 = vector.broadcast %shift_right_logical3A_438 : i32 to vector<16xi32>
      %shift_right_logical3A_440 = arith.shrui %sub3A_431, %shift_right_logical3A_439 : vector<16xi32>
      %and3A_441 = arith.constant 127 : i32
      %and3A_442 = vector.broadcast %and3A_441 : i32 to vector<16xi32>
      %and3A_443 = arith.andi %sub3A_431, %and3A_442 : vector<16xi32>
      tpu.vector_store_idx %arg8[%shift_right_logical3A_440, %and3A_443], %or3A_437 masked %and3A_424 : memref<160x128xi32, #tpu.memory_space<vmem>>[vector<16xi32>, vector<16xi32>], vector<16xi32>, vector<16xi1>
      %reduce_max3A_444 = arith.constant true
      %reduce_max3A_445 = vector.broadcast %reduce_max3A_444 : i1 to vector<16xi1>
      %reduce_max3A_446 = arith.constant -2147483648 : i32
      %reduce_max3A_447 = vector.broadcast %reduce_max3A_446 : i32 to vector<16xi32>
      %reduce_max3A_448 = arith.xori %masked_cumsum3A_428, %reduce_max3A_447 : vector<16xi32>
      %reduce_max3A_449 = tpu.scan <max>, %reduce_max3A_448 masked %reduce_max3A_445 : vector<16xi32>, vector<16xi1> -> vector<16xi32>
      %reduce_max3A_450 = arith.xori %reduce_max3A_449, %reduce_max3A_447 : vector<16xi32>
      %reduce_max3A_451 = vector.extract %reduce_max3A_450[15] : i32 from vector<16xi32>
      %add3A_452 = arith.addi %add3A_409, %reduce_max3A_451 : i32
      %get3A_453 = arith.constant 0 : i32
      %get3A_454 = arith.index_cast %get3A_453 : i32 to index
      %get3A_455 = arith.constant 112 : index
      %get3A_456 = tpu.vector_load %arg6[%get3A_454, %get3A_455] {strides = array<i32>} : memref<1x128xi32, #tpu.memory_space<vmem>>, vector<16xi32>,
      %get3A_457 = arith.constant 0 : i32
      %get3A_458 = arith.index_cast %get3A_457 : i32 to index
      %get3A_459 = arith.constant 112 : index
      %get3A_460 = tpu.vector_load %arg7[%get3A_458, %get3A_459] {strides = array<i32>} : memref<1x128xi32, #tpu.memory_space<vmem>>, vector<16xi32>,
      %ge3A_461 = vector.broadcast %mul3A_2 : i32 to vector<16xi32>
      %ge3A_462 = arith.cmpi sge, %get3A_460, %ge3A_461 : vector<16xi32>
      %add3A_463 = arith.constant 5000 : i32
      %add3A_464 = arith.addi %mul3A_2, %add3A_463 : i32
      %lt3A_465 = vector.broadcast %add3A_464 : i32 to vector<16xi32>
      %lt3A_466 = arith.cmpi slt, %get3A_460, %lt3A_465 : vector<16xi32>
      %and3A_467 = arith.andi %ge3A_462, %lt3A_466 : vector<16xi1>
      %convert_element_type3A_468 = arith.extui %and3A_467 : vector<16xi1> to vector<16xi32>
      %broadcast_in_dim3A_469 = arith.constant true
      %broadcast_in_dim3A_470 = vector.broadcast %broadcast_in_dim3A_469 : i1 to vector<16xi1>
      %masked_cumsum3A_471 = tpu.scan <sum>, %convert_element_type3A_468 masked %broadcast_in_dim3A_470 : vector<16xi32>, vector<16xi1> -> vector<16xi32>
      %add3A_472 = vector.broadcast %add3A_452 : i32 to vector<16xi32>
      %add3A_473 = arith.addi %add3A_472, %masked_cumsum3A_471 : vector<16xi32>
      %sub3A_474 = arith.subi %add3A_473, %convert_element_type3A_468 : vector<16xi32>
      %sub3A_475 = vector.broadcast %mul3A_2 : i32 to vector<16xi32>
      %sub3A_476 = arith.subi %get3A_460, %sub3A_475 : vector<16xi32>
      %shift_left3A_477 = arith.constant 14 : i32
      %shift_left3A_478 = vector.broadcast %shift_left3A_477 : i32 to vector<16xi32>
      %shift_left3A_479 = arith.shli %sub3A_476, %shift_left3A_478 : vector<16xi32>
      %or3A_480 = arith.ori %get3A_456, %shift_left3A_479 : vector<16xi32>
      %shift_right_logical3A_481 = arith.constant 7 : i32
      %shift_right_logical3A_482 = vector.broadcast %shift_right_logical3A_481 : i32 to vector<16xi32>
      %shift_right_logical3A_483 = arith.shrui %sub3A_474, %shift_right_logical3A_482 : vector<16xi32>
      %and3A_484 = arith.constant 127 : i32
      %and3A_485 = vector.broadcast %and3A_484 : i32 to vector<16xi32>
      %and3A_486 = arith.andi %sub3A_474, %and3A_485 : vector<16xi32>
      tpu.vector_store_idx %arg8[%shift_right_logical3A_483, %and3A_486], %or3A_480 masked %and3A_467 : memref<160x128xi32, #tpu.memory_space<vmem>>[vector<16xi32>, vector<16xi32>], vector<16xi32>, vector<16xi1>
      %reduce_max3A_487 = arith.constant true
      %reduce_max3A_488 = vector.broadcast %reduce_max3A_487 : i1 to vector<16xi1>
      %reduce_max3A_489 = arith.constant -2147483648 : i32
      %reduce_max3A_490 = vector.broadcast %reduce_max3A_489 : i32 to vector<16xi32>
      %reduce_max3A_491 = arith.xori %masked_cumsum3A_471, %reduce_max3A_490 : vector<16xi32>
      %reduce_max3A_492 = tpu.scan <max>, %reduce_max3A_491 masked %reduce_max3A_488 : vector<16xi32>, vector<16xi1> -> vector<16xi32>
      %reduce_max3A_493 = arith.xori %reduce_max3A_492, %reduce_max3A_490 : vector<16xi32>
      %reduce_max3A_494 = vector.extract %reduce_max3A_493[15] : i32 from vector<16xi32>
      %add3A_495 = arith.addi %add3A_452, %reduce_max3A_494 : i32
      scf.yield %add3A_495 : i32
    }
    %broadcast_in_dim3A = arith.constant 83869696 : i32
    %broadcast_in_dim3A_36 = vector.broadcast %broadcast_in_dim3A : i32 to vector<16xi32>
    %add3A_37 = arith.constant 128 : i32
    %add3A_38 = arith.addi %while3A_35, %add3A_37 : i32
    %sub3A_39 = arith.constant 1 : i32
    %sub3A_40 = arith.subi %add3A_38, %sub3A_39 : i32
    %jit3A_41 = arith.constant 128 : i32
    %div3A_42 = arith.divsi %sub3A_40, %jit3A_41 : i32
    %sign3A_43 = arith.constant 0 : i32
    %sign3A_44 = arith.cmpi sgt, %sub3A_40, %sign3A_43 : i32
    %sign3A_45 = arith.extui %sign3A_44 : i1 to i32
    %sign3A_46 = arith.constant 0 : i32
    %sign3A_47 = arith.cmpi slt, %sub3A_40, %sign3A_46 : i32
    %sign3A_48 = arith.extui %sign3A_47 : i1 to i32
    %sign3A_49 = arith.subi %sign3A_45, %sign3A_48 : i32
    %sign3A_50 = arith.constant 0 : i32
    %sign3A_51 = arith.cmpi sgt, %jit3A_41, %sign3A_50 : i32
    %sign3A_52 = arith.extui %sign3A_51 : i1 to i32
    %sign3A_53 = arith.constant 0 : i32
    %sign3A_54 = arith.cmpi slt, %jit3A_41, %sign3A_53 : i32
    %sign3A_55 = arith.extui %sign3A_54 : i1 to i32
    %sign3A_56 = arith.subi %sign3A_52, %sign3A_55 : i32
    %ne3A_57 = arith.cmpi ne, %sign3A_49, %sign3A_56 : i32
    %rem3A_58 = arith.remsi %sub3A_40, %jit3A_41 : i32
    %ne3A_59 = arith.constant 0 : i32
    %ne3A_60 = arith.cmpi ne, %rem3A_58, %ne3A_59 : i32
    %and3A_61 = arith.andi %ne3A_57, %ne3A_60 : i1
    %sub3A_62 = arith.constant 1 : i32
    %sub3A_63 = arith.subi %div3A_42, %sub3A_62 : i32
    %select_n3A_64 = arith.select %and3A_61, %sub3A_63, %div3A_42 : i32
    %mul3A_65 = arith.constant 128 : i32
    %mul3A_66 = arith.muli %select_n3A_64, %mul3A_65 : i32
    %rem3A_67 = arith.constant 16 : i32
    %rem3A_68 = arith.remsi %while3A_35, %rem3A_67 : i32
    %sub3A_69 = arith.constant 16 : i32
    %sub3A_70 = arith.subi %sub3A_69, %rem3A_68 : i32
    %and3A_71 = arith.constant 15 : i32
    %and3A_72 = arith.andi %sub3A_70, %and3A_71 : i32
    %lt3A = vector.broadcast %and3A_72 : i32 to vector<16xi32>
    %lt3A_73 = arith.cmpi slt, %iota3A, %lt3A : vector<16xi32>
    %add3A_74 = vector.broadcast %while3A_35 : i32 to vector<16xi32>
    %add3A_75 = arith.addi %add3A_74, %iota3A : vector<16xi32>
    %shift_right_logical3A = arith.constant 7 : i32
    %shift_right_logical3A_76 = vector.broadcast %shift_right_logical3A : i32 to vector<16xi32>
    %shift_right_logical3A_77 = arith.shrui %add3A_75, %shift_right_logical3A_76 : vector<16xi32>
    %and3A_78 = arith.constant 127 : i32
    %and3A_79 = vector.broadcast %and3A_78 : i32 to vector<16xi32>
    %and3A_80 = arith.andi %add3A_75, %and3A_79 : vector<16xi32>
    tpu.vector_store_idx %arg8[%shift_right_logical3A_77, %and3A_80], %broadcast_in_dim3A_36 masked %lt3A_73 : memref<160x128xi32, #tpu.memory_space<vmem>>[vector<16xi32>, vector<16xi32>], vector<16xi32>, vector<16xi1>
    %add3A_81 = arith.addi %while3A_35, %and3A_72 : i32
    %lt3A_82 = arith.constant 16 : i32
    %lt3A_83 = vector.broadcast %lt3A_82 : i32 to vector<16xi32>
    %lt3A_84 = arith.cmpi slt, %iota3A, %lt3A_83 : vector<16xi32>
    %sub3A_85 = arith.subi %mul3A_66, %add3A_81 : i32
    %jit3A_86 = arith.constant 16 : i32
    %div3A_87 = arith.divsi %sub3A_85, %jit3A_86 : i32
    %sign3A_88 = arith.constant 0 : i32
    %sign3A_89 = arith.cmpi sgt, %sub3A_85, %sign3A_88 : i32
    %sign3A_90 = arith.extui %sign3A_89 : i1 to i32
    %sign3A_91 = arith.constant 0 : i32
    %sign3A_92 = arith.cmpi slt, %sub3A_85, %sign3A_91 : i32
    %sign3A_93 = arith.extui %sign3A_92 : i1 to i32
    %sign3A_94 = arith.subi %sign3A_90, %sign3A_93 : i32
    %sign3A_95 = arith.constant 0 : i32
    %sign3A_96 = arith.cmpi sgt, %jit3A_86, %sign3A_95 : i32
    %sign3A_97 = arith.extui %sign3A_96 : i1 to i32
    %sign3A_98 = arith.constant 0 : i32
    %sign3A_99 = arith.cmpi slt, %jit3A_86, %sign3A_98 : i32
    %sign3A_100 = arith.extui %sign3A_99 : i1 to i32
    %sign3A_101 = arith.subi %sign3A_97, %sign3A_100 : i32
    %ne3A_102 = arith.cmpi ne, %sign3A_94, %sign3A_101 : i32
    %rem3A_103 = arith.remsi %sub3A_85, %jit3A_86 : i32
    %ne3A_104 = arith.constant 0 : i32
    %ne3A_105 = arith.cmpi ne, %rem3A_103, %ne3A_104 : i32
    %and3A_106 = arith.andi %ne3A_102, %ne3A_105 : i1
    %sub3A_107 = arith.constant 1 : i32
    %sub3A_108 = arith.subi %div3A_87, %sub3A_107 : i32
    %select_n3A_109 = arith.select %and3A_106, %sub3A_108, %div3A_87 : i32
    %while3A_110 = arith.constant 0 : i32
    %while3A_111 = arith.subi %select_n3A_109, %while3A_110 : i32
    %while3A_112 = arith.addi %while3A_110, %while3A_111 : i32
    %while3A_113 = arith.constant 1 : i32
    %while3A_114 = arith.divsi %while3A_111, %while3A_113 : i32
    %while3A_115 = arith.muli %while3A_114, %while3A_113 : i32
    %while3A_116 = arith.addi %while3A_110, %while3A_115 : i32
    %while3A_117 = arith.constant 1 : i32
    %while3A_118 = scf.for %while3A_151 = %while3A_110 to %while3A_116 step %while3A_117 iter_args(%while3A_152 = %add3A_81) -> (i32)  : i32 {
      %add3A_153 = vector.broadcast %while3A_152 : i32 to vector<16xi32>
      %add3A_154 = arith.addi %add3A_153, %iota3A : vector<16xi32>
      %shift_right_logical3A_155 = arith.constant 7 : i32
      %shift_right_logical3A_156 = vector.broadcast %shift_right_logical3A_155 : i32 to vector<16xi32>
      %shift_right_logical3A_157 = arith.shrui %add3A_154, %shift_right_logical3A_156 : vector<16xi32>
      %and3A_158 = arith.constant 127 : i32
      %and3A_159 = vector.broadcast %and3A_158 : i32 to vector<16xi32>
      %and3A_160 = arith.andi %add3A_154, %and3A_159 : vector<16xi32>
      tpu.vector_store_idx %arg8[%shift_right_logical3A_157, %and3A_160], %broadcast_in_dim3A_36 masked %lt3A_84 : memref<160x128xi32, #tpu.memory_space<vmem>>[vector<16xi32>, vector<16xi32>], vector<16xi32>, vector<16xi1>
      %add3A_161 = arith.constant 16 : i32
      %add3A_162 = arith.addi %while3A_152, %add3A_161 : i32
      scf.yield %add3A_162 : i32
    }
    %while3A_119 = arith.constant 1 : i32
    %while3A_120 = scf.for %while3A_151 = %while3A_116 to %while3A_112 step %while3A_119 iter_args(%while3A_152 = %while3A_118) -> (i32)  : i32 {
      %add3A_153 = vector.broadcast %while3A_152 : i32 to vector<16xi32>
      %add3A_154 = arith.addi %add3A_153, %iota3A : vector<16xi32>
      %shift_right_logical3A_155 = arith.constant 7 : i32
      %shift_right_logical3A_156 = vector.broadcast %shift_right_logical3A_155 : i32 to vector<16xi32>
      %shift_right_logical3A_157 = arith.shrui %add3A_154, %shift_right_logical3A_156 : vector<16xi32>
      %and3A_158 = arith.constant 127 : i32
      %and3A_159 = vector.broadcast %and3A_158 : i32 to vector<16xi32>
      %and3A_160 = arith.andi %add3A_154, %and3A_159 : vector<16xi32>
      tpu.vector_store_idx %arg8[%shift_right_logical3A_157, %and3A_160], %broadcast_in_dim3A_36 masked %lt3A_84 : memref<160x128xi32, #tpu.memory_space<vmem>>[vector<16xi32>, vector<16xi32>], vector<16xi32>, vector<16xi1>
      %add3A_161 = arith.constant 16 : i32
      %add3A_162 = arith.addi %while3A_152, %add3A_161 : i32
      scf.yield %add3A_162 : i32
    }
    %jit3A_121 = arith.constant 128 : i32
    %div3A_122 = arith.divsi %mul3A_66, %jit3A_121 : i32
    %sign3A_123 = arith.constant 0 : i32
    %sign3A_124 = arith.cmpi sgt, %mul3A_66, %sign3A_123 : i32
    %sign3A_125 = arith.extui %sign3A_124 : i1 to i32
    %sign3A_126 = arith.constant 0 : i32
    %sign3A_127 = arith.cmpi slt, %mul3A_66, %sign3A_126 : i32
    %sign3A_128 = arith.extui %sign3A_127 : i1 to i32
    %sign3A_129 = arith.subi %sign3A_125, %sign3A_128 : i32
    %sign3A_130 = arith.constant 0 : i32
    %sign3A_131 = arith.cmpi sgt, %jit3A_121, %sign3A_130 : i32
    %sign3A_132 = arith.extui %sign3A_131 : i1 to i32
    %sign3A_133 = arith.constant 0 : i32
    %sign3A_134 = arith.cmpi slt, %jit3A_121, %sign3A_133 : i32
    %sign3A_135 = arith.extui %sign3A_134 : i1 to i32
    %sign3A_136 = arith.subi %sign3A_132, %sign3A_135 : i32
    %ne3A_137 = arith.cmpi ne, %sign3A_129, %sign3A_136 : i32
    %rem3A_138 = arith.remsi %mul3A_66, %jit3A_121 : i32
    %ne3A_139 = arith.constant 0 : i32
    %ne3A_140 = arith.cmpi ne, %rem3A_138, %ne3A_139 : i32
    %and3A_141 = arith.andi %ne3A_137, %ne3A_140 : i1
    %sub3A_142 = arith.constant 1 : i32
    %sub3A_143 = arith.subi %div3A_122, %sub3A_142 : i32
    %select_n3A_144 = arith.select %and3A_141, %sub3A_143, %div3A_122 : i32
    %broadcast_in_dim3A_145 = vector.broadcast %select_n3A_144 : i32 to vector<16xi32>
    %swap3A = arith.constant 0 : index
    %swap3A_146 = tpu.vector_load %arg9[%swap3A] {strides = array<i32>} : memref<16xi32, #tpu.memory_space<vmem>>, vector<16xi32>,
    tpu.vector_store %arg9[%swap3A], %broadcast_in_dim3A_145 {strides = array<i32>} : memref<16xi32, #tpu.memory_space<vmem>>, vector<16xi32>,
    %mul3A_147 = arith.constant 16 : i32
    %mul3A_148 = arith.muli %add3A, %mul3A_147 : i32
    "tpu.region"() ({
      %run_scoped3A = tpu.sem_alloc : memref<!tpu.dma_semaphore, #tpu.memory_space<semaphore_mem>>
      %dma_start3A = tpu.memref_slice %arg5[%mul3A_148] : memref<512xi32, #tpu.memory_space<hbm>> -> memref<16xi32, #tpu.memory_space<hbm>>
      %dma_start3A_151 = tpu.memref_slice %arg5[%mul3A_148] : memref<512xi32, #tpu.memory_space<hbm>> -> memref<16xi32, #tpu.memory_space<hbm>>
      tpu.enqueue_dma source(%arg9 : memref<16xi32, #tpu.memory_space<vmem>>) target(%dma_start3A_151 : memref<16xi32, #tpu.memory_space<hbm>>) target_semaphore(%run_scoped3A : memref<!tpu.dma_semaphore, #tpu.memory_space<semaphore_mem>>)
      %dma_wait3A = tpu.memref_slice %arg5[%mul3A_148] : memref<512xi32, #tpu.memory_space<hbm>> -> memref<16xi32, #tpu.memory_space<hbm>>
      %dma_wait3A_152 = tpu.memref_slice %arg5[%mul3A_148] : memref<512xi32, #tpu.memory_space<hbm>> -> memref<16xi32, #tpu.memory_space<hbm>>
      tpu.wait_dma2 semaphore(%run_scoped3A : memref<!tpu.dma_semaphore, #tpu.memory_space<semaphore_mem>>) src(%arg9 : memref<16xi32, #tpu.memory_space<vmem>>) dst(%dma_wait3A_152 : memref<16xi32, #tpu.memory_space<hbm>>)
      tpu.yield
    }) : () -> ()
    %mul3A_149 = arith.constant 160 : i32
    %mul3A_150 = arith.muli %add3A, %mul3A_149 : i32
    "tpu.region"() ({
      %run_scoped3A = tpu.sem_alloc : memref<!tpu.dma_semaphore, #tpu.memory_space<semaphore_mem>>
      %dma_start3A = arith.constant 0 : i32
      %dma_start3A_151 = tpu.memref_slice %arg4[%mul3A_150, %dma_start3A] : memref<5120x128xi32, #tpu.memory_space<hbm>> -> memref<160x128xi32, #tpu.memory_space<hbm>>
      %dma_start3A_152 = arith.constant 0 : i32
      %dma_start3A_153 = tpu.memref_slice %arg4[%mul3A_150, %dma_start3A_152] : memref<5120x128xi32, #tpu.memory_space<hbm>> -> memref<160x128xi32, #tpu.memory_space<hbm>>
      tpu.enqueue_dma source(%arg8 : memref<160x128xi32, #tpu.memory_space<vmem>>) target(%dma_start3A_153 : memref<160x128xi32, #tpu.memory_space<hbm>>) target_semaphore(%run_scoped3A : memref<!tpu.dma_semaphore, #tpu.memory_space<semaphore_mem>>)
      %dma_wait3A = arith.constant 0 : i32
      %dma_wait3A_154 = tpu.memref_slice %arg4[%mul3A_150, %dma_wait3A] : memref<5120x128xi32, #tpu.memory_space<hbm>> -> memref<160x128xi32, #tpu.memory_space<hbm>>
      %dma_wait3A_155 = arith.constant 0 : i32
      %dma_wait3A_156 = tpu.memref_slice %arg4[%mul3A_150, %dma_wait3A_155] : memref<5120x128xi32, #tpu.memory_space<hbm>> -> memref<160x128xi32, #tpu.memory_space<hbm>>
      tpu.wait_dma2 semaphore(%run_scoped3A : memref<!tpu.dma_semaphore, #tpu.memory_space<semaphore_mem>>) src(%arg8 : memref<160x128xi32, #tpu.memory_space<vmem>>) dst(%dma_wait3A_156 : memref<160x128xi32, #tpu.memory_space<hbm>>)
      tpu.yield
    }) : () -> ()
    return
  }
}

#map = affine_map<(d0, d1) -> (0, 0)>
#map1 = affine_map<(d0, d1) -> (0)>
module attributes {stable_mosaic.version = 14 : i64} {
  func.func @body(%arg0: i32, %arg1: i32, %arg2: memref<10000x128xf32, #tpu.memory_space<hbm>>, %arg3: memref<5120x128xi32, #tpu.memory_space<hbm>>, %arg4: memref<512xi32, #tpu.memory_space<hbm>>, %arg5: memref<10240x128xf32, #tpu.memory_space<hbm>>, %arg6: memref<160x128xi32, #tpu.memory_space<vmem>>, %arg7: memref<128xi32, #tpu.memory_space<vmem>>, %arg8: memref<1x128xi32, #tpu.memory_space<vmem>>, %arg9: memref<128xi32, #tpu.memory_space<vmem>>, %arg10: memref<1x128xi32, #tpu.memory_space<vmem>>, %arg11: memref<128x128xf32, #tpu.memory_space<vmem>>, %arg12: memref<128x128xf32, #tpu.memory_space<vmem>>, %arg13: memref<320x128xf32, #tpu.memory_space<vmem>>, %arg14: memref<16xi32, #tpu.memory_space<vmem>>, %arg15: memref<5120x128xf32, #tpu.memory_space<vmem_shared>>, %arg16: memref<!tpu.dma_semaphore, #tpu.memory_space<semaphore_mem>>, %arg17: memref<!tpu.dma_semaphore, #tpu.memory_space<semaphore_mem>>, %arg18: memref<!tpu.dma_semaphore, #tpu.memory_space<semaphore_mem>>) attributes {dimension_semantics = [#tpu.dimension_semantics<core_parallel>, #tpu.dimension_semantics<subcore_parallel>], iteration_bounds = array<i64: 2, 16>, scalar_prefetch = 0 : i64, scratch_operands = 13 : i64, tpu.core_type = #tpu.core_type<sc_vector_subcore>, window_params = [{transform_indices = #map}, {transform_indices = #map}, {transform_indices = #map1}, {transform_indices = #map}]} {
    %mul3A = arith.constant 16 : i32
    %mul3A_0 = arith.muli %arg0, %mul3A : i32
    %add3A = arith.addi %mul3A_0, %arg1 : i32
    %mul3A_1 = arith.constant 320 : i32
    %mul3A_2 = arith.muli %arg1, %mul3A_1 : i32
    %broadcast_in_dim3A = arith.constant 0.000000e+00 : f32
    %broadcast_in_dim3A_3 = vector.broadcast %broadcast_in_dim3A : f32 to vector<16xf32>
    %scan3A = arith.constant 0 : i32
    %scan3A_4 = arith.constant 0 : i32
    %scan3A_5 = arith.constant 320 : i32
    %scan3A_6 = arith.addi %scan3A_4, %scan3A_5 : i32
    %scan3A_7 = arith.constant 1 : i32
    scf.for %scan3A_157 = %scan3A_4 to %scan3A_6 step %scan3A_7  : i32 {
      %swap3A_158 = arith.index_cast %scan3A_157 : i32 to index
      %swap3A_159 = arith.constant 0 : index
      %swap3A_160 = tpu.vector_load %arg13[%swap3A_158, %swap3A_159] {strides = array<i32>} : memref<320x128xf32, #tpu.memory_space<vmem>>, vector<1x16xf32>,
      %swap3A_161 = vector.shape_cast %swap3A_160 : vector<1x16xf32> to vector<16xf32>
      %swap3A_162 = vector.shape_cast %broadcast_in_dim3A_3 : vector<16xf32> to vector<1x16xf32>
      tpu.vector_store %arg13[%swap3A_158, %swap3A_159], %swap3A_162 {strides = array<i32>} : memref<320x128xf32, #tpu.memory_space<vmem>>, vector<1x16xf32>,
      %swap3A_163 = arith.index_cast %scan3A_157 : i32 to index
      %swap3A_164 = arith.constant 16 : index
      %swap3A_165 = tpu.vector_load %arg13[%swap3A_163, %swap3A_164] {strides = array<i32>} : memref<320x128xf32, #tpu.memory_space<vmem>>, vector<1x16xf32>,
      %swap3A_166 = vector.shape_cast %swap3A_165 : vector<1x16xf32> to vector<16xf32>
      %swap3A_167 = vector.shape_cast %broadcast_in_dim3A_3 : vector<16xf32> to vector<1x16xf32>
      tpu.vector_store %arg13[%swap3A_163, %swap3A_164], %swap3A_167 {strides = array<i32>} : memref<320x128xf32, #tpu.memory_space<vmem>>, vector<1x16xf32>,
      %swap3A_168 = arith.index_cast %scan3A_157 : i32 to index
      %swap3A_169 = arith.constant 32 : index
      %swap3A_170 = tpu.vector_load %arg13[%swap3A_168, %swap3A_169] {strides = array<i32>} : memref<320x128xf32, #tpu.memory_space<vmem>>, vector<1x16xf32>,
      %swap3A_171 = vector.shape_cast %swap3A_170 : vector<1x16xf32> to vector<16xf32>
      %swap3A_172 = vector.shape_cast %broadcast_in_dim3A_3 : vector<16xf32> to vector<1x16xf32>
      tpu.vector_store %arg13[%swap3A_168, %swap3A_169], %swap3A_172 {strides = array<i32>} : memref<320x128xf32, #tpu.memory_space<vmem>>, vector<1x16xf32>,
      %swap3A_173 = arith.index_cast %scan3A_157 : i32 to index
      %swap3A_174 = arith.constant 48 : index
      %swap3A_175 = tpu.vector_load %arg13[%swap3A_173, %swap3A_174] {strides = array<i32>} : memref<320x128xf32, #tpu.memory_space<vmem>>, vector<1x16xf32>,
      %swap3A_176 = vector.shape_cast %swap3A_175 : vector<1x16xf32> to vector<16xf32>
      %swap3A_177 = vector.shape_cast %broadcast_in_dim3A_3 : vector<16xf32> to vector<1x16xf32>
      tpu.vector_store %arg13[%swap3A_173, %swap3A_174], %swap3A_177 {strides = array<i32>} : memref<320x128xf32, #tpu.memory_space<vmem>>, vector<1x16xf32>,
      %swap3A_178 = arith.index_cast %scan3A_157 : i32 to index
      %swap3A_179 = arith.constant 64 : index
      %swap3A_180 = tpu.vector_load %arg13[%swap3A_178, %swap3A_179] {strides = array<i32>} : memref<320x128xf32, #tpu.memory_space<vmem>>, vector<1x16xf32>,
      %swap3A_181 = vector.shape_cast %swap3A_180 : vector<1x16xf32> to vector<16xf32>
      %swap3A_182 = vector.shape_cast %broadcast_in_dim3A_3 : vector<16xf32> to vector<1x16xf32>
      tpu.vector_store %arg13[%swap3A_178, %swap3A_179], %swap3A_182 {strides = array<i32>} : memref<320x128xf32, #tpu.memory_space<vmem>>, vector<1x16xf32>,
      %swap3A_183 = arith.index_cast %scan3A_157 : i32 to index
      %swap3A_184 = arith.constant 80 : index
      %swap3A_185 = tpu.vector_load %arg13[%swap3A_183, %swap3A_184] {strides = array<i32>} : memref<320x128xf32, #tpu.memory_space<vmem>>, vector<1x16xf32>,
      %swap3A_186 = vector.shape_cast %swap3A_185 : vector<1x16xf32> to vector<16xf32>
      %swap3A_187 = vector.shape_cast %broadcast_in_dim3A_3 : vector<16xf32> to vector<1x16xf32>
      tpu.vector_store %arg13[%swap3A_183, %swap3A_184], %swap3A_187 {strides = array<i32>} : memref<320x128xf32, #tpu.memory_space<vmem>>, vector<1x16xf32>,
      %swap3A_188 = arith.index_cast %scan3A_157 : i32 to index
      %swap3A_189 = arith.constant 96 : index
      %swap3A_190 = tpu.vector_load %arg13[%swap3A_188, %swap3A_189] {strides = array<i32>} : memref<320x128xf32, #tpu.memory_space<vmem>>, vector<1x16xf32>,
      %swap3A_191 = vector.shape_cast %swap3A_190 : vector<1x16xf32> to vector<16xf32>
      %swap3A_192 = vector.shape_cast %broadcast_in_dim3A_3 : vector<16xf32> to vector<1x16xf32>
      tpu.vector_store %arg13[%swap3A_188, %swap3A_189], %swap3A_192 {strides = array<i32>} : memref<320x128xf32, #tpu.memory_space<vmem>>, vector<1x16xf32>,
      %swap3A_193 = arith.index_cast %scan3A_157 : i32 to index
      %swap3A_194 = arith.constant 112 : index
      %swap3A_195 = tpu.vector_load %arg13[%swap3A_193, %swap3A_194] {strides = array<i32>} : memref<320x128xf32, #tpu.memory_space<vmem>>, vector<1x16xf32>,
      %swap3A_196 = vector.shape_cast %swap3A_195 : vector<1x16xf32> to vector<16xf32>
      %swap3A_197 = vector.shape_cast %broadcast_in_dim3A_3 : vector<16xf32> to vector<1x16xf32>
      tpu.vector_store %arg13[%swap3A_193, %swap3A_194], %swap3A_197 {strides = array<i32>} : memref<320x128xf32, #tpu.memory_space<vmem>>, vector<1x16xf32>,
    }
    %scan3A_8 = arith.constant 320 : i32
    "tpu.region"() ({
      %run_scoped3A = tpu.sem_alloc : memref<!tpu.dma_semaphore, #tpu.memory_space<semaphore_mem>>
      %dma_start3A_157 = arith.constant 0 : i32
      %dma_start3A_158 = tpu.memref_slice %arg15[%mul3A_2, %dma_start3A_157] : memref<5120x128xf32, #tpu.memory_space<vmem_shared>> -> memref<320x128xf32, #tpu.memory_space<vmem_shared>>
      %dma_start3A_159 = arith.constant 0 : i32
      %dma_start3A_160 = tpu.memref_slice %arg15[%mul3A_2, %dma_start3A_159] : memref<5120x128xf32, #tpu.memory_space<vmem_shared>> -> memref<320x128xf32, #tpu.memory_space<vmem_shared>>
      tpu.enqueue_dma source(%arg13 : memref<320x128xf32, #tpu.memory_space<vmem>>) target(%dma_start3A_160 : memref<320x128xf32, #tpu.memory_space<vmem_shared>>) target_semaphore(%run_scoped3A : memref<!tpu.dma_semaphore, #tpu.memory_space<semaphore_mem>>)
      %dma_wait3A_161 = arith.constant 0 : i32
      %dma_wait3A_162 = tpu.memref_slice %arg15[%mul3A_2, %dma_wait3A_161] : memref<5120x128xf32, #tpu.memory_space<vmem_shared>> -> memref<320x128xf32, #tpu.memory_space<vmem_shared>>
      %dma_wait3A_163 = arith.constant 0 : i32
      %dma_wait3A_164 = tpu.memref_slice %arg15[%mul3A_2, %dma_wait3A_163] : memref<5120x128xf32, #tpu.memory_space<vmem_shared>> -> memref<320x128xf32, #tpu.memory_space<vmem_shared>>
      tpu.wait_dma2 semaphore(%run_scoped3A : memref<!tpu.dma_semaphore, #tpu.memory_space<semaphore_mem>>) src(%arg13 : memref<320x128xf32, #tpu.memory_space<vmem>>) dst(%dma_wait3A_164 : memref<320x128xf32, #tpu.memory_space<vmem_shared>>)
      tpu.yield
    }) : () -> ()
    %barrier3A = arith.constant 0 : index
    tpu.barrier barrier_id(%barrier3A)
    %mul3A_9 = arith.constant 16 : i32
    %mul3A_10 = arith.muli %add3A, %mul3A_9 : i32
    "tpu.region"() ({
      %run_scoped3A = tpu.sem_alloc : memref<!tpu.dma_semaphore, #tpu.memory_space<semaphore_mem>>
      %dma_start3A_157 = tpu.memref_slice %arg4[%mul3A_10] : memref<512xi32, #tpu.memory_space<hbm>> -> memref<16xi32, #tpu.memory_space<hbm>>
      %dma_start3A_158 = tpu.memref_slice %arg4[%mul3A_10] : memref<512xi32, #tpu.memory_space<hbm>> -> memref<16xi32, #tpu.memory_space<hbm>>
      tpu.enqueue_dma source(%dma_start3A_158 : memref<16xi32, #tpu.memory_space<hbm>>) target(%arg14 : memref<16xi32, #tpu.memory_space<vmem>>) target_semaphore(%run_scoped3A : memref<!tpu.dma_semaphore, #tpu.memory_space<semaphore_mem>>)
      %dma_wait3A_159 = tpu.memref_slice %arg4[%mul3A_10] : memref<512xi32, #tpu.memory_space<hbm>> -> memref<16xi32, #tpu.memory_space<hbm>>
      %dma_wait3A_160 = tpu.memref_slice %arg4[%mul3A_10] : memref<512xi32, #tpu.memory_space<hbm>> -> memref<16xi32, #tpu.memory_space<hbm>>
      tpu.wait_dma2 semaphore(%run_scoped3A : memref<!tpu.dma_semaphore, #tpu.memory_space<semaphore_mem>>) src(%dma_wait3A_160 : memref<16xi32, #tpu.memory_space<hbm>>) dst(%arg14 : memref<16xi32, #tpu.memory_space<vmem>>)
      tpu.yield
    }) : () -> ()
    %get3A = arith.constant 0 : index
    %get3A_11 = tpu.vector_load %arg14[%get3A] {strides = array<i32>} : memref<16xi32, #tpu.memory_space<vmem>>, vector<16xi32>,
    %get3A_12 = vector.shape_cast %get3A_11 : vector<16xi32> to vector<16xi32>
    %slice3A = vector.extract_strided_slice %get3A_12 {offsets = [0], sizes = [1], strides = [1]} : vector<16xi32> to vector<1xi32>
    %squeeze3A = vector.extract %slice3A[0] : i32 from vector<1xi32>
    %iota3A = tpu.iota {dimensions = array<i32: 0>} : vector<16xi32>
    %mul3A_13 = arith.constant 160 : i32
    %mul3A_14 = arith.muli %add3A, %mul3A_13 : i32
    %add3A_15 = arith.constant 0 : i32
    %add3A_16 = arith.addi %mul3A_14, %add3A_15 : i32
    %add3A_17 = vector.broadcast %add3A_16 : i32 to vector<16xi32>
    %add3A_18 = arith.addi %add3A_17, %iota3A : vector<16xi32>
    %swap3A = arith.constant 0 : index
    %swap3A_19 = tpu.vector_load %arg7[%swap3A] {strides = array<i32>} : memref<128xi32, #tpu.memory_space<vmem>>, vector<16xi32>,
    %swap3A_20 = vector.shape_cast %swap3A_19 : vector<16xi32> to vector<16xi32>
    %swap3A_21 = vector.shape_cast %add3A_18 : vector<16xi32> to vector<16xi32>
    tpu.vector_store %arg7[%swap3A], %swap3A_21 {strides = array<i32>} : memref<128xi32, #tpu.memory_space<vmem>>, vector<16xi32>,
    %mul3A_22 = arith.constant 160 : i32
    %mul3A_23 = arith.muli %add3A, %mul3A_22 : i32
    %add3A_24 = arith.constant 16 : i32
    %add3A_25 = arith.addi %mul3A_23, %add3A_24 : i32
    %add3A_26 = vector.broadcast %add3A_25 : i32 to vector<16xi32>
    %add3A_27 = arith.addi %add3A_26, %iota3A : vector<16xi32>
    %swap3A_28 = arith.constant 16 : index
    %swap3A_29 = tpu.vector_load %arg7[%swap3A_28] {strides = array<i32>} : memref<128xi32, #tpu.memory_space<vmem>>, vector<16xi32>,
    %swap3A_30 = vector.shape_cast %swap3A_29 : vector<16xi32> to vector<16xi32>
    %swap3A_31 = vector.shape_cast %add3A_27 : vector<16xi32> to vector<16xi32>
    tpu.vector_store %arg7[%swap3A_28], %swap3A_31 {strides = array<i32>} : memref<128xi32, #tpu.memory_space<vmem>>, vector<16xi32>,
    %mul3A_32 = arith.constant 160 : i32
    %mul3A_33 = arith.muli %add3A, %mul3A_32 : i32
    %add3A_34 = arith.constant 32 : i32
    %add3A_35 = arith.addi %mul3A_33, %add3A_34 : i32
    %add3A_36 = vector.broadcast %add3A_35 : i32 to vector<16xi32>
    %add3A_37 = arith.addi %add3A_36, %iota3A : vector<16xi32>
    %swap3A_38 = arith.constant 32 : index
    %swap3A_39 = tpu.vector_load %arg7[%swap3A_38] {strides = array<i32>} : memref<128xi32, #tpu.memory_space<vmem>>, vector<16xi32>,
    %swap3A_40 = vector.shape_cast %swap3A_39 : vector<16xi32> to vector<16xi32>
    %swap3A_41 = vector.shape_cast %add3A_37 : vector<16xi32> to vector<16xi32>
    tpu.vector_store %arg7[%swap3A_38], %swap3A_41 {strides = array<i32>} : memref<128xi32, #tpu.memory_space<vmem>>, vector<16xi32>,
    %mul3A_42 = arith.constant 160 : i32
    %mul3A_43 = arith.muli %add3A, %mul3A_42 : i32
    %add3A_44 = arith.constant 48 : i32
    %add3A_45 = arith.addi %mul3A_43, %add3A_44 : i32
    %add3A_46 = vector.broadcast %add3A_45 : i32 to vector<16xi32>
    %add3A_47 = arith.addi %add3A_46, %iota3A : vector<16xi32>
    %swap3A_48 = arith.constant 48 : index
    %swap3A_49 = tpu.vector_load %arg7[%swap3A_48] {strides = array<i32>} : memref<128xi32, #tpu.memory_space<vmem>>, vector<16xi32>,
    %swap3A_50 = vector.shape_cast %swap3A_49 : vector<16xi32> to vector<16xi32>
    %swap3A_51 = vector.shape_cast %add3A_47 : vector<16xi32> to vector<16xi32>
    tpu.vector_store %arg7[%swap3A_48], %swap3A_51 {strides = array<i32>} : memref<128xi32, #tpu.memory_space<vmem>>, vector<16xi32>,
    %mul3A_52 = arith.constant 160 : i32
    %mul3A_53 = arith.muli %add3A, %mul3A_52 : i32
    %add3A_54 = arith.constant 64 : i32
    %add3A_55 = arith.addi %mul3A_53, %add3A_54 : i32
    %add3A_56 = vector.broadcast %add3A_55 : i32 to vector<16xi32>
    %add3A_57 = arith.addi %add3A_56, %iota3A : vector<16xi32>
    %swap3A_58 = arith.constant 64 : index
    %swap3A_59 = tpu.vector_load %arg7[%swap3A_58] {strides = array<i32>} : memref<128xi32, #tpu.memory_space<vmem>>, vector<16xi32>,
    %swap3A_60 = vector.shape_cast %swap3A_59 : vector<16xi32> to vector<16xi32>
    %swap3A_61 = vector.shape_cast %add3A_57 : vector<16xi32> to vector<16xi32>
    tpu.vector_store %arg7[%swap3A_58], %swap3A_61 {strides = array<i32>} : memref<128xi32, #tpu.memory_space<vmem>>, vector<16xi32>,
    %mul3A_62 = arith.constant 160 : i32
    %mul3A_63 = arith.muli %add3A, %mul3A_62 : i32
    %add3A_64 = arith.constant 80 : i32
    %add3A_65 = arith.addi %mul3A_63, %add3A_64 : i32
    %add3A_66 = vector.broadcast %add3A_65 : i32 to vector<16xi32>
    %add3A_67 = arith.addi %add3A_66, %iota3A : vector<16xi32>
    %swap3A_68 = arith.constant 80 : index
    %swap3A_69 = tpu.vector_load %arg7[%swap3A_68] {strides = array<i32>} : memref<128xi32, #tpu.memory_space<vmem>>, vector<16xi32>,
    %swap3A_70 = vector.shape_cast %swap3A_69 : vector<16xi32> to vector<16xi32>
    %swap3A_71 = vector.shape_cast %add3A_67 : vector<16xi32> to vector<16xi32>
    tpu.vector_store %arg7[%swap3A_68], %swap3A_71 {strides = array<i32>} : memref<128xi32, #tpu.memory_space<vmem>>, vector<16xi32>,
    %mul3A_72 = arith.constant 160 : i32
    %mul3A_73 = arith.muli %add3A, %mul3A_72 : i32
    %add3A_74 = arith.constant 96 : i32
    %add3A_75 = arith.addi %mul3A_73, %add3A_74 : i32
    %add3A_76 = vector.broadcast %add3A_75 : i32 to vector<16xi32>
    %add3A_77 = arith.addi %add3A_76, %iota3A : vector<16xi32>
    %swap3A_78 = arith.constant 96 : index
    %swap3A_79 = tpu.vector_load %arg7[%swap3A_78] {strides = array<i32>} : memref<128xi32, #tpu.memory_space<vmem>>, vector<16xi32>,
    %swap3A_80 = vector.shape_cast %swap3A_79 : vector<16xi32> to vector<16xi32>
    %swap3A_81 = vector.shape_cast %add3A_77 : vector<16xi32> to vector<16xi32>
    tpu.vector_store %arg7[%swap3A_78], %swap3A_81 {strides = array<i32>} : memref<128xi32, #tpu.memory_space<vmem>>, vector<16xi32>,
    %mul3A_82 = arith.constant 160 : i32
    %mul3A_83 = arith.muli %add3A, %mul3A_82 : i32
    %add3A_84 = arith.constant 112 : i32
    %add3A_85 = arith.addi %mul3A_83, %add3A_84 : i32
    %add3A_86 = vector.broadcast %add3A_85 : i32 to vector<16xi32>
    %add3A_87 = arith.addi %add3A_86, %iota3A : vector<16xi32>
    %swap3A_88 = arith.constant 112 : index
    %swap3A_89 = tpu.vector_load %arg7[%swap3A_88] {strides = array<i32>} : memref<128xi32, #tpu.memory_space<vmem>>, vector<16xi32>,
    %swap3A_90 = vector.shape_cast %swap3A_89 : vector<16xi32> to vector<16xi32>
    %swap3A_91 = vector.shape_cast %add3A_87 : vector<16xi32> to vector<16xi32>
    tpu.vector_store %arg7[%swap3A_88], %swap3A_91 {strides = array<i32>} : memref<128xi32, #tpu.memory_space<vmem>>, vector<16xi32>,
    %dma_start3A = arith.constant 0 : i32
    %dma_start3A_92 = arith.constant 0 : i32
    %dma_start3A_93 = tpu.memref_slice %arg6[%dma_start3A, %dma_start3A_92] : memref<160x128xi32, #tpu.memory_space<vmem>> -> memref<128x128xi32, #tpu.memory_space<vmem>>
    %dma_start3A_94 = arith.constant 0 : i32
    %dma_start3A_95 = arith.constant 0 : i32
    %dma_start3A_96 = tpu.memref_slice %arg3[%dma_start3A_94, %dma_start3A_95] : memref<5120x128xi32, #tpu.memory_space<hbm>> -> memref<5120x128xi32, #tpu.memory_space<hbm>>
    tpu.enqueue_indirect_dma source(%dma_start3A_96 : memref<5120x128xi32, #tpu.memory_space<hbm>>) target(%dma_start3A_93 : memref<128x128xi32, #tpu.memory_space<vmem>>) offsets(%arg7 : memref<128xi32, #tpu.memory_space<vmem>>) semaphore(%arg16 : memref<!tpu.dma_semaphore, #tpu.memory_space<semaphore_mem>>)
    %dma_wait3A = arith.constant 0 : i32
    %dma_wait3A_97 = arith.constant 0 : i32
    %dma_wait3A_98 = tpu.memref_slice %arg6[%dma_wait3A, %dma_wait3A_97] : memref<160x128xi32, #tpu.memory_space<vmem>> -> memref<128x128xi32, #tpu.memory_space<vmem>>
    %dma_wait3A_99 = arith.constant 0 : i32
    %dma_wait3A_100 = arith.constant 0 : i32
    %dma_wait3A_101 = tpu.memref_slice %arg3[%dma_wait3A_99, %dma_wait3A_100] : memref<5120x128xi32, #tpu.memory_space<hbm>> -> memref<5120x128xi32, #tpu.memory_space<hbm>>
    tpu.wait_indirect_dma semaphore(%arg16 : memref<!tpu.dma_semaphore, #tpu.memory_space<semaphore_mem>>) src(%dma_wait3A_101 : memref<5120x128xi32, #tpu.memory_space<hbm>>) dst(%dma_wait3A_98 : memref<128x128xi32, #tpu.memory_space<vmem>>)
    %mul3A_102 = arith.constant 160 : i32
    %mul3A_103 = arith.muli %add3A, %mul3A_102 : i32
    %add3A_104 = arith.constant 128 : i32
    %add3A_105 = arith.addi %mul3A_103, %add3A_104 : i32
    %add3A_106 = arith.constant 0 : i32
    %add3A_107 = arith.addi %add3A_105, %add3A_106 : i32
    %add3A_108 = vector.broadcast %add3A_107 : i32 to vector<16xi32>
    %add3A_109 = arith.addi %add3A_108, %iota3A : vector<16xi32>
    %swap3A_110 = arith.constant 0 : index
    %swap3A_111 = tpu.vector_load %arg7[%swap3A_110] {strides = array<i32>} : memref<128xi32, #tpu.memory_space<vmem>>, vector<16xi32>,
    %swap3A_112 = vector.shape_cast %swap3A_111 : vector<16xi32> to vector<16xi32>
    %swap3A_113 = vector.shape_cast %add3A_109 : vector<16xi32> to vector<16xi32>
    tpu.vector_store %arg7[%swap3A_110], %swap3A_113 {strides = array<i32>} : memref<128xi32, #tpu.memory_space<vmem>>, vector<16xi32>,
    %mul3A_114 = arith.constant 160 : i32
    %mul3A_115 = arith.muli %add3A, %mul3A_114 : i32
    %add3A_116 = arith.constant 128 : i32
    %add3A_117 = arith.addi %mul3A_115, %add3A_116 : i32
    %add3A_118 = arith.constant 16 : i32
    %add3A_119 = arith.addi %add3A_117, %add3A_118 : i32
    %add3A_120 = vector.broadcast %add3A_119 : i32 to vector<16xi32>
    %add3A_121 = arith.addi %add3A_120, %iota3A : vector<16xi32>
    %swap3A_122 = arith.constant 16 : index
    %swap3A_123 = tpu.vector_load %arg7[%swap3A_122] {strides = array<i32>} : memref<128xi32, #tpu.memory_space<vmem>>, vector<16xi32>,
    %swap3A_124 = vector.shape_cast %swap3A_123 : vector<16xi32> to vector<16xi32>
    %swap3A_125 = vector.shape_cast %add3A_121 : vector<16xi32> to vector<16xi32>
    tpu.vector_store %arg7[%swap3A_122], %swap3A_125 {strides = array<i32>} : memref<128xi32, #tpu.memory_space<vmem>>, vector<16xi32>,
    %dma_start3A_126 = arith.constant 128 : i32
    %dma_start3A_127 = arith.constant 0 : i32
    %dma_start3A_128 = tpu.memref_slice %arg6[%dma_start3A_126, %dma_start3A_127] : memref<160x128xi32, #tpu.memory_space<vmem>> -> memref<32x128xi32, #tpu.memory_space<vmem>>
    %dma_start3A_129 = arith.constant 0 : i32
    %dma_start3A_130 = tpu.memref_slice %arg7[%dma_start3A_129] : memref<128xi32, #tpu.memory_space<vmem>> -> memref<32xi32, #tpu.memory_space<vmem>>
    %dma_start3A_131 = arith.constant 0 : i32
    %dma_start3A_132 = arith.constant 0 : i32
    %dma_start3A_133 = tpu.memref_slice %arg3[%dma_start3A_131, %dma_start3A_132] : memref<5120x128xi32, #tpu.memory_space<hbm>> -> memref<5120x128xi32, #tpu.memory_space<hbm>>
    tpu.enqueue_indirect_dma source(%dma_start3A_133 : memref<5120x128xi32, #tpu.memory_space<hbm>>) target(%dma_start3A_128 : memref<32x128xi32, #tpu.memory_space<vmem>>) offsets(%dma_start3A_130 : memref<32xi32, #tpu.memory_space<vmem>>) semaphore(%arg16 : memref<!tpu.dma_semaphore, #tpu.memory_space<semaphore_mem>>)
    %dma_wait3A_134 = arith.constant 128 : i32
    %dma_wait3A_135 = arith.constant 0 : i32
    %dma_wait3A_136 = tpu.memref_slice %arg6[%dma_wait3A_134, %dma_wait3A_135] : memref<160x128xi32, #tpu.memory_space<vmem>> -> memref<32x128xi32, #tpu.memory_space<vmem>>
    %dma_wait3A_137 = arith.constant 0 : i32
    %dma_wait3A_138 = tpu.memref_slice %arg7[%dma_wait3A_137] : memref<128xi32, #tpu.memory_space<vmem>> -> memref<32xi32, #tpu.memory_space<vmem>>
    %dma_wait3A_139 = arith.constant 0 : i32
    %dma_wait3A_140 = arith.constant 0 : i32
    %dma_wait3A_141 = tpu.memref_slice %arg3[%dma_wait3A_139, %dma_wait3A_140] : memref<5120x128xi32, #tpu.memory_space<hbm>> -> memref<5120x128xi32, #tpu.memory_space<hbm>>
    tpu.wait_indirect_dma semaphore(%arg16 : memref<!tpu.dma_semaphore, #tpu.memory_space<semaphore_mem>>) src(%dma_wait3A_141 : memref<5120x128xi32, #tpu.memory_space<hbm>>) dst(%dma_wait3A_136 : memref<32x128xi32, #tpu.memory_space<vmem>>)
    %broadcast_in_dim3A_142 = arith.constant 16383 : i32
    %broadcast_in_dim3A_143 = vector.broadcast %broadcast_in_dim3A_142 : i32 to vector<16xi32>
    %while3A = arith.constant 0 : i32
    %while3A_144 = arith.constant 0 : i32
    %while3A_145 = arith.subi %squeeze3A, %while3A_144 : i32
    %while3A_146 = arith.addi %while3A_144, %while3A_145 : i32
    %while3A_147 = arith.constant 1 : i32
    %while3A_148 = arith.divsi %while3A_145, %while3A_147 : i32
    %while3A_149 = arith.muli %while3A_148, %while3A_147 : i32
    %while3A_150 = arith.addi %while3A_144, %while3A_149 : i32
    %while3A_151 = arith.constant 1 : i32
    scf.for %while3A_157 = %while3A_144 to %while3A_150 step %while3A_151  : i32 {
      %get3A_158 = arith.index_cast %while3A_157 : i32 to index
      %get3A_159 = arith.constant 0 : index
      %get3A_160 = tpu.vector_load %arg6[%get3A_158, %get3A_159] {strides = array<i32>} : memref<160x128xi32, #tpu.memory_space<vmem>>, vector<1x16xi32>,
      %get3A_161 = vector.shape_cast %get3A_160 : vector<1x16xi32> to vector<16xi32>
      %and3A = arith.andi %get3A_161, %broadcast_in_dim3A_143 : vector<16xi32>
      %swap3A_162 = arith.constant 0 : index
      %swap3A_163 = tpu.vector_load %arg7[%swap3A_162] {strides = array<i32>} : memref<128xi32, #tpu.memory_space<vmem>>, vector<16xi32>,
      %swap3A_164 = vector.shape_cast %swap3A_163 : vector<16xi32> to vector<16xi32>
      %swap3A_165 = vector.shape_cast %and3A : vector<16xi32> to vector<16xi32>
      tpu.vector_store %arg7[%swap3A_162], %swap3A_165 {strides = array<i32>} : memref<128xi32, #tpu.memory_space<vmem>>, vector<16xi32>,
      %shift_right_logical3A = arith.constant 14 : i32
      %shift_right_logical3A_166 = vector.broadcast %shift_right_logical3A : i32 to vector<16xi32>
      %shift_right_logical3A_167 = arith.shrui %get3A_161, %shift_right_logical3A_166 : vector<16xi32>
      %swap3A_168 = arith.constant 0 : i32
      %swap3A_169 = arith.index_cast %swap3A_168 : i32 to index
      %swap3A_170 = arith.constant 0 : index
      %swap3A_171 = tpu.vector_load %arg8[%swap3A_169, %swap3A_170] {strides = array<i32>} : memref<1x128xi32, #tpu.memory_space<vmem>>, vector<1x16xi32>,
      %swap3A_172 = vector.shape_cast %swap3A_171 : vector<1x16xi32> to vector<16xi32>
      %swap3A_173 = vector.shape_cast %shift_right_logical3A_167 : vector<16xi32> to vector<1x16xi32>
      tpu.vector_store %arg8[%swap3A_169, %swap3A_170], %swap3A_173 {strides = array<i32>} : memref<1x128xi32, #tpu.memory_space<vmem>>, vector<1x16xi32>,
      %get3A_174 = arith.index_cast %while3A_157 : i32 to index
      %get3A_175 = arith.constant 16 : index
      %get3A_176 = tpu.vector_load %arg6[%get3A_174, %get3A_175] {strides = array<i32>} : memref<160x128xi32, #tpu.memory_space<vmem>>, vector<1x16xi32>,
      %get3A_177 = vector.shape_cast %get3A_176 : vector<1x16xi32> to vector<16xi32>
      %and3A_178 = arith.andi %get3A_177, %broadcast_in_dim3A_143 : vector<16xi32>
      %swap3A_179 = arith.constant 16 : index
      %swap3A_180 = tpu.vector_load %arg7[%swap3A_179] {strides = array<i32>} : memref<128xi32, #tpu.memory_space<vmem>>, vector<16xi32>,
      %swap3A_181 = vector.shape_cast %swap3A_180 : vector<16xi32> to vector<16xi32>
      %swap3A_182 = vector.shape_cast %and3A_178 : vector<16xi32> to vector<16xi32>
      tpu.vector_store %arg7[%swap3A_179], %swap3A_182 {strides = array<i32>} : memref<128xi32, #tpu.memory_space<vmem>>, vector<16xi32>,
      %shift_right_logical3A_183 = arith.constant 14 : i32
      %shift_right_logical3A_184 = vector.broadcast %shift_right_logical3A_183 : i32 to vector<16xi32>
      %shift_right_logical3A_185 = arith.shrui %get3A_177, %shift_right_logical3A_184 : vector<16xi32>
      %swap3A_186 = arith.constant 0 : i32
      %swap3A_187 = arith.index_cast %swap3A_186 : i32 to index
      %swap3A_188 = arith.constant 16 : index
      %swap3A_189 = tpu.vector_load %arg8[%swap3A_187, %swap3A_188] {strides = array<i32>} : memref<1x128xi32, #tpu.memory_space<vmem>>, vector<1x16xi32>,
      %swap3A_190 = vector.shape_cast %swap3A_189 : vector<1x16xi32> to vector<16xi32>
      %swap3A_191 = vector.shape_cast %shift_right_logical3A_185 : vector<16xi32> to vector<1x16xi32>
      tpu.vector_store %arg8[%swap3A_187, %swap3A_188], %swap3A_191 {strides = array<i32>} : memref<1x128xi32, #tpu.memory_space<vmem>>, vector<1x16xi32>,
      %get3A_192 = arith.index_cast %while3A_157 : i32 to index
      %get3A_193 = arith.constant 32 : index
      %get3A_194 = tpu.vector_load %arg6[%get3A_192, %get3A_193] {strides = array<i32>} : memref<160x128xi32, #tpu.memory_space<vmem>>, vector<1x16xi32>,
      %get3A_195 = vector.shape_cast %get3A_194 : vector<1x16xi32> to vector<16xi32>
      %and3A_196 = arith.andi %get3A_195, %broadcast_in_dim3A_143 : vector<16xi32>
      %swap3A_197 = arith.constant 32 : index
      %swap3A_198 = tpu.vector_load %arg7[%swap3A_197] {strides = array<i32>} : memref<128xi32, #tpu.memory_space<vmem>>, vector<16xi32>,
      %swap3A_199 = vector.shape_cast %swap3A_198 : vector<16xi32> to vector<16xi32>
      %swap3A_200 = vector.shape_cast %and3A_196 : vector<16xi32> to vector<16xi32>
      tpu.vector_store %arg7[%swap3A_197], %swap3A_200 {strides = array<i32>} : memref<128xi32, #tpu.memory_space<vmem>>, vector<16xi32>,
      %shift_right_logical3A_201 = arith.constant 14 : i32
      %shift_right_logical3A_202 = vector.broadcast %shift_right_logical3A_201 : i32 to vector<16xi32>
      %shift_right_logical3A_203 = arith.shrui %get3A_195, %shift_right_logical3A_202 : vector<16xi32>
      %swap3A_204 = arith.constant 0 : i32
      %swap3A_205 = arith.index_cast %swap3A_204 : i32 to index
      %swap3A_206 = arith.constant 32 : index
      %swap3A_207 = tpu.vector_load %arg8[%swap3A_205, %swap3A_206] {strides = array<i32>} : memref<1x128xi32, #tpu.memory_space<vmem>>, vector<1x16xi32>,
      %swap3A_208 = vector.shape_cast %swap3A_207 : vector<1x16xi32> to vector<16xi32>
      %swap3A_209 = vector.shape_cast %shift_right_logical3A_203 : vector<16xi32> to vector<1x16xi32>
      tpu.vector_store %arg8[%swap3A_205, %swap3A_206], %swap3A_209 {strides = array<i32>} : memref<1x128xi32, #tpu.memory_space<vmem>>, vector<1x16xi32>,
      %get3A_210 = arith.index_cast %while3A_157 : i32 to index
      %get3A_211 = arith.constant 48 : index
      %get3A_212 = tpu.vector_load %arg6[%get3A_210, %get3A_211] {strides = array<i32>} : memref<160x128xi32, #tpu.memory_space<vmem>>, vector<1x16xi32>,
      %get3A_213 = vector.shape_cast %get3A_212 : vector<1x16xi32> to vector<16xi32>
      %and3A_214 = arith.andi %get3A_213, %broadcast_in_dim3A_143 : vector<16xi32>
      %swap3A_215 = arith.constant 48 : index
      %swap3A_216 = tpu.vector_load %arg7[%swap3A_215] {strides = array<i32>} : memref<128xi32, #tpu.memory_space<vmem>>, vector<16xi32>,
      %swap3A_217 = vector.shape_cast %swap3A_216 : vector<16xi32> to vector<16xi32>
      %swap3A_218 = vector.shape_cast %and3A_214 : vector<16xi32> to vector<16xi32>
      tpu.vector_store %arg7[%swap3A_215], %swap3A_218 {strides = array<i32>} : memref<128xi32, #tpu.memory_space<vmem>>, vector<16xi32>,
      %shift_right_logical3A_219 = arith.constant 14 : i32
      %shift_right_logical3A_220 = vector.broadcast %shift_right_logical3A_219 : i32 to vector<16xi32>
      %shift_right_logical3A_221 = arith.shrui %get3A_213, %shift_right_logical3A_220 : vector<16xi32>
      %swap3A_222 = arith.constant 0 : i32
      %swap3A_223 = arith.index_cast %swap3A_222 : i32 to index
      %swap3A_224 = arith.constant 48 : index
      %swap3A_225 = tpu.vector_load %arg8[%swap3A_223, %swap3A_224] {strides = array<i32>} : memref<1x128xi32, #tpu.memory_space<vmem>>, vector<1x16xi32>,
      %swap3A_226 = vector.shape_cast %swap3A_225 : vector<1x16xi32> to vector<16xi32>
      %swap3A_227 = vector.shape_cast %shift_right_logical3A_221 : vector<16xi32> to vector<1x16xi32>
      tpu.vector_store %arg8[%swap3A_223, %swap3A_224], %swap3A_227 {strides = array<i32>} : memref<1x128xi32, #tpu.memory_space<vmem>>, vector<1x16xi32>,
      %get3A_228 = arith.index_cast %while3A_157 : i32 to index
      %get3A_229 = arith.constant 64 : index
      %get3A_230 = tpu.vector_load %arg6[%get3A_228, %get3A_229] {strides = array<i32>} : memref<160x128xi32, #tpu.memory_space<vmem>>, vector<1x16xi32>,
      %get3A_231 = vector.shape_cast %get3A_230 : vector<1x16xi32> to vector<16xi32>
      %and3A_232 = arith.andi %get3A_231, %broadcast_in_dim3A_143 : vector<16xi32>
      %swap3A_233 = arith.constant 64 : index
      %swap3A_234 = tpu.vector_load %arg7[%swap3A_233] {strides = array<i32>} : memref<128xi32, #tpu.memory_space<vmem>>, vector<16xi32>,
      %swap3A_235 = vector.shape_cast %swap3A_234 : vector<16xi32> to vector<16xi32>
      %swap3A_236 = vector.shape_cast %and3A_232 : vector<16xi32> to vector<16xi32>
      tpu.vector_store %arg7[%swap3A_233], %swap3A_236 {strides = array<i32>} : memref<128xi32, #tpu.memory_space<vmem>>, vector<16xi32>,
      %shift_right_logical3A_237 = arith.constant 14 : i32
      %shift_right_logical3A_238 = vector.broadcast %shift_right_logical3A_237 : i32 to vector<16xi32>
      %shift_right_logical3A_239 = arith.shrui %get3A_231, %shift_right_logical3A_238 : vector<16xi32>
      %swap3A_240 = arith.constant 0 : i32
      %swap3A_241 = arith.index_cast %swap3A_240 : i32 to index
      %swap3A_242 = arith.constant 64 : index
      %swap3A_243 = tpu.vector_load %arg8[%swap3A_241, %swap3A_242] {strides = array<i32>} : memref<1x128xi32, #tpu.memory_space<vmem>>, vector<1x16xi32>,
      %swap3A_244 = vector.shape_cast %swap3A_243 : vector<1x16xi32> to vector<16xi32>
      %swap3A_245 = vector.shape_cast %shift_right_logical3A_239 : vector<16xi32> to vector<1x16xi32>
      tpu.vector_store %arg8[%swap3A_241, %swap3A_242], %swap3A_245 {strides = array<i32>} : memref<1x128xi32, #tpu.memory_space<vmem>>, vector<1x16xi32>,
      %get3A_246 = arith.index_cast %while3A_157 : i32 to index
      %get3A_247 = arith.constant 80 : index
      %get3A_248 = tpu.vector_load %arg6[%get3A_246, %get3A_247] {strides = array<i32>} : memref<160x128xi32, #tpu.memory_space<vmem>>, vector<1x16xi32>,
      %get3A_249 = vector.shape_cast %get3A_248 : vector<1x16xi32> to vector<16xi32>
      %and3A_250 = arith.andi %get3A_249, %broadcast_in_dim3A_143 : vector<16xi32>
      %swap3A_251 = arith.constant 80 : index
      %swap3A_252 = tpu.vector_load %arg7[%swap3A_251] {strides = array<i32>} : memref<128xi32, #tpu.memory_space<vmem>>, vector<16xi32>,
      %swap3A_253 = vector.shape_cast %swap3A_252 : vector<16xi32> to vector<16xi32>
      %swap3A_254 = vector.shape_cast %and3A_250 : vector<16xi32> to vector<16xi32>
      tpu.vector_store %arg7[%swap3A_251], %swap3A_254 {strides = array<i32>} : memref<128xi32, #tpu.memory_space<vmem>>, vector<16xi32>,
      %shift_right_logical3A_255 = arith.constant 14 : i32
      %shift_right_logical3A_256 = vector.broadcast %shift_right_logical3A_255 : i32 to vector<16xi32>
      %shift_right_logical3A_257 = arith.shrui %get3A_249, %shift_right_logical3A_256 : vector<16xi32>
      %swap3A_258 = arith.constant 0 : i32
      %swap3A_259 = arith.index_cast %swap3A_258 : i32 to index
      %swap3A_260 = arith.constant 80 : index
      %swap3A_261 = tpu.vector_load %arg8[%swap3A_259, %swap3A_260] {strides = array<i32>} : memref<1x128xi32, #tpu.memory_space<vmem>>, vector<1x16xi32>,
      %swap3A_262 = vector.shape_cast %swap3A_261 : vector<1x16xi32> to vector<16xi32>
      %swap3A_263 = vector.shape_cast %shift_right_logical3A_257 : vector<16xi32> to vector<1x16xi32>
      tpu.vector_store %arg8[%swap3A_259, %swap3A_260], %swap3A_263 {strides = array<i32>} : memref<1x128xi32, #tpu.memory_space<vmem>>, vector<1x16xi32>,
      %get3A_264 = arith.index_cast %while3A_157 : i32 to index
      %get3A_265 = arith.constant 96 : index
      %get3A_266 = tpu.vector_load %arg6[%get3A_264, %get3A_265] {strides = array<i32>} : memref<160x128xi32, #tpu.memory_space<vmem>>, vector<1x16xi32>,
      %get3A_267 = vector.shape_cast %get3A_266 : vector<1x16xi32> to vector<16xi32>
      %and3A_268 = arith.andi %get3A_267, %broadcast_in_dim3A_143 : vector<16xi32>
      %swap3A_269 = arith.constant 96 : index
      %swap3A_270 = tpu.vector_load %arg7[%swap3A_269] {strides = array<i32>} : memref<128xi32, #tpu.memory_space<vmem>>, vector<16xi32>,
      %swap3A_271 = vector.shape_cast %swap3A_270 : vector<16xi32> to vector<16xi32>
      %swap3A_272 = vector.shape_cast %and3A_268 : vector<16xi32> to vector<16xi32>
      tpu.vector_store %arg7[%swap3A_269], %swap3A_272 {strides = array<i32>} : memref<128xi32, #tpu.memory_space<vmem>>, vector<16xi32>,
      %shift_right_logical3A_273 = arith.constant 14 : i32
      %shift_right_logical3A_274 = vector.broadcast %shift_right_logical3A_273 : i32 to vector<16xi32>
      %shift_right_logical3A_275 = arith.shrui %get3A_267, %shift_right_logical3A_274 : vector<16xi32>
      %swap3A_276 = arith.constant 0 : i32
      %swap3A_277 = arith.index_cast %swap3A_276 : i32 to index
      %swap3A_278 = arith.constant 96 : index
      %swap3A_279 = tpu.vector_load %arg8[%swap3A_277, %swap3A_278] {strides = array<i32>} : memref<1x128xi32, #tpu.memory_space<vmem>>, vector<1x16xi32>,
      %swap3A_280 = vector.shape_cast %swap3A_279 : vector<1x16xi32> to vector<16xi32>
      %swap3A_281 = vector.shape_cast %shift_right_logical3A_275 : vector<16xi32> to vector<1x16xi32>
      tpu.vector_store %arg8[%swap3A_277, %swap3A_278], %swap3A_281 {strides = array<i32>} : memref<1x128xi32, #tpu.memory_space<vmem>>, vector<1x16xi32>,
      %get3A_282 = arith.index_cast %while3A_157 : i32 to index
      %get3A_283 = arith.constant 112 : index
      %get3A_284 = tpu.vector_load %arg6[%get3A_282, %get3A_283] {strides = array<i32>} : memref<160x128xi32, #tpu.memory_space<vmem>>, vector<1x16xi32>,
      %get3A_285 = vector.shape_cast %get3A_284 : vector<1x16xi32> to vector<16xi32>
      %and3A_286 = arith.andi %get3A_285, %broadcast_in_dim3A_143 : vector<16xi32>
      %swap3A_287 = arith.constant 112 : index
      %swap3A_288 = tpu.vector_load %arg7[%swap3A_287] {strides = array<i32>} : memref<128xi32, #tpu.memory_space<vmem>>, vector<16xi32>,
      %swap3A_289 = vector.shape_cast %swap3A_288 : vector<16xi32> to vector<16xi32>
      %swap3A_290 = vector.shape_cast %and3A_286 : vector<16xi32> to vector<16xi32>
      tpu.vector_store %arg7[%swap3A_287], %swap3A_290 {strides = array<i32>} : memref<128xi32, #tpu.memory_space<vmem>>, vector<16xi32>,
      %shift_right_logical3A_291 = arith.constant 14 : i32
      %shift_right_logical3A_292 = vector.broadcast %shift_right_logical3A_291 : i32 to vector<16xi32>
      %shift_right_logical3A_293 = arith.shrui %get3A_285, %shift_right_logical3A_292 : vector<16xi32>
      %swap3A_294 = arith.constant 0 : i32
      %swap3A_295 = arith.index_cast %swap3A_294 : i32 to index
      %swap3A_296 = arith.constant 112 : index
      %swap3A_297 = tpu.vector_load %arg8[%swap3A_295, %swap3A_296] {strides = array<i32>} : memref<1x128xi32, #tpu.memory_space<vmem>>, vector<1x16xi32>,
      %swap3A_298 = vector.shape_cast %swap3A_297 : vector<1x16xi32> to vector<16xi32>
      %swap3A_299 = vector.shape_cast %shift_right_logical3A_293 : vector<16xi32> to vector<1x16xi32>
      tpu.vector_store %arg8[%swap3A_295, %swap3A_296], %swap3A_299 {strides = array<i32>} : memref<1x128xi32, #tpu.memory_space<vmem>>, vector<1x16xi32>,
      %dma_start3A_300 = arith.constant 0 : i32
      %dma_start3A_301 = arith.constant 0 : i32
      %dma_start3A_302 = tpu.memref_slice %arg2[%dma_start3A_300, %dma_start3A_301] : memref<10000x128xf32, #tpu.memory_space<hbm>> -> memref<10000x128xf32, #tpu.memory_space<hbm>>
      tpu.enqueue_indirect_dma source(%dma_start3A_302 : memref<10000x128xf32, #tpu.memory_space<hbm>>) target(%arg11 : memref<128x128xf32, #tpu.memory_space<vmem>>) offsets(%arg7 : memref<128xi32, #tpu.memory_space<vmem>>) semaphore(%arg16 : memref<!tpu.dma_semaphore, #tpu.memory_space<semaphore_mem>>)
      %dma_wait3A_303 = arith.constant 0 : i32
      %dma_wait3A_304 = arith.constant 0 : i32
      %dma_wait3A_305 = tpu.memref_slice %arg2[%dma_wait3A_303, %dma_wait3A_304] : memref<10000x128xf32, #tpu.memory_space<hbm>> -> memref<10000x128xf32, #tpu.memory_space<hbm>>
      tpu.wait_indirect_dma semaphore(%arg16 : memref<!tpu.dma_semaphore, #tpu.memory_space<semaphore_mem>>) src(%dma_wait3A_305 : memref<10000x128xf32, #tpu.memory_space<hbm>>) dst(%arg11 : memref<128x128xf32, #tpu.memory_space<vmem>>)
      %run_scoped3A = arith.constant 0 : i32
      "tpu.region"() ({
        %run_scoped3A_306 = tpu.sem_alloc : memref<!tpu.dma_semaphore, #tpu.memory_space<semaphore_mem>>
        %dma_start3A_307 = arith.constant 0 : i32
        %dma_start3A_308 = tpu.memref_slice %arg8[%run_scoped3A, %dma_start3A_307] : memref<1x128xi32, #tpu.memory_space<vmem>> -> memref<1x128xi32, #tpu.memory_space<vmem>>
        %dma_start3A_309 = tpu.memref_squeeze %dma_start3A_308 : memref<1x128xi32, #tpu.memory_space<vmem>> -> memref<128xi32, #tpu.memory_space<vmem>>
        %dma_start3A_310 = arith.constant 0 : i32
        %dma_start3A_311 = arith.constant 0 : i32
        %dma_start3A_312 = tpu.memref_slice %arg15[%dma_start3A_310, %dma_start3A_311] : memref<5120x128xf32, #tpu.memory_space<vmem_shared>> -> memref<5120x128xf32, #tpu.memory_space<vmem_shared>>
        tpu.enqueue_indirect_dma source(%arg11 : memref<128x128xf32, #tpu.memory_space<vmem>>) target(%dma_start3A_312 : memref<5120x128xf32, #tpu.memory_space<vmem_shared>>) offsets(%dma_start3A_309 : memref<128xi32, #tpu.memory_space<vmem>>) semaphore(%run_scoped3A_306 : memref<!tpu.dma_semaphore, #tpu.memory_space<semaphore_mem>>) {add = true}
        %dma_wait3A_313 = arith.constant 0 : i32
        %dma_wait3A_314 = tpu.memref_slice %arg8[%run_scoped3A, %dma_wait3A_313] : memref<1x128xi32, #tpu.memory_space<vmem>> -> memref<1x128xi32, #tpu.memory_space<vmem>>
        %dma_wait3A_315 = tpu.memref_squeeze %dma_wait3A_314 : memref<1x128xi32, #tpu.memory_space<vmem>> -> memref<128xi32, #tpu.memory_space<vmem>>
        %dma_wait3A_316 = arith.constant 0 : i32
        %dma_wait3A_317 = arith.constant 0 : i32
        %dma_wait3A_318 = tpu.memref_slice %arg15[%dma_wait3A_316, %dma_wait3A_317] : memref<5120x128xf32, #tpu.memory_space<vmem_shared>> -> memref<5120x128xf32, #tpu.memory_space<vmem_shared>>
        tpu.wait_indirect_dma semaphore(%run_scoped3A_306 : memref<!tpu.dma_semaphore, #tpu.memory_space<semaphore_mem>>) src(%arg11 : memref<128x128xf32, #tpu.memory_space<vmem>>) dst(%dma_wait3A_318 : memref<5120x128xf32, #tpu.memory_space<vmem_shared>>)
        tpu.yield
      }) : () -> ()
    }
    %while3A_152 = arith.constant 1 : i32
    scf.for %while3A_157 = %while3A_150 to %while3A_146 step %while3A_152  : i32 {
      %get3A_158 = arith.index_cast %while3A_157 : i32 to index
      %get3A_159 = arith.constant 0 : index
      %get3A_160 = tpu.vector_load %arg6[%get3A_158, %get3A_159] {strides = array<i32>} : memref<160x128xi32, #tpu.memory_space<vmem>>, vector<1x16xi32>,
      %get3A_161 = vector.shape_cast %get3A_160 : vector<1x16xi32> to vector<16xi32>
      %and3A = arith.andi %get3A_161, %broadcast_in_dim3A_143 : vector<16xi32>
      %swap3A_162 = arith.constant 0 : index
      %swap3A_163 = tpu.vector_load %arg7[%swap3A_162] {strides = array<i32>} : memref<128xi32, #tpu.memory_space<vmem>>, vector<16xi32>,
      %swap3A_164 = vector.shape_cast %swap3A_163 : vector<16xi32> to vector<16xi32>
      %swap3A_165 = vector.shape_cast %and3A : vector<16xi32> to vector<16xi32>
      tpu.vector_store %arg7[%swap3A_162], %swap3A_165 {strides = array<i32>} : memref<128xi32, #tpu.memory_space<vmem>>, vector<16xi32>,
      %shift_right_logical3A = arith.constant 14 : i32
      %shift_right_logical3A_166 = vector.broadcast %shift_right_logical3A : i32 to vector<16xi32>
      %shift_right_logical3A_167 = arith.shrui %get3A_161, %shift_right_logical3A_166 : vector<16xi32>
      %swap3A_168 = arith.constant 0 : i32
      %swap3A_169 = arith.index_cast %swap3A_168 : i32 to index
      %swap3A_170 = arith.constant 0 : index
      %swap3A_171 = tpu.vector_load %arg8[%swap3A_169, %swap3A_170] {strides = array<i32>} : memref<1x128xi32, #tpu.memory_space<vmem>>, vector<1x16xi32>,
      %swap3A_172 = vector.shape_cast %swap3A_171 : vector<1x16xi32> to vector<16xi32>
      %swap3A_173 = vector.shape_cast %shift_right_logical3A_167 : vector<16xi32> to vector<1x16xi32>
      tpu.vector_store %arg8[%swap3A_169, %swap3A_170], %swap3A_173 {strides = array<i32>} : memref<1x128xi32, #tpu.memory_space<vmem>>, vector<1x16xi32>,
      %get3A_174 = arith.index_cast %while3A_157 : i32 to index
      %get3A_175 = arith.constant 16 : index
      %get3A_176 = tpu.vector_load %arg6[%get3A_174, %get3A_175] {strides = array<i32>} : memref<160x128xi32, #tpu.memory_space<vmem>>, vector<1x16xi32>,
      %get3A_177 = vector.shape_cast %get3A_176 : vector<1x16xi32> to vector<16xi32>
      %and3A_178 = arith.andi %get3A_177, %broadcast_in_dim3A_143 : vector<16xi32>
      %swap3A_179 = arith.constant 16 : index
      %swap3A_180 = tpu.vector_load %arg7[%swap3A_179] {strides = array<i32>} : memref<128xi32, #tpu.memory_space<vmem>>, vector<16xi32>,
      %swap3A_181 = vector.shape_cast %swap3A_180 : vector<16xi32> to vector<16xi32>
      %swap3A_182 = vector.shape_cast %and3A_178 : vector<16xi32> to vector<16xi32>
      tpu.vector_store %arg7[%swap3A_179], %swap3A_182 {strides = array<i32>} : memref<128xi32, #tpu.memory_space<vmem>>, vector<16xi32>,
      %shift_right_logical3A_183 = arith.constant 14 : i32
      %shift_right_logical3A_184 = vector.broadcast %shift_right_logical3A_183 : i32 to vector<16xi32>
      %shift_right_logical3A_185 = arith.shrui %get3A_177, %shift_right_logical3A_184 : vector<16xi32>
      %swap3A_186 = arith.constant 0 : i32
      %swap3A_187 = arith.index_cast %swap3A_186 : i32 to index
      %swap3A_188 = arith.constant 16 : index
      %swap3A_189 = tpu.vector_load %arg8[%swap3A_187, %swap3A_188] {strides = array<i32>} : memref<1x128xi32, #tpu.memory_space<vmem>>, vector<1x16xi32>,
      %swap3A_190 = vector.shape_cast %swap3A_189 : vector<1x16xi32> to vector<16xi32>
      %swap3A_191 = vector.shape_cast %shift_right_logical3A_185 : vector<16xi32> to vector<1x16xi32>
      tpu.vector_store %arg8[%swap3A_187, %swap3A_188], %swap3A_191 {strides = array<i32>} : memref<1x128xi32, #tpu.memory_space<vmem>>, vector<1x16xi32>,
      %get3A_192 = arith.index_cast %while3A_157 : i32 to index
      %get3A_193 = arith.constant 32 : index
      %get3A_194 = tpu.vector_load %arg6[%get3A_192, %get3A_193] {strides = array<i32>} : memref<160x128xi32, #tpu.memory_space<vmem>>, vector<1x16xi32>,
      %get3A_195 = vector.shape_cast %get3A_194 : vector<1x16xi32> to vector<16xi32>
      %and3A_196 = arith.andi %get3A_195, %broadcast_in_dim3A_143 : vector<16xi32>
      %swap3A_197 = arith.constant 32 : index
      %swap3A_198 = tpu.vector_load %arg7[%swap3A_197] {strides = array<i32>} : memref<128xi32, #tpu.memory_space<vmem>>, vector<16xi32>,
      %swap3A_199 = vector.shape_cast %swap3A_198 : vector<16xi32> to vector<16xi32>
      %swap3A_200 = vector.shape_cast %and3A_196 : vector<16xi32> to vector<16xi32>
      tpu.vector_store %arg7[%swap3A_197], %swap3A_200 {strides = array<i32>} : memref<128xi32, #tpu.memory_space<vmem>>, vector<16xi32>,
      %shift_right_logical3A_201 = arith.constant 14 : i32
      %shift_right_logical3A_202 = vector.broadcast %shift_right_logical3A_201 : i32 to vector<16xi32>
      %shift_right_logical3A_203 = arith.shrui %get3A_195, %shift_right_logical3A_202 : vector<16xi32>
      %swap3A_204 = arith.constant 0 : i32
      %swap3A_205 = arith.index_cast %swap3A_204 : i32 to index
      %swap3A_206 = arith.constant 32 : index
      %swap3A_207 = tpu.vector_load %arg8[%swap3A_205, %swap3A_206] {strides = array<i32>} : memref<1x128xi32, #tpu.memory_space<vmem>>, vector<1x16xi32>,
      %swap3A_208 = vector.shape_cast %swap3A_207 : vector<1x16xi32> to vector<16xi32>
      %swap3A_209 = vector.shape_cast %shift_right_logical3A_203 : vector<16xi32> to vector<1x16xi32>
      tpu.vector_store %arg8[%swap3A_205, %swap3A_206], %swap3A_209 {strides = array<i32>} : memref<1x128xi32, #tpu.memory_space<vmem>>, vector<1x16xi32>,
      %get3A_210 = arith.index_cast %while3A_157 : i32 to index
      %get3A_211 = arith.constant 48 : index
      %get3A_212 = tpu.vector_load %arg6[%get3A_210, %get3A_211] {strides = array<i32>} : memref<160x128xi32, #tpu.memory_space<vmem>>, vector<1x16xi32>,
      %get3A_213 = vector.shape_cast %get3A_212 : vector<1x16xi32> to vector<16xi32>
      %and3A_214 = arith.andi %get3A_213, %broadcast_in_dim3A_143 : vector<16xi32>
      %swap3A_215 = arith.constant 48 : index
      %swap3A_216 = tpu.vector_load %arg7[%swap3A_215] {strides = array<i32>} : memref<128xi32, #tpu.memory_space<vmem>>, vector<16xi32>,
      %swap3A_217 = vector.shape_cast %swap3A_216 : vector<16xi32> to vector<16xi32>
      %swap3A_218 = vector.shape_cast %and3A_214 : vector<16xi32> to vector<16xi32>
      tpu.vector_store %arg7[%swap3A_215], %swap3A_218 {strides = array<i32>} : memref<128xi32, #tpu.memory_space<vmem>>, vector<16xi32>,
      %shift_right_logical3A_219 = arith.constant 14 : i32
      %shift_right_logical3A_220 = vector.broadcast %shift_right_logical3A_219 : i32 to vector<16xi32>
      %shift_right_logical3A_221 = arith.shrui %get3A_213, %shift_right_logical3A_220 : vector<16xi32>
      %swap3A_222 = arith.constant 0 : i32
      %swap3A_223 = arith.index_cast %swap3A_222 : i32 to index
      %swap3A_224 = arith.constant 48 : index
      %swap3A_225 = tpu.vector_load %arg8[%swap3A_223, %swap3A_224] {strides = array<i32>} : memref<1x128xi32, #tpu.memory_space<vmem>>, vector<1x16xi32>,
      %swap3A_226 = vector.shape_cast %swap3A_225 : vector<1x16xi32> to vector<16xi32>
      %swap3A_227 = vector.shape_cast %shift_right_logical3A_221 : vector<16xi32> to vector<1x16xi32>
      tpu.vector_store %arg8[%swap3A_223, %swap3A_224], %swap3A_227 {strides = array<i32>} : memref<1x128xi32, #tpu.memory_space<vmem>>, vector<1x16xi32>,
      %get3A_228 = arith.index_cast %while3A_157 : i32 to index
      %get3A_229 = arith.constant 64 : index
      %get3A_230 = tpu.vector_load %arg6[%get3A_228, %get3A_229] {strides = array<i32>} : memref<160x128xi32, #tpu.memory_space<vmem>>, vector<1x16xi32>,
      %get3A_231 = vector.shape_cast %get3A_230 : vector<1x16xi32> to vector<16xi32>
      %and3A_232 = arith.andi %get3A_231, %broadcast_in_dim3A_143 : vector<16xi32>
      %swap3A_233 = arith.constant 64 : index
      %swap3A_234 = tpu.vector_load %arg7[%swap3A_233] {strides = array<i32>} : memref<128xi32, #tpu.memory_space<vmem>>, vector<16xi32>,
      %swap3A_235 = vector.shape_cast %swap3A_234 : vector<16xi32> to vector<16xi32>
      %swap3A_236 = vector.shape_cast %and3A_232 : vector<16xi32> to vector<16xi32>
      tpu.vector_store %arg7[%swap3A_233], %swap3A_236 {strides = array<i32>} : memref<128xi32, #tpu.memory_space<vmem>>, vector<16xi32>,
      %shift_right_logical3A_237 = arith.constant 14 : i32
      %shift_right_logical3A_238 = vector.broadcast %shift_right_logical3A_237 : i32 to vector<16xi32>
      %shift_right_logical3A_239 = arith.shrui %get3A_231, %shift_right_logical3A_238 : vector<16xi32>
      %swap3A_240 = arith.constant 0 : i32
      %swap3A_241 = arith.index_cast %swap3A_240 : i32 to index
      %swap3A_242 = arith.constant 64 : index
      %swap3A_243 = tpu.vector_load %arg8[%swap3A_241, %swap3A_242] {strides = array<i32>} : memref<1x128xi32, #tpu.memory_space<vmem>>, vector<1x16xi32>,
      %swap3A_244 = vector.shape_cast %swap3A_243 : vector<1x16xi32> to vector<16xi32>
      %swap3A_245 = vector.shape_cast %shift_right_logical3A_239 : vector<16xi32> to vector<1x16xi32>
      tpu.vector_store %arg8[%swap3A_241, %swap3A_242], %swap3A_245 {strides = array<i32>} : memref<1x128xi32, #tpu.memory_space<vmem>>, vector<1x16xi32>,
      %get3A_246 = arith.index_cast %while3A_157 : i32 to index
      %get3A_247 = arith.constant 80 : index
      %get3A_248 = tpu.vector_load %arg6[%get3A_246, %get3A_247] {strides = array<i32>} : memref<160x128xi32, #tpu.memory_space<vmem>>, vector<1x16xi32>,
      %get3A_249 = vector.shape_cast %get3A_248 : vector<1x16xi32> to vector<16xi32>
      %and3A_250 = arith.andi %get3A_249, %broadcast_in_dim3A_143 : vector<16xi32>
      %swap3A_251 = arith.constant 80 : index
      %swap3A_252 = tpu.vector_load %arg7[%swap3A_251] {strides = array<i32>} : memref<128xi32, #tpu.memory_space<vmem>>, vector<16xi32>,
      %swap3A_253 = vector.shape_cast %swap3A_252 : vector<16xi32> to vector<16xi32>
      %swap3A_254 = vector.shape_cast %and3A_250 : vector<16xi32> to vector<16xi32>
      tpu.vector_store %arg7[%swap3A_251], %swap3A_254 {strides = array<i32>} : memref<128xi32, #tpu.memory_space<vmem>>, vector<16xi32>,
      %shift_right_logical3A_255 = arith.constant 14 : i32
      %shift_right_logical3A_256 = vector.broadcast %shift_right_logical3A_255 : i32 to vector<16xi32>
      %shift_right_logical3A_257 = arith.shrui %get3A_249, %shift_right_logical3A_256 : vector<16xi32>
      %swap3A_258 = arith.constant 0 : i32
      %swap3A_259 = arith.index_cast %swap3A_258 : i32 to index
      %swap3A_260 = arith.constant 80 : index
      %swap3A_261 = tpu.vector_load %arg8[%swap3A_259, %swap3A_260] {strides = array<i32>} : memref<1x128xi32, #tpu.memory_space<vmem>>, vector<1x16xi32>,
      %swap3A_262 = vector.shape_cast %swap3A_261 : vector<1x16xi32> to vector<16xi32>
      %swap3A_263 = vector.shape_cast %shift_right_logical3A_257 : vector<16xi32> to vector<1x16xi32>
      tpu.vector_store %arg8[%swap3A_259, %swap3A_260], %swap3A_263 {strides = array<i32>} : memref<1x128xi32, #tpu.memory_space<vmem>>, vector<1x16xi32>,
      %get3A_264 = arith.index_cast %while3A_157 : i32 to index
      %get3A_265 = arith.constant 96 : index
      %get3A_266 = tpu.vector_load %arg6[%get3A_264, %get3A_265] {strides = array<i32>} : memref<160x128xi32, #tpu.memory_space<vmem>>, vector<1x16xi32>,
      %get3A_267 = vector.shape_cast %get3A_266 : vector<1x16xi32> to vector<16xi32>
      %and3A_268 = arith.andi %get3A_267, %broadcast_in_dim3A_143 : vector<16xi32>
      %swap3A_269 = arith.constant 96 : index
      %swap3A_270 = tpu.vector_load %arg7[%swap3A_269] {strides = array<i32>} : memref<128xi32, #tpu.memory_space<vmem>>, vector<16xi32>,
      %swap3A_271 = vector.shape_cast %swap3A_270 : vector<16xi32> to vector<16xi32>
      %swap3A_272 = vector.shape_cast %and3A_268 : vector<16xi32> to vector<16xi32>
      tpu.vector_store %arg7[%swap3A_269], %swap3A_272 {strides = array<i32>} : memref<128xi32, #tpu.memory_space<vmem>>, vector<16xi32>,
      %shift_right_logical3A_273 = arith.constant 14 : i32
      %shift_right_logical3A_274 = vector.broadcast %shift_right_logical3A_273 : i32 to vector<16xi32>
      %shift_right_logical3A_275 = arith.shrui %get3A_267, %shift_right_logical3A_274 : vector<16xi32>
      %swap3A_276 = arith.constant 0 : i32
      %swap3A_277 = arith.index_cast %swap3A_276 : i32 to index
      %swap3A_278 = arith.constant 96 : index
      %swap3A_279 = tpu.vector_load %arg8[%swap3A_277, %swap3A_278] {strides = array<i32>} : memref<1x128xi32, #tpu.memory_space<vmem>>, vector<1x16xi32>,
      %swap3A_280 = vector.shape_cast %swap3A_279 : vector<1x16xi32> to vector<16xi32>
      %swap3A_281 = vector.shape_cast %shift_right_logical3A_275 : vector<16xi32> to vector<1x16xi32>
      tpu.vector_store %arg8[%swap3A_277, %swap3A_278], %swap3A_281 {strides = array<i32>} : memref<1x128xi32, #tpu.memory_space<vmem>>, vector<1x16xi32>,
      %get3A_282 = arith.index_cast %while3A_157 : i32 to index
      %get3A_283 = arith.constant 112 : index
      %get3A_284 = tpu.vector_load %arg6[%get3A_282, %get3A_283] {strides = array<i32>} : memref<160x128xi32, #tpu.memory_space<vmem>>, vector<1x16xi32>,
      %get3A_285 = vector.shape_cast %get3A_284 : vector<1x16xi32> to vector<16xi32>
      %and3A_286 = arith.andi %get3A_285, %broadcast_in_dim3A_143 : vector<16xi32>
      %swap3A_287 = arith.constant 112 : index
      %swap3A_288 = tpu.vector_load %arg7[%swap3A_287] {strides = array<i32>} : memref<128xi32, #tpu.memory_space<vmem>>, vector<16xi32>,
      %swap3A_289 = vector.shape_cast %swap3A_288 : vector<16xi32> to vector<16xi32>
      %swap3A_290 = vector.shape_cast %and3A_286 : vector<16xi32> to vector<16xi32>
      tpu.vector_store %arg7[%swap3A_287], %swap3A_290 {strides = array<i32>} : memref<128xi32, #tpu.memory_space<vmem>>, vector<16xi32>,
      %shift_right_logical3A_291 = arith.constant 14 : i32
      %shift_right_logical3A_292 = vector.broadcast %shift_right_logical3A_291 : i32 to vector<16xi32>
      %shift_right_logical3A_293 = arith.shrui %get3A_285, %shift_right_logical3A_292 : vector<16xi32>
      %swap3A_294 = arith.constant 0 : i32
      %swap3A_295 = arith.index_cast %swap3A_294 : i32 to index
      %swap3A_296 = arith.constant 112 : index
      %swap3A_297 = tpu.vector_load %arg8[%swap3A_295, %swap3A_296] {strides = array<i32>} : memref<1x128xi32, #tpu.memory_space<vmem>>, vector<1x16xi32>,
      %swap3A_298 = vector.shape_cast %swap3A_297 : vector<1x16xi32> to vector<16xi32>
      %swap3A_299 = vector.shape_cast %shift_right_logical3A_293 : vector<16xi32> to vector<1x16xi32>
      tpu.vector_store %arg8[%swap3A_295, %swap3A_296], %swap3A_299 {strides = array<i32>} : memref<1x128xi32, #tpu.memory_space<vmem>>, vector<1x16xi32>,
      %dma_start3A_300 = arith.constant 0 : i32
      %dma_start3A_301 = arith.constant 0 : i32
      %dma_start3A_302 = tpu.memref_slice %arg2[%dma_start3A_300, %dma_start3A_301] : memref<10000x128xf32, #tpu.memory_space<hbm>> -> memref<10000x128xf32, #tpu.memory_space<hbm>>
      tpu.enqueue_indirect_dma source(%dma_start3A_302 : memref<10000x128xf32, #tpu.memory_space<hbm>>) target(%arg11 : memref<128x128xf32, #tpu.memory_space<vmem>>) offsets(%arg7 : memref<128xi32, #tpu.memory_space<vmem>>) semaphore(%arg16 : memref<!tpu.dma_semaphore, #tpu.memory_space<semaphore_mem>>)
      %dma_wait3A_303 = arith.constant 0 : i32
      %dma_wait3A_304 = arith.constant 0 : i32
      %dma_wait3A_305 = tpu.memref_slice %arg2[%dma_wait3A_303, %dma_wait3A_304] : memref<10000x128xf32, #tpu.memory_space<hbm>> -> memref<10000x128xf32, #tpu.memory_space<hbm>>
      tpu.wait_indirect_dma semaphore(%arg16 : memref<!tpu.dma_semaphore, #tpu.memory_space<semaphore_mem>>) src(%dma_wait3A_305 : memref<10000x128xf32, #tpu.memory_space<hbm>>) dst(%arg11 : memref<128x128xf32, #tpu.memory_space<vmem>>)
      %run_scoped3A = arith.constant 0 : i32
      "tpu.region"() ({
        %run_scoped3A_306 = tpu.sem_alloc : memref<!tpu.dma_semaphore, #tpu.memory_space<semaphore_mem>>
        %dma_start3A_307 = arith.constant 0 : i32
        %dma_start3A_308 = tpu.memref_slice %arg8[%run_scoped3A, %dma_start3A_307] : memref<1x128xi32, #tpu.memory_space<vmem>> -> memref<1x128xi32, #tpu.memory_space<vmem>>
        %dma_start3A_309 = tpu.memref_squeeze %dma_start3A_308 : memref<1x128xi32, #tpu.memory_space<vmem>> -> memref<128xi32, #tpu.memory_space<vmem>>
        %dma_start3A_310 = arith.constant 0 : i32
        %dma_start3A_311 = arith.constant 0 : i32
        %dma_start3A_312 = tpu.memref_slice %arg15[%dma_start3A_310, %dma_start3A_311] : memref<5120x128xf32, #tpu.memory_space<vmem_shared>> -> memref<5120x128xf32, #tpu.memory_space<vmem_shared>>
        tpu.enqueue_indirect_dma source(%arg11 : memref<128x128xf32, #tpu.memory_space<vmem>>) target(%dma_start3A_312 : memref<5120x128xf32, #tpu.memory_space<vmem_shared>>) offsets(%dma_start3A_309 : memref<128xi32, #tpu.memory_space<vmem>>) semaphore(%run_scoped3A_306 : memref<!tpu.dma_semaphore, #tpu.memory_space<semaphore_mem>>) {add = true}
        %dma_wait3A_313 = arith.constant 0 : i32
        %dma_wait3A_314 = tpu.memref_slice %arg8[%run_scoped3A, %dma_wait3A_313] : memref<1x128xi32, #tpu.memory_space<vmem>> -> memref<1x128xi32, #tpu.memory_space<vmem>>
        %dma_wait3A_315 = tpu.memref_squeeze %dma_wait3A_314 : memref<1x128xi32, #tpu.memory_space<vmem>> -> memref<128xi32, #tpu.memory_space<vmem>>
        %dma_wait3A_316 = arith.constant 0 : i32
        %dma_wait3A_317 = arith.constant 0 : i32
        %dma_wait3A_318 = tpu.memref_slice %arg15[%dma_wait3A_316, %dma_wait3A_317] : memref<5120x128xf32, #tpu.memory_space<vmem_shared>> -> memref<5120x128xf32, #tpu.memory_space<vmem_shared>>
        tpu.wait_indirect_dma semaphore(%run_scoped3A_306 : memref<!tpu.dma_semaphore, #tpu.memory_space<semaphore_mem>>) src(%arg11 : memref<128x128xf32, #tpu.memory_space<vmem>>) dst(%dma_wait3A_318 : memref<5120x128xf32, #tpu.memory_space<vmem_shared>>)
        tpu.yield
      }) : () -> ()
    }
    %barrier3A_153 = arith.constant 0 : index
    tpu.barrier barrier_id(%barrier3A_153)
    %mul3A_154 = arith.constant 5120 : i32
    %mul3A_155 = arith.muli %arg0, %mul3A_154 : i32
    %add3A_156 = arith.addi %mul3A_155, %mul3A_2 : i32
    "tpu.region"() ({
      %run_scoped3A = tpu.sem_alloc : memref<!tpu.dma_semaphore, #tpu.memory_space<semaphore_mem>>
      %dma_start3A_157 = arith.constant 0 : i32
      %dma_start3A_158 = tpu.memref_slice %arg15[%mul3A_2, %dma_start3A_157] : memref<5120x128xf32, #tpu.memory_space<vmem_shared>> -> memref<320x128xf32, #tpu.memory_space<vmem_shared>>
      %dma_start3A_159 = arith.constant 0 : i32
      %dma_start3A_160 = tpu.memref_slice %arg15[%mul3A_2, %dma_start3A_159] : memref<5120x128xf32, #tpu.memory_space<vmem_shared>> -> memref<320x128xf32, #tpu.memory_space<vmem_shared>>
      tpu.enqueue_dma source(%dma_start3A_160 : memref<320x128xf32, #tpu.memory_space<vmem_shared>>) target(%arg13 : memref<320x128xf32, #tpu.memory_space<vmem>>) target_semaphore(%run_scoped3A : memref<!tpu.dma_semaphore, #tpu.memory_space<semaphore_mem>>)
      %dma_wait3A_161 = arith.constant 0 : i32
      %dma_wait3A_162 = tpu.memref_slice %arg15[%mul3A_2, %dma_wait3A_161] : memref<5120x128xf32, #tpu.memory_space<vmem_shared>> -> memref<320x128xf32, #tpu.memory_space<vmem_shared>>
      %dma_wait3A_163 = arith.constant 0 : i32
      %dma_wait3A_164 = tpu.memref_slice %arg15[%mul3A_2, %dma_wait3A_163] : memref<5120x128xf32, #tpu.memory_space<vmem_shared>> -> memref<320x128xf32, #tpu.memory_space<vmem_shared>>
      tpu.wait_dma2 semaphore(%run_scoped3A : memref<!tpu.dma_semaphore, #tpu.memory_space<semaphore_mem>>) src(%dma_wait3A_164 : memref<320x128xf32, #tpu.memory_space<vmem_shared>>) dst(%arg13 : memref<320x128xf32, #tpu.memory_space<vmem>>)
      tpu.yield
    }) : () -> ()
    "tpu.region"() ({
      %run_scoped3A = tpu.sem_alloc : memref<!tpu.dma_semaphore, #tpu.memory_space<semaphore_mem>>
      %dma_start3A_157 = arith.constant 0 : i32
      %dma_start3A_158 = tpu.memref_slice %arg5[%add3A_156, %dma_start3A_157] : memref<10240x128xf32, #tpu.memory_space<hbm>> -> memref<320x128xf32, #tpu.memory_space<hbm>>
      %dma_start3A_159 = arith.constant 0 : i32
      %dma_start3A_160 = tpu.memref_slice %arg5[%add3A_156, %dma_start3A_159] : memref<10240x128xf32, #tpu.memory_space<hbm>> -> memref<320x128xf32, #tpu.memory_space<hbm>>
      tpu.enqueue_dma source(%arg13 : memref<320x128xf32, #tpu.memory_space<vmem>>) target(%dma_start3A_160 : memref<320x128xf32, #tpu.memory_space<hbm>>) target_semaphore(%run_scoped3A : memref<!tpu.dma_semaphore, #tpu.memory_space<semaphore_mem>>)
      %dma_wait3A_161 = arith.constant 0 : i32
      %dma_wait3A_162 = tpu.memref_slice %arg5[%add3A_156, %dma_wait3A_161] : memref<10240x128xf32, #tpu.memory_space<hbm>> -> memref<320x128xf32, #tpu.memory_space<hbm>>
      %dma_wait3A_163 = arith.constant 0 : i32
      %dma_wait3A_164 = tpu.memref_slice %arg5[%add3A_156, %dma_wait3A_163] : memref<10240x128xf32, #tpu.memory_space<hbm>> -> memref<320x128xf32, #tpu.memory_space<hbm>>
      tpu.wait_dma2 semaphore(%run_scoped3A : memref<!tpu.dma_semaphore, #tpu.memory_space<semaphore_mem>>) src(%arg13 : memref<320x128xf32, #tpu.memory_space<vmem>>) dst(%dma_wait3A_164 : memref<320x128xf32, #tpu.memory_space<hbm>>)
      tpu.yield
    }) : () -> ()
    return
  }
}

module attributes {stable_mosaic.version = 14 : i64} {
  func.func @_layer_body(%arg0: i32, %arg1: memref<1000x128xf32, #tpu.memory_space<vmem>>, %arg2: memref<1000x128xf32, #tpu.memory_space<vmem>>, %arg3: memref<1000x128xf32, #tpu.memory_space<vmem>>, %arg4: memref<128x128xf32, #tpu.memory_space<vmem>>, %arg5: memref<128x128xf32, #tpu.memory_space<vmem>>, %arg6: memref<1x128xf32, #tpu.memory_space<vmem>>, %arg7: memref<1000x128xf32, #tpu.memory_space<vmem>>) attributes {dimension_semantics = [#tpu.dimension_semantics<arbitrary>], iteration_bounds = array<i64: 10>, scalar_prefetch = 0 : i64, scratch_operands = 0 : i64, tpu.core_type = #tpu.core_type<tc>, window_params = [{transform_indices = @transform_0, window_bounds = array<i64: 1000, 128>}, {transform_indices = @transform_1, window_bounds = array<i64: 1000, 128>}, {transform_indices = @transform_2, window_bounds = array<i64: 1000, 128>}, {pipeline_mode = #tpu.pipeline_mode<synchronous>, transform_indices = @transform_3, window_bounds = array<i64: 128, 128>}, {pipeline_mode = #tpu.pipeline_mode<synchronous>, transform_indices = @transform_4, window_bounds = array<i64: 128, 128>}, {pipeline_mode = #tpu.pipeline_mode<synchronous>, transform_indices = @transform_5, window_bounds = array<i64: 1, 128>}, {transform_indices = @transform_6, window_bounds = array<i64: 1000, 128>}]} {
    %get3A = arith.constant 0 : index
    %get3A_0 = arith.constant 0 : index
    %get3A_1 = vector.load %arg2[%get3A, %get3A_0] : memref<1000x128xf32, #tpu.memory_space<vmem>>, vector<1000x1xf32>
    %get3A_2 = arith.constant 0 : index
    %get3A_3 = arith.constant 0 : index
    %get3A_4 = vector.load %arg1[%get3A_2, %get3A_3] : memref<1000x128xf32, #tpu.memory_space<vmem>>, vector<1000x128xf32>
    %max3A = arith.constant 1.000000e+00 : f32
    %max3A_5 = vector.broadcast %max3A : f32 to vector<1000x1xf32>
    %max3A_6 = arith.maximumf %get3A_1, %max3A_5 : vector<1000x1xf32>
    %div3A = vector.broadcast %max3A_6 : vector<1000x1xf32> to vector<1000x128xf32>
    %div3A_7 = arith.divf %get3A_4, %div3A : vector<1000x128xf32>
    %get3A_8 = arith.constant 0 : index
    %get3A_9 = arith.constant 0 : index
    %get3A_10 = vector.load %arg4[%get3A_8, %get3A_9] : memref<128x128xf32, #tpu.memory_space<vmem>>, vector<128x128xf32>
    %dot_general3A = arith.constant dense<0.000000e+00> : vector<1000x128xf32>
    %dot_general3A_11 = tpu.matmul %div3A_7, %get3A_10, %dot_general3A {dimension_numbers = #tpu.dot_dimension_numbers<[1], [0], [0], [1], [0, 0, 1, 1], [], []>, precision = #tpu.contract_precision<fp32>, transpose_lhs_hint = false} : vector<1000x128xf32>, vector<128x128xf32>, vector<1000x128xf32> -> vector<1000x128xf32>
    %get3A_12 = arith.constant 0 : index
    %get3A_13 = arith.constant 0 : index
    %get3A_14 = vector.load %arg3[%get3A_12, %get3A_13] : memref<1000x128xf32, #tpu.memory_space<vmem>>, vector<1000x128xf32>
    %get3A_15 = arith.constant 0 : index
    %get3A_16 = arith.constant 0 : index
    %get3A_17 = vector.load %arg5[%get3A_15, %get3A_16] : memref<128x128xf32, #tpu.memory_space<vmem>>, vector<128x128xf32>
    %dot_general3A_18 = arith.constant dense<0.000000e+00> : vector<1000x128xf32>
    %dot_general3A_19 = tpu.matmul %get3A_14, %get3A_17, %dot_general3A_18 {dimension_numbers = #tpu.dot_dimension_numbers<[1], [0], [0], [1], [0, 0, 1, 1], [], []>, precision = #tpu.contract_precision<fp32>, transpose_lhs_hint = false} : vector<1000x128xf32>, vector<128x128xf32>, vector<1000x128xf32> -> vector<1000x128xf32>
    %add3A = arith.addf %dot_general3A_11, %dot_general3A_19 : vector<1000x128xf32>
    %get3A_20 = arith.constant 0 : index
    %get3A_21 = arith.constant 0 : index
    %get3A_22 = vector.load %arg6[%get3A_20, %get3A_21] : memref<1x128xf32, #tpu.memory_space<vmem>>, vector<1x128xf32>
    %add3A_23 = vector.broadcast %get3A_22 : vector<1x128xf32> to vector<1000x128xf32>
    %add3A_24 = arith.addf %add3A, %add3A_23 : vector<1000x128xf32>
    %max3A_25 = arith.constant 0.000000e+00 : f32
    %max3A_26 = vector.broadcast %max3A_25 : f32 to vector<1000x128xf32>
    %max3A_27 = arith.maximumf %add3A_24, %max3A_26 : vector<1000x128xf32>
    %swap3A = arith.constant 0 : index
    %swap3A_28 = arith.constant 0 : index
    %swap3A_29 = vector.load %arg7[%swap3A, %swap3A_28] : memref<1000x128xf32, #tpu.memory_space<vmem>>, vector<1000x128xf32>
    tpu.vector_store %arg7[%swap3A, %swap3A_28], %max3A_27 {strides = array<i32>} : memref<1000x128xf32, #tpu.memory_space<vmem>>, vector<1000x128xf32>,
    return
  }
  func.func @transform_0(%arg0: i32) -> (i32, i32) {
    %c0_i32 = arith.constant 0 : i32
    %c0_i32_0 = arith.constant 0 : i32
    return %arg0, %c0_i32 : i32, i32
  }
  func.func @transform_1(%arg0: i32) -> (i32, i32) {
    %c0_i32 = arith.constant 0 : i32
    %c0_i32_0 = arith.constant 0 : i32
    return %arg0, %c0_i32 : i32, i32
  }
  func.func @transform_2(%arg0: i32) -> (i32, i32) {
    %c0_i32 = arith.constant 0 : i32
    %c0_i32_0 = arith.constant 0 : i32
    return %arg0, %c0_i32 : i32, i32
  }
  func.func @transform_3(%arg0: i32) -> (i32, i32) {
    %c0_i32 = arith.constant 0 : i32
    %c0_i32_0 = arith.constant 0 : i32
    %c0_i32_1 = arith.constant 0 : i32
    return %c0_i32, %c0_i32_0 : i32, i32
  }
  func.func @transform_4(%arg0: i32) -> (i32, i32) {
    %c0_i32 = arith.constant 0 : i32
    %c0_i32_0 = arith.constant 0 : i32
    %c0_i32_1 = arith.constant 0 : i32
    return %c0_i32, %c0_i32_0 : i32, i32
  }
  func.func @transform_5(%arg0: i32) -> (i32, i32) {
    %c0_i32 = arith.constant 0 : i32
    %c0_i32_0 = arith.constant 0 : i32
    %c0_i32_1 = arith.constant 0 : i32
    return %c0_i32, %c0_i32_0 : i32, i32
  }
  func.func @transform_6(%arg0: i32) -> (i32, i32) {
    %c0_i32 = arith.constant 0 : i32
    %c0_i32_0 = arith.constant 0 : i32
    return %arg0, %c0_i32 : i32, i32
  }
}

module attributes {stable_mosaic.version = 14 : i64} {
  func.func @_final_body(%arg0: i32, %arg1: memref<1000x128xf32, #tpu.memory_space<vmem>>, %arg2: memref<1000x128xf32, #tpu.memory_space<vmem>>, %arg3: memref<1000x128xf32, #tpu.memory_space<vmem>>, %arg4: memref<128x128xf32, #tpu.memory_space<vmem>>, %arg5: memref<128x128xf32, #tpu.memory_space<vmem>>, %arg6: memref<1x128xf32, #tpu.memory_space<vmem>>, %arg7: memref<128x128xf32, #tpu.memory_space<vmem>>, %arg8: memref<1x128xf32, #tpu.memory_space<vmem>>, %arg9: memref<128x128xf32, #tpu.memory_space<vmem>>, %arg10: memref<1x128xf32, #tpu.memory_space<vmem>>, %arg11: memref<1000x128xf32, #tpu.memory_space<vmem>>) attributes {dimension_semantics = [#tpu.dimension_semantics<arbitrary>], iteration_bounds = array<i64: 10>, scalar_prefetch = 0 : i64, scratch_operands = 0 : i64, tpu.core_type = #tpu.core_type<tc>, window_params = [{transform_indices = @transform_0, window_bounds = array<i64: 1000, 128>}, {transform_indices = @transform_1, window_bounds = array<i64: 1000, 128>}, {transform_indices = @transform_2, window_bounds = array<i64: 1000, 128>}, {pipeline_mode = #tpu.pipeline_mode<synchronous>, transform_indices = @transform_3, window_bounds = array<i64: 128, 128>}, {pipeline_mode = #tpu.pipeline_mode<synchronous>, transform_indices = @transform_4, window_bounds = array<i64: 128, 128>}, {pipeline_mode = #tpu.pipeline_mode<synchronous>, transform_indices = @transform_5, window_bounds = array<i64: 1, 128>}, {pipeline_mode = #tpu.pipeline_mode<synchronous>, transform_indices = @transform_6, window_bounds = array<i64: 128, 128>}, {pipeline_mode = #tpu.pipeline_mode<synchronous>, transform_indices = @transform_7, window_bounds = array<i64: 1, 128>}, {pipeline_mode = #tpu.pipeline_mode<synchronous>, transform_indices = @transform_8, window_bounds = array<i64: 128, 128>}, {pipeline_mode = #tpu.pipeline_mode<synchronous>, transform_indices = @transform_9, window_bounds = array<i64: 1, 128>}, {transform_indices = @transform_10, window_bounds = array<i64: 1000, 128>}]} {
    %get3A = arith.constant 0 : index
    %get3A_0 = arith.constant 0 : index
    %get3A_1 = vector.load %arg2[%get3A, %get3A_0] : memref<1000x128xf32, #tpu.memory_space<vmem>>, vector<1000x1xf32>
    %get3A_2 = arith.constant 0 : index
    %get3A_3 = arith.constant 0 : index
    %get3A_4 = vector.load %arg1[%get3A_2, %get3A_3] : memref<1000x128xf32, #tpu.memory_space<vmem>>, vector<1000x128xf32>
    %max3A = arith.constant 1.000000e+00 : f32
    %max3A_5 = vector.broadcast %max3A : f32 to vector<1000x1xf32>
    %max3A_6 = arith.maximumf %get3A_1, %max3A_5 : vector<1000x1xf32>
    %div3A = vector.broadcast %max3A_6 : vector<1000x1xf32> to vector<1000x128xf32>
    %div3A_7 = arith.divf %get3A_4, %div3A : vector<1000x128xf32>
    %get3A_8 = arith.constant 0 : index
    %get3A_9 = arith.constant 0 : index
    %get3A_10 = vector.load %arg4[%get3A_8, %get3A_9] : memref<128x128xf32, #tpu.memory_space<vmem>>, vector<128x128xf32>
    %dot_general3A = arith.constant dense<0.000000e+00> : vector<1000x128xf32>
    %dot_general3A_11 = tpu.matmul %div3A_7, %get3A_10, %dot_general3A {dimension_numbers = #tpu.dot_dimension_numbers<[1], [0], [0], [1], [0, 0, 1, 1], [], []>, precision = #tpu.contract_precision<fp32>, transpose_lhs_hint = false} : vector<1000x128xf32>, vector<128x128xf32>, vector<1000x128xf32> -> vector<1000x128xf32>
    %get3A_12 = arith.constant 0 : index
    %get3A_13 = arith.constant 0 : index
    %get3A_14 = vector.load %arg3[%get3A_12, %get3A_13] : memref<1000x128xf32, #tpu.memory_space<vmem>>, vector<1000x128xf32>
    %get3A_15 = arith.constant 0 : index
    %get3A_16 = arith.constant 0 : index
    %get3A_17 = vector.load %arg5[%get3A_15, %get3A_16] : memref<128x128xf32, #tpu.memory_space<vmem>>, vector<128x128xf32>
    %dot_general3A_18 = arith.constant dense<0.000000e+00> : vector<1000x128xf32>
    %dot_general3A_19 = tpu.matmul %get3A_14, %get3A_17, %dot_general3A_18 {dimension_numbers = #tpu.dot_dimension_numbers<[1], [0], [0], [1], [0, 0, 1, 1], [], []>, precision = #tpu.contract_precision<fp32>, transpose_lhs_hint = false} : vector<1000x128xf32>, vector<128x128xf32>, vector<1000x128xf32> -> vector<1000x128xf32>
    %add3A = arith.addf %dot_general3A_11, %dot_general3A_19 : vector<1000x128xf32>
    %get3A_20 = arith.constant 0 : index
    %get3A_21 = arith.constant 0 : index
    %get3A_22 = vector.load %arg6[%get3A_20, %get3A_21] : memref<1x128xf32, #tpu.memory_space<vmem>>, vector<1x128xf32>
    %add3A_23 = vector.broadcast %get3A_22 : vector<1x128xf32> to vector<1000x128xf32>
    %add3A_24 = arith.addf %add3A, %add3A_23 : vector<1000x128xf32>
    %max3A_25 = arith.constant 0.000000e+00 : f32
    %max3A_26 = vector.broadcast %max3A_25 : f32 to vector<1000x128xf32>
    %max3A_27 = arith.maximumf %add3A_24, %max3A_26 : vector<1000x128xf32>
    %get3A_28 = arith.constant 0 : index
    %get3A_29 = arith.constant 0 : index
    %get3A_30 = vector.load %arg7[%get3A_28, %get3A_29] : memref<128x128xf32, #tpu.memory_space<vmem>>, vector<128x128xf32>
    %dot_general3A_31 = arith.constant dense<0.000000e+00> : vector<1000x128xf32>
    %dot_general3A_32 = tpu.matmul %max3A_27, %get3A_30, %dot_general3A_31 {dimension_numbers = #tpu.dot_dimension_numbers<[1], [0], [0], [1], [0, 0, 1, 1], [], []>, precision = #tpu.contract_precision<fp32>, transpose_lhs_hint = false} : vector<1000x128xf32>, vector<128x128xf32>, vector<1000x128xf32> -> vector<1000x128xf32>
    %get3A_33 = arith.constant 0 : index
    %get3A_34 = arith.constant 0 : index
    %get3A_35 = vector.load %arg8[%get3A_33, %get3A_34] : memref<1x128xf32, #tpu.memory_space<vmem>>, vector<1x128xf32>
    %add3A_36 = vector.broadcast %get3A_35 : vector<1x128xf32> to vector<1000x128xf32>
    %add3A_37 = arith.addf %dot_general3A_32, %add3A_36 : vector<1000x128xf32>
    %max3A_38 = arith.constant 0.000000e+00 : f32
    %max3A_39 = vector.broadcast %max3A_38 : f32 to vector<1000x128xf32>
    %max3A_40 = arith.maximumf %add3A_37, %max3A_39 : vector<1000x128xf32>
    %get3A_41 = arith.constant 0 : index
    %get3A_42 = arith.constant 0 : index
    %get3A_43 = vector.load %arg9[%get3A_41, %get3A_42] : memref<128x128xf32, #tpu.memory_space<vmem>>, vector<128x128xf32>
    %dot_general3A_44 = arith.constant dense<0.000000e+00> : vector<1000x128xf32>
    %dot_general3A_45 = tpu.matmul %max3A_40, %get3A_43, %dot_general3A_44 {dimension_numbers = #tpu.dot_dimension_numbers<[1], [0], [0], [1], [0, 0, 1, 1], [], []>, precision = #tpu.contract_precision<fp32>, transpose_lhs_hint = false} : vector<1000x128xf32>, vector<128x128xf32>, vector<1000x128xf32> -> vector<1000x128xf32>
    %get3A_46 = arith.constant 0 : index
    %get3A_47 = arith.constant 0 : index
    %get3A_48 = vector.load %arg10[%get3A_46, %get3A_47] : memref<1x128xf32, #tpu.memory_space<vmem>>, vector<1x128xf32>
    %add3A_49 = vector.broadcast %get3A_48 : vector<1x128xf32> to vector<1000x128xf32>
    %add3A_50 = arith.addf %dot_general3A_45, %add3A_49 : vector<1000x128xf32>
    %reduce_max3A = arith.constant dense<0xFF800000> : vector<1000xf32>
    %reduce_max3A_51 = vector.multi_reduction <maximumf>, %add3A_50, %reduce_max3A [1] : vector<1000x128xf32> to vector<1000xf32>
    %broadcast_in_dim3A = vector.shape_cast %reduce_max3A_51 : vector<1000xf32> to vector<1000x1xf32>
    %sub3A = vector.broadcast %broadcast_in_dim3A : vector<1000x1xf32> to vector<1000x128xf32>
    %sub3A_52 = arith.subf %add3A_50, %sub3A : vector<1000x128xf32>
    %exp3A = math.exp %sub3A_52 : vector<1000x128xf32>
    %reduce_sum3A = arith.constant dense<0.000000e+00> : vector<1000xf32>
    %reduce_sum3A_53 = vector.multi_reduction <add>, %exp3A, %reduce_sum3A [1] : vector<1000x128xf32> to vector<1000xf32>
    %broadcast_in_dim3A_54 = vector.shape_cast %reduce_sum3A_53 : vector<1000xf32> to vector<1000x1xf32>
    %div3A_55 = vector.broadcast %broadcast_in_dim3A_54 : vector<1000x1xf32> to vector<1000x128xf32>
    %div3A_56 = arith.divf %exp3A, %div3A_55 : vector<1000x128xf32>
    %swap3A = arith.constant 0 : index
    %swap3A_57 = arith.constant 0 : index
    %swap3A_58 = vector.load %arg11[%swap3A, %swap3A_57] : memref<1000x128xf32, #tpu.memory_space<vmem>>, vector<1000x128xf32>
    tpu.vector_store %arg11[%swap3A, %swap3A_57], %div3A_56 {strides = array<i32>} : memref<1000x128xf32, #tpu.memory_space<vmem>>, vector<1000x128xf32>,
    return
  }
  func.func @transform_0(%arg0: i32) -> (i32, i32) {
    %c0_i32 = arith.constant 0 : i32
    %c0_i32_0 = arith.constant 0 : i32
    return %arg0, %c0_i32 : i32, i32
  }
  func.func @transform_1(%arg0: i32) -> (i32, i32) {
    %c0_i32 = arith.constant 0 : i32
    %c0_i32_0 = arith.constant 0 : i32
    return %arg0, %c0_i32 : i32, i32
  }
  func.func @transform_2(%arg0: i32) -> (i32, i32) {
    %c0_i32 = arith.constant 0 : i32
    %c0_i32_0 = arith.constant 0 : i32
    return %arg0, %c0_i32 : i32, i32
  }
  func.func @transform_3(%arg0: i32) -> (i32, i32) {
    %c0_i32 = arith.constant 0 : i32
    %c0_i32_0 = arith.constant 0 : i32
    %c0_i32_1 = arith.constant 0 : i32
    return %c0_i32, %c0_i32_0 : i32, i32
  }
  func.func @transform_4(%arg0: i32) -> (i32, i32) {
    %c0_i32 = arith.constant 0 : i32
    %c0_i32_0 = arith.constant 0 : i32
    %c0_i32_1 = arith.constant 0 : i32
    return %c0_i32, %c0_i32_0 : i32, i32
  }
  func.func @transform_5(%arg0: i32) -> (i32, i32) {
    %c0_i32 = arith.constant 0 : i32
    %c0_i32_0 = arith.constant 0 : i32
    %c0_i32_1 = arith.constant 0 : i32
    return %c0_i32, %c0_i32_0 : i32, i32
  }
  func.func @transform_6(%arg0: i32) -> (i32, i32) {
    %c0_i32 = arith.constant 0 : i32
    %c0_i32_0 = arith.constant 0 : i32
    %c0_i32_1 = arith.constant 0 : i32
    return %c0_i32, %c0_i32_0 : i32, i32
  }
  func.func @transform_7(%arg0: i32) -> (i32, i32) {
    %c0_i32 = arith.constant 0 : i32
    %c0_i32_0 = arith.constant 0 : i32
    %c0_i32_1 = arith.constant 0 : i32
    return %c0_i32, %c0_i32_0 : i32, i32
  }
  func.func @transform_8(%arg0: i32) -> (i32, i32) {
    %c0_i32 = arith.constant 0 : i32
    %c0_i32_0 = arith.constant 0 : i32
    %c0_i32_1 = arith.constant 0 : i32
    return %c0_i32, %c0_i32_0 : i32, i32
  }
  func.func @transform_9(%arg0: i32) -> (i32, i32) {
    %c0_i32 = arith.constant 0 : i32
    %c0_i32_0 = arith.constant 0 : i32
    %c0_i32_1 = arith.constant 0 : i32
    return %c0_i32, %c0_i32_0 : i32, i32
  }
  func.func @transform_10(%arg0: i32) -> (i32, i32) {
    %c0_i32 = arith.constant 0 : i32
    %c0_i32_0 = arith.constant 0 : i32
    return %arg0, %c0_i32 : i32, i32
  }
}

</mosaic_0001>

<sc_bundles>
// kernel: kernel.11.cloned.1.call-start
scs
__scs_entry_jumppad:
0x0: {  	(pc) =	sbr.rel $0x88, $3  }
0x1: {  	(tag) =	ssettag $0x0;
	lr =	simm.s32 $0x1  }
0x2: {  	[smem:$0x3F95] =	sst lr;
	_ =	strace $0xD0000000  }
0x3: {  	_ = 	snop  }
0x4: {  	_ = 	snop  }
0x5: {  	_ = 	snop  }
0x6: {  	_ = 	snop  }
0x7: {  	_ = 	snop  }
__scs_overlays_trampoline_lowered:
0x8: {  	[smem:$0x3FA4] =	sst s0  }
0x9: {  	[smem:$0x3FA5] =	sst s1  }
0xa: {  	[smem:$0x3FA6] =	sst s2  }
0xb: {  	[smem:$0x3FA7] =	sst s3  }
0xc: {  	[smem:$0x3FA8] =	sst s4  }
0xd: {  	[smem:$0x3FA9] =	sst s5  }
0xe: {  	[smem:$0x3FAA] =	sst s6  }
0xf: {  	[smem:$0x3FAB] =	sst s7  }
0x10: {  	[smem:$0x3FAC] =	sst s8  }
0x11: {  	[smem:$0x3FAD] =	sst s9;
	s0 =	simm.s32 @!p0 $0x0  }
0x12: {  	s1 =	sld [smem:$0x3F93];
	s0 =	simm.s32 @p0 $0x1  }
0x13: {  	[smem:$0x3FAE] =	sst s0;
	s0 =	simm.s32 @!p1 $0x0  }
0x14: {  	s2 =	sld [smem:$0x3F92];
	s0 =	simm.s32 @p1 $0x1  }
0x15: {  	[smem:$0x3FAF] =	sst s0;
	s0 =	simm.s32 @!p2 $0x0  }
0x16: {  	s3 =	sld [smem:$0x3FDB];
	s0 =	simm.s32 @p2 $0x1  }
0x17: {  	s4 =	simm.s32 $0x1BF5;
	[smem:$0x3FB1] =	sst s0  }
0x18: {  	s0 =	sld [smem:$0x3F94];
	_ =	swait.ge [sflag:s4], $0x0  }
0x19: {  	s7 =	sld [smem:$0x3F95]  }
0x1a: {  	s8 =	sadd.s32 $0xFFFFE003, lr  }
0x1b: {  	s9 =	sadd.s32 $0xFFFFFEF7, lr;
	s5 =	simm.s32 $0xFFFFFFFF;
	p2 =	slt.u32 s8, $0xFFFFF086  }
0x1c: {  	p1 =	slt.u32 s9, $0xF7A;
	s5 =	simm.s32 @!p2 $0x0  }
0x1d: {  	s5 =	simm.s32 @p1 $0x1;
	p0 =	seq.s32 s7, s2  }
0x1e: {  	s7 =	smul.u32 @!p0 $0xF7A, s2;
	p2 =	seq.s32 @!p0 s5, $0x0  }
0x1f: {  	s9 =	smul.u32 $0xF7A, s1;
	s8 =	simm.s32 @!p0 $0x1BF5;
	p2 =	por !p2, p0  }
0x20: {  	[sflag:s8] =	ssyncset.s32 @!p0 $0xFFFFF086;
	s6 =	sadd.s32 @!p0 s3, s7;
	s7 =	simm.s32 @!p0 $0x108  }
0x21: {  	s3 =	sadd.s32 s3, s9;
	s6 =	sadd.s32 @!p0 $0x88, s6;
	s7 =	simm.s32 @p2 $0x1082  }
0x22: {  	[simem:s7], [sflag:s8] =	dma.local @!p0 [hbm:s6], $0xF7A  }
0x23: {  	s9 =	sor.u32 $0xD0000000, s2;
	s6 =	simm.s32 $0x108;
	_ =	swait.ge @!p0 [sflag:s8], $0x0  }
0x24: {  	s3 =	sadd.s32 $0x88, s3;
	s6 =	simm.s32 @!p1 $0x1082;
	[sflag:s4] =	ssyncset.s32 $0xFFFFF086  }
0x25: {  	[simem:s6], [sflag:s4] =	dma.local [hbm:s3], $0xF7A  }
0x26: {  	[smem:$0x3F95] =	sst s1;
	(tag) =	ssettag s2;
	_ =	strace s9  }
0x27: {  	s1 =	sld [smem:$0x3FA5]  }
0x28: {  	s2 =	sld [smem:$0x3FA6]  }
0x29: {  	s4 =	sld [smem:$0x3FA8]  }
0x2a: {  	p0 =	seq.s32 s5, $0x0;
	s5 =	sld [smem:$0x3FA9]  }
0x2b: {  	s6 =	sld [smem:$0x3FAA]  }
0x2c: {  	s7 =	sld [smem:$0x3FAB]  }
0x2d: {  	s3 =	simm.s32 $0x108;
	s8 =	sld [smem:$0x3FAC]  }
0x2e: {  	s3 =	simm.s32 @!p0 $0x1082;
	s9 =	sld [smem:$0x3FAD]  }
0x2f: {  	lr =	sadd.s32 s0, s3;
	s0 =	sld [smem:$0x3FA4]  }
0x30: {  	s3 =	sld [smem:$0x3FA7]  }
0x31: {  	[smem:$0x3FB0] =	sst s10  }
0x32: {  	s10 =	sld [smem:$0x3FAE];
	_ =	sdelay $0x3  }
0x33: {  	p0 =	seq.s32 s10, $0x1;
	s10 =	sld [smem:$0x3FB0];
	_ =	sdelay $0x3  }
0x34: {  	[smem:$0x3FB0] =	sst s10  }
0x35: {  	s10 =	sld [smem:$0x3FAF];
	_ =	sdelay $0x3  }
0x36: {  	p1 =	seq.s32 s10, $0x1;
	s10 =	sld [smem:$0x3FB0];
	_ =	sdelay $0x3  }
0x37: {  	[smem:$0x3FB0] =	sst s10  }
0x38: {  	s10 =	sld [smem:$0x3FB1]  }
0x39: {  	_ = 	snop;
	(pc) =	sbr.ind lr, $3  }
0x3a: {  	_ = 	snop  }
0x3b: {  	_ = 	snop  }
0x3c: {  	p2 =	seq.s32 s10, $0x1;
	s10 =	sld [smem:$0x3FB0]  }
0x3d: {  	_ =	shalt  }
0x3e: {  	_ =	shalt  }
0x3f: {  	_ =	shalt  }
0x40: {  	_ =	shalt  }
0x41: {  	_ =	shalt  }
0x42: {  	_ =	shalt  }
0x43: {  	_ =	shalt  }
0x44: {  	_ =	shalt  }
0x45: {  	_ =	shalt  }
0x46: {  	_ =	shalt  }
0x47: {  	_ =	shalt  }
0x48: {  	_ =	shalt  }
0x49: {  	_ =	shalt  }
0x4a: {  	_ =	shalt  }
0x4b: {  	_ =	shalt  }
0x4c: {  	_ =	shalt  }
0x4d: {  	_ =	shalt  }
0x4e: {  	_ =	shalt  }
0x4f: {  	_ =	shalt  }
0x50: {  	_ =	shalt  }
0x51: {  	_ =	shalt  }
0x52: {  	_ =	shalt  }
0x53: {  	_ =	shalt  }
0x54: {  	_ =	shalt  }
0x55: {  	_ =	shalt  }
0x56: {  	_ =	shalt  }
0x57: {  	_ =	shalt  }
0x58: {  	_ =	shalt  }
0x59: {  	_ =	shalt  }
0x5a: {  	_ =	shalt  }
0x5b: {  	_ =	shalt  }
0x5c: {  	_ =	shalt  }
0x5d: {  	_ =	shalt  }
0x5e: {  	_ =	shalt  }
0x5f: {  	_ =	shalt  }
0x60: {  	_ =	shalt  }
0x61: {  	_ =	shalt  }
0x62: {  	_ =	shalt  }
0x63: {  	_ =	shalt  }
0x64: {  	_ =	shalt  }
0x65: {  	_ =	shalt  }
0x66: {  	_ =	shalt  }
0x67: {  	_ =	shalt  }
0x68: {  	_ =	shalt  }
0x69: {  	_ =	shalt  }
0x6a: {  	_ =	shalt  }
0x6b: {  	_ =	shalt  }
0x6c: {  	_ =	shalt  }
0x6d: {  	_ =	shalt  }
0x6e: {  	_ =	shalt  }
0x6f: {  	_ =	shalt  }
0x70: {  	_ =	shalt  }
0x71: {  	_ =	shalt  }
0x72: {  	_ =	shalt  }
0x73: {  	_ =	shalt  }
0x74: {  	_ =	shalt  }
0x75: {  	_ =	shalt  }
0x76: {  	_ =	shalt  }
0x77: {  	_ =	shalt  }
0x78: {  	_ =	shalt  }
0x79: {  	_ =	shalt  }
0x7a: {  	_ =	shalt  }
0x7b: {  	_ =	shalt  }
0x7c: {  	_ =	shalt  }
0x7d: {  	_ =	shalt  }
0x7e: {  	_ =	shalt  }
0x7f: {  	_ =	shalt  }
0x80: {  	_ =	shalt  }
0x81: {  	_ =	shalt  }
0x82: {  	_ =	shalt  }
0x83: {  	_ =	shalt  }
0x84: {  	_ =	shalt  }
0x85: {  	_ =	shalt  }
0x86: {  	_ =	shalt  }
0x87: {  	_ =	shalt  }
.Lfunc_end0:
.L_simem_size_0:
called_computation.1_lowered:
.L_overlay_start_0:
0x88: {  	s2 =	sld [smem:$0x3FD9]  }
0x89: {  	s3 =	sld [smem:$0x3FFE];
	_ =	sdelay $0x1  }
0x8a: {  	s1 =	srdreg.scid  }
0x8b: {  	s0 =	sand.u32 $0x1, s1  }
0x8c: {  	s17 =	sshll.u32 s0, $0xA;
	s2 =	sadd.s32 s3, s2  }
0x8d: {  	s2 =	sadd.s32 s2, s17  }
0x8e: {  	[smem:$0x3FBC] =	sst s2  }
0x8f: {  	_ = 	snop  }
0x90: {  	s2 =	sld [smem:$0x3FD0];
	(tm) =	ssettm $0x1  }
0x91: {  	s18 =	sld [smem:$0x3FFB];
	_ =	sdelay $0x3  }
0x92: {  	_ =	strace s18  }
0x93: {  	s3 =	sld [smem:$0x3FFC];
	_ =	sdelay $0x3  }
0x94: {  	_ =	strace s3  }
0x95: {  	s3 =	sld [smem:$0x3FFD];
	_ =	sdelay $0x3  }
0x96: {  	_ =	strace s3  }
0x97: {  	_ =	strace $0x8FFFFFFF  }
0x98: {  	s19 =	sld [smem:$0x3FDB];
	_ =	sdelay $0x1  }
0x99: {  	s4 =	simm.s32 $_scs_section_size  }
0x9a: {  	s5 =	simm.s32 $_size__tile_overlayer_lowered;
	s6 =	simm.s32 $_tile_overlayer_lowered  }
0x9b: {  	s22 =	simm.s32 $0x1BFF;
	s21 =	sshll.u32 s6, $0x1;
	s3 =	sadd.s32 s4, s19  }
0x9c: {  	s7 =	simm.s32 $0x0;
	s20 =	sshll.u32 s5, $0x1;
	s5 =	sadd.s32 s21, s3  }
0x9d: {  	[timem:s7], [sflag:s22] =	dma.local [hbm:s5], s20  }
0x9e: {  	_ =	swait.ge [sflag:s22], s20  }
0x9f: {  	s4 =	ssub.s32 $0x0, s20;
	[sflag:s22] =	ssyncset.done $0x0  }
0xa0: {  	[sflag:s22] =	ssyncadd.s32 s4;
	_ =	sdelay $0x1  }
0xa1: {  	s23 =	simm.s32 $0x1B8B  }
0xa2: {  	_ =	swait.ge [sflag:s23], $0x1  }
0xa3: {  	[sflag:s23] =	ssyncset.done $0x0  }
0xa4: {  	s25 =	simm.s32 $0x1B8E;
	s24 =	sld [smem:$0x3FFE];
	[sflag:s23] =	ssyncadd.s32 $0xFFFFFFFF  }
0xa5: {  	s26 =	simm.s32 $execute0_lowered;
	[smem:$0x3FD2] =	sst s25  }
0xa6: {  	s5 =	sshll.u32 s26, $0x1;
	_ =	strace $0x80000049;
	[dreg:$0x1] =	wrdreg $0xFFFFFFFF  }
0xa7: {  	s28 =	simm.s32 $_size_execute0_lowered;
	s3 =	sadd.s32 s3, s5;
	[dreg:$0x0] =	wrdreg $0x0  }
0xa8: {  	s5 =	sshll.u32 s28, $0x1;
	[dreg:$0x2] =	wrdreg s3  }
0xa9: {  	[dreg:$0x3] =	wrdreg s5  }
0xaa: {  	[dreg:$0x4] =	wrdreg $0xC0  }
0xab: {  	_ =	task [dreg:s7], $0x5FFFF  }
0xac: {  	[dreg:$0x1] =	wrdreg $0xFFFFFFFF  }
0xad: {  	[dreg:$0x0] =	wrdreg $0x60  }
0xae: {  	[dreg:$0x2] =	wrdreg s2  }
0xaf: {  	[dreg:$0x3] =	wrdreg s24  }
0xb0: {  	[dreg:$0x4] =	wrdreg $0x131800  }
0xb1: {  	[dreg:$0x5] =	wrdreg $0x9  }
0xb2: {  	_ =	task.clear_ibuf [dreg:s7], $0x6FFFF;
	_ =	strace $0x90000049  }
0xb3: {  	s29 =	simm.s32 $0x9;
	_ =	strace $0x8000004B  }
0xb4: {  	_ =	swait.ge [sflag:s29], $0x1  }
0xb5: {  	[sflag:s29] =	ssyncadd.s32 $0xFFFFFFFF  }
0xb6: {  	_ =	strace $0x9000004B  }
0xb7: {  	_ =	sfence  }
0xb8: {  	s30 =	sld [smem:$0x0];
	_ =	sdelay $0x2  }
0xb9: {  	s31 =	sshll.u32 s1, $0xD;
	s1 =	sshrl.u32 s1, $0x2  }
0xba: {  	s3 =	sand.u32 $0x4000, s31;
	s1 =	sadd.s32 s1, s30  }
0xbb: {  	s0 =	sor.u32 s3, s0;
	s1 =	sshll.u32 s1, $0x11  }
0xbc: {  	s0 =	sor.u32 s1, s0  }
0xbd: {  	s0 =	sadd.s32 $0x8F2B, s0  }
0xbe: {  	[sflag:s0] =	ssyncadd.remote.s32 $0x1  }
0xbf: {  	_ =	sfence.sel $0xFFFF  }
0xc0: {  	[dreg:$0x0] =	wrdreg $0xFFFFFFFF;
	(pc) =	sbr.abs _section_cstart, $3  }
0xc1: {  	[dreg:$0x1] =	wrdreg $0xFFFFFFFF  }
0xc2: {  	_ =	task.clear_ibuf [dreg:s7], $0x2FFFF;
	_ =	strace $0x9FFFFFFF  }
0xc3: {  	(tm) =	ssettm $0x7FFFFFFF  }
tec
execute0_lowered:
.L_overlay_start_1:
0x0: {  	(tag) =	ssettag $0x1  }
0x1: {  	s1 =	rddreg [dreg:$0x0]  }
0x2: {  	s6 =	rddreg [dreg:$0x1]  }
0x3: {  	s2 =	rddreg [dreg:$0x2]  }
0x4: {  	s3 =	srdreg.scid;
	s0 =	rddreg [dreg:$0x3]  }
0x5: {  	s4 =	simm.s32 $0x0;
	s7 =	sand.u32 $0x1, s3;
	s3 =	stileid.u32  }
0x6: {  	[smem:$0x7FF] =	sst s4;
	s5 =	sshll.u32 s7, $0x4;
	s9 =	smul.u32 $0x1400, s3  }
0x7: {  	_ =	strace $0x8000004A;
	s11 =	smul.u32 $0x14000, s7;
	s7 =	ssub.s32 $0x2, s7  }
0x8: {  	s12 =	smul.u32 $0x28000, s3;
	s8 =	sor.u32 s3, s5;
	s5 =	sadd.s32 $0xD800, s6  }
0x9: {  	s25 =	sshrl.u32 s7, $0x1;
	s10 =	sshll.u32 s8, $0x1;
	s9 =	sadd.s32 s9, s11  }
0xa: {  	s13 =	smul.u32 $0xA0, s8;
	s28 =	ssub.s32 s7, s25;
	s29 =	sshrl.u32 s12, $0x2  }
0xb: {  	s11 =	simm.s32 $0x2;
	s12 =	simm.s32 $0x13100;
	s10 =	sadd.s32 s10, s6  }
0xc: {  	s26 =	sadd.s32 s9, s6;
	s6 =	sadd.s32 s29, s2;
	s9 =	smax.u32 s28, $0x1  }
0xd: {  	s7 =	sadd.s32 $0x21800, s10;
	s30 =	sor.u32 $0x10, s13;
	s31 =	sadd.s32 $0x20, s13  }
0xe: {  	s14 =	sadd.s32 $0x30, s13;
	s15 =	sadd.s32 $0x40, s13;
	s16 =	sadd.s32 $0x50, s13  }
.Ltmp0:
0xf: {  	v9 =	vlaneseq.u32;
	s17 =	sadd.s32 $0x60, s13;
	s18 =	sadd.s32 $0x70, s13;
	(pc) =	sbr.rel .LBB2_1-.Ltmp0, $4  }
0x10: {  	v10 =	vimm.f32 $0.0e+00;
	s19 =	sadd.s32 $0x80, s13;
	s20 =	sadd.s32 $0x90, s13;
	s8 =	sadd.s32 $0x21A00, s26;
	v0 =	vor.u32 s13, v9  }
0x11: {  	s10 =	simm.s32 $0x9100;
	s13 =	simm.s32 $0x80;
	v1 =	vor.u32 s30, v9;
	v2 =	vor.u32 s31, v9;
	v3 =	vor.u32 s14, v9;
	s14 =	simm.s32 $0x5000  }
0x12: {  	v4 =	vor.u32 s15, v9;
	v5 =	vor.u32 s16, v9;
	v6 =	vor.u32 s17, v9;
	s15 =	simm.s32 $0x1;
	s16 =	simm.s32 $0x20;
	s17 =	simm.s32 $0x4000  }
0x13: {  	v7 =	vor.u32 s18, v9;
	v8 =	vor.u32 s19, v9;
	v9 =	vor.u32 s20, v9;
	s18 =	simm.s32 $0x5100;
	s19 =	simm.s32 $0x5080;
	s20 =	simm.s32 $0x0  }
.LBB2_6:
0x14: {  	[tilespmem:$0x50F0] =	vst v11  }
0x15: {  	[tilespmem:s18], [sflag:$0x1] =	stream.indirect.gather [hbm4b:s1+s13], $0x80, s14, s13, $0xb8;
	[tilespmem:$0x1D180] =	vst v63  }
0x16: {  	_ =	swait.ge [sflag:s15], $0x4000  }
0x17: {  	[sflag:s15] =	ssyncset.done $0x0  }
0x18: {  	[sflag:s15] =	ssyncadd.s32 $0xFFFFC000  }
0x19: {  	[spmem:s2] =	stream.indirect.scatter.add.f32 [tilespmem:s18], [sflag:$0x2], $0x80, s19, s13, $0xb8;
	[tilespmem:$0x1D180] =	vst v63  }
0x1a: {  	_ =	swait.ge [sflag:s11], $0x4000  }
0x1b: {  	[sflag:s11] =	ssyncset.done $0x0  }
0x1c: {  	[sflag:s11] =	ssyncadd.s32 $0xFFFFC000  }
.LBB2_7:
0x1d: {  	[bflag:$0x0] =	sbarrier.arrive $0xFFFF  }
0x1e: {  	[tilespmem:s10], [sflag:$0x2] =	stream.linear.gather [spmem:s6], $0xA000, $0x38;
	[tilespmem:$0x1D180] =	vst v63  }
0x1f: {  	s20 =	sadd.s32 $0x1, s20;
	_ =	swait.ge [sflag:s11], $0xA000  }
0x20: {  	p0 =	sne.s32 s20, s9;
	[sflag:s11] =	ssyncset.done $0x0  }
.Ltmp1:
0x21: {  	[sflag:s11] =	ssyncadd.s32 $0xFFFF6000;
	(pc) =	sbr.rel @!p0 .LBB2_8-.Ltmp1, $4  }
0x22: {  	[hbm4b:s8+s4] =	stream.linear.scatter [tilespmem:s10], [sflag:$0x2], $0xA000, $0x38;
	[tilespmem:$0x1D180] =	vst v63  }
0x23: {  	_ =	swait.ge [sflag:s11], $0xA000  }
0x24: {  	[sflag:s11] =	ssyncset.done $0x0  }
0x25: {  	[sflag:s11] =	ssyncadd.s32 $0xFFFF6000  }
.LBB2_1:
0x26: {  	s21 =	simm.s32 $0x0;
	s22 =	simm.s32 $0x200  }
.LBB2_2:
0x27: {  	p0 =	sne.s32 s22, $0x27E00;
	[tilespmem:s21+$0x9170] =	vst v10  }
0x28: {  	[tilespmem:s21+$0x9100] =	vst v10  }
0x29: {  	[tilespmem:s21+$0x9110] =	vst v10  }
.Ltmp2:
0x2a: {  	[tilespmem:s21+$0x9120] =	vst v10;
	(pc) =	sbr.rel @p0 .LBB2_2-.Ltmp2, $4  }
0x2b: {  	[tilespmem:s21+$0x9130] =	vst v10  }
0x2c: {  	[tilespmem:s21+$0x9140] =	vst v10  }
0x2d: {  	[tilespmem:s21+$0x9150] =	vst v10  }
0x2e: {  	[tilespmem:s21+$0x9160] =	vst v10;
	s21 =	sshra.s32 s22, $0x2;
	s22 =	sadd.s32 $0x200, s22  }
0x2f: {  	[tilespmem:s21+$0x9170] =	vst v10  }
0x30: {  	[tilespmem:s21+$0x9100] =	vst v10  }
0x31: {  	[tilespmem:s21+$0x9110] =	vst v10  }
0x32: {  	[tilespmem:s21+$0x9120] =	vst v10  }
0x33: {  	[tilespmem:s21+$0x9130] =	vst v10  }
0x34: {  	[tilespmem:s21+$0x9140] =	vst v10  }
0x35: {  	[tilespmem:s21+$0x9150] =	vst v10  }
0x36: {  	[tilespmem:s21+$0x9160] =	vst v10  }
0x37: {  	[spmem:s6] =	stream.linear.scatter [tilespmem:s10], [sflag:$0x2], $0xA000, $0x38;
	[tilespmem:$0x1D180] =	vst v63  }
0x38: {  	_ =	swait.ge [sflag:s11], $0xA000  }
0x39: {  	[sflag:s11] =	ssyncset.done $0x0  }
0x3a: {  	[sflag:s11] =	ssyncadd.s32 $0xFFFF6000  }
0x3b: {  	[bflag:$0x0] =	sbarrier.arrive $0xFFFF  }
0x3c: {  	[tilespmem:s12], [sflag:$0x2] =	stream.linear.gather [hbm4b:s7+s4], $0x10, $0x38;
	[tilespmem:$0x1D180] =	vst v63  }
0x3d: {  	_ =	swait.ge [sflag:s11], $0x10  }
0x3e: {  	[sflag:s11] =	ssyncset.done $0x0  }
0x3f: {  	[sflag:s11] =	ssyncadd.s32 $0xFFFFFFF0  }
0x40: {  	v11 =	vld [tilespmem:$0x13100];
	_ =	sdelay $0x4  }
0x41: {  	(v2sf) =	vpush v11, $0x0;
	_ =	sdelay $0x5  }
0x42: {  	[tilespmem:$0x5000] =	vst v0  }
0x43: {  	[tilespmem:$0x5010] =	vst v1  }
0x44: {  	[tilespmem:$0x5020] =	vst v2  }
0x45: {  	[tilespmem:$0x5030] =	vst v3  }
0x46: {  	[tilespmem:$0x5040] =	vst v4  }
0x47: {  	[tilespmem:$0x5050] =	vst v5  }
0x48: {  	[tilespmem:$0x5060] =	vst v6  }
0x49: {  	[tilespmem:$0x5070] =	vst v7  }
0x4a: {  	[tilespmem:s4], [sflag:$0x1] =	stream.indirect.gather [hbm4b:s5+s13], $0x80, s14, s13, $0xb8;
	[tilespmem:$0x1D180] =	vst v63  }
0x4b: {  	s22 =	spop (v2sf)  }
0x4c: {  	_ =	swait.ge [sflag:s15], $0x4000  }
0x4d: {  	[sflag:s15] =	ssyncset.done $0x0  }
0x4e: {  	[sflag:s15] =	ssyncadd.s32 $0xFFFFC000  }
0x4f: {  	p0 =	slt.s32 s22, $0x1;
	[tilespmem:$0x5000] =	vst v8  }
.Ltmp3:
0x50: {  	[tilespmem:$0x5010] =	vst v9;
	(pc) =	sbr.rel @p0 .LBB2_7-.Ltmp3, $4  }
0x51: {  	[tilespmem:s17], [sflag:$0x1] =	stream.indirect.gather [hbm4b:s5+s16], $0x80, s14, s16, $0xb8;
	[tilespmem:$0x1D180] =	vst v63  }
0x52: {  	_ =	swait.ge [sflag:s15], $0x1000  }
0x53: {  	[sflag:s15] =	ssyncset.done $0x0  }
0x54: {  	s21 =	simm.s32 $0x40;
	[sflag:s15] =	ssyncadd.s32 $0xFFFFF000  }
0x55: {  	v11 =	vld [tilespmem:s21+$0xFFFFFFC0];
	_ =	sdelay $0x4  }
0x56: {  	v12 =	vand.u32 $0x3FFF, v11  }
0x57: {  	v11 =	vshrl.u32 v11, $0xE;
	[tilespmem:$0x5000] =	vst v12  }
0x58: {  	[tilespmem:$0x5080] =	vst v11  }
0x59: {  	v11 =	vld [tilespmem:s21+$0xFFFFFFD0];
	_ =	sdelay $0x4  }
0x5a: {  	v57 =	vand.u32 $0x3FFF, v11  }
0x5b: {  	v11 =	vshrl.u32 v11, $0xE;
	[tilespmem:$0x5010] =	vst v57  }
0x5c: {  	[tilespmem:$0x5090] =	vst v11  }
0x5d: {  	v11 =	vld [tilespmem:s21+$0xFFFFFFE0];
	_ =	sdelay $0x4  }
0x5e: {  	v58 =	vand.u32 $0x3FFF, v11  }
0x5f: {  	v11 =	vshrl.u32 v11, $0xE;
	[tilespmem:$0x5020] =	vst v58  }
0x60: {  	[tilespmem:$0x50A0] =	vst v11  }
0x61: {  	v11 =	vld [tilespmem:s21+$0xFFFFFFF0];
	_ =	sdelay $0x4  }
0x62: {  	v59 =	vand.u32 $0x3FFF, v11  }
0x63: {  	v11 =	vshrl.u32 v11, $0xE;
	[tilespmem:$0x5030] =	vst v59  }
0x64: {  	[tilespmem:$0x50B0] =	vst v11  }
0x65: {  	v11 =	vld [tilespmem:s21+$0x0];
	_ =	sdelay $0x4  }
0x66: {  	v60 =	vand.u32 $0x3FFF, v11  }
0x67: {  	v11 =	vshrl.u32 v11, $0xE;
	[tilespmem:$0x5040] =	vst v60  }
0x68: {  	[tilespmem:$0x50C0] =	vst v11  }
0x69: {  	v11 =	vld [tilespmem:s21+$0x10];
	_ =	sdelay $0x4  }
0x6a: {  	v61 =	vand.u32 $0x3FFF, v11  }
0x6b: {  	v11 =	vshrl.u32 v11, $0xE;
	[tilespmem:$0x5050] =	vst v61  }
0x6c: {  	[tilespmem:$0x50D0] =	vst v11  }
0x6d: {  	v11 =	vld [tilespmem:s21+$0x20];
	_ =	sdelay $0x4  }
0x6e: {  	v62 =	vand.u32 $0x3FFF, v11  }
0x6f: {  	v11 =	vshrl.u32 v11, $0xE;
	[tilespmem:$0x5060] =	vst v62  }
0x70: {  	[tilespmem:$0x50E0] =	vst v11  }
0x71: {  	v11 =	vld [tilespmem:s21+$0x30]  }
0x72: {  	p0 =	sne.s32 s22, $0x1  }
.Ltmp4:
0x73: {  	_ = 	snop;
	(pc) =	sbr.rel @!p0 .LBB2_6-.Ltmp4, $3  }
0x74: {  	_ =	sdelay $0x1  }
0x75: {  	v63 =	vand.u32 $0x3FFF, v11  }
0x76: {  	s22 =	sadd.s32 $0xFFFFFFFF, s22;
	v11 =	vshrl.u32 v11, $0xE;
	[tilespmem:$0x5070] =	vst v63  }
.LBB2_5:
0x77: {  	p0 =	sne.s32 s22, $0x1;
	s22 =	sadd.s32 $0xFFFFFFFF, s22;
	[tilespmem:$0x50F0] =	vst v11;
	s21 =	sadd.s32 $0x80, s21  }
0x78: {  	[tilespmem:s18], [sflag:$0x1] =	stream.indirect.gather [hbm4b:s1+s13], $0x80, s14, s13, $0xb8;
	[tilespmem:$0x1D180] =	vst v63  }
0x79: {  	_ =	swait.ge [sflag:s15], $0x4000  }
0x7a: {  	[sflag:s15] =	ssyncset.done $0x0  }
0x7b: {  	[sflag:s15] =	ssyncadd.s32 $0xFFFFC000  }
0x7c: {  	[spmem:s2] =	stream.indirect.scatter.add.f32 [tilespmem:s18], [sflag:$0x2], $0x80, s19, s13, $0xb8;
	[tilespmem:$0x1D180] =	vst v63  }
0x7d: {  	_ =	swait.ge [sflag:s11], $0x4000  }
0x7e: {  	[sflag:s11] =	ssyncset.done $0x0  }
0x7f: {  	[sflag:s11] =	ssyncadd.s32 $0xFFFFC000  }
0x80: {  	v11 =	vld [tilespmem:s21+$0xFFFFFFC0];
	_ =	sdelay $0x4  }
0x81: {  	v12 =	vand.u32 $0x3FFF, v11;
	v11 =	vshrl.u32 v11, $0xE  }
0x82: {  	[tilespmem:$0x5000] =	vst v12  }
0x83: {  	[tilespmem:$0x5080] =	vst v11  }
0x84: {  	v11 =	vld [tilespmem:s21+$0xFFFFFFD0];
	_ =	sdelay $0x4  }
0x85: {  	v12 =	vand.u32 $0x3FFF, v11;
	v11 =	vshrl.u32 v11, $0xE  }
0x86: {  	[tilespmem:$0x5010] =	vst v12  }
0x87: {  	[tilespmem:$0x5090] =	vst v11  }
0x88: {  	v11 =	vld [tilespmem:s21+$0xFFFFFFE0];
	_ =	sdelay $0x4  }
0x89: {  	v12 =	vand.u32 $0x3FFF, v11;
	v11 =	vshrl.u32 v11, $0xE  }
0x8a: {  	[tilespmem:$0x5020] =	vst v12  }
0x8b: {  	[tilespmem:$0x50A0] =	vst v11  }
0x8c: {  	v11 =	vld [tilespmem:s21+$0xFFFFFFF0];
	_ =	sdelay $0x4  }
0x8d: {  	v12 =	vand.u32 $0x3FFF, v11;
	v11 =	vshrl.u32 v11, $0xE  }
0x8e: {  	[tilespmem:$0x5030] =	vst v12  }
0x8f: {  	[tilespmem:$0x50B0] =	vst v11  }
0x90: {  	v11 =	vld [tilespmem:s21+$0x0];
	_ =	sdelay $0x4  }
0x91: {  	v12 =	vand.u32 $0x3FFF, v11;
	v11 =	vshrl.u32 v11, $0xE  }
0x92: {  	[tilespmem:$0x5040] =	vst v12  }
0x93: {  	[tilespmem:$0x50C0] =	vst v11  }
0x94: {  	v11 =	vld [tilespmem:s21+$0x10];
	_ =	sdelay $0x4  }
0x95: {  	v12 =	vand.u32 $0x3FFF, v11;
	v11 =	vshrl.u32 v11, $0xE  }
0x96: {  	[tilespmem:$0x5050] =	vst v12  }
0x97: {  	[tilespmem:$0x50D0] =	vst v11  }
0x98: {  	v11 =	vld [tilespmem:s21+$0x20];
	_ =	sdelay $0x4  }
0x99: {  	v12 =	vand.u32 $0x3FFF, v11;
	v11 =	vshrl.u32 v11, $0xE  }
0x9a: {  	[tilespmem:$0x5060] =	vst v12  }
0x9b: {  	[tilespmem:$0x50E0] =	vst v11  }
0x9c: {  	v11 =	vld [tilespmem:s21+$0x30];
	_ =	sdelay $0x1  }
.Ltmp5:
0x9d: {  	(pc) =	sbr.rel @p0 .LBB2_5-.Ltmp5, $3  }
0x9e: {  	_ =	sdelay $0x1  }
0x9f: {  	v12 =	vand.u32 $0x3FFF, v11;
	v11 =	vshrl.u32 v11, $0xE  }
0xa0: {  	[tilespmem:$0x5070] =	vst v12  }
.Ltmp6:
0xa1: {  	_ = 	snop;
	(pc) =	sbr.rel .LBB2_6-.Ltmp6, $1  }
0xa2: {  	_ =	sdelay $0x3  }
.LBB2_8:
0xa3: {  	_ =	sfence.sel $0x180000  }
0xa4: {  	[bflag:$0x0] =	sbarrier.arrive $0xFFFF  }
0xa5: {  	p0 =	sne.s32 s3, $0x0;
	_ =	strace $0x9000004A  }
0xa6: {  	s0 =	sadd.s32 @!p0 $0x100000, s0;
	[bflag:$0x2] =	sbarrier.arrive $0xFFFF  }
0xa7: {  	[sflag:s0] =	ssyncadd.tile.s32 @!p0 $0x1;
	_ =	shalt  }
.Lfunc_end2:
_tile_overlayer_lowered:
.L_overlay_start_2:
0xa8: {  	(tag) =	ssettag $0x2  }
0xa9: {  	s0 =	rddreg [dreg:$0x0];
	s2 =	stileid.u32  }
0xaa: {  	s1 =	rddreg [dreg:$0x1];
	p0 =	sne.s32 s2, $0x0  }
0xab: {  	s3 =	rddreg [dreg:$0x2];
	[bflag:$0x3] =	sbarrier.arrive $0xFFFF;
	s2 =	simm.s32 @!p0 $0x1C02  }
0xac: {  	[timem:s3], [sflag:s2] =	dma.local @!p0 [hbm:s0], s1  }
0xad: {  	s0 =	simm.s32 @!p0 $0x2  }
0xae: {  	_ =	swait.ge @!p0 [sflag:s0], s1  }
0xaf: {  	s1 =	ssub.s32 @!p0 $0x0, s1;
	[sflag:s0] =	ssyncset.done @!p0 $0x0  }
0xb0: {  	[sflag:s0] =	ssyncadd.s32 @!p0 s1  }
0xb1: {  	[bflag:$0x3] =	sbarrier.arrive $0xFFFF  }
0xb2: {  	_ =	shalt  }

// kernel: kernel.14.cloned.1.call-start
scs
__scs_entry_jumppad:
0x0: {  	(pc) =	sbr.rel $0x88, $3  }
0x1: {  	(tag) =	ssettag $0x0;
	lr =	simm.s32 $0x1  }
0x2: {  	[smem:$0x3F95] =	sst lr;
	_ =	strace $0xD0000000  }
0x3: {  	_ = 	snop  }
0x4: {  	_ = 	snop  }
0x5: {  	_ = 	snop  }
0x6: {  	_ = 	snop  }
0x7: {  	_ = 	snop  }
__scs_overlays_trampoline_lowered:
0x8: {  	[smem:$0x3FA4] =	sst s0  }
0x9: {  	[smem:$0x3FA5] =	sst s1  }
0xa: {  	[smem:$0x3FA6] =	sst s2  }
0xb: {  	[smem:$0x3FA7] =	sst s3  }
0xc: {  	[smem:$0x3FA8] =	sst s4  }
0xd: {  	[smem:$0x3FA9] =	sst s5  }
0xe: {  	[smem:$0x3FAA] =	sst s6  }
0xf: {  	[smem:$0x3FAB] =	sst s7  }
0x10: {  	[smem:$0x3FAC] =	sst s8  }
0x11: {  	[smem:$0x3FAD] =	sst s9;
	s0 =	simm.s32 @!p0 $0x0  }
0x12: {  	s1 =	sld [smem:$0x3F93];
	s0 =	simm.s32 @p0 $0x1  }
0x13: {  	[smem:$0x3FAE] =	sst s0;
	s0 =	simm.s32 @!p1 $0x0  }
0x14: {  	s2 =	sld [smem:$0x3F92];
	s0 =	simm.s32 @p1 $0x1  }
0x15: {  	[smem:$0x3FAF] =	sst s0;
	s0 =	simm.s32 @!p2 $0x0  }
0x16: {  	s3 =	sld [smem:$0x3FDB];
	s0 =	simm.s32 @p2 $0x1  }
0x17: {  	s4 =	simm.s32 $0x1BF5;
	[smem:$0x3FB1] =	sst s0  }
0x18: {  	s0 =	sld [smem:$0x3F94];
	_ =	swait.ge [sflag:s4], $0x0  }
0x19: {  	s7 =	sld [smem:$0x3F95]  }
0x1a: {  	s8 =	sadd.s32 $0xFFFFE003, lr  }
0x1b: {  	s9 =	sadd.s32 $0xFFFFFEF7, lr;
	s5 =	simm.s32 $0xFFFFFFFF;
	p2 =	slt.u32 s8, $0xFFFFF086  }
0x1c: {  	p1 =	slt.u32 s9, $0xF7A;
	s5 =	simm.s32 @!p2 $0x0  }
0x1d: {  	s5 =	simm.s32 @p1 $0x1;
	p0 =	seq.s32 s7, s2  }
0x1e: {  	s7 =	smul.u32 @!p0 $0xF7A, s2;
	p2 =	seq.s32 @!p0 s5, $0x0  }
0x1f: {  	s9 =	smul.u32 $0xF7A, s1;
	s8 =	simm.s32 @!p0 $0x1BF5;
	p2 =	por !p2, p0  }
0x20: {  	[sflag:s8] =	ssyncset.s32 @!p0 $0xFFFFF086;
	s6 =	sadd.s32 @!p0 s3, s7;
	s7 =	simm.s32 @!p0 $0x108  }
0x21: {  	s3 =	sadd.s32 s3, s9;
	s6 =	sadd.s32 @!p0 $0x88, s6;
	s7 =	simm.s32 @p2 $0x1082  }
0x22: {  	[simem:s7], [sflag:s8] =	dma.local @!p0 [hbm:s6], $0xF7A  }
0x23: {  	s9 =	sor.u32 $0xD0000000, s2;
	s6 =	simm.s32 $0x108;
	_ =	swait.ge @!p0 [sflag:s8], $0x0  }
0x24: {  	s3 =	sadd.s32 $0x88, s3;
	s6 =	simm.s32 @!p1 $0x1082;
	[sflag:s4] =	ssyncset.s32 $0xFFFFF086  }
0x25: {  	[simem:s6], [sflag:s4] =	dma.local [hbm:s3], $0xF7A  }
0x26: {  	[smem:$0x3F95] =	sst s1;
	(tag) =	ssettag s2;
	_ =	strace s9  }
0x27: {  	s1 =	sld [smem:$0x3FA5]  }
0x28: {  	s2 =	sld [smem:$0x3FA6]  }
0x29: {  	s4 =	sld [smem:$0x3FA8]  }
0x2a: {  	p0 =	seq.s32 s5, $0x0;
	s5 =	sld [smem:$0x3FA9]  }
0x2b: {  	s6 =	sld [smem:$0x3FAA]  }
0x2c: {  	s7 =	sld [smem:$0x3FAB]  }
0x2d: {  	s3 =	simm.s32 $0x108;
	s8 =	sld [smem:$0x3FAC]  }
0x2e: {  	s3 =	simm.s32 @!p0 $0x1082;
	s9 =	sld [smem:$0x3FAD]  }
0x2f: {  	lr =	sadd.s32 s0, s3;
	s0 =	sld [smem:$0x3FA4]  }
0x30: {  	s3 =	sld [smem:$0x3FA7]  }
0x31: {  	[smem:$0x3FB0] =	sst s10  }
0x32: {  	s10 =	sld [smem:$0x3FAE];
	_ =	sdelay $0x3  }
0x33: {  	p0 =	seq.s32 s10, $0x1;
	s10 =	sld [smem:$0x3FB0];
	_ =	sdelay $0x3  }
0x34: {  	[smem:$0x3FB0] =	sst s10  }
0x35: {  	s10 =	sld [smem:$0x3FAF];
	_ =	sdelay $0x3  }
0x36: {  	p1 =	seq.s32 s10, $0x1;
	s10 =	sld [smem:$0x3FB0];
	_ =	sdelay $0x3  }
0x37: {  	[smem:$0x3FB0] =	sst s10  }
0x38: {  	s10 =	sld [smem:$0x3FB1]  }
0x39: {  	_ = 	snop;
	(pc) =	sbr.ind lr, $3  }
0x3a: {  	_ = 	snop  }
0x3b: {  	_ = 	snop  }
0x3c: {  	p2 =	seq.s32 s10, $0x1;
	s10 =	sld [smem:$0x3FB0]  }
0x3d: {  	_ =	shalt  }
0x3e: {  	_ =	shalt  }
0x3f: {  	_ =	shalt  }
0x40: {  	_ =	shalt  }
0x41: {  	_ =	shalt  }
0x42: {  	_ =	shalt  }
0x43: {  	_ =	shalt  }
0x44: {  	_ =	shalt  }
0x45: {  	_ =	shalt  }
0x46: {  	_ =	shalt  }
0x47: {  	_ =	shalt  }
0x48: {  	_ =	shalt  }
0x49: {  	_ =	shalt  }
0x4a: {  	_ =	shalt  }
0x4b: {  	_ =	shalt  }
0x4c: {  	_ =	shalt  }
0x4d: {  	_ =	shalt  }
0x4e: {  	_ =	shalt  }
0x4f: {  	_ =	shalt  }
0x50: {  	_ =	shalt  }
0x51: {  	_ =	shalt  }
0x52: {  	_ =	shalt  }
0x53: {  	_ =	shalt  }
0x54: {  	_ =	shalt  }
0x55: {  	_ =	shalt  }
0x56: {  	_ =	shalt  }
0x57: {  	_ =	shalt  }
0x58: {  	_ =	shalt  }
0x59: {  	_ =	shalt  }
0x5a: {  	_ =	shalt  }
0x5b: {  	_ =	shalt  }
0x5c: {  	_ =	shalt  }
0x5d: {  	_ =	shalt  }
0x5e: {  	_ =	shalt  }
0x5f: {  	_ =	shalt  }
0x60: {  	_ =	shalt  }
0x61: {  	_ =	shalt  }
0x62: {  	_ =	shalt  }
0x63: {  	_ =	shalt  }
0x64: {  	_ =	shalt  }
0x65: {  	_ =	shalt  }
0x66: {  	_ =	shalt  }
0x67: {  	_ =	shalt  }
0x68: {  	_ =	shalt  }
0x69: {  	_ =	shalt  }
0x6a: {  	_ =	shalt  }
0x6b: {  	_ =	shalt  }
0x6c: {  	_ =	shalt  }
0x6d: {  	_ =	shalt  }
0x6e: {  	_ =	shalt  }
0x6f: {  	_ =	shalt  }
0x70: {  	_ =	shalt  }
0x71: {  	_ =	shalt  }
0x72: {  	_ =	shalt  }
0x73: {  	_ =	shalt  }
0x74: {  	_ =	shalt  }
0x75: {  	_ =	shalt  }
0x76: {  	_ =	shalt  }
0x77: {  	_ =	shalt  }
0x78: {  	_ =	shalt  }
0x79: {  	_ =	shalt  }
0x7a: {  	_ =	shalt  }
0x7b: {  	_ =	shalt  }
0x7c: {  	_ =	shalt  }
0x7d: {  	_ =	shalt  }
0x7e: {  	_ =	shalt  }
0x7f: {  	_ =	shalt  }
0x80: {  	_ =	shalt  }
0x81: {  	_ =	shalt  }
0x82: {  	_ =	shalt  }
0x83: {  	_ =	shalt  }
0x84: {  	_ =	shalt  }
0x85: {  	_ =	shalt  }
0x86: {  	_ =	shalt  }
0x87: {  	_ =	shalt  }
.Lfunc_end0:
.L_simem_size_0:
called_computation.2_lowered:
.L_overlay_start_0:
0x88: {  	s2 =	sld [smem:$0x3FD9]  }
0x89: {  	s3 =	sld [smem:$0x3FFE];
	_ =	sdelay $0x1  }
0x8a: {  	s1 =	srdreg.scid  }
0x8b: {  	s0 =	sand.u32 $0x1, s1  }
0x8c: {  	s17 =	sshll.u32 s0, $0xA;
	s2 =	sadd.s32 s3, s2  }
0x8d: {  	s2 =	sadd.s32 s2, s17  }
0x8e: {  	[smem:$0x3FBC] =	sst s2  }
0x8f: {  	_ = 	snop  }
0x90: {  	s18 =	sld [smem:$0x3FC9];
	(tm) =	ssettm $0x1  }
0x91: {  	s19 =	sld [smem:$0x3FFB];
	_ =	sdelay $0x3  }
0x92: {  	_ =	strace s19  }
0x93: {  	s2 =	sld [smem:$0x3FFC];
	_ =	sdelay $0x3  }
0x94: {  	_ =	strace s2  }
0x95: {  	s2 =	sld [smem:$0x3FFD];
	_ =	sdelay $0x3  }
0x96: {  	_ =	strace s2  }
0x97: {  	_ =	strace $0x8FFFFFFF  }
0x98: {  	s20 =	sld [smem:$0x3FDB];
	_ =	sdelay $0x1  }
0x99: {  	s4 =	simm.s32 $_scs_section_size  }
0x9a: {  	s5 =	simm.s32 $_size__tile_overlayer_lowered;
	s6 =	simm.s32 $_tile_overlayer_lowered  }
0x9b: {  	s7 =	simm.s32 $0x1BFF;
	s21 =	sshll.u32 s6, $0x1;
	s4 =	sadd.s32 s4, s20  }
0x9c: {  	s22 =	simm.s32 $0x0;
	s5 =	sshll.u32 s5, $0x1;
	s6 =	sadd.s32 s21, s4  }
0x9d: {  	[timem:s22], [sflag:s7] =	dma.local [hbm:s6], s5  }
0x9e: {  	_ =	swait.ge [sflag:s7], s5  }
0x9f: {  	s5 =	ssub.s32 $0x0, s5;
	[sflag:s7] =	ssyncset.done $0x0  }
0xa0: {  	[sflag:s7] =	ssyncadd.s32 s5;
	_ =	sdelay $0x1  }
0xa1: {  	s23 =	simm.s32 $0x1B8B  }
0xa2: {  	_ =	swait.ge [sflag:s23], $0x1  }
0xa3: {  	[sflag:s23] =	ssyncset.done $0x0  }
0xa4: {  	[sflag:s23] =	ssyncadd.s32 $0xFFFFFFFF  }
0xa5: {  	s5 =	sld [smem:$0x0]  }
0xa6: {  	s6 =	sand.u32 $0xFFFFFFFE, s1  }
0xa7: {  	p0 =	sne.s32 s1, s6  }
0xa8: {  	s6 =	sshll.u32 @p0 s6, $0xE  }
0xa9: {  	s6 =	sadd.s32 @p0 $0x11B8D, s6;
	s7 =	sshll.u32 @p0 s5, $0x11  }
0xaa: {  	s6 =	sor.u32 @p0 s7, s6  }
0xab: {  	[sflag:s6] =	ssyncadd.remote.s32 @p0 $0x1;
	_ =	sdelay $0x1  }
0xac: {  	s6 =	simm.s32 @p0 $0x1B8D  }
0xad: {  	_ =	swait.eq @p0 [sflag:s6], $0x1  }
0xae: {  	[sflag:s6] =	ssyncadd.s32 @p0 $0xFFFFFFFF  }
0xaf: {  	s7 =	sshll.u32 @!p0 s1, $0xE  }
0xb0: {  	s7 =	sor.u32 @!p0 $0x4000, s7;
	s6 =	simm.s32 @!p0 $0x1B8D  }
0xb1: {  	s5 =	sshll.u32 @!p0 s5, $0x11;
	s7 =	sadd.s32 @!p0 $0x11B8D, s7;
	_ =	swait.eq @!p0 [sflag:s6], $0x1  }
0xb2: {  	s5 =	sor.u32 @!p0 s5, s7;
	[sflag:s6] =	ssyncadd.s32 @!p0 $0xFFFFFFFF  }
0xb3: {  	s25 =	simm.s32 $0x1B8E;
	s24 =	sld [smem:$0x3FFE];
	[sflag:s5] =	ssyncadd.remote.s32 @!p0 $0x1  }
0xb4: {  	s26 =	simm.s32 $execute0_lowered;
	[smem:$0x3FD2] =	sst s25  }
0xb5: {  	s6 =	sshll.u32 s26, $0x1;
	_ =	strace $0x8000004C;
	[dreg:$0x1] =	wrdreg $0xFFFFFFFF  }
0xb6: {  	s28 =	simm.s32 $_size_execute0_lowered;
	s4 =	sadd.s32 s4, s6;
	[dreg:$0x0] =	wrdreg $0x0  }
0xb7: {  	s6 =	sshll.u32 s28, $0x1;
	[dreg:$0x2] =	wrdreg s4  }
0xb8: {  	[dreg:$0x3] =	wrdreg s6  }
0xb9: {  	[dreg:$0x4] =	wrdreg $0xC0  }
0xba: {  	_ =	task [dreg:s22], $0x5FFFF  }
0xbb: {  	[dreg:$0x1] =	wrdreg $0xFFFFFFFF  }
0xbc: {  	[dreg:$0x0] =	wrdreg $0x60  }
0xbd: {  	[dreg:$0x2] =	wrdreg s18  }
0xbe: {  	[dreg:$0x3] =	wrdreg s24  }
0xbf: {  	[dreg:$0x4] =	wrdreg $0x131800  }
0xc0: {  	[dreg:$0x5] =	wrdreg $0xA  }
0xc1: {  	_ =	task.clear_ibuf [dreg:s22], $0x6FFFF;
	_ =	strace $0x9000004C  }
0xc2: {  	s29 =	simm.s32 $0xA;
	_ =	strace $0x8000004E  }
0xc3: {  	_ =	swait.ge [sflag:s29], $0x1  }
0xc4: {  	[sflag:s29] =	ssyncadd.s32 $0xFFFFFFFF  }
0xc5: {  	_ =	strace $0x9000004E  }
0xc6: {  	_ =	sfence  }
0xc7: {  	s30 =	sld [smem:$0x0];
	_ =	sdelay $0x2  }
0xc8: {  	s31 =	sshll.u32 s1, $0xD;
	s1 =	sshrl.u32 s1, $0x2  }
0xc9: {  	s4 =	sand.u32 $0x4000, s31;
	s1 =	sadd.s32 s1, s30  }
0xca: {  	s0 =	sor.u32 s4, s0;
	s1 =	sshll.u32 s1, $0x11  }
0xcb: {  	s0 =	sor.u32 s1, s0  }
0xcc: {  	s0 =	sadd.s32 $0x8F2B, s0  }
0xcd: {  	[sflag:s0] =	ssyncadd.remote.s32 $0x1  }
0xce: {  	_ =	sfence.sel $0xFFFF  }
0xcf: {  	[dreg:$0x0] =	wrdreg $0xFFFFFFFF;
	(pc) =	sbr.abs _section_cstart, $3  }
0xd0: {  	[dreg:$0x1] =	wrdreg $0xFFFFFFFF  }
0xd1: {  	_ =	task.clear_ibuf [dreg:s22], $0x2FFFF;
	_ =	strace $0x9FFFFFFF  }
0xd2: {  	(tm) =	ssettm $0x7FFFFFFF  }
0xd3: {  	_ =	shalt  }
tec
execute0_lowered:
.L_overlay_start_1:
0x0: {  	(tag) =	ssettag $0x1  }
0x1: {  	s1 =	rddreg [dreg:$0x0]  }
0x2: {  	s6 =	rddreg [dreg:$0x1]  }
0x3: {  	s2 =	rddreg [dreg:$0x2]  }
0x4: {  	s3 =	srdreg.scid;
	s0 =	rddreg [dreg:$0x3]  }
0x5: {  	s4 =	simm.s32 $0x0;
	s7 =	sand.u32 $0x1, s3;
	s3 =	stileid.u32  }
0x6: {  	[smem:$0x7FF] =	sst s4;
	s5 =	sshll.u32 s7, $0x4;
	s9 =	smul.u32 $0x1400, s3  }
0x7: {  	_ =	strace $0x8000004D;
	s11 =	smul.u32 $0x14000, s7;
	s7 =	ssub.s32 $0x2, s7  }
0x8: {  	s12 =	smul.u32 $0x28000, s3;
	s8 =	sor.u32 s3, s5;
	s5 =	sadd.s32 $0xD800, s6  }
0x9: {  	s25 =	sshrl.u32 s7, $0x1;
	s10 =	sshll.u32 s8, $0x1;
	s9 =	sadd.s32 s9, s11  }
0xa: {  	s13 =	smul.u32 $0xA0, s8;
	s28 =	ssub.s32 s7, s25;
	s29 =	sshrl.u32 s12, $0x2  }
0xb: {  	s11 =	simm.s32 $0x2;
	s12 =	simm.s32 $0x13100;
	s10 =	sadd.s32 s10, s6  }
0xc: {  	s26 =	sadd.s32 s9, s6;
	s6 =	sadd.s32 s29, s2;
	s9 =	smax.u32 s28, $0x1  }
0xd: {  	s7 =	sadd.s32 $0x21800, s10;
	s30 =	sor.u32 $0x10, s13;
	s31 =	sadd.s32 $0x20, s13  }
0xe: {  	s14 =	sadd.s32 $0x30, s13;
	s15 =	sadd.s32 $0x40, s13;
	s16 =	sadd.s32 $0x50, s13  }
.Ltmp0:
0xf: {  	v9 =	vlaneseq.u32;
	s17 =	sadd.s32 $0x60, s13;
	s18 =	sadd.s32 $0x70, s13;
	(pc) =	sbr.rel .LBB2_1-.Ltmp0, $4  }
0x10: {  	v10 =	vimm.f32 $0.0e+00;
	s19 =	sadd.s32 $0x80, s13;
	s20 =	sadd.s32 $0x90, s13;
	s8 =	sadd.s32 $0x49A00, s26;
	v0 =	vor.u32 s13, v9  }
0x11: {  	s10 =	simm.s32 $0x9100;
	s13 =	simm.s32 $0x80;
	v1 =	vor.u32 s30, v9;
	v2 =	vor.u32 s31, v9;
	v3 =	vor.u32 s14, v9;
	s14 =	simm.s32 $0x5000  }
0x12: {  	v4 =	vor.u32 s15, v9;
	v5 =	vor.u32 s16, v9;
	v6 =	vor.u32 s17, v9;
	s15 =	simm.s32 $0x1;
	s16 =	simm.s32 $0x20;
	s17 =	simm.s32 $0x4000  }
0x13: {  	v7 =	vor.u32 s18, v9;
	v8 =	vor.u32 s19, v9;
	v9 =	vor.u32 s20, v9;
	s18 =	simm.s32 $0x5100;
	s19 =	simm.s32 $0x5080;
	s20 =	simm.s32 $0x0  }
.LBB2_6:
0x14: {  	[tilespmem:$0x50F0] =	vst v11  }
0x15: {  	[tilespmem:s18], [sflag:$0x1] =	stream.indirect.gather [hbm4b:s1+s13], $0x80, s14, s13, $0xb8;
	[tilespmem:$0x1D180] =	vst v63  }
0x16: {  	_ =	swait.ge [sflag:s15], $0x4000  }
0x17: {  	[sflag:s15] =	ssyncset.done $0x0  }
0x18: {  	[sflag:s15] =	ssyncadd.s32 $0xFFFFC000  }
0x19: {  	[spmem:s2] =	stream.indirect.scatter.add.f32 [tilespmem:s18], [sflag:$0x2], $0x80, s19, s13, $0xb8;
	[tilespmem:$0x1D180] =	vst v63  }
0x1a: {  	_ =	swait.ge [sflag:s11], $0x4000  }
0x1b: {  	[sflag:s11] =	ssyncset.done $0x0  }
0x1c: {  	[sflag:s11] =	ssyncadd.s32 $0xFFFFC000  }
.LBB2_7:
0x1d: {  	[bflag:$0x0] =	sbarrier.arrive $0xFFFF  }
0x1e: {  	[tilespmem:s10], [sflag:$0x2] =	stream.linear.gather [spmem:s6], $0xA000, $0x38;
	[tilespmem:$0x1D180] =	vst v63  }
0x1f: {  	s20 =	sadd.s32 $0x1, s20;
	_ =	swait.ge [sflag:s11], $0xA000  }
0x20: {  	p0 =	sne.s32 s20, s9;
	[sflag:s11] =	ssyncset.done $0x0  }
.Ltmp1:
0x21: {  	[sflag:s11] =	ssyncadd.s32 $0xFFFF6000;
	(pc) =	sbr.rel @!p0 .LBB2_8-.Ltmp1, $4  }
0x22: {  	[hbm4b:s8+s4] =	stream.linear.scatter [tilespmem:s10], [sflag:$0x2], $0xA000, $0x38;
	[tilespmem:$0x1D180] =	vst v63  }
0x23: {  	_ =	swait.ge [sflag:s11], $0xA000  }
0x24: {  	[sflag:s11] =	ssyncset.done $0x0  }
0x25: {  	[sflag:s11] =	ssyncadd.s32 $0xFFFF6000  }
.LBB2_1:
0x26: {  	s21 =	simm.s32 $0x0;
	s22 =	simm.s32 $0x200  }
.LBB2_2:
0x27: {  	p0 =	sne.s32 s22, $0x27E00;
	[tilespmem:s21+$0x9170] =	vst v10  }
0x28: {  	[tilespmem:s21+$0x9100] =	vst v10  }
0x29: {  	[tilespmem:s21+$0x9110] =	vst v10  }
.Ltmp2:
0x2a: {  	[tilespmem:s21+$0x9120] =	vst v10;
	(pc) =	sbr.rel @p0 .LBB2_2-.Ltmp2, $4  }
0x2b: {  	[tilespmem:s21+$0x9130] =	vst v10  }
0x2c: {  	[tilespmem:s21+$0x9140] =	vst v10  }
0x2d: {  	[tilespmem:s21+$0x9150] =	vst v10  }
0x2e: {  	[tilespmem:s21+$0x9160] =	vst v10;
	s21 =	sshra.s32 s22, $0x2;
	s22 =	sadd.s32 $0x200, s22  }
0x2f: {  	[tilespmem:s21+$0x9170] =	vst v10  }
0x30: {  	[tilespmem:s21+$0x9100] =	vst v10  }
0x31: {  	[tilespmem:s21+$0x9110] =	vst v10  }
0x32: {  	[tilespmem:s21+$0x9120] =	vst v10  }
0x33: {  	[tilespmem:s21+$0x9130] =	vst v10  }
0x34: {  	[tilespmem:s21+$0x9140] =	vst v10  }
0x35: {  	[tilespmem:s21+$0x9150] =	vst v10  }
0x36: {  	[tilespmem:s21+$0x9160] =	vst v10  }
0x37: {  	[spmem:s6] =	stream.linear.scatter [tilespmem:s10], [sflag:$0x2], $0xA000, $0x38;
	[tilespmem:$0x1D180] =	vst v63  }
0x38: {  	_ =	swait.ge [sflag:s11], $0xA000  }
0x39: {  	[sflag:s11] =	ssyncset.done $0x0  }
0x3a: {  	[sflag:s11] =	ssyncadd.s32 $0xFFFF6000  }
0x3b: {  	[bflag:$0x0] =	sbarrier.arrive $0xFFFF  }
0x3c: {  	[tilespmem:s12], [sflag:$0x2] =	stream.linear.gather [hbm4b:s7+s4], $0x10, $0x38;
	[tilespmem:$0x1D180] =	vst v63  }
0x3d: {  	_ =	swait.ge [sflag:s11], $0x10  }
0x3e: {  	[sflag:s11] =	ssyncset.done $0x0  }
0x3f: {  	[sflag:s11] =	ssyncadd.s32 $0xFFFFFFF0  }
0x40: {  	v11 =	vld [tilespmem:$0x13100];
	_ =	sdelay $0x4  }
0x41: {  	(v2sf) =	vpush v11, $0x0;
	_ =	sdelay $0x5  }
0x42: {  	[tilespmem:$0x5000] =	vst v0  }
0x43: {  	[tilespmem:$0x5010] =	vst v1  }
0x44: {  	[tilespmem:$0x5020] =	vst v2  }
0x45: {  	[tilespmem:$0x5030] =	vst v3  }
0x46: {  	[tilespmem:$0x5040] =	vst v4  }
0x47: {  	[tilespmem:$0x5050] =	vst v5  }
0x48: {  	[tilespmem:$0x5060] =	vst v6  }
0x49: {  	[tilespmem:$0x5070] =	vst v7  }
0x4a: {  	[tilespmem:s4], [sflag:$0x1] =	stream.indirect.gather [hbm4b:s5+s13], $0x80, s14, s13, $0xb8;
	[tilespmem:$0x1D180] =	vst v63  }
0x4b: {  	s22 =	spop (v2sf)  }
0x4c: {  	_ =	swait.ge [sflag:s15], $0x4000  }
0x4d: {  	[sflag:s15] =	ssyncset.done $0x0  }
0x4e: {  	[sflag:s15] =	ssyncadd.s32 $0xFFFFC000  }
0x4f: {  	p0 =	slt.s32 s22, $0x1;
	[tilespmem:$0x5000] =	vst v8  }
.Ltmp3:
0x50: {  	[tilespmem:$0x5010] =	vst v9;
	(pc) =	sbr.rel @p0 .LBB2_7-.Ltmp3, $4  }
0x51: {  	[tilespmem:s17], [sflag:$0x1] =	stream.indirect.gather [hbm4b:s5+s16], $0x80, s14, s16, $0xb8;
	[tilespmem:$0x1D180] =	vst v63  }
0x52: {  	_ =	swait.ge [sflag:s15], $0x1000  }
0x53: {  	[sflag:s15] =	ssyncset.done $0x0  }
0x54: {  	s21 =	simm.s32 $0x40;
	[sflag:s15] =	ssyncadd.s32 $0xFFFFF000  }
0x55: {  	v11 =	vld [tilespmem:s21+$0xFFFFFFC0];
	_ =	sdelay $0x4  }
0x56: {  	v12 =	vand.u32 $0x3FFF, v11  }
0x57: {  	v11 =	vshrl.u32 v11, $0xE;
	[tilespmem:$0x5000] =	vst v12  }
0x58: {  	[tilespmem:$0x5080] =	vst v11  }
0x59: {  	v11 =	vld [tilespmem:s21+$0xFFFFFFD0];
	_ =	sdelay $0x4  }
0x5a: {  	v57 =	vand.u32 $0x3FFF, v11  }
0x5b: {  	v11 =	vshrl.u32 v11, $0xE;
	[tilespmem:$0x5010] =	vst v57  }
0x5c: {  	[tilespmem:$0x5090] =	vst v11  }
0x5d: {  	v11 =	vld [tilespmem:s21+$0xFFFFFFE0];
	_ =	sdelay $0x4  }
0x5e: {  	v58 =	vand.u32 $0x3FFF, v11  }
0x5f: {  	v11 =	vshrl.u32 v11, $0xE;
	[tilespmem:$0x5020] =	vst v58  }
0x60: {  	[tilespmem:$0x50A0] =	vst v11  }
0x61: {  	v11 =	vld [tilespmem:s21+$0xFFFFFFF0];
	_ =	sdelay $0x4  }
0x62: {  	v59 =	vand.u32 $0x3FFF, v11  }
0x63: {  	v11 =	vshrl.u32 v11, $0xE;
	[tilespmem:$0x5030] =	vst v59  }
0x64: {  	[tilespmem:$0x50B0] =	vst v11  }
0x65: {  	v11 =	vld [tilespmem:s21+$0x0];
	_ =	sdelay $0x4  }
0x66: {  	v60 =	vand.u32 $0x3FFF, v11  }
0x67: {  	v11 =	vshrl.u32 v11, $0xE;
	[tilespmem:$0x5040] =	vst v60  }
0x68: {  	[tilespmem:$0x50C0] =	vst v11  }
0x69: {  	v11 =	vld [tilespmem:s21+$0x10];
	_ =	sdelay $0x4  }
0x6a: {  	v61 =	vand.u32 $0x3FFF, v11  }
0x6b: {  	v11 =	vshrl.u32 v11, $0xE;
	[tilespmem:$0x5050] =	vst v61  }
0x6c: {  	[tilespmem:$0x50D0] =	vst v11  }
0x6d: {  	v11 =	vld [tilespmem:s21+$0x20];
	_ =	sdelay $0x4  }
0x6e: {  	v62 =	vand.u32 $0x3FFF, v11  }
0x6f: {  	v11 =	vshrl.u32 v11, $0xE;
	[tilespmem:$0x5060] =	vst v62  }
0x70: {  	[tilespmem:$0x50E0] =	vst v11  }
0x71: {  	v11 =	vld [tilespmem:s21+$0x30]  }
0x72: {  	p0 =	sne.s32 s22, $0x1  }
.Ltmp4:
0x73: {  	_ = 	snop;
	(pc) =	sbr.rel @!p0 .LBB2_6-.Ltmp4, $3  }
0x74: {  	_ =	sdelay $0x1  }
0x75: {  	v63 =	vand.u32 $0x3FFF, v11  }
0x76: {  	s22 =	sadd.s32 $0xFFFFFFFF, s22;
	v11 =	vshrl.u32 v11, $0xE;
	[tilespmem:$0x5070] =	vst v63  }
.LBB2_5:
0x77: {  	p0 =	sne.s32 s22, $0x1;
	s22 =	sadd.s32 $0xFFFFFFFF, s22;
	[tilespmem:$0x50F0] =	vst v11;
	s21 =	sadd.s32 $0x80, s21  }
0x78: {  	[tilespmem:s18], [sflag:$0x1] =	stream.indirect.gather [hbm4b:s1+s13], $0x80, s14, s13, $0xb8;
	[tilespmem:$0x1D180] =	vst v63  }
0x79: {  	_ =	swait.ge [sflag:s15], $0x4000  }
0x7a: {  	[sflag:s15] =	ssyncset.done $0x0  }
0x7b: {  	[sflag:s15] =	ssyncadd.s32 $0xFFFFC000  }
0x7c: {  	[spmem:s2] =	stream.indirect.scatter.add.f32 [tilespmem:s18], [sflag:$0x2], $0x80, s19, s13, $0xb8;
	[tilespmem:$0x1D180] =	vst v63  }
0x7d: {  	_ =	swait.ge [sflag:s11], $0x4000  }
0x7e: {  	[sflag:s11] =	ssyncset.done $0x0  }
0x7f: {  	[sflag:s11] =	ssyncadd.s32 $0xFFFFC000  }
0x80: {  	v11 =	vld [tilespmem:s21+$0xFFFFFFC0];
	_ =	sdelay $0x4  }
0x81: {  	v12 =	vand.u32 $0x3FFF, v11;
	v11 =	vshrl.u32 v11, $0xE  }
0x82: {  	[tilespmem:$0x5000] =	vst v12  }
0x83: {  	[tilespmem:$0x5080] =	vst v11  }
0x84: {  	v11 =	vld [tilespmem:s21+$0xFFFFFFD0];
	_ =	sdelay $0x4  }
0x85: {  	v12 =	vand.u32 $0x3FFF, v11;
	v11 =	vshrl.u32 v11, $0xE  }
0x86: {  	[tilespmem:$0x5010] =	vst v12  }
0x87: {  	[tilespmem:$0x5090] =	vst v11  }
0x88: {  	v11 =	vld [tilespmem:s21+$0xFFFFFFE0];
	_ =	sdelay $0x4  }
0x89: {  	v12 =	vand.u32 $0x3FFF, v11;
	v11 =	vshrl.u32 v11, $0xE  }
0x8a: {  	[tilespmem:$0x5020] =	vst v12  }
0x8b: {  	[tilespmem:$0x50A0] =	vst v11  }
0x8c: {  	v11 =	vld [tilespmem:s21+$0xFFFFFFF0];
	_ =	sdelay $0x4  }
0x8d: {  	v12 =	vand.u32 $0x3FFF, v11;
	v11 =	vshrl.u32 v11, $0xE  }
0x8e: {  	[tilespmem:$0x5030] =	vst v12  }
0x8f: {  	[tilespmem:$0x50B0] =	vst v11  }
0x90: {  	v11 =	vld [tilespmem:s21+$0x0];
	_ =	sdelay $0x4  }
0x91: {  	v12 =	vand.u32 $0x3FFF, v11;
	v11 =	vshrl.u32 v11, $0xE  }
0x92: {  	[tilespmem:$0x5040] =	vst v12  }
0x93: {  	[tilespmem:$0x50C0] =	vst v11  }
0x94: {  	v11 =	vld [tilespmem:s21+$0x10];
	_ =	sdelay $0x4  }
0x95: {  	v12 =	vand.u32 $0x3FFF, v11;
	v11 =	vshrl.u32 v11, $0xE  }
0x96: {  	[tilespmem:$0x5050] =	vst v12  }
0x97: {  	[tilespmem:$0x50D0] =	vst v11  }
0x98: {  	v11 =	vld [tilespmem:s21+$0x20];
	_ =	sdelay $0x4  }
0x99: {  	v12 =	vand.u32 $0x3FFF, v11;
	v11 =	vshrl.u32 v11, $0xE  }
0x9a: {  	[tilespmem:$0x5060] =	vst v12  }
0x9b: {  	[tilespmem:$0x50E0] =	vst v11  }
0x9c: {  	v11 =	vld [tilespmem:s21+$0x30];
	_ =	sdelay $0x1  }
.Ltmp5:
0x9d: {  	(pc) =	sbr.rel @p0 .LBB2_5-.Ltmp5, $3  }
0x9e: {  	_ =	sdelay $0x1  }
0x9f: {  	v12 =	vand.u32 $0x3FFF, v11;
	v11 =	vshrl.u32 v11, $0xE  }
0xa0: {  	[tilespmem:$0x5070] =	vst v12  }
.Ltmp6:
0xa1: {  	_ = 	snop;
	(pc) =	sbr.rel .LBB2_6-.Ltmp6, $1  }
0xa2: {  	_ =	sdelay $0x3  }
.LBB2_8:
0xa3: {  	_ =	sfence.sel $0x180000  }
0xa4: {  	[bflag:$0x0] =	sbarrier.arrive $0xFFFF  }
0xa5: {  	p0 =	sne.s32 s3, $0x0;
	_ =	strace $0x9000004D  }
0xa6: {  	s0 =	sadd.s32 @!p0 $0x100000, s0;
	[bflag:$0x2] =	sbarrier.arrive $0xFFFF  }
0xa7: {  	[sflag:s0] =	ssyncadd.tile.s32 @!p0 $0x1;
	_ =	shalt  }
.Lfunc_end2:
_tile_overlayer_lowered:
.L_overlay_start_2:
0xa8: {  	(tag) =	ssettag $0x2  }
0xa9: {  	s0 =	rddreg [dreg:$0x0];
	s2 =	stileid.u32  }
0xaa: {  	s1 =	rddreg [dreg:$0x1];
	p0 =	sne.s32 s2, $0x0  }
0xab: {  	s3 =	rddreg [dreg:$0x2];
	[bflag:$0x3] =	sbarrier.arrive $0xFFFF;
	s2 =	simm.s32 @!p0 $0x1C02  }
0xac: {  	[timem:s3], [sflag:s2] =	dma.local @!p0 [hbm:s0], s1  }
0xad: {  	s0 =	simm.s32 @!p0 $0x2  }
0xae: {  	_ =	swait.ge @!p0 [sflag:s0], s1  }
0xaf: {  	s1 =	ssub.s32 @!p0 $0x0, s1;
	[sflag:s0] =	ssyncset.done @!p0 $0x0  }
0xb0: {  	[sflag:s0] =	ssyncadd.s32 @!p0 s1  }
0xb1: {  	[bflag:$0x3] =	sbarrier.arrive $0xFFFF  }
0xb2: {  	_ =	shalt  }

// kernel: kernel.17.cloned.1.call-start
scs
__scs_entry_jumppad:
0x0: {  	(pc) =	sbr.rel $0x88, $3  }
0x1: {  	(tag) =	ssettag $0x0;
	lr =	simm.s32 $0x1  }
0x2: {  	[smem:$0x3F95] =	sst lr;
	_ =	strace $0xD0000000  }
0x3: {  	_ = 	snop  }
0x4: {  	_ = 	snop  }
0x5: {  	_ = 	snop  }
0x6: {  	_ = 	snop  }
0x7: {  	_ = 	snop  }
__scs_overlays_trampoline_lowered:
0x8: {  	[smem:$0x3FA4] =	sst s0  }
0x9: {  	[smem:$0x3FA5] =	sst s1  }
0xa: {  	[smem:$0x3FA6] =	sst s2  }
0xb: {  	[smem:$0x3FA7] =	sst s3  }
0xc: {  	[smem:$0x3FA8] =	sst s4  }
0xd: {  	[smem:$0x3FA9] =	sst s5  }
0xe: {  	[smem:$0x3FAA] =	sst s6  }
0xf: {  	[smem:$0x3FAB] =	sst s7  }
0x10: {  	[smem:$0x3FAC] =	sst s8  }
0x11: {  	[smem:$0x3FAD] =	sst s9;
	s0 =	simm.s32 @!p0 $0x0  }
0x12: {  	s1 =	sld [smem:$0x3F93];
	s0 =	simm.s32 @p0 $0x1  }
0x13: {  	[smem:$0x3FAE] =	sst s0;
	s0 =	simm.s32 @!p1 $0x0  }
0x14: {  	s2 =	sld [smem:$0x3F92];
	s0 =	simm.s32 @p1 $0x1  }
0x15: {  	[smem:$0x3FAF] =	sst s0;
	s0 =	simm.s32 @!p2 $0x0  }
0x16: {  	s3 =	sld [smem:$0x3FDB];
	s0 =	simm.s32 @p2 $0x1  }
0x17: {  	s4 =	simm.s32 $0x1BF5;
	[smem:$0x3FB1] =	sst s0  }
0x18: {  	s0 =	sld [smem:$0x3F94];
	_ =	swait.ge [sflag:s4], $0x0  }
0x19: {  	s7 =	sld [smem:$0x3F95]  }
0x1a: {  	s8 =	sadd.s32 $0xFFFFE003, lr  }
0x1b: {  	s9 =	sadd.s32 $0xFFFFFEF7, lr;
	s5 =	simm.s32 $0xFFFFFFFF;
	p2 =	slt.u32 s8, $0xFFFFF086  }
0x1c: {  	p1 =	slt.u32 s9, $0xF7A;
	s5 =	simm.s32 @!p2 $0x0  }
0x1d: {  	s5 =	simm.s32 @p1 $0x1;
	p0 =	seq.s32 s7, s2  }
0x1e: {  	s7 =	smul.u32 @!p0 $0xF7A, s2;
	p2 =	seq.s32 @!p0 s5, $0x0  }
0x1f: {  	s9 =	smul.u32 $0xF7A, s1;
	s8 =	simm.s32 @!p0 $0x1BF5;
	p2 =	por !p2, p0  }
0x20: {  	[sflag:s8] =	ssyncset.s32 @!p0 $0xFFFFF086;
	s6 =	sadd.s32 @!p0 s3, s7;
	s7 =	simm.s32 @!p0 $0x108  }
0x21: {  	s3 =	sadd.s32 s3, s9;
	s6 =	sadd.s32 @!p0 $0x88, s6;
	s7 =	simm.s32 @p2 $0x1082  }
0x22: {  	[simem:s7], [sflag:s8] =	dma.local @!p0 [hbm:s6], $0xF7A  }
0x23: {  	s9 =	sor.u32 $0xD0000000, s2;
	s6 =	simm.s32 $0x108;
	_ =	swait.ge @!p0 [sflag:s8], $0x0  }
0x24: {  	s3 =	sadd.s32 $0x88, s3;
	s6 =	simm.s32 @!p1 $0x1082;
	[sflag:s4] =	ssyncset.s32 $0xFFFFF086  }
0x25: {  	[simem:s6], [sflag:s4] =	dma.local [hbm:s3], $0xF7A  }
0x26: {  	[smem:$0x3F95] =	sst s1;
	(tag) =	ssettag s2;
	_ =	strace s9  }
0x27: {  	s1 =	sld [smem:$0x3FA5]  }
0x28: {  	s2 =	sld [smem:$0x3FA6]  }
0x29: {  	s4 =	sld [smem:$0x3FA8]  }
0x2a: {  	p0 =	seq.s32 s5, $0x0;
	s5 =	sld [smem:$0x3FA9]  }
0x2b: {  	s6 =	sld [smem:$0x3FAA]  }
0x2c: {  	s7 =	sld [smem:$0x3FAB]  }
0x2d: {  	s3 =	simm.s32 $0x108;
	s8 =	sld [smem:$0x3FAC]  }
0x2e: {  	s3 =	simm.s32 @!p0 $0x1082;
	s9 =	sld [smem:$0x3FAD]  }
0x2f: {  	lr =	sadd.s32 s0, s3;
	s0 =	sld [smem:$0x3FA4]  }
0x30: {  	s3 =	sld [smem:$0x3FA7]  }
0x31: {  	[smem:$0x3FB0] =	sst s10  }
0x32: {  	s10 =	sld [smem:$0x3FAE];
	_ =	sdelay $0x3  }
0x33: {  	p0 =	seq.s32 s10, $0x1;
	s10 =	sld [smem:$0x3FB0];
	_ =	sdelay $0x3  }
0x34: {  	[smem:$0x3FB0] =	sst s10  }
0x35: {  	s10 =	sld [smem:$0x3FAF];
	_ =	sdelay $0x3  }
0x36: {  	p1 =	seq.s32 s10, $0x1;
	s10 =	sld [smem:$0x3FB0];
	_ =	sdelay $0x3  }
0x37: {  	[smem:$0x3FB0] =	sst s10  }
0x38: {  	s10 =	sld [smem:$0x3FB1]  }
0x39: {  	_ = 	snop;
	(pc) =	sbr.ind lr, $3  }
0x3a: {  	_ = 	snop  }
0x3b: {  	_ = 	snop  }
0x3c: {  	p2 =	seq.s32 s10, $0x1;
	s10 =	sld [smem:$0x3FB0]  }
0x3d: {  	_ =	shalt  }
0x3e: {  	_ =	shalt  }
0x3f: {  	_ =	shalt  }
0x40: {  	_ =	shalt  }
0x41: {  	_ =	shalt  }
0x42: {  	_ =	shalt  }
0x43: {  	_ =	shalt  }
0x44: {  	_ =	shalt  }
0x45: {  	_ =	shalt  }
0x46: {  	_ =	shalt  }
0x47: {  	_ =	shalt  }
0x48: {  	_ =	shalt  }
0x49: {  	_ =	shalt  }
0x4a: {  	_ =	shalt  }
0x4b: {  	_ =	shalt  }
0x4c: {  	_ =	shalt  }
0x4d: {  	_ =	shalt  }
0x4e: {  	_ =	shalt  }
0x4f: {  	_ =	shalt  }
0x50: {  	_ =	shalt  }
0x51: {  	_ =	shalt  }
0x52: {  	_ =	shalt  }
0x53: {  	_ =	shalt  }
0x54: {  	_ =	shalt  }
0x55: {  	_ =	shalt  }
0x56: {  	_ =	shalt  }
0x57: {  	_ =	shalt  }
0x58: {  	_ =	shalt  }
0x59: {  	_ =	shalt  }
0x5a: {  	_ =	shalt  }
0x5b: {  	_ =	shalt  }
0x5c: {  	_ =	shalt  }
0x5d: {  	_ =	shalt  }
0x5e: {  	_ =	shalt  }
0x5f: {  	_ =	shalt  }
0x60: {  	_ =	shalt  }
0x61: {  	_ =	shalt  }
0x62: {  	_ =	shalt  }
0x63: {  	_ =	shalt  }
0x64: {  	_ =	shalt  }
0x65: {  	_ =	shalt  }
0x66: {  	_ =	shalt  }
0x67: {  	_ =	shalt  }
0x68: {  	_ =	shalt  }
0x69: {  	_ =	shalt  }
0x6a: {  	_ =	shalt  }
0x6b: {  	_ =	shalt  }
0x6c: {  	_ =	shalt  }
0x6d: {  	_ =	shalt  }
0x6e: {  	_ =	shalt  }
0x6f: {  	_ =	shalt  }
0x70: {  	_ =	shalt  }
0x71: {  	_ =	shalt  }
0x72: {  	_ =	shalt  }
0x73: {  	_ =	shalt  }
0x74: {  	_ =	shalt  }
0x75: {  	_ =	shalt  }
0x76: {  	_ =	shalt  }
0x77: {  	_ =	shalt  }
0x78: {  	_ =	shalt  }
0x79: {  	_ =	shalt  }
0x7a: {  	_ =	shalt  }
0x7b: {  	_ =	shalt  }
0x7c: {  	_ =	shalt  }
0x7d: {  	_ =	shalt  }
0x7e: {  	_ =	shalt  }
0x7f: {  	_ =	shalt  }
0x80: {  	_ =	shalt  }
0x81: {  	_ =	shalt  }
0x82: {  	_ =	shalt  }
0x83: {  	_ =	shalt  }
0x84: {  	_ =	shalt  }
0x85: {  	_ =	shalt  }
0x86: {  	_ =	shalt  }
0x87: {  	_ =	shalt  }
.Lfunc_end0:
.L_simem_size_0:
called_computation.3_lowered:
.L_overlay_start_0:
0x88: {  	s2 =	sld [smem:$0x3FD9]  }
0x89: {  	s3 =	sld [smem:$0x3FFE];
	_ =	sdelay $0x1  }
0x8a: {  	s1 =	srdreg.scid  }
0x8b: {  	s0 =	sand.u32 $0x1, s1  }
0x8c: {  	s17 =	sshll.u32 s0, $0xA;
	s2 =	sadd.s32 s3, s2  }
0x8d: {  	s2 =	sadd.s32 s2, s17  }
0x8e: {  	[smem:$0x3FBC] =	sst s2  }
0x8f: {  	_ = 	snop  }
0x90: {  	s2 =	sld [smem:$0x3FD0];
	(tm) =	ssettm $0x1  }
0x91: {  	s18 =	sld [smem:$0x3FFB];
	_ =	sdelay $0x3  }
0x92: {  	_ =	strace s18  }
0x93: {  	s3 =	sld [smem:$0x3FFC];
	_ =	sdelay $0x3  }
0x94: {  	_ =	strace s3  }
0x95: {  	s3 =	sld [smem:$0x3FFD];
	_ =	sdelay $0x3  }
0x96: {  	_ =	strace s3  }
0x97: {  	_ =	strace $0x8FFFFFFF  }
0x98: {  	s19 =	sld [smem:$0x3FDB];
	_ =	sdelay $0x1  }
0x99: {  	s4 =	simm.s32 $_scs_section_size  }
0x9a: {  	s5 =	simm.s32 $_size__tile_overlayer_lowered;
	s6 =	simm.s32 $_tile_overlayer_lowered  }
0x9b: {  	s22 =	simm.s32 $0x1BFF;
	s21 =	sshll.u32 s6, $0x1;
	s3 =	sadd.s32 s4, s19  }
0x9c: {  	s7 =	simm.s32 $0x0;
	s20 =	sshll.u32 s5, $0x1;
	s5 =	sadd.s32 s21, s3  }
0x9d: {  	[timem:s7], [sflag:s22] =	dma.local [hbm:s5], s20  }
0x9e: {  	_ =	swait.ge [sflag:s22], s20  }
0x9f: {  	s4 =	ssub.s32 $0x0, s20;
	[sflag:s22] =	ssyncset.done $0x0  }
0xa0: {  	[sflag:s22] =	ssyncadd.s32 s4;
	_ =	sdelay $0x1  }
0xa1: {  	s23 =	simm.s32 $0x1B8B  }
0xa2: {  	_ =	swait.ge [sflag:s23], $0x1  }
0xa3: {  	[sflag:s23] =	ssyncset.done $0x0  }
0xa4: {  	s25 =	simm.s32 $0x1B8E;
	s24 =	sld [smem:$0x3FFE];
	[sflag:s23] =	ssyncadd.s32 $0xFFFFFFFF  }
0xa5: {  	s26 =	simm.s32 $execute0_lowered;
	[smem:$0x3FD2] =	sst s25  }
0xa6: {  	s5 =	sshll.u32 s26, $0x1;
	_ =	strace $0x8000004F;
	[dreg:$0x1] =	wrdreg $0xFFFFFFFF  }
0xa7: {  	s28 =	simm.s32 $_size_execute0_lowered;
	s3 =	sadd.s32 s3, s5;
	[dreg:$0x0] =	wrdreg $0x0  }
0xa8: {  	s5 =	sshll.u32 s28, $0x1;
	[dreg:$0x2] =	wrdreg s3  }
0xa9: {  	[dreg:$0x3] =	wrdreg s5  }
0xaa: {  	[dreg:$0x4] =	wrdreg $0xC0  }
0xab: {  	_ =	task [dreg:s7], $0x5FFFF  }
0xac: {  	[dreg:$0x1] =	wrdreg $0xFFFFFFFF  }
0xad: {  	[dreg:$0x0] =	wrdreg $0x60  }
0xae: {  	[dreg:$0x2] =	wrdreg s2  }
0xaf: {  	[dreg:$0x3] =	wrdreg s24  }
0xb0: {  	[dreg:$0x4] =	wrdreg $0x131800  }
0xb1: {  	[dreg:$0x5] =	wrdreg $0x9  }
0xb2: {  	_ =	task.clear_ibuf [dreg:s7], $0x6FFFF;
	_ =	strace $0x9000004F  }
0xb3: {  	s29 =	simm.s32 $0x9;
	_ =	strace $0x80000051  }
0xb4: {  	_ =	swait.ge [sflag:s29], $0x1  }
0xb5: {  	[sflag:s29] =	ssyncadd.s32 $0xFFFFFFFF  }
0xb6: {  	_ =	strace $0x90000051  }
0xb7: {  	_ =	sfence  }
0xb8: {  	s30 =	sld [smem:$0x0];
	_ =	sdelay $0x2  }
0xb9: {  	s31 =	sshll.u32 s1, $0xD;
	s1 =	sshrl.u32 s1, $0x2  }
0xba: {  	s3 =	sand.u32 $0x4000, s31;
	s1 =	sadd.s32 s1, s30  }
0xbb: {  	s0 =	sor.u32 s3, s0;
	s1 =	sshll.u32 s1, $0x11  }
0xbc: {  	s0 =	sor.u32 s1, s0  }
0xbd: {  	s0 =	sadd.s32 $0x8F2B, s0  }
0xbe: {  	[sflag:s0] =	ssyncadd.remote.s32 $0x1  }
0xbf: {  	_ =	sfence.sel $0xFFFF  }
0xc0: {  	[dreg:$0x0] =	wrdreg $0xFFFFFFFF;
	(pc) =	sbr.abs _section_cstart, $3  }
0xc1: {  	[dreg:$0x1] =	wrdreg $0xFFFFFFFF  }
0xc2: {  	_ =	task.clear_ibuf [dreg:s7], $0x2FFFF;
	_ =	strace $0x9FFFFFFF  }
0xc3: {  	(tm) =	ssettm $0x7FFFFFFF  }
tec
execute0_lowered:
.L_overlay_start_1:
0x0: {  	(tag) =	ssettag $0x1  }
0x1: {  	s1 =	rddreg [dreg:$0x0]  }
0x2: {  	s6 =	rddreg [dreg:$0x1]  }
0x3: {  	s2 =	rddreg [dreg:$0x2]  }
0x4: {  	s3 =	srdreg.scid;
	s0 =	rddreg [dreg:$0x3]  }
0x5: {  	s4 =	simm.s32 $0x0;
	s7 =	sand.u32 $0x1, s3;
	s3 =	stileid.u32  }
0x6: {  	[smem:$0x7FF] =	sst s4;
	s5 =	sshll.u32 s7, $0x4;
	s9 =	smul.u32 $0x1400, s3  }
0x7: {  	_ =	strace $0x80000050;
	s11 =	smul.u32 $0x14000, s7;
	s7 =	ssub.s32 $0x2, s7  }
0x8: {  	s12 =	smul.u32 $0x28000, s3;
	s8 =	sor.u32 s3, s5;
	s5 =	sadd.s32 $0xD800, s6  }
0x9: {  	s25 =	sshrl.u32 s7, $0x1;
	s10 =	sshll.u32 s8, $0x1;
	s9 =	sadd.s32 s9, s11  }
0xa: {  	s13 =	smul.u32 $0xA0, s8;
	s28 =	ssub.s32 s7, s25;
	s29 =	sshrl.u32 s12, $0x2  }
0xb: {  	s11 =	simm.s32 $0x2;
	s12 =	simm.s32 $0x13100;
	s10 =	sadd.s32 s10, s6  }
0xc: {  	s26 =	sadd.s32 s9, s6;
	s6 =	sadd.s32 s29, s2;
	s9 =	smax.u32 s28, $0x1  }
0xd: {  	s7 =	sadd.s32 $0x21800, s10;
	s30 =	sor.u32 $0x10, s13;
	s31 =	sadd.s32 $0x20, s13  }
0xe: {  	s14 =	sadd.s32 $0x30, s13;
	s15 =	sadd.s32 $0x40, s13;
	s16 =	sadd.s32 $0x50, s13  }
.Ltmp0:
0xf: {  	v9 =	vlaneseq.u32;
	s17 =	sadd.s32 $0x60, s13;
	s18 =	sadd.s32 $0x70, s13;
	(pc) =	sbr.rel .LBB2_1-.Ltmp0, $4  }
0x10: {  	v10 =	vimm.f32 $0.0e+00;
	s19 =	sadd.s32 $0x80, s13;
	s20 =	sadd.s32 $0x90, s13;
	s8 =	sadd.s32 $0x21A00, s26;
	v0 =	vor.u32 s13, v9  }
0x11: {  	s10 =	simm.s32 $0x9100;
	s13 =	simm.s32 $0x80;
	v1 =	vor.u32 s30, v9;
	v2 =	vor.u32 s31, v9;
	v3 =	vor.u32 s14, v9;
	s14 =	simm.s32 $0x5000  }
0x12: {  	v4 =	vor.u32 s15, v9;
	v5 =	vor.u32 s16, v9;
	v6 =	vor.u32 s17, v9;
	s15 =	simm.s32 $0x1;
	s16 =	simm.s32 $0x20;
	s17 =	simm.s32 $0x4000  }
0x13: {  	v7 =	vor.u32 s18, v9;
	v8 =	vor.u32 s19, v9;
	v9 =	vor.u32 s20, v9;
	s18 =	simm.s32 $0x5100;
	s19 =	simm.s32 $0x5080;
	s20 =	simm.s32 $0x0  }
.LBB2_6:
0x14: {  	[tilespmem:$0x50F0] =	vst v11  }
0x15: {  	[tilespmem:s18], [sflag:$0x1] =	stream.indirect.gather [hbm4b:s1+s13], $0x80, s14, s13, $0xb8;
	[tilespmem:$0x1D180] =	vst v63  }
0x16: {  	_ =	swait.ge [sflag:s15], $0x4000  }
0x17: {  	[sflag:s15] =	ssyncset.done $0x0  }
0x18: {  	[sflag:s15] =	ssyncadd.s32 $0xFFFFC000  }
0x19: {  	[spmem:s2] =	stream.indirect.scatter.add.f32 [tilespmem:s18], [sflag:$0x2], $0x80, s19, s13, $0xb8;
	[tilespmem:$0x1D180] =	vst v63  }
0x1a: {  	_ =	swait.ge [sflag:s11], $0x4000  }
0x1b: {  	[sflag:s11] =	ssyncset.done $0x0  }
0x1c: {  	[sflag:s11] =	ssyncadd.s32 $0xFFFFC000  }
.LBB2_7:
0x1d: {  	[bflag:$0x0] =	sbarrier.arrive $0xFFFF  }
0x1e: {  	[tilespmem:s10], [sflag:$0x2] =	stream.linear.gather [spmem:s6], $0xA000, $0x38;
	[tilespmem:$0x1D180] =	vst v63  }
0x1f: {  	s20 =	sadd.s32 $0x1, s20;
	_ =	swait.ge [sflag:s11], $0xA000  }
0x20: {  	p0 =	sne.s32 s20, s9;
	[sflag:s11] =	ssyncset.done $0x0  }
.Ltmp1:
0x21: {  	[sflag:s11] =	ssyncadd.s32 $0xFFFF6000;
	(pc) =	sbr.rel @!p0 .LBB2_8-.Ltmp1, $4  }
0x22: {  	[hbm4b:s8+s4] =	stream.linear.scatter [tilespmem:s10], [sflag:$0x2], $0xA000, $0x38;
	[tilespmem:$0x1D180] =	vst v63  }
0x23: {  	_ =	swait.ge [sflag:s11], $0xA000  }
0x24: {  	[sflag:s11] =	ssyncset.done $0x0  }
0x25: {  	[sflag:s11] =	ssyncadd.s32 $0xFFFF6000  }
.LBB2_1:
0x26: {  	s21 =	simm.s32 $0x0;
	s22 =	simm.s32 $0x200  }
.LBB2_2:
0x27: {  	p0 =	sne.s32 s22, $0x27E00;
	[tilespmem:s21+$0x9170] =	vst v10  }
0x28: {  	[tilespmem:s21+$0x9100] =	vst v10  }
0x29: {  	[tilespmem:s21+$0x9110] =	vst v10  }
.Ltmp2:
0x2a: {  	[tilespmem:s21+$0x9120] =	vst v10;
	(pc) =	sbr.rel @p0 .LBB2_2-.Ltmp2, $4  }
0x2b: {  	[tilespmem:s21+$0x9130] =	vst v10  }
0x2c: {  	[tilespmem:s21+$0x9140] =	vst v10  }
0x2d: {  	[tilespmem:s21+$0x9150] =	vst v10  }
0x2e: {  	[tilespmem:s21+$0x9160] =	vst v10;
	s21 =	sshra.s32 s22, $0x2;
	s22 =	sadd.s32 $0x200, s22  }
0x2f: {  	[tilespmem:s21+$0x9170] =	vst v10  }
0x30: {  	[tilespmem:s21+$0x9100] =	vst v10  }
0x31: {  	[tilespmem:s21+$0x9110] =	vst v10  }
0x32: {  	[tilespmem:s21+$0x9120] =	vst v10  }
0x33: {  	[tilespmem:s21+$0x9130] =	vst v10  }
0x34: {  	[tilespmem:s21+$0x9140] =	vst v10  }
0x35: {  	[tilespmem:s21+$0x9150] =	vst v10  }
0x36: {  	[tilespmem:s21+$0x9160] =	vst v10  }
0x37: {  	[spmem:s6] =	stream.linear.scatter [tilespmem:s10], [sflag:$0x2], $0xA000, $0x38;
	[tilespmem:$0x1D180] =	vst v63  }
0x38: {  	_ =	swait.ge [sflag:s11], $0xA000  }
0x39: {  	[sflag:s11] =	ssyncset.done $0x0  }
0x3a: {  	[sflag:s11] =	ssyncadd.s32 $0xFFFF6000  }
0x3b: {  	[bflag:$0x0] =	sbarrier.arrive $0xFFFF  }
0x3c: {  	[tilespmem:s12], [sflag:$0x2] =	stream.linear.gather [hbm4b:s7+s4], $0x10, $0x38;
	[tilespmem:$0x1D180] =	vst v63  }
0x3d: {  	_ =	swait.ge [sflag:s11], $0x10  }
0x3e: {  	[sflag:s11] =	ssyncset.done $0x0  }
0x3f: {  	[sflag:s11] =	ssyncadd.s32 $0xFFFFFFF0  }
0x40: {  	v11 =	vld [tilespmem:$0x13100];
	_ =	sdelay $0x4  }
0x41: {  	(v2sf) =	vpush v11, $0x0;
	_ =	sdelay $0x5  }
0x42: {  	[tilespmem:$0x5000] =	vst v0  }
0x43: {  	[tilespmem:$0x5010] =	vst v1  }
0x44: {  	[tilespmem:$0x5020] =	vst v2  }
0x45: {  	[tilespmem:$0x5030] =	vst v3  }
0x46: {  	[tilespmem:$0x5040] =	vst v4  }
0x47: {  	[tilespmem:$0x5050] =	vst v5  }
0x48: {  	[tilespmem:$0x5060] =	vst v6  }
0x49: {  	[tilespmem:$0x5070] =	vst v7  }
0x4a: {  	[tilespmem:s4], [sflag:$0x1] =	stream.indirect.gather [hbm4b:s5+s13], $0x80, s14, s13, $0xb8;
	[tilespmem:$0x1D180] =	vst v63  }
0x4b: {  	s22 =	spop (v2sf)  }
0x4c: {  	_ =	swait.ge [sflag:s15], $0x4000  }
0x4d: {  	[sflag:s15] =	ssyncset.done $0x0  }
0x4e: {  	[sflag:s15] =	ssyncadd.s32 $0xFFFFC000  }
0x4f: {  	p0 =	slt.s32 s22, $0x1;
	[tilespmem:$0x5000] =	vst v8  }
.Ltmp3:
0x50: {  	[tilespmem:$0x5010] =	vst v9;
	(pc) =	sbr.rel @p0 .LBB2_7-.Ltmp3, $4  }
0x51: {  	[tilespmem:s17], [sflag:$0x1] =	stream.indirect.gather [hbm4b:s5+s16], $0x80, s14, s16, $0xb8;
	[tilespmem:$0x1D180] =	vst v63  }
0x52: {  	_ =	swait.ge [sflag:s15], $0x1000  }
0x53: {  	[sflag:s15] =	ssyncset.done $0x0  }
0x54: {  	s21 =	simm.s32 $0x40;
	[sflag:s15] =	ssyncadd.s32 $0xFFFFF000  }
0x55: {  	v11 =	vld [tilespmem:s21+$0xFFFFFFC0];
	_ =	sdelay $0x4  }
0x56: {  	v12 =	vand.u32 $0x3FFF, v11  }
0x57: {  	v11 =	vshrl.u32 v11, $0xE;
	[tilespmem:$0x5000] =	vst v12  }
0x58: {  	[tilespmem:$0x5080] =	vst v11  }
0x59: {  	v11 =	vld [tilespmem:s21+$0xFFFFFFD0];
	_ =	sdelay $0x4  }
0x5a: {  	v57 =	vand.u32 $0x3FFF, v11  }
0x5b: {  	v11 =	vshrl.u32 v11, $0xE;
	[tilespmem:$0x5010] =	vst v57  }
0x5c: {  	[tilespmem:$0x5090] =	vst v11  }
0x5d: {  	v11 =	vld [tilespmem:s21+$0xFFFFFFE0];
	_ =	sdelay $0x4  }
0x5e: {  	v58 =	vand.u32 $0x3FFF, v11  }
0x5f: {  	v11 =	vshrl.u32 v11, $0xE;
	[tilespmem:$0x5020] =	vst v58  }
0x60: {  	[tilespmem:$0x50A0] =	vst v11  }
0x61: {  	v11 =	vld [tilespmem:s21+$0xFFFFFFF0];
	_ =	sdelay $0x4  }
0x62: {  	v59 =	vand.u32 $0x3FFF, v11  }
0x63: {  	v11 =	vshrl.u32 v11, $0xE;
	[tilespmem:$0x5030] =	vst v59  }
0x64: {  	[tilespmem:$0x50B0] =	vst v11  }
0x65: {  	v11 =	vld [tilespmem:s21+$0x0];
	_ =	sdelay $0x4  }
0x66: {  	v60 =	vand.u32 $0x3FFF, v11  }
0x67: {  	v11 =	vshrl.u32 v11, $0xE;
	[tilespmem:$0x5040] =	vst v60  }
0x68: {  	[tilespmem:$0x50C0] =	vst v11  }
0x69: {  	v11 =	vld [tilespmem:s21+$0x10];
	_ =	sdelay $0x4  }
0x6a: {  	v61 =	vand.u32 $0x3FFF, v11  }
0x6b: {  	v11 =	vshrl.u32 v11, $0xE;
	[tilespmem:$0x5050] =	vst v61  }
0x6c: {  	[tilespmem:$0x50D0] =	vst v11  }
0x6d: {  	v11 =	vld [tilespmem:s21+$0x20];
	_ =	sdelay $0x4  }
0x6e: {  	v62 =	vand.u32 $0x3FFF, v11  }
0x6f: {  	v11 =	vshrl.u32 v11, $0xE;
	[tilespmem:$0x5060] =	vst v62  }
0x70: {  	[tilespmem:$0x50E0] =	vst v11  }
0x71: {  	v11 =	vld [tilespmem:s21+$0x30]  }
0x72: {  	p0 =	sne.s32 s22, $0x1  }
.Ltmp4:
0x73: {  	_ = 	snop;
	(pc) =	sbr.rel @!p0 .LBB2_6-.Ltmp4, $3  }
0x74: {  	_ =	sdelay $0x1  }
0x75: {  	v63 =	vand.u32 $0x3FFF, v11  }
0x76: {  	s22 =	sadd.s32 $0xFFFFFFFF, s22;
	v11 =	vshrl.u32 v11, $0xE;
	[tilespmem:$0x5070] =	vst v63  }
.LBB2_5:
0x77: {  	p0 =	sne.s32 s22, $0x1;
	s22 =	sadd.s32 $0xFFFFFFFF, s22;
	[tilespmem:$0x50F0] =	vst v11;
	s21 =	sadd.s32 $0x80, s21  }
0x78: {  	[tilespmem:s18], [sflag:$0x1] =	stream.indirect.gather [hbm4b:s1+s13], $0x80, s14, s13, $0xb8;
	[tilespmem:$0x1D180] =	vst v63  }
0x79: {  	_ =	swait.ge [sflag:s15], $0x4000  }
0x7a: {  	[sflag:s15] =	ssyncset.done $0x0  }
0x7b: {  	[sflag:s15] =	ssyncadd.s32 $0xFFFFC000  }
0x7c: {  	[spmem:s2] =	stream.indirect.scatter.add.f32 [tilespmem:s18], [sflag:$0x2], $0x80, s19, s13, $0xb8;
	[tilespmem:$0x1D180] =	vst v63  }
0x7d: {  	_ =	swait.ge [sflag:s11], $0x4000  }
0x7e: {  	[sflag:s11] =	ssyncset.done $0x0  }
0x7f: {  	[sflag:s11] =	ssyncadd.s32 $0xFFFFC000  }
0x80: {  	v11 =	vld [tilespmem:s21+$0xFFFFFFC0];
	_ =	sdelay $0x4  }
0x81: {  	v12 =	vand.u32 $0x3FFF, v11;
	v11 =	vshrl.u32 v11, $0xE  }
0x82: {  	[tilespmem:$0x5000] =	vst v12  }
0x83: {  	[tilespmem:$0x5080] =	vst v11  }
0x84: {  	v11 =	vld [tilespmem:s21+$0xFFFFFFD0];
	_ =	sdelay $0x4  }
0x85: {  	v12 =	vand.u32 $0x3FFF, v11;
	v11 =	vshrl.u32 v11, $0xE  }
0x86: {  	[tilespmem:$0x5010] =	vst v12  }
0x87: {  	[tilespmem:$0x5090] =	vst v11  }
0x88: {  	v11 =	vld [tilespmem:s21+$0xFFFFFFE0];
	_ =	sdelay $0x4  }
0x89: {  	v12 =	vand.u32 $0x3FFF, v11;
	v11 =	vshrl.u32 v11, $0xE  }
0x8a: {  	[tilespmem:$0x5020] =	vst v12  }
0x8b: {  	[tilespmem:$0x50A0] =	vst v11  }
0x8c: {  	v11 =	vld [tilespmem:s21+$0xFFFFFFF0];
	_ =	sdelay $0x4  }
0x8d: {  	v12 =	vand.u32 $0x3FFF, v11;
	v11 =	vshrl.u32 v11, $0xE  }
0x8e: {  	[tilespmem:$0x5030] =	vst v12  }
0x8f: {  	[tilespmem:$0x50B0] =	vst v11  }
0x90: {  	v11 =	vld [tilespmem:s21+$0x0];
	_ =	sdelay $0x4  }
0x91: {  	v12 =	vand.u32 $0x3FFF, v11;
	v11 =	vshrl.u32 v11, $0xE  }
0x92: {  	[tilespmem:$0x5040] =	vst v12  }
0x93: {  	[tilespmem:$0x50C0] =	vst v11  }
0x94: {  	v11 =	vld [tilespmem:s21+$0x10];
	_ =	sdelay $0x4  }
0x95: {  	v12 =	vand.u32 $0x3FFF, v11;
	v11 =	vshrl.u32 v11, $0xE  }
0x96: {  	[tilespmem:$0x5050] =	vst v12  }
0x97: {  	[tilespmem:$0x50D0] =	vst v11  }
0x98: {  	v11 =	vld [tilespmem:s21+$0x20];
	_ =	sdelay $0x4  }
0x99: {  	v12 =	vand.u32 $0x3FFF, v11;
	v11 =	vshrl.u32 v11, $0xE  }
0x9a: {  	[tilespmem:$0x5060] =	vst v12  }
0x9b: {  	[tilespmem:$0x50E0] =	vst v11  }
0x9c: {  	v11 =	vld [tilespmem:s21+$0x30];
	_ =	sdelay $0x1  }
.Ltmp5:
0x9d: {  	(pc) =	sbr.rel @p0 .LBB2_5-.Ltmp5, $3  }
0x9e: {  	_ =	sdelay $0x1  }
0x9f: {  	v12 =	vand.u32 $0x3FFF, v11;
	v11 =	vshrl.u32 v11, $0xE  }
0xa0: {  	[tilespmem:$0x5070] =	vst v12  }
.Ltmp6:
0xa1: {  	_ = 	snop;
	(pc) =	sbr.rel .LBB2_6-.Ltmp6, $1  }
0xa2: {  	_ =	sdelay $0x3  }
.LBB2_8:
0xa3: {  	_ =	sfence.sel $0x180000  }
0xa4: {  	[bflag:$0x0] =	sbarrier.arrive $0xFFFF  }
0xa5: {  	p0 =	sne.s32 s3, $0x0;
	_ =	strace $0x90000050  }
0xa6: {  	s0 =	sadd.s32 @!p0 $0x100000, s0;
	[bflag:$0x2] =	sbarrier.arrive $0xFFFF  }
0xa7: {  	[sflag:s0] =	ssyncadd.tile.s32 @!p0 $0x1;
	_ =	shalt  }
.Lfunc_end2:
_tile_overlayer_lowered:
.L_overlay_start_2:
0xa8: {  	(tag) =	ssettag $0x2  }
0xa9: {  	s0 =	rddreg [dreg:$0x0];
	s2 =	stileid.u32  }
0xaa: {  	s1 =	rddreg [dreg:$0x1];
	p0 =	sne.s32 s2, $0x0  }
0xab: {  	s3 =	rddreg [dreg:$0x2];
	[bflag:$0x3] =	sbarrier.arrive $0xFFFF;
	s2 =	simm.s32 @!p0 $0x1C02  }
0xac: {  	[timem:s3], [sflag:s2] =	dma.local @!p0 [hbm:s0], s1  }
0xad: {  	s0 =	simm.s32 @!p0 $0x2  }
0xae: {  	_ =	swait.ge @!p0 [sflag:s0], s1  }
0xaf: {  	s1 =	ssub.s32 @!p0 $0x0, s1;
	[sflag:s0] =	ssyncset.done @!p0 $0x0  }
0xb0: {  	[sflag:s0] =	ssyncadd.s32 @!p0 s1  }
0xb1: {  	[bflag:$0x3] =	sbarrier.arrive $0xFFFF  }
0xb2: {  	_ =	shalt  }

// kernel: kernel.8.cloned.1.call-start
scs
__scs_entry_jumppad:
0x0: {  	(pc) =	sbr.rel $0x88, $3  }
0x1: {  	(tag) =	ssettag $0x0;
	lr =	simm.s32 $0x1  }
0x2: {  	[smem:$0x3F95] =	sst lr;
	_ =	strace $0xD0000000  }
0x3: {  	_ = 	snop  }
0x4: {  	_ = 	snop  }
0x5: {  	_ = 	snop  }
0x6: {  	_ = 	snop  }
0x7: {  	_ = 	snop  }
__scs_overlays_trampoline_lowered:
0x8: {  	[smem:$0x3FA4] =	sst s0  }
0x9: {  	[smem:$0x3FA5] =	sst s1  }
0xa: {  	[smem:$0x3FA6] =	sst s2  }
0xb: {  	[smem:$0x3FA7] =	sst s3  }
0xc: {  	[smem:$0x3FA8] =	sst s4  }
0xd: {  	[smem:$0x3FA9] =	sst s5  }
0xe: {  	[smem:$0x3FAA] =	sst s6  }
0xf: {  	[smem:$0x3FAB] =	sst s7  }
0x10: {  	[smem:$0x3FAC] =	sst s8  }
0x11: {  	[smem:$0x3FAD] =	sst s9;
	s0 =	simm.s32 @!p0 $0x0  }
0x12: {  	s1 =	sld [smem:$0x3F93];
	s0 =	simm.s32 @p0 $0x1  }
0x13: {  	[smem:$0x3FAE] =	sst s0;
	s0 =	simm.s32 @!p1 $0x0  }
0x14: {  	s2 =	sld [smem:$0x3F92];
	s0 =	simm.s32 @p1 $0x1  }
0x15: {  	[smem:$0x3FAF] =	sst s0;
	s0 =	simm.s32 @!p2 $0x0  }
0x16: {  	s3 =	sld [smem:$0x3FDB];
	s0 =	simm.s32 @p2 $0x1  }
0x17: {  	s4 =	simm.s32 $0x1BF5;
	[smem:$0x3FB1] =	sst s0  }
0x18: {  	s0 =	sld [smem:$0x3F94];
	_ =	swait.ge [sflag:s4], $0x0  }
0x19: {  	s7 =	sld [smem:$0x3F95]  }
0x1a: {  	s8 =	sadd.s32 $0xFFFFE003, lr  }
0x1b: {  	s9 =	sadd.s32 $0xFFFFFEF7, lr;
	s5 =	simm.s32 $0xFFFFFFFF;
	p2 =	slt.u32 s8, $0xFFFFF086  }
0x1c: {  	p1 =	slt.u32 s9, $0xF7A;
	s5 =	simm.s32 @!p2 $0x0  }
0x1d: {  	s5 =	simm.s32 @p1 $0x1;
	p0 =	seq.s32 s7, s2  }
0x1e: {  	s7 =	smul.u32 @!p0 $0xF7A, s2;
	p2 =	seq.s32 @!p0 s5, $0x0  }
0x1f: {  	s9 =	smul.u32 $0xF7A, s1;
	s8 =	simm.s32 @!p0 $0x1BF5;
	p2 =	por !p2, p0  }
0x20: {  	[sflag:s8] =	ssyncset.s32 @!p0 $0xFFFFF086;
	s6 =	sadd.s32 @!p0 s3, s7;
	s7 =	simm.s32 @!p0 $0x108  }
0x21: {  	s3 =	sadd.s32 s3, s9;
	s6 =	sadd.s32 @!p0 $0x88, s6;
	s7 =	simm.s32 @p2 $0x1082  }
0x22: {  	[simem:s7], [sflag:s8] =	dma.local @!p0 [hbm:s6], $0xF7A  }
0x23: {  	s9 =	sor.u32 $0xD0000000, s2;
	s6 =	simm.s32 $0x108;
	_ =	swait.ge @!p0 [sflag:s8], $0x0  }
0x24: {  	s3 =	sadd.s32 $0x88, s3;
	s6 =	simm.s32 @!p1 $0x1082;
	[sflag:s4] =	ssyncset.s32 $0xFFFFF086  }
0x25: {  	[simem:s6], [sflag:s4] =	dma.local [hbm:s3], $0xF7A  }
0x26: {  	[smem:$0x3F95] =	sst s1;
	(tag) =	ssettag s2;
	_ =	strace s9  }
0x27: {  	s1 =	sld [smem:$0x3FA5]  }
0x28: {  	s2 =	sld [smem:$0x3FA6]  }
0x29: {  	s4 =	sld [smem:$0x3FA8]  }
0x2a: {  	p0 =	seq.s32 s5, $0x0;
	s5 =	sld [smem:$0x3FA9]  }
0x2b: {  	s6 =	sld [smem:$0x3FAA]  }
0x2c: {  	s7 =	sld [smem:$0x3FAB]  }
0x2d: {  	s3 =	simm.s32 $0x108;
	s8 =	sld [smem:$0x3FAC]  }
0x2e: {  	s3 =	simm.s32 @!p0 $0x1082;
	s9 =	sld [smem:$0x3FAD]  }
0x2f: {  	lr =	sadd.s32 s0, s3;
	s0 =	sld [smem:$0x3FA4]  }
0x30: {  	s3 =	sld [smem:$0x3FA7]  }
0x31: {  	[smem:$0x3FB0] =	sst s10  }
0x32: {  	s10 =	sld [smem:$0x3FAE];
	_ =	sdelay $0x3  }
0x33: {  	p0 =	seq.s32 s10, $0x1;
	s10 =	sld [smem:$0x3FB0];
	_ =	sdelay $0x3  }
0x34: {  	[smem:$0x3FB0] =	sst s10  }
0x35: {  	s10 =	sld [smem:$0x3FAF];
	_ =	sdelay $0x3  }
0x36: {  	p1 =	seq.s32 s10, $0x1;
	s10 =	sld [smem:$0x3FB0];
	_ =	sdelay $0x3  }
0x37: {  	[smem:$0x3FB0] =	sst s10  }
0x38: {  	s10 =	sld [smem:$0x3FB1]  }
0x39: {  	_ = 	snop;
	(pc) =	sbr.ind lr, $3  }
0x3a: {  	_ = 	snop  }
0x3b: {  	_ = 	snop  }
0x3c: {  	p2 =	seq.s32 s10, $0x1;
	s10 =	sld [smem:$0x3FB0]  }
0x3d: {  	_ =	shalt  }
0x3e: {  	_ =	shalt  }
0x3f: {  	_ =	shalt  }
0x40: {  	_ =	shalt  }
0x41: {  	_ =	shalt  }
0x42: {  	_ =	shalt  }
0x43: {  	_ =	shalt  }
0x44: {  	_ =	shalt  }
0x45: {  	_ =	shalt  }
0x46: {  	_ =	shalt  }
0x47: {  	_ =	shalt  }
0x48: {  	_ =	shalt  }
0x49: {  	_ =	shalt  }
0x4a: {  	_ =	shalt  }
0x4b: {  	_ =	shalt  }
0x4c: {  	_ =	shalt  }
0x4d: {  	_ =	shalt  }
0x4e: {  	_ =	shalt  }
0x4f: {  	_ =	shalt  }
0x50: {  	_ =	shalt  }
0x51: {  	_ =	shalt  }
0x52: {  	_ =	shalt  }
0x53: {  	_ =	shalt  }
0x54: {  	_ =	shalt  }
0x55: {  	_ =	shalt  }
0x56: {  	_ =	shalt  }
0x57: {  	_ =	shalt  }
0x58: {  	_ =	shalt  }
0x59: {  	_ =	shalt  }
0x5a: {  	_ =	shalt  }
0x5b: {  	_ =	shalt  }
0x5c: {  	_ =	shalt  }
0x5d: {  	_ =	shalt  }
0x5e: {  	_ =	shalt  }
0x5f: {  	_ =	shalt  }
0x60: {  	_ =	shalt  }
0x61: {  	_ =	shalt  }
0x62: {  	_ =	shalt  }
0x63: {  	_ =	shalt  }
0x64: {  	_ =	shalt  }
0x65: {  	_ =	shalt  }
0x66: {  	_ =	shalt  }
0x67: {  	_ =	shalt  }
0x68: {  	_ =	shalt  }
0x69: {  	_ =	shalt  }
0x6a: {  	_ =	shalt  }
0x6b: {  	_ =	shalt  }
0x6c: {  	_ =	shalt  }
0x6d: {  	_ =	shalt  }
0x6e: {  	_ =	shalt  }
0x6f: {  	_ =	shalt  }
0x70: {  	_ =	shalt  }
0x71: {  	_ =	shalt  }
0x72: {  	_ =	shalt  }
0x73: {  	_ =	shalt  }
0x74: {  	_ =	shalt  }
0x75: {  	_ =	shalt  }
0x76: {  	_ =	shalt  }
0x77: {  	_ =	shalt  }
0x78: {  	_ =	shalt  }
0x79: {  	_ =	shalt  }
0x7a: {  	_ =	shalt  }
0x7b: {  	_ =	shalt  }
0x7c: {  	_ =	shalt  }
0x7d: {  	_ =	shalt  }
0x7e: {  	_ =	shalt  }
0x7f: {  	_ =	shalt  }
0x80: {  	_ =	shalt  }
0x81: {  	_ =	shalt  }
0x82: {  	_ =	shalt  }
0x83: {  	_ =	shalt  }
0x84: {  	_ =	shalt  }
0x85: {  	_ =	shalt  }
0x86: {  	_ =	shalt  }
0x87: {  	_ =	shalt  }
.Lfunc_end0:
.L_simem_size_0:
called_computation_lowered:
.L_overlay_start_0:
0x88: {  	s2 =	sld [smem:$0x3FD9]  }
0x89: {  	s3 =	sld [smem:$0x3FFE];
	_ =	sdelay $0x1  }
0x8a: {  	s1 =	srdreg.scid  }
0x8b: {  	s0 =	sand.u32 $0x1, s1  }
0x8c: {  	s17 =	sshll.u32 s0, $0xA;
	s2 =	sadd.s32 s3, s2  }
0x8d: {  	s2 =	sadd.s32 s2, s17  }
0x8e: {  	[smem:$0x3FBC] =	sst s2  }
0x8f: {  	_ = 	snop  }
0x90: {  	s2 =	sld [smem:$0x3FD0];
	(tm) =	ssettm $0x1  }
0x91: {  	s18 =	sld [smem:$0x3FFB];
	_ =	sdelay $0x3  }
0x92: {  	_ =	strace s18  }
0x93: {  	s3 =	sld [smem:$0x3FFC];
	_ =	sdelay $0x3  }
0x94: {  	_ =	strace s3  }
0x95: {  	s3 =	sld [smem:$0x3FFD];
	_ =	sdelay $0x3  }
0x96: {  	_ =	strace s3  }
0x97: {  	_ =	strace $0x8FFFFFFF  }
0x98: {  	s19 =	sld [smem:$0x3FDB];
	_ =	sdelay $0x1  }
0x99: {  	s4 =	simm.s32 $_scs_section_size  }
0x9a: {  	s5 =	simm.s32 $_size__tile_overlayer_lowered;
	s6 =	simm.s32 $_tile_overlayer_lowered  }
0x9b: {  	s22 =	simm.s32 $0x1BFF;
	s21 =	sshll.u32 s6, $0x1;
	s3 =	sadd.s32 s4, s19  }
0x9c: {  	s7 =	simm.s32 $0x0;
	s20 =	sshll.u32 s5, $0x1;
	s5 =	sadd.s32 s21, s3  }
0x9d: {  	[timem:s7], [sflag:s22] =	dma.local [hbm:s5], s20  }
0x9e: {  	_ =	swait.ge [sflag:s22], s20  }
0x9f: {  	s4 =	ssub.s32 $0x0, s20;
	[sflag:s22] =	ssyncset.done $0x0  }
0xa0: {  	[sflag:s22] =	ssyncadd.s32 s4;
	_ =	sdelay $0x1  }
0xa1: {  	s23 =	simm.s32 $0x1B8B  }
0xa2: {  	_ =	swait.ge [sflag:s23], $0x1  }
0xa3: {  	[sflag:s23] =	ssyncset.done $0x0  }
0xa4: {  	s25 =	simm.s32 $0x1B8E;
	s24 =	sld [smem:$0x3FFE];
	[sflag:s23] =	ssyncadd.s32 $0xFFFFFFFF  }
0xa5: {  	s26 =	simm.s32 $execute0_lowered;
	[smem:$0x3FD2] =	sst s25  }
0xa6: {  	s5 =	sshll.u32 s26, $0x1;
	_ =	strace $0x80000046;
	[dreg:$0x1] =	wrdreg $0xFFFFFFFF  }
0xa7: {  	s28 =	simm.s32 $_size_execute0_lowered;
	s3 =	sadd.s32 s3, s5;
	[dreg:$0x0] =	wrdreg $0x0  }
0xa8: {  	s5 =	sshll.u32 s28, $0x1;
	[dreg:$0x2] =	wrdreg s3  }
0xa9: {  	[dreg:$0x3] =	wrdreg s5  }
0xaa: {  	[dreg:$0x4] =	wrdreg $0xC0  }
0xab: {  	_ =	task [dreg:s7], $0x5FFFF  }
0xac: {  	[dreg:$0x1] =	wrdreg $0xFFFFFFFF  }
0xad: {  	[dreg:$0x0] =	wrdreg $0x60  }
0xae: {  	[dreg:$0x2] =	wrdreg s24  }
0xaf: {  	[dreg:$0x3] =	wrdreg s2  }
0xb0: {  	[dreg:$0x4] =	wrdreg $0x9  }
0xb1: {  	_ =	task.clear_ibuf [dreg:s7], $0x5FFFF;
	_ =	strace $0x90000046  }
0xb2: {  	s29 =	simm.s32 $0x9;
	_ =	strace $0x80000048  }
0xb3: {  	_ =	swait.ge [sflag:s29], $0x1  }
0xb4: {  	[sflag:s29] =	ssyncadd.s32 $0xFFFFFFFF  }
0xb5: {  	_ =	strace $0x90000048  }
0xb6: {  	_ =	sfence  }
0xb7: {  	s30 =	sld [smem:$0x0];
	_ =	sdelay $0x2  }
0xb8: {  	s31 =	sshll.u32 s1, $0xD;
	s1 =	sshrl.u32 s1, $0x2  }
0xb9: {  	s3 =	sand.u32 $0x4000, s31;
	s1 =	sadd.s32 s1, s30  }
0xba: {  	s0 =	sor.u32 s3, s0;
	s1 =	sshll.u32 s1, $0x11  }
0xbb: {  	s0 =	sor.u32 s1, s0  }
0xbc: {  	s0 =	sadd.s32 $0x8F2B, s0  }
0xbd: {  	[sflag:s0] =	ssyncadd.remote.s32 $0x1  }
0xbe: {  	_ =	sfence.sel $0xFFFF  }
0xbf: {  	[dreg:$0x0] =	wrdreg $0xFFFFFFFF;
	(pc) =	sbr.abs _section_cstart, $3  }
0xc0: {  	[dreg:$0x1] =	wrdreg $0xFFFFFFFF  }
0xc1: {  	_ =	task.clear_ibuf [dreg:s7], $0x2FFFF;
	_ =	strace $0x9FFFFFFF  }
0xc2: {  	(tm) =	ssettm $0x7FFFFFFF  }
0xc3: {  	_ =	shalt  }
tec
execute0_lowered:
.L_overlay_start_1:
0x0: {  	(tag) =	ssettag $0x1  }
0x1: {  	s0 =	srdreg.scid;
	s3 =	rddreg [dreg:$0x0]  }
0x2: {  	s7 =	rddreg [dreg:$0x1];
	s1 =	stileid.u32;
	s2 =	simm.s32 $0x0  }
0x3: {  	s13 =	simm.s32 $0x0;
	s4 =	sand.u32 $0x1, s0;
	s0 =	rddreg [dreg:$0x2]  }
0x4: {  	[smem:$0x7FF] =	sst s2;
	s8 =	sshll.u32 s1, $0x4;
	s30 =	ssub.s32 $0x9D3, s1  }
0x5: {  	s5 =	sshll.u32 s4, $0x4;
	_ =	strace $0x80000047;
	s9 =	sadd.s32 s8, s3  }
0x6: {  	s10 =	ssub.s32 $0x2, s4;
	s12 =	smul.u32 $0x1388, s4;
	s5 =	sor.u32 s1, s5  }
0x7: {  	s7 =	sadd.s32 s8, s7;
	s11 =	sshrl.u32 s10, $0x1;
	s6 =	smul.u32 $0xA00, s5  }
.Ltmp0:
0x8: {  	s8 =	sadd.s32 $0x3A00, s9;
	s9 =	simm.s32 $0x1;
	(pc) =	sbr.rel .LBB2_1-.Ltmp0, $4  }
0x9: {  	s5 =	sshll.u32 s5, $0x1;
	s10 =	ssub.s32 s10, s11;
	s31 =	sadd.s32 $0x1388, s12  }
0xa: {  	v0 =	vmov s12;
	s11 =	simm.s32 $0x100;
	s12 =	simm.s32 $0x5100;
	s29 =	sadd.s32 s5, s3  }
0xb: {  	v2 =	vimm.s32 $0x0;
	s6 =	sadd.s32 s6, s3;
	s3 =	sshrl.u32 s30, $0x4;
	s4 =	sadd.s32 $0x21800, s29  }
0xc: {  	v3 =	vlaneseq.u32;
	v4 =	vimm.s32 $0x4FFC000;
	v1 =	vmov s31;
	s5 =	sadd.s32 $0xD800, s6;
	s6 =	smax.u32 s10, $0x1;
	s10 =	simm.s32 $0x80  }
.LBB2_8:
0xd: {  	_ =	sdelay $0x3  }
0xe: {  	[tilespmem:v5+s11+$0x0] =	vst.idx.msk $0xffff, v4  }
.LBB2_9:
0xf: {  	s14 =	sshra.s32 s14, $0x7  }
0x10: {  	v5 =	vmov s14  }
0x11: {  	[tilespmem:$0x5100] =	vst v5  }
0x12: {  	[hbm4b:s4+s2] =	stream.linear.scatter [tilespmem:s12], [sflag:$0x1], $0x10, $0x38;
	[tilespmem:$0x5180] =	vst v63  }
0x13: {  	s13 =	sadd.s32 $0x1, s13;
	_ =	swait.ge [sflag:s9], $0x10  }
0x14: {  	p0 =	sne.s32 s13, s6;
	[sflag:s9] =	ssyncset.done $0x0  }
.Ltmp1:
0x15: {  	[sflag:s9] =	ssyncadd.s32 $0xFFFFFFF0;
	(pc) =	sbr.rel @!p0 .LBB2_10-.Ltmp1, $4  }
0x16: {  	[hbm4b:s5+s2] =	stream.linear.scatter [tilespmem:s11], [sflag:$0x1], $0x5000, $0x38;
	[tilespmem:$0x5180] =	vst v63  }
0x17: {  	_ =	swait.ge [sflag:s9], $0x5000  }
0x18: {  	[sflag:s9] =	ssyncset.done $0x0  }
0x19: {  	[sflag:s9] =	ssyncadd.s32 $0xFFFFB000  }
.LBB2_1:
0x1a: {  	[tilespmem:s2], [sflag:$0x1] =	stream.linear.gather [hbm4b:s8+s2], $0x80, $0x38;
	[tilespmem:$0x5180] =	vst v63  }
0x1b: {  	_ =	swait.ge [sflag:s9], $0x80  }
0x1c: {  	[sflag:s9] =	ssyncset.done $0x0  }
0x1d: {  	[sflag:s9] =	ssyncadd.s32 $0xFFFFFF80  }
0x1e: {  	[tilespmem:s10], [sflag:$0x1] =	stream.linear.gather [hbm4b:s7+s2], $0x80, $0x38;
	[tilespmem:$0x5180] =	vst v63  }
0x1f: {  	_ =	swait.ge [sflag:s9], $0x80  }
0x20: {  	[sflag:s9] =	ssyncset.done $0x0  }
0x21: {  	[sflag:s9] =	ssyncadd.s32 $0xFFFFFF80  }
0x22: {  	v5 =	vld [tilespmem:$0x80]  }
0x23: {  	p1 =	sne.s32 s3, $0x1  }
.Ltmp2:
0x24: {  	_ = 	snop;
	(pc) =	sbr.rel @!p1 .LBB2_2-.Ltmp2, $3  }
0x25: {  	_ =	sdelay $0x1  }
0x26: {  	vm0 =	vge.s32 v5, v0;
	vm1 =	vlt.s32 v5, v1;
	v5 =	vsub.s32 v5, v0  }
0x27: {  	s16 =	sadd.s32 $0xFFFFFFFF, s3;
	p0 =	por $0x0, $0x0;
	vm0 =	vmand vm0, vm1;
	v5 =	vshll.u32 v5, $0xE  }
0x28: {  	v6 =	vsel vm0, $0x1, v2  }
0x29: {  	(xrf0) =	vadd.scan.msk.s32 $0xffff, v6;
	_ =	sdelay $0x5  }
0x2a: {  	v6 =	vsel vm0, $0xFFFFFFFF, v2;
	v7, _, _ =	vpop (xrf0)  }
0x2b: {  	v8 =	vld [tilespmem:$0x0];
	v6 =	vadd.s32 s2, v6;
	v9 =	vxor.u32 $0x80000000, v7  }
0x2c: {  	v6 =	vadd.s32 v7, v6;
	(xrf0) =	vmax.scan.msk.u32 $0xffff, v9;
	_ =	sdelay $0x3  }
0x2d: {  	v5 =	vor.u32 v8, v5  }
0x2e: {  	[tilespmem:v6+s11+$0x0] =	vst.idx.msk vm0, v5  }
0x2f: {  	v5 =	vld [tilespmem:$0x90];
	v6, _, _ =	vpop (xrf0)  }
0x30: {  	(v2sf) =	vpush v6, $0xF;
	_ =	sdelay $0x3  }
0x31: {  	vm0 =	vge.s32 v5, v0;
	vm1 =	vlt.s32 v5, v1  }
0x32: {  	vm0 =	vmand vm0, vm1  }
0x33: {  	v6 =	vsel vm0, $0x1, v2  }
0x34: {  	(xrf0) =	vadd.scan.msk.s32 $0xffff, v6;
	_ =	sdelay $0x5  }
0x35: {  	v6, _, _ =	vpop (xrf0)  }
0x36: {  	v7 =	vxor.u32 $0x80000000, v6  }
0x37: {  	(xrf0) =	vmax.scan.msk.u32 $0xffff, v7;
	s14 =	spop (v2sf)  }
0x38: {  	v7 =	vsel vm0, $0xFFFFFFFF, v2;
	s14 =	sadd.s32 $0x0, s14  }
0x39: {  	v57 =	vld [tilespmem:$0x10];
	v6 =	vadd.s32 v7, v6;
	s14 =	sadd.s32 $0x80000000, s14  }
0x3a: {  	v6 =	vadd.s32 s14, v6;
	_ =	sdelay $0x1  }
0x3b: {  	v5 =	vsub.s32 v5, v0  }
0x3c: {  	v5 =	vshll.u32 v5, $0xE;
	v7, _, _ =	vpop (xrf0)  }
0x3d: {  	v5 =	vor.u32 v57, v5;
	(v2sf) =	vpush v7, $0xF  }
0x3e: {  	[tilespmem:v6+s11+$0x0] =	vst.idx.msk vm0, v5  }
0x3f: {  	v5 =	vld [tilespmem:$0xA0];
	_ =	sdelay $0x4  }
0x40: {  	vm0 =	vge.s32 v5, v0;
	vm1 =	vlt.s32 v5, v1  }
0x41: {  	vm0 =	vmand vm0, vm1  }
0x42: {  	v6 =	vsel vm0, $0x1, v2  }
0x43: {  	(xrf0) =	vadd.scan.msk.s32 $0xffff, v6;
	_ =	sdelay $0x4  }
0x44: {  	s15 =	spop (v2sf)  }
0x45: {  	v6 =	vsel vm0, $0xFFFFFFFF, v2;
	s14 =	sadd.s32 s15, s14;
	v7, _, _ =	vpop (xrf0)  }
0x46: {  	v58 =	vld [tilespmem:$0x20];
	s14 =	sadd.s32 $0x80000000, s14;
	v6 =	vadd.s32 v6, v7;
	v7 =	vxor.u32 $0x80000000, v7  }
0x47: {  	v6 =	vadd.s32 s14, v6;
	(xrf0) =	vmax.scan.msk.u32 $0xffff, v7;
	_ =	sdelay $0x1  }
0x48: {  	v5 =	vsub.s32 v5, v0  }
0x49: {  	v5 =	vshll.u32 v5, $0xE  }
0x4a: {  	v5 =	vor.u32 v58, v5  }
0x4b: {  	[tilespmem:v6+s11+$0x0] =	vst.idx.msk vm0, v5  }
0x4c: {  	v5 =	vld [tilespmem:$0xB0];
	v6, _, _ =	vpop (xrf0)  }
0x4d: {  	(v2sf) =	vpush v6, $0xF;
	_ =	sdelay $0x3  }
0x4e: {  	vm0 =	vge.s32 v5, v0;
	vm1 =	vlt.s32 v5, v1  }
0x4f: {  	vm0 =	vmand vm0, vm1  }
0x50: {  	v6 =	vsel vm0, $0x1, v2  }
0x51: {  	(xrf0) =	vadd.scan.msk.s32 $0xffff, v6;
	_ =	sdelay $0x5  }
0x52: {  	v6, _, _ =	vpop (xrf0)  }
0x53: {  	v7 =	vxor.u32 $0x80000000, v6  }
0x54: {  	s26 =	spop (v2sf);
	(xrf0) =	vmax.scan.msk.u32 $0xffff, v7  }
0x55: {  	v7 =	vsel vm0, $0xFFFFFFFF, v2;
	s14 =	sadd.s32 s26, s14  }
0x56: {  	v59 =	vld [tilespmem:$0x30];
	v6 =	vadd.s32 v7, v6;
	s14 =	sadd.s32 $0x80000000, s14  }
0x57: {  	v6 =	vadd.s32 s14, v6;
	_ =	sdelay $0x1  }
0x58: {  	v5 =	vsub.s32 v5, v0  }
0x59: {  	v5 =	vshll.u32 v5, $0xE;
	v7, _, _ =	vpop (xrf0)  }
0x5a: {  	v5 =	vor.u32 v59, v5;
	(v2sf) =	vpush v7, $0xF  }
0x5b: {  	[tilespmem:v6+s11+$0x0] =	vst.idx.msk vm0, v5  }
0x5c: {  	v5 =	vld [tilespmem:$0xC0];
	_ =	sdelay $0x4  }
0x5d: {  	vm0 =	vge.s32 v5, v0;
	vm1 =	vlt.s32 v5, v1  }
0x5e: {  	vm0 =	vmand vm0, vm1  }
0x5f: {  	v6 =	vsel vm0, $0x1, v2  }
0x60: {  	(xrf0) =	vadd.scan.msk.s32 $0xffff, v6;
	_ =	sdelay $0x4  }
0x61: {  	s28 =	spop (v2sf)  }
0x62: {  	v6 =	vsel vm0, $0xFFFFFFFF, v2;
	s14 =	sadd.s32 s28, s14;
	v7, _, _ =	vpop (xrf0)  }
0x63: {  	v60 =	vld [tilespmem:$0x40];
	s14 =	sadd.s32 $0x80000000, s14;
	v6 =	vadd.s32 v6, v7;
	v7 =	vxor.u32 $0x80000000, v7  }
0x64: {  	v6 =	vadd.s32 s14, v6;
	(xrf0) =	vmax.scan.msk.u32 $0xffff, v7;
	_ =	sdelay $0x1  }
0x65: {  	v5 =	vsub.s32 v5, v0  }
0x66: {  	v5 =	vshll.u32 v5, $0xE  }
0x67: {  	v5 =	vor.u32 v60, v5  }
0x68: {  	[tilespmem:v6+s11+$0x0] =	vst.idx.msk vm0, v5  }
0x69: {  	v5 =	vld [tilespmem:$0xD0];
	v6, _, _ =	vpop (xrf0)  }
0x6a: {  	(v2sf) =	vpush v6, $0xF;
	_ =	sdelay $0x3  }
0x6b: {  	vm0 =	vge.s32 v5, v0;
	vm1 =	vlt.s32 v5, v1  }
0x6c: {  	vm0 =	vmand vm0, vm1  }
0x6d: {  	v6 =	vsel vm0, $0x1, v2  }
0x6e: {  	(xrf0) =	vadd.scan.msk.s32 $0xffff, v6;
	_ =	sdelay $0x5  }
0x6f: {  	v6, _, _ =	vpop (xrf0)  }
0x70: {  	v7 =	vxor.u32 $0x80000000, v6  }
0x71: {  	s29 =	spop (v2sf);
	(xrf0) =	vmax.scan.msk.u32 $0xffff, v7  }
0x72: {  	v7 =	vsel vm0, $0xFFFFFFFF, v2;
	s14 =	sadd.s32 s29, s14  }
0x73: {  	v61 =	vld [tilespmem:$0x50];
	v6 =	vadd.s32 v7, v6;
	s14 =	sadd.s32 $0x80000000, s14  }
0x74: {  	v6 =	vadd.s32 s14, v6;
	_ =	sdelay $0x1  }
0x75: {  	v5 =	vsub.s32 v5, v0  }
0x76: {  	v5 =	vshll.u32 v5, $0xE;
	v7, _, _ =	vpop (xrf0)  }
0x77: {  	v5 =	vor.u32 v61, v5;
	(v2sf) =	vpush v7, $0xF  }
0x78: {  	[tilespmem:v6+s11+$0x0] =	vst.idx.msk vm0, v5  }
0x79: {  	v5 =	vld [tilespmem:$0xE0];
	_ =	sdelay $0x4  }
0x7a: {  	vm0 =	vge.s32 v5, v0;
	vm1 =	vlt.s32 v5, v1  }
0x7b: {  	vm0 =	vmand vm0, vm1  }
0x7c: {  	v6 =	vsel vm0, $0x1, v2  }
0x7d: {  	(xrf0) =	vadd.scan.msk.s32 $0xffff, v6;
	_ =	sdelay $0x4  }
0x7e: {  	s30 =	spop (v2sf)  }
0x7f: {  	v6 =	vsel vm0, $0xFFFFFFFF, v2;
	s14 =	sadd.s32 s30, s14;
	v7, _, _ =	vpop (xrf0)  }
0x80: {  	v62 =	vld [tilespmem:$0x60];
	s14 =	sadd.s32 $0x80000000, s14;
	v6 =	vadd.s32 v6, v7;
	v7 =	vxor.u32 $0x80000000, v7  }
0x81: {  	v6 =	vadd.s32 s14, v6;
	(xrf0) =	vmax.scan.msk.u32 $0xffff, v7;
	_ =	sdelay $0x1  }
0x82: {  	v5 =	vsub.s32 v5, v0  }
0x83: {  	v5 =	vshll.u32 v5, $0xE  }
0x84: {  	v5 =	vor.u32 v62, v5  }
0x85: {  	[tilespmem:v6+s11+$0x0] =	vst.idx.msk vm0, v5  }
0x86: {  	v5 =	vld [tilespmem:$0xF0];
	v6, _, _ =	vpop (xrf0)  }
0x87: {  	(v2sf) =	vpush v6, $0xF;
	_ =	sdelay $0x3  }
0x88: {  	vm0 =	vge.s32 v5, v0;
	vm1 =	vlt.s32 v5, v1  }
0x89: {  	vm0 =	vmand vm0, vm1  }
0x8a: {  	v6 =	vsel vm0, $0x1, v2  }
0x8b: {  	(xrf0) =	vadd.scan.msk.s32 $0xffff, v6;
	_ =	sdelay $0x5  }
0x8c: {  	v6, _, _ =	vpop (xrf0)  }
0x8d: {  	v7 =	vxor.u32 $0x80000000, v6  }
0x8e: {  	s31 =	spop (v2sf);
	(xrf0) =	vmax.scan.msk.u32 $0xffff, v7  }
0x8f: {  	v7 =	vsel vm0, $0xFFFFFFFF, v2;
	s14 =	sadd.s32 s31, s14  }
0x90: {  	v63 =	vld [tilespmem:$0x70];
	v6 =	vadd.s32 v7, v6;
	s17 =	sadd.s32 $0x80000000, s14  }
0x91: {  	v6 =	vadd.s32 s17, v6;
	_ =	sdelay $0x1  }
0x92: {  	v5 =	vsub.s32 v5, v0  }
0x93: {  	v5 =	vshll.u32 v5, $0xE;
	v7, _, _ =	vpop (xrf0)  }
0x94: {  	v5 =	vor.u32 v63, v5;
	(v2sf) =	vpush v7, $0xF  }
0x95: {  	s14 =	sadd.s32 $0x100, s8;
	[tilespmem:v6+s11+$0x0] =	vst.idx.msk vm0, v5  }
0x96: {  	[tilespmem:s2], [sflag:$0x1] =	stream.linear.gather [hbm4b:s14+s2], $0x80, $0x38;
	[tilespmem:$0x5180] =	vst v63  }
0x97: {  	_ =	swait.ge [sflag:s9], $0x80  }
0x98: {  	[sflag:s9] =	ssyncset.done $0x0  }
0x99: {  	s15 =	sadd.s32 $0x100, s7;
	[sflag:s9] =	ssyncadd.s32 $0xFFFFFF80  }
0x9a: {  	[tilespmem:s10], [sflag:$0x1] =	stream.linear.gather [hbm4b:s15+s2], $0x80, $0x38;
	[tilespmem:$0x5180] =	vst v63  }
0x9b: {  	_ =	swait.ge [sflag:s9], $0x80  }
0x9c: {  	[sflag:s9] =	ssyncset.done $0x0  }
0x9d: {  	[sflag:s9] =	ssyncadd.s32 $0xFFFFFF80  }
0x9e: {  	v5 =	vld [tilespmem:$0x80]  }
0x9f: {  	p1 =	sne.s32 s16, $0x1  }
.Ltmp3:
0xa0: {  	_ = 	snop;
	(pc) =	sbr.rel @!p1 .LBB2_5-.Ltmp3, $3  }
0xa1: {  	_ =	sdelay $0x1  }
0xa2: {  	vm0 =	vge.s32 v5, v0;
	vm1 =	vlt.s32 v5, v1;
	v5 =	vsub.s32 v5, v0;
	s18 =	spop (v2sf)  }
0xa3: {  	s16 =	sadd.s32 $0xFFFFFFFF, s16;
	p0 =	por $0x1, $0x1;
	vm0 =	vmand vm0, vm1;
	v5 =	vshll.u32 v5, $0xE;
	s17 =	sadd.s32 s18, s17  }
.LBB2_4:
0xa4: {  	p1 =	sne.s32 s16, $0x1;
	s16 =	sadd.s32 $0xFFFFFFFF, s16;
	v6 =	vsel vm0, $0x1, v2;
	s17 =	sadd.s32 $0x80000000, s17  }
0xa5: {  	(xrf0) =	vadd.scan.msk.s32 $0xffff, v6;
	_ =	sdelay $0x4  }
0xa6: {  	v6 =	vsel vm0, $0xFFFFFFFF, v2  }
0xa7: {  	v6 =	vadd.s32 s17, v6;
	v7, _, _ =	vpop (xrf0)  }
0xa8: {  	v8 =	vld [tilespmem:$0x0];
	v6 =	vadd.s32 v7, v6;
	v7 =	vxor.u32 $0x80000000, v7  }
0xa9: {  	(xrf0) =	vmax.scan.msk.u32 $0xffff, v7;
	_ =	sdelay $0x3  }
0xaa: {  	v5 =	vor.u32 v8, v5  }
0xab: {  	[tilespmem:v6+s11+$0x0] =	vst.idx.msk vm0, v5  }
0xac: {  	v5 =	vld [tilespmem:$0x90];
	v6, _, _ =	vpop (xrf0)  }
0xad: {  	(v2sf) =	vpush v6, $0xF;
	_ =	sdelay $0x3  }
0xae: {  	vm0 =	vge.s32 v5, v0;
	vm1 =	vlt.s32 v5, v1;
	v5 =	vsub.s32 v5, v0  }
0xaf: {  	vm0 =	vmand vm0, vm1;
	v5 =	vshll.u32 v5, $0xE  }
0xb0: {  	v6 =	vsel vm0, $0x1, v2  }
0xb1: {  	(xrf0) =	vadd.scan.msk.s32 $0xffff, v6;
	_ =	sdelay $0x5  }
0xb2: {  	v6, _, _ =	vpop (xrf0)  }
0xb3: {  	v7 =	vxor.u32 $0x80000000, v6  }
0xb4: {  	s18 =	spop (v2sf);
	(xrf0) =	vmax.scan.msk.u32 $0xffff, v7  }
0xb5: {  	v7 =	vsel vm0, $0xFFFFFFFF, v2;
	s17 =	sadd.s32 s18, s17  }
0xb6: {  	v6 =	vadd.s32 v7, v6;
	s17 =	sadd.s32 $0x80000000, s17;
	v8 =	vld [tilespmem:$0x10]  }
0xb7: {  	v6 =	vadd.s32 s17, v6;
	_ =	sdelay $0x2  }
0xb8: {  	v7, _, _ =	vpop (xrf0)  }
0xb9: {  	v5 =	vor.u32 v8, v5;
	(v2sf) =	vpush v7, $0xF  }
0xba: {  	[tilespmem:v6+s11+$0x0] =	vst.idx.msk vm0, v5  }
0xbb: {  	v5 =	vld [tilespmem:$0xA0];
	_ =	sdelay $0x4  }
0xbc: {  	vm0 =	vge.s32 v5, v0;
	vm1 =	vlt.s32 v5, v1;
	v5 =	vsub.s32 v5, v0  }
0xbd: {  	vm0 =	vmand vm0, vm1;
	v5 =	vshll.u32 v5, $0xE  }
0xbe: {  	v6 =	vsel vm0, $0x1, v2  }
0xbf: {  	(xrf0) =	vadd.scan.msk.s32 $0xffff, v6;
	_ =	sdelay $0x4  }
0xc0: {  	s18 =	spop (v2sf)  }
0xc1: {  	v6 =	vsel vm0, $0xFFFFFFFF, v2;
	s17 =	sadd.s32 s18, s17;
	v7, _, _ =	vpop (xrf0)  }
0xc2: {  	s17 =	sadd.s32 $0x80000000, s17;
	v8 =	vld [tilespmem:$0x20];
	v6 =	vadd.s32 v6, v7;
	v7 =	vxor.u32 $0x80000000, v7  }
0xc3: {  	v6 =	vadd.s32 s17, v6;
	(xrf0) =	vmax.scan.msk.u32 $0xffff, v7;
	_ =	sdelay $0x3  }
0xc4: {  	v5 =	vor.u32 v8, v5  }
0xc5: {  	[tilespmem:v6+s11+$0x0] =	vst.idx.msk vm0, v5  }
0xc6: {  	v5 =	vld [tilespmem:$0xB0];
	v6, _, _ =	vpop (xrf0)  }
0xc7: {  	(v2sf) =	vpush v6, $0xF;
	_ =	sdelay $0x3  }
0xc8: {  	vm0 =	vge.s32 v5, v0;
	vm1 =	vlt.s32 v5, v1;
	v5 =	vsub.s32 v5, v0  }
0xc9: {  	vm0 =	vmand vm0, vm1;
	v5 =	vshll.u32 v5, $0xE  }
0xca: {  	v6 =	vsel vm0, $0x1, v2  }
0xcb: {  	(xrf0) =	vadd.scan.msk.s32 $0xffff, v6;
	_ =	sdelay $0x5  }
0xcc: {  	v6, _, _ =	vpop (xrf0)  }
0xcd: {  	v7 =	vxor.u32 $0x80000000, v6  }
0xce: {  	s18 =	spop (v2sf);
	(xrf0) =	vmax.scan.msk.u32 $0xffff, v7  }
0xcf: {  	v7 =	vsel vm0, $0xFFFFFFFF, v2;
	s17 =	sadd.s32 s18, s17  }
0xd0: {  	v6 =	vadd.s32 v7, v6;
	s17 =	sadd.s32 $0x80000000, s17;
	v8 =	vld [tilespmem:$0x30]  }
0xd1: {  	v6 =	vadd.s32 s17, v6;
	_ =	sdelay $0x2  }
0xd2: {  	v7, _, _ =	vpop (xrf0)  }
0xd3: {  	v5 =	vor.u32 v8, v5;
	(v2sf) =	vpush v7, $0xF  }
0xd4: {  	[tilespmem:v6+s11+$0x0] =	vst.idx.msk vm0, v5  }
0xd5: {  	v5 =	vld [tilespmem:$0xC0]  }
0xd6: {  	v6 =	vld [tilespmem:$0x40];
	_ =	sdelay $0x3  }
0xd7: {  	vm0 =	vge.s32 v5, v0;
	vm1 =	vlt.s32 v5, v1;
	v5 =	vsub.s32 v5, v0  }
0xd8: {  	vm0 =	vmand vm0, vm1;
	v5 =	vshll.u32 v5, $0xE  }
0xd9: {  	v7 =	vsel vm0, $0x1, v2  }
0xda: {  	(xrf0) =	vadd.scan.msk.s32 $0xffff, v7;
	_ =	sdelay $0x4  }
0xdb: {  	s18 =	spop (v2sf)  }
0xdc: {  	v7 =	vsel vm0, $0xFFFFFFFF, v2;
	s17 =	sadd.s32 s18, s17;
	v8, _, _ =	vpop (xrf0)  }
0xdd: {  	s17 =	sadd.s32 $0x80000000, s17;
	v7 =	vadd.s32 v7, v8;
	v8 =	vxor.u32 $0x80000000, v8  }
0xde: {  	v7 =	vadd.s32 s17, v7;
	(xrf0) =	vmax.scan.msk.u32 $0xffff, v8;
	_ =	sdelay $0x3  }
0xdf: {  	v5 =	vor.u32 v6, v5  }
0xe0: {  	[tilespmem:v7+s11+$0x0] =	vst.idx.msk vm0, v5  }
0xe1: {  	v5 =	vld [tilespmem:$0xD0];
	v6, _, _ =	vpop (xrf0)  }
0xe2: {  	v7 =	vld [tilespmem:$0x50];
	(v2sf) =	vpush v6, $0xF;
	_ =	sdelay $0x3  }
0xe3: {  	vm0 =	vge.s32 v5, v0;
	vm1 =	vlt.s32 v5, v1;
	v5 =	vsub.s32 v5, v0  }
0xe4: {  	vm0 =	vmand vm0, vm1;
	v5 =	vshll.u32 v5, $0xE  }
0xe5: {  	v6 =	vsel vm0, $0x1, v2  }
0xe6: {  	(xrf0) =	vadd.scan.msk.s32 $0xffff, v6;
	_ =	sdelay $0x5  }
0xe7: {  	v6, _, _ =	vpop (xrf0)  }
0xe8: {  	v8 =	vxor.u32 $0x80000000, v6  }
0xe9: {  	s18 =	spop (v2sf);
	(xrf0) =	vmax.scan.msk.u32 $0xffff, v8  }
0xea: {  	v8 =	vsel vm0, $0xFFFFFFFF, v2;
	s17 =	sadd.s32 s18, s17  }
0xeb: {  	v6 =	vadd.s32 v8, v6;
	s17 =	sadd.s32 $0x80000000, s17  }
0xec: {  	v6 =	vadd.s32 s17, v6;
	_ =	sdelay $0x2  }
0xed: {  	v8, _, _ =	vpop (xrf0)  }
0xee: {  	v5 =	vor.u32 v7, v5;
	(v2sf) =	vpush v8, $0xF  }
0xef: {  	[tilespmem:v6+s11+$0x0] =	vst.idx.msk vm0, v5  }
0xf0: {  	v5 =	vld [tilespmem:$0xE0]  }
0xf1: {  	v6 =	vld [tilespmem:$0x60];
	_ =	sdelay $0x3  }
0xf2: {  	vm0 =	vge.s32 v5, v0;
	vm1 =	vlt.s32 v5, v1;
	v5 =	vsub.s32 v5, v0  }
0xf3: {  	vm0 =	vmand vm0, vm1;
	v5 =	vshll.u32 v5, $0xE  }
0xf4: {  	v7 =	vsel vm0, $0x1, v2  }
0xf5: {  	(xrf0) =	vadd.scan.msk.s32 $0xffff, v7;
	_ =	sdelay $0x4  }
0xf6: {  	s18 =	spop (v2sf)  }
0xf7: {  	v7 =	vsel vm0, $0xFFFFFFFF, v2;
	s17 =	sadd.s32 s18, s17;
	v8, _, _ =	vpop (xrf0)  }
0xf8: {  	s17 =	sadd.s32 $0x80000000, s17;
	v7 =	vadd.s32 v7, v8;
	v8 =	vxor.u32 $0x80000000, v8  }
0xf9: {  	v7 =	vadd.s32 s17, v7;
	(xrf0) =	vmax.scan.msk.u32 $0xffff, v8;
	_ =	sdelay $0x3  }
0xfa: {  	v5 =	vor.u32 v6, v5  }
0xfb: {  	[tilespmem:v7+s11+$0x0] =	vst.idx.msk vm0, v5  }
0xfc: {  	v5 =	vld [tilespmem:$0xF0];
	v6, _, _ =	vpop (xrf0)  }
0xfd: {  	v7 =	vld [tilespmem:$0x70];
	(v2sf) =	vpush v6, $0xF;
	_ =	sdelay $0x3  }
0xfe: {  	vm0 =	vge.s32 v5, v0;
	vm1 =	vlt.s32 v5, v1;
	v5 =	vsub.s32 v5, v0  }
0xff: {  	vm0 =	vmand vm0, vm1;
	v5 =	vshll.u32 v5, $0xE  }
0x100: {  	v6 =	vsel vm0, $0x1, v2  }
0x101: {  	(xrf0) =	vadd.scan.msk.s32 $0xffff, v6;
	_ =	sdelay $0x5  }
0x102: {  	v6, _, _ =	vpop (xrf0)  }
0x103: {  	v8 =	vxor.u32 $0x80000000, v6  }
0x104: {  	s18 =	spop (v2sf);
	(xrf0) =	vmax.scan.msk.u32 $0xffff, v8  }
0x105: {  	v8 =	vsel vm0, $0xFFFFFFFF, v2;
	s17 =	sadd.s32 s18, s17  }
0x106: {  	v6 =	vadd.s32 v8, v6;
	s17 =	sadd.s32 $0x80000000, s17  }
0x107: {  	v6 =	vadd.s32 s17, v6;
	_ =	sdelay $0x2  }
0x108: {  	v8, _, _ =	vpop (xrf0)  }
0x109: {  	v5 =	vor.u32 v7, v5;
	(v2sf) =	vpush v8, $0xF  }
0x10a: {  	s14 =	sadd.s32 $0x100, s14;
	[tilespmem:v6+s11+$0x0] =	vst.idx.msk vm0, v5  }
0x10b: {  	[tilespmem:s2], [sflag:$0x1] =	stream.linear.gather [hbm4b:s14+s2], $0x80, $0x38;
	[tilespmem:$0x5180] =	vst v63  }
0x10c: {  	_ =	swait.ge [sflag:s9], $0x80  }
0x10d: {  	[sflag:s9] =	ssyncset.done $0x0  }
0x10e: {  	s15 =	sadd.s32 $0x100, s15;
	[sflag:s9] =	ssyncadd.s32 $0xFFFFFF80  }
0x10f: {  	[tilespmem:s10], [sflag:$0x1] =	stream.linear.gather [hbm4b:s15+s2], $0x80, $0x38;
	[tilespmem:$0x5180] =	vst v63  }
0x110: {  	_ =	swait.ge [sflag:s9], $0x80  }
0x111: {  	[sflag:s9] =	ssyncset.done $0x0  }
0x112: {  	[sflag:s9] =	ssyncadd.s32 $0xFFFFFF80  }
0x113: {  	v5 =	vld [tilespmem:$0x80];
	_ =	sdelay $0x1  }
.Ltmp4:
0x114: {  	(pc) =	sbr.rel @p1 .LBB2_4-.Ltmp4, $3  }
0x115: {  	_ =	sdelay $0x1  }
0x116: {  	vm0 =	vge.s32 v5, v0;
	vm1 =	vlt.s32 v5, v1;
	v5 =	vsub.s32 v5, v0;
	s18 =	spop (v2sf)  }
0x117: {  	vm0 =	vmand vm0, vm1;
	v5 =	vshll.u32 v5, $0xE;
	s17 =	sadd.s32 s18, s17  }
.LBB2_5:
0x118: {  	v6 =	vsel vm0, $0x1, v2  }
0x119: {  	(xrf0) =	vadd.scan.msk.s32 $0xffff, v6;
	_ =	sdelay $0x4  }
0x11a: {  	s14 =	sadd.s32 @p0 $0x80000000, s17;
	s15 =	simm.s32 $0x0  }
0x11b: {  	v6 =	vsel vm0, $0xFFFFFFFF, v2;
	s15 =	smov.u32 @p0 s14;
	v7, _, _ =	vpop (xrf0)  }
0x11c: {  	v8 =	vld [tilespmem:$0x0];
	v6 =	vadd.s32 s15, v6;
	v9 =	vxor.u32 $0x80000000, v7  }
0x11d: {  	v6 =	vadd.s32 v7, v6;
	(xrf0) =	vmax.scan.msk.u32 $0xffff, v9;
	_ =	sdelay $0x3  }
0x11e: {  	v5 =	vor.u32 v8, v5  }
0x11f: {  	[tilespmem:v6+s11+$0x0] =	vst.idx.msk vm0, v5  }
0x120: {  	v5 =	vld [tilespmem:$0x90];
	v6, _, _ =	vpop (xrf0)  }
0x121: {  	(v2sf) =	vpush v6, $0xF;
	_ =	sdelay $0x3  }
0x122: {  	vm14 =	vge.s32 v5, v0;
	vm1 =	vlt.s32 v5, v1  }
0x123: {  	vm0 =	vmand vm14, vm1  }
0x124: {  	v6 =	vsel vm0, $0x1, v2  }
0x125: {  	(xrf0) =	vadd.scan.msk.s32 $0xffff, v6;
	_ =	sdelay $0x5  }
0x126: {  	v6, _, _ =	vpop (xrf0)  }
0x127: {  	v7 =	vxor.u32 $0x80000000, v6  }
0x128: {  	(xrf0) =	vmax.scan.msk.u32 $0xffff, v7;
	s16 =	spop (v2sf)  }
0x129: {  	v7 =	vsel vm0, $0xFFFFFFFF, v2;
	s14 =	sadd.s32 s16, s15  }
0x12a: {  	v56 =	vld [tilespmem:$0x10];
	v6 =	vadd.s32 v7, v6;
	s14 =	sadd.s32 $0x80000000, s14  }
0x12b: {  	v6 =	vadd.s32 s14, v6;
	_ =	sdelay $0x1  }
0x12c: {  	v5 =	vsub.s32 v5, v0  }
0x12d: {  	v5 =	vshll.u32 v5, $0xE;
	v7, _, _ =	vpop (xrf0)  }
0x12e: {  	v5 =	vor.u32 v56, v5;
	(v2sf) =	vpush v7, $0xF  }
0x12f: {  	[tilespmem:v6+s11+$0x0] =	vst.idx.msk vm0, v5  }
0x130: {  	v5 =	vld [tilespmem:$0xA0];
	_ =	sdelay $0x4  }
0x131: {  	vm15 =	vge.s32 v5, v0;
	vm4 =	vlt.s32 v5, v1  }
0x132: {  	vm0 =	vmand vm15, vm4  }
0x133: {  	v6 =	vsel vm0, $0x1, v2  }
0x134: {  	(xrf0) =	vadd.scan.msk.s32 $0xffff, v6;
	_ =	sdelay $0x4  }
0x135: {  	s17 =	spop (v2sf)  }
0x136: {  	v6 =	vsel vm0, $0xFFFFFFFF, v2;
	s14 =	sadd.s32 s17, s14;
	v7, _, _ =	vpop (xrf0)  }
0x137: {  	v57 =	vld [tilespmem:$0x20];
	s14 =	sadd.s32 $0x80000000, s14;
	v6 =	vadd.s32 v6, v7;
	v7 =	vxor.u32 $0x80000000, v7  }
0x138: {  	v6 =	vadd.s32 s14, v6;
	(xrf0) =	vmax.scan.msk.u32 $0xffff, v7;
	_ =	sdelay $0x1  }
0x139: {  	v5 =	vsub.s32 v5, v0  }
0x13a: {  	v5 =	vshll.u32 v5, $0xE  }
0x13b: {  	v5 =	vor.u32 v57, v5  }
0x13c: {  	[tilespmem:v6+s11+$0x0] =	vst.idx.msk vm0, v5  }
0x13d: {  	v5 =	vld [tilespmem:$0xB0];
	v6, _, _ =	vpop (xrf0)  }
0x13e: {  	(v2sf) =	vpush v6, $0xF;
	_ =	sdelay $0x3  }
0x13f: {  	vm5 =	vge.s32 v5, v0;
	vm6 =	vlt.s32 v5, v1  }
0x140: {  	vm0 =	vmand vm5, vm6  }
0x141: {  	v6 =	vsel vm0, $0x1, v2  }
0x142: {  	(xrf0) =	vadd.scan.msk.s32 $0xffff, v6;
	_ =	sdelay $0x5  }
0x143: {  	v6, _, _ =	vpop (xrf0)  }
0x144: {  	v7 =	vxor.u32 $0x80000000, v6  }
0x145: {  	s18 =	spop (v2sf);
	(xrf0) =	vmax.scan.msk.u32 $0xffff, v7  }
0x146: {  	v7 =	vsel vm0, $0xFFFFFFFF, v2;
	s14 =	sadd.s32 s18, s14  }
0x147: {  	v58 =	vld [tilespmem:$0x30];
	v6 =	vadd.s32 v7, v6;
	s14 =	sadd.s32 $0x80000000, s14  }
0x148: {  	v6 =	vadd.s32 s14, v6;
	_ =	sdelay $0x1  }
0x149: {  	v5 =	vsub.s32 v5, v0  }
0x14a: {  	v5 =	vshll.u32 v5, $0xE;
	v7, _, _ =	vpop (xrf0)  }
0x14b: {  	v5 =	vor.u32 v58, v5;
	(v2sf) =	vpush v7, $0xF  }
0x14c: {  	[tilespmem:v6+s11+$0x0] =	vst.idx.msk vm0, v5  }
0x14d: {  	v5 =	vld [tilespmem:$0xC0];
	_ =	sdelay $0x4  }
0x14e: {  	vm7 =	vge.s32 v5, v0;
	vm8 =	vlt.s32 v5, v1  }
0x14f: {  	vm0 =	vmand vm7, vm8  }
0x150: {  	v6 =	vsel vm0, $0x1, v2  }
0x151: {  	(xrf0) =	vadd.scan.msk.s32 $0xffff, v6;
	_ =	sdelay $0x4  }
0x152: {  	s19 =	spop (v2sf)  }
0x153: {  	v6 =	vsel vm0, $0xFFFFFFFF, v2;
	s14 =	sadd.s32 s19, s14;
	v7, _, _ =	vpop (xrf0)  }
0x154: {  	v59 =	vld [tilespmem:$0x40];
	s14 =	sadd.s32 $0x80000000, s14;
	v6 =	vadd.s32 v6, v7;
	v7 =	vxor.u32 $0x80000000, v7  }
0x155: {  	v6 =	vadd.s32 s14, v6;
	(xrf0) =	vmax.scan.msk.u32 $0xffff, v7;
	_ =	sdelay $0x1  }
0x156: {  	v5 =	vsub.s32 v5, v0  }
0x157: {  	v5 =	vshll.u32 v5, $0xE  }
0x158: {  	v5 =	vor.u32 v59, v5  }
0x159: {  	[tilespmem:v6+s11+$0x0] =	vst.idx.msk vm0, v5  }
0x15a: {  	v5 =	vld [tilespmem:$0xD0];
	v6, _, _ =	vpop (xrf0)  }
0x15b: {  	(v2sf) =	vpush v6, $0xF;
	_ =	sdelay $0x3  }
0x15c: {  	vm9 =	vge.s32 v5, v0;
	vm10 =	vlt.s32 v5, v1  }
0x15d: {  	vm0 =	vmand vm9, vm10  }
0x15e: {  	v6 =	vsel vm0, $0x1, v2  }
0x15f: {  	(xrf0) =	vadd.scan.msk.s32 $0xffff, v6;
	_ =	sdelay $0x5  }
0x160: {  	v6, _, _ =	vpop (xrf0)  }
0x161: {  	v7 =	vxor.u32 $0x80000000, v6  }
0x162: {  	s20 =	spop (v2sf);
	(xrf0) =	vmax.scan.msk.u32 $0xffff, v7  }
0x163: {  	v7 =	vsel vm0, $0xFFFFFFFF, v2;
	s14 =	sadd.s32 s20, s14  }
0x164: {  	v60 =	vld [tilespmem:$0x50];
	v6 =	vadd.s32 v7, v6;
	s14 =	sadd.s32 $0x80000000, s14  }
0x165: {  	v6 =	vadd.s32 s14, v6;
	_ =	sdelay $0x1  }
0x166: {  	v5 =	vsub.s32 v5, v0  }
0x167: {  	v5 =	vshll.u32 v5, $0xE;
	v7, _, _ =	vpop (xrf0)  }
0x168: {  	v5 =	vor.u32 v60, v5;
	(v2sf) =	vpush v7, $0xF  }
0x169: {  	[tilespmem:v6+s11+$0x0] =	vst.idx.msk vm0, v5  }
0x16a: {  	v5 =	vld [tilespmem:$0xE0];
	_ =	sdelay $0x4  }
0x16b: {  	vm11 =	vge.s32 v5, v0;
	vm12 =	vlt.s32 v5, v1  }
0x16c: {  	vm0 =	vmand vm11, vm12  }
0x16d: {  	v6 =	vsel vm0, $0x1, v2  }
0x16e: {  	(xrf0) =	vadd.scan.msk.s32 $0xffff, v6;
	_ =	sdelay $0x4  }
0x16f: {  	s21 =	spop (v2sf)  }
0x170: {  	v6 =	vsel vm0, $0xFFFFFFFF, v2;
	s14 =	sadd.s32 s21, s14;
	v7, _, _ =	vpop (xrf0)  }
0x171: {  	v61 =	vld [tilespmem:$0x60];
	s14 =	sadd.s32 $0x80000000, s14;
	v6 =	vadd.s32 v6, v7  }
0x172: {  	v6 =	vadd.s32 s14, v6;
	_ =	sdelay $0x1  }
0x173: {  	v5 =	vsub.s32 v5, v0  }
0x174: {  	v5 =	vshll.u32 v5, $0xE  }
0x175: {  	v5 =	vor.u32 v61, v5  }
0x176: {  	[tilespmem:v6+s11+$0x0] =	vst.idx.msk vm0, v5  }
0x177: {  	v5 =	vld [tilespmem:$0xF0];
	_ =	sdelay $0x4  }
0x178: {  	vm13 =	vge.s32 v5, v0;
	vm14 =	vlt.s32 v5, v1  }
0x179: {  	v6 =	vxor.u32 $0x80000000, v7;
	vm0 =	vmand vm13, vm14  }
0x17a: {  	(xrf0) =	vmax.scan.msk.u32 $0xffff, v6;
	v6 =	vsel vm0, $0x1, v2  }
0x17b: {  	(xrf0) =	vadd.scan.msk.s32 $0xffff, v6;
	_ =	sdelay $0x4  }
0x17c: {  	v6, _, _ =	vpop (xrf0)  }
0x17d: {  	v7, _, _ =	vpop (xrf0)  }
0x17e: {  	v62 =	vxor.u32 $0x80000000, v7  }
0x17f: {  	(xrf0) =	vmax.scan.msk.u32 $0xffff, v62;
	_ =	sdelay $0x4  }
0x180: {  	(v2sf) =	vpush v6, $0xF  }
0x181: {  	v6, _, _ =	vpop (xrf0)  }
0x182: {  	(v2sf) =	vpush v6, $0xF;
	_ =	sdelay $0xc  }
0x183: {  	s22 =	spop (v2sf)  }
0x184: {  	s14 =	sadd.s32 s22, s14  }
0x185: {  	s16 =	sadd.s32 $0x80000000, s14;
	s23 =	spop (v2sf)  }
0x186: {  	s14 =	sadd.s32 s23, s16  }
0x187: {  	s24 =	sadd.s32 $0x80000000, s14  }
0x188: {  	s14 =	sadd.s32 $0x7F, s24  }
0x189: {  	s25 =	sand.u32 $0x7F, s14  }
0x18a: {  	s18 =	sshra.s32 s14, $0x1F;
	p4 =	slt.s32 s14, $0x1;
	p1 =	sne.s32 s25, $0x0  }
0x18b: {  	s26 =	sshrl.u32 s18, $0x19;
	p0 =	por !p4, !p1  }
0x18c: {  	s15 =	simm.s32 $0x1;
	s14 =	sadd.s32 s26, s14;
	p0 =	por !p0, !p0  }
0x18d: {  	s28 =	ssub.s32 $0x0, s24;
	s14 =	sshrl.u32 s14, $0x7;
	s15 =	simm.s32 @!p0 $0x0  }
0x18e: {  	s18 =	sand.u32 $0xF, s28;
	s14 =	ssub.s32 s14, s15  }
0x18f: {  	s15 =	sadd.s32 s24, s18;
	s14 =	sshll.u32 s14, $0x7  }
0x190: {  	s20 =	simm.s32 $0x1;
	s19 =	ssub.s32 s14, s15;
	p0 =	sne.s32 s14, s15  }
0x191: {  	s21 =	sshra.s32 s19, $0x1F;
	s20 =	simm.s32 @!p0 $0x0  }
0x192: {  	s30 =	sand.u32 $0xF, s19;
	s29 =	sor.u32 s20, s21  }
0x193: {  	v6 =	vsel vm0, $0xFFFFFFFF, v2;
	p6 =	sne.s32 s30, $0x0;
	p5 =	sne.s32 s29, $0x1  }
0x194: {  	v6 =	vadd.s32 v6, v7;
	s31 =	sshrl.u32 s21, $0x1C;
	p0 =	por !p6, !p5  }
0x195: {  	s17 =	simm.s32 $0x1;
	v6 =	vadd.s32 s16, v6;
	s16 =	sadd.s32 s31, s19;
	p0 =	por !p0, !p0  }
0x196: {  	v63 =	vld [tilespmem:$0x70];
	v7 =	vmov s18;
	s16 =	sshra.s32 s16, $0x4;
	s17 =	simm.s32 @!p0 $0x0  }
0x197: {  	vm15 =	vgt.u32 v7, v3;
	s16 =	ssub.s32 s16, s17  }
0x198: {  	v7 =	vadd.s32 s24, v3;
	p0 =	slt.s32 s16, $0x1  }
.Ltmp5:
0x199: {  	v5 =	vsub.s32 v5, v0;
	(pc) =	sbr.rel @p0 .LBB2_9-.Ltmp5, $4  }
0x19a: {  	v5 =	vshll.u32 v5, $0xE  }
0x19b: {  	v5 =	vor.u32 v63, v5  }
0x19c: {  	[tilespmem:v6+s11+$0x0] =	vst.idx.msk vm0, v5  }
0x19d: {  	[tilespmem:v7+s11+$0x0] =	vst.idx.msk vm15, v4  }
0x19e: {  	p0 =	sne.s32 s16, $0x1  }
.Ltmp6:
0x19f: {  	_ = 	snop;
	(pc) =	sbr.rel @!p0 .LBB2_8-.Ltmp6, $2  }
0x1a0: {  	_ =	sdelay $0x2  }
0x1a1: {  	s16 =	sadd.s32 $0xFFFFFFFF, s16;
	v5 =	vadd.s32 s15, v3  }
.LBB2_7:
0x1a2: {  	p0 =	sne.s32 s16, $0x1  }
.Ltmp7:
0x1a3: {  	_ = 	snop;
	(pc) =	sbr.rel @p0 .LBB2_7-.Ltmp7, $3  }
0x1a4: {  	_ =	sdelay $0x1  }
0x1a5: {  	s16 =	sadd.s32 $0xFFFFFFFF, s16;
	[tilespmem:v5+s11+$0x0] =	vst.idx.msk $0xffff, v4;
	s15 =	sadd.s32 $0x10, s15  }
0x1a6: {  	v5 =	vadd.s32 s15, v3  }
.Ltmp8:
0x1a7: {  	_ = 	snop;
	(pc) =	sbr.rel .LBB2_8-.Ltmp8, $1  }
0x1a8: {  	_ =	sdelay $0x3  }
.LBB2_2:
.Ltmp9:
0x1a9: {  	(pc) =	sbr.rel .LBB2_5-.Ltmp9, $2  }
0x1aa: {  	_ =	sdelay $0x2  }
0x1ab: {  	_ = 	snop  }
.LBB2_10:
0x1ac: {  	_ =	sfence.sel $0x180000  }
0x1ad: {  	[bflag:$0x0] =	sbarrier.arrive $0xFFFF  }
0x1ae: {  	p0 =	sne.s32 s1, $0x0;
	_ =	strace $0x90000047  }
0x1af: {  	s0 =	sadd.s32 @!p0 $0x100000, s0;
	[bflag:$0x2] =	sbarrier.arrive $0xFFFF  }
0x1b0: {  	[sflag:s0] =	ssyncadd.tile.s32 @!p0 $0x1;
	_ =	shalt  }
.Lfunc_end2:
_tile_overlayer_lowered:
.L_overlay_start_2:
0x1b1: {  	(tag) =	ssettag $0x2  }
0x1b2: {  	s0 =	rddreg [dreg:$0x0];
	s2 =	stileid.u32  }
0x1b3: {  	s1 =	rddreg [dreg:$0x1];
	p0 =	sne.s32 s2, $0x0  }
0x1b4: {  	s3 =	rddreg [dreg:$0x2];
	[bflag:$0x3] =	sbarrier.arrive $0xFFFF;
	s2 =	simm.s32 @!p0 $0x1C01  }
0x1b5: {  	[timem:s3], [sflag:s2] =	dma.local @!p0 [hbm:s0], s1  }
0x1b6: {  	s0 =	simm.s32 @!p0 $0x1  }
0x1b7: {  	_ =	swait.ge @!p0 [sflag:s0], s1  }
0x1b8: {  	s1 =	ssub.s32 @!p0 $0x0, s1;
	[sflag:s0] =	ssyncset.done @!p0 $0x0  }
0x1b9: {  	[sflag:s0] =	ssyncadd.s32 @!p0 s1  }
0x1ba: {  	[bflag:$0x3] =	sbarrier.arrive $0xFFFF  }
0x1bb: {  	_ =	shalt  }

</sc_bundles>
